<compile_context>
chip_gen: v7x
topology: tpu7x:2x2x1
jax: 0.10.2.dev20260603
libtpu: 0.0.44.dev20260713+nightly
codegen_flags: <defaults>
</compile_context>

<pallas_src>
import functools

import jax
import jax.numpy as jnp
from jax import lax
from jax.experimental import pallas as pl
from jax.experimental.pallas import tpu as pltpu
from jax.experimental.pallas import tpu_sc as plsc

_TABLE = 100000
_D = 1024
_PRIMES = (17, 31, 53, 79)
_NC = 2
_NS = 16
_NW = _NC * _NS
_CHUNK = 16


_SUB = _CHUNK // 2


def _sc_gather_sum(ids, table, off, n_out):
    n_per_w = n_out // _NW
    n_chunks = n_per_w // _CHUNK
    mesh = plsc.VectorSubcoreMesh(
        core_axis_name="c", subcore_axis_name="s",
        num_cores=_NC, num_subcores=_NS,
    )

    @functools.partial(
        pl.kernel,
        out_type=jax.ShapeDtypeStruct((n_out, _D), jnp.float32),
        mesh=mesh,
        scratch_types=[
            pltpu.VMEM((n_per_w,), jnp.int32),
            pltpu.VMEM((4 * _CHUNK,), jnp.int32),
            pltpu.VMEM((4 * _SUB, _D), jnp.float32),
            pltpu.VMEM((4 * _SUB, _D), jnp.float32),
            pltpu.VMEM((_SUB, _D), jnp.float32),
            pltpu.VMEM((_SUB, _D), jnp.float32),
            pltpu.SemaphoreType.DMA,
            pltpu.SemaphoreType.DMA,
            pltpu.SemaphoreType.DMA,
            pltpu.SemaphoreType.DMA,
        ],
    )
    def kern(ids_hbm, table_hbm, out_hbm, ids_v, idx_v,
             buf0, buf1, acc0, acc1, sg0, sg1, so0, so1):
        wid = lax.axis_index("s") * _NC + lax.axis_index("c")
        base = wid * n_per_w
        pltpu.sync_copy(ids_hbm.at[pl.ds(off + base, n_per_w)], ids_v)

        def comp_idx(tc):
            ids16 = ids_v[pl.ds(tc * _CHUNK, _CHUNK)]
            for h in range(4):
                idx_v[pl.ds(h * _CHUNK, _CHUNK)] = (ids16 * _PRIMES[h]) % _TABLE

        def fire_gather(buf, sem, off):
            for h in range(4):
                pltpu.async_copy(
                    table_hbm.at[idx_v.at[pl.ds(h * _CHUNK + off, _SUB)]],
                    buf.at[pl.ds(h * _SUB, _SUB)], sem)

        def drain_gather(buf, sem):
            pltpu.make_async_copy(table_hbm.at[pl.ds(0, 4 * _SUB)], buf,
                                  sem).wait()

        def reduce_into(buf, acc):
            def rj(j, c):
                s = pl.ds(j * 16, 16)
                for t in range(_SUB):
                    acc[t, s] = ((buf[t, s] + buf[_SUB + t, s])
                                 + (buf[2 * _SUB + t, s]
                                    + buf[3 * _SUB + t, s]))
                return c
            lax.fori_loop(0, _D // 16, rj, 0)

        comp_idx(0)
        fire_gather(buf0, sg0, 0)

        def body(tc, carry):
            row0 = base + tc * _CHUNK
            fire_gather(buf1, sg1, _SUB)

            drain_gather(buf0, sg0)

            @pl.when(tc != 0)
            def _():
                pltpu.make_async_copy(
                    acc0, out_hbm.at[pl.ds(row0, _SUB)], so0).wait()
            reduce_into(buf0, acc0)
            pltpu.async_copy(acc0, out_hbm.at[pl.ds(row0, _SUB)], so0)

            drain_gather(buf1, sg1)
            tcn = jnp.where(tc == n_chunks - 1, 0, tc + 1)
            comp_idx(tcn)
            fire_gather(buf0, sg0, 0)

            @pl.when(tc != 0)
            def _():
                pltpu.make_async_copy(
                    acc1, out_hbm.at[pl.ds(row0 + _SUB, _SUB)], so1).wait()
            reduce_into(buf1, acc1)
            pltpu.async_copy(acc1, out_hbm.at[pl.ds(row0 + _SUB, _SUB)], so1)
            return carry

        lax.fori_loop(0, n_chunks, body, 0)

        drain_gather(buf0, sg0)
        pltpu.make_async_copy(
            acc0, out_hbm.at[pl.ds(base, _SUB)], so0).wait()
        pltpu.make_async_copy(
            acc1, out_hbm.at[pl.ds(base + _SUB, _SUB)], so1).wait()

    return kern(ids, table)


_TB = 512


def _tc_dense(hidden, msum, w1b, w2, b1, b2, mergeb, bmerge, blk0, prev):
    n = hidden.shape[0]
    grid = (msum.shape[0] // _TB,)
    dn = (((1,), (1,)), ((), ()))

    def body(*refs):
        if prev is None:
            (hid_ref, sum_ref, w1_ref, w2_ref, b1_ref, b2_ref,
             wmg_ref, bm_ref, out_ref) = refs
        else:
            (_, hid_ref, sum_ref, w1_ref, w2_ref, b1_ref, b2_ref,
             wmg_ref, bm_ref, out_ref) = refs
        hid = hid_ref[...]
        rm = sum_ref[...] * 0.25
        rmb = rm.astype(jnp.bfloat16)
        pre = lax.dot_general(hid.astype(jnp.bfloat16), w1_ref[:, :_D], dn,
                              preferred_element_type=jnp.float32)
        pre += lax.dot_general(rmb, w1_ref[:, _D:], dn,
                               preferred_element_type=jnp.float32)
        mrg = lax.dot_general(rmb, wmg_ref[...], dn,
                              preferred_element_type=jnp.float32)
        pre += b1_ref[...]
        h = jnp.maximum(pre, 0.0)
        g = jnp.sum(h * w2_ref[...], axis=1, keepdims=True) + b2_ref[...]
        g = jax.nn.sigmoid(g)
        out_ref[...] = hid + g * mrg + bm_ref[...]

    in_specs = [
        pl.BlockSpec((_TB, _D), lambda i: (i + blk0, 0)),
        pl.BlockSpec((_TB, _D), lambda i: (i, 0)),
        pl.BlockSpec((_D, 2 * _D), lambda i: (0, 0)),
        pl.BlockSpec((1, _D), lambda i: (0, 0)),
        pl.BlockSpec((1, _D), lambda i: (0, 0)),
        pl.BlockSpec((1, 1), lambda i: (0, 0)),
        pl.BlockSpec((_D, _D), lambda i: (0, 0)),
        pl.BlockSpec((1, _D), lambda i: (0, 0)),
    ]
    args = [hidden, msum, w1b, w2, b1, b2, mergeb, bmerge]
    aliases = {}
    if prev is not None:
        in_specs = [pl.BlockSpec(memory_space=pl.ANY)] + in_specs
        args = [prev] + args
        aliases = {0: 0}
    return pl.pallas_call(
        body,
        grid=grid,
        in_specs=in_specs,
        out_specs=pl.BlockSpec((_TB, _D), lambda i: (i + blk0, 0)),
        out_shape=jax.ShapeDtypeStruct((n, _D), jnp.float32),
        input_output_aliases=aliases,
    )(*args)


def kernel(hidden_states, input_ids, memory_table, gate_w1, gate_b1,
           gate_w2, gate_b2, merge_w, merge_b):
    b, s, d = hidden_states.shape
    n = b * s
    ids = input_ids.reshape(n)
    hidden = hidden_states.reshape(n, d)

    w1b = gate_w1.astype(jnp.bfloat16)
    mergeb = merge_w.astype(jnp.bfloat16)
    b1 = gate_b1.reshape(1, d)
    b2 = gate_b2.reshape(1, 1)
    bm = merge_b.reshape(1, d)

    slices = [5 * n // 8, 3 * n // 8]
    offs = [0, 5 * n // 8]
    msums = [_sc_gather_sum(ids, memory_table, offs[i], slices[i])
             for i in range(len(slices))]
    out = None
    for i in range(len(slices)):
        out = _tc_dense(hidden, msums[i], w1b, gate_w2, b1, b2,
                        mergeb, bm, offs[i] // _TB, out)
    return out.reshape(b, s, d)

# --- scband reference (transcript-rebuilt; emitter-appended) ---
"""Pipeline reference for scband-enhanced-engram-module-2362232013071 (READ-ONLY COPY).

The authoritative reference and input builder live on the scoring server;
editing this copy changes nothing except your own understanding.
"""

import jax, jax.numpy as jnp
import numpy as np

TABLE_SIZE = 100000
D_MODEL = 1024
N_HEADS = 4
HASH_PRIMES = [17, 31, 53, 79, 107, 131, 157, 181]


def setup_inputs(seed: int = 0) -> dict:
    key = jax.random.key(seed)
    ks = jax.random.split(key, 6)
    hidden_states = jax.random.normal(ks[0], (2, 4096, D_MODEL), dtype=jnp.float32)
    input_ids = jax.random.randint(ks[1], (2, 4096), 0, TABLE_SIZE, dtype=jnp.int32)
    memory_table = jax.random.normal(ks[2], (TABLE_SIZE, D_MODEL), dtype=jnp.float32) * 0.02
    gate_w1 = jax.random.normal(ks[3], (D_MODEL, 2 * D_MODEL), dtype=jnp.float32) * (1.0 / np.sqrt(2 * D_MODEL))
    gate_b1 = jnp.zeros((D_MODEL,), dtype=jnp.float32)
    gate_w2 = jnp.full((1, D_MODEL), 0.01, dtype=jnp.float32)
    gate_b2 = jnp.full((1,), -5.0, dtype=jnp.float32)
    merge_w = jax.random.normal(ks[4], (D_MODEL, D_MODEL), dtype=jnp.float32) * 0.01
    merge_b = jnp.zeros((D_MODEL,), dtype=jnp.float32)
    return {
        "hidden_states": hidden_states,
        "input_ids": input_ids,
        "memory_table": memory_table,
        "gate_w1": gate_w1,
        "gate_b1": gate_b1,
        "gate_w2": gate_w2,
        "gate_b2": gate_b2,
        "merge_w": merge_w,
        "merge_b": merge_b,
    }


def reference(hidden_states, input_ids, memory_table, gate_w1, gate_b1, gate_w2, gate_b2, merge_w, merge_b):
    # multi-head hash -> indices [B, S, H]
    indices = jnp.stack(
        [(input_ids * HASH_PRIMES[i % len(HASH_PRIMES)]) % TABLE_SIZE for i in range(N_HEADS)],
        axis=-1,
    )
    # embedding gather -> [B, S, H, D]
    retrieved_mem = jnp.take(memory_table, indices, axis=0)
    # mean over hash heads (use_content_addressing=False path)
    retrieved_mem = retrieved_mem.mean(axis=2)
    # gate: Linear(2D->D) + ReLU + Linear(D->1) + Sigmoid
    gate_input = jnp.concatenate([hidden_states, retrieved_mem], axis=-1)
    h = jax.nn.relu(gate_input @ gate_w1.T + gate_b1)
    gate_score = jax.nn.sigmoid(h @ gate_w2.T + gate_b2)  # [B, S, 1]
    gated_memory = retrieved_mem * gate_score
    output = hidden_states + gated_memory @ merge_w.T + merge_b
    return output

if __name__ == "__main__":
    import jax
    _d = setup_inputs()
    print(jax.jit(kernel)(*tuple(_d.values())))

</pallas_src>

<mosaic_0001>
#map = affine_map<(d0, d1) -> (0)>
#map1 = affine_map<(d0, d1) -> (0, 0)>
module attributes {stable_mosaic.version = 14 : i64} {
  func.func @kern(%arg0: i32, %arg1: i32, %arg2: memref<8192xi32, #tpu.memory_space<hbm>>, %arg3: memref<100000x1024xf32, #tpu.memory_space<hbm>>, %arg4: memref<5120x1024xf32, #tpu.memory_space<hbm>>, %arg5: memref<160xi32, #tpu.memory_space<vmem>>, %arg6: memref<64xi32, #tpu.memory_space<vmem>>, %arg7: memref<32x1024xf32, #tpu.memory_space<vmem>>, %arg8: memref<32x1024xf32, #tpu.memory_space<vmem>>, %arg9: memref<8x1024xf32, #tpu.memory_space<vmem>>, %arg10: memref<8x1024xf32, #tpu.memory_space<vmem>>, %arg11: memref<!tpu.dma_semaphore, #tpu.memory_space<semaphore_mem>>, %arg12: memref<!tpu.dma_semaphore, #tpu.memory_space<semaphore_mem>>, %arg13: memref<!tpu.dma_semaphore, #tpu.memory_space<semaphore_mem>>, %arg14: memref<!tpu.dma_semaphore, #tpu.memory_space<semaphore_mem>>) attributes {dimension_semantics = [#tpu.dimension_semantics<core_parallel>, #tpu.dimension_semantics<subcore_parallel>], iteration_bounds = array<i64: 2, 16>, scalar_prefetch = 0 : i64, scratch_operands = 10 : i64, tpu.core_type = #tpu.core_type<sc_vector_subcore>, window_params = [{transform_indices = #map}, {transform_indices = #map1}, {transform_indices = #map1}]} {
    %mul3A = arith.constant 2 : i32
    %mul3A_0 = arith.muli %arg1, %mul3A : i32
    %add3A = arith.addi %mul3A_0, %arg0 : i32
    %mul3A_1 = arith.constant 160 : i32
    %mul3A_2 = arith.muli %add3A, %mul3A_1 : i32
    %add3A_3 = arith.constant 0 : i32
    %add3A_4 = arith.addi %add3A_3, %mul3A_2 : i32
    "tpu.region"() ({
      %run_scoped3A = tpu.sem_alloc : memref<!tpu.dma_semaphore, #tpu.memory_space<semaphore_mem>>
      %dma_start3A_166 = tpu.memref_slice %arg2[%add3A_4] : memref<8192xi32, #tpu.memory_space<hbm>> -> memref<160xi32, #tpu.memory_space<hbm>>
      %dma_start3A_167 = tpu.memref_slice %arg2[%add3A_4] : memref<8192xi32, #tpu.memory_space<hbm>> -> memref<160xi32, #tpu.memory_space<hbm>>
      tpu.enqueue_dma source(%dma_start3A_167 : memref<160xi32, #tpu.memory_space<hbm>>) target(%arg5 : memref<160xi32, #tpu.memory_space<vmem>>) target_semaphore(%run_scoped3A : memref<!tpu.dma_semaphore, #tpu.memory_space<semaphore_mem>>)
      %dma_wait3A_168 = tpu.memref_slice %arg2[%add3A_4] : memref<8192xi32, #tpu.memory_space<hbm>> -> memref<160xi32, #tpu.memory_space<hbm>>
      %dma_wait3A_169 = tpu.memref_slice %arg2[%add3A_4] : memref<8192xi32, #tpu.memory_space<hbm>> -> memref<160xi32, #tpu.memory_space<hbm>>
      tpu.wait_dma2 semaphore(%run_scoped3A : memref<!tpu.dma_semaphore, #tpu.memory_space<semaphore_mem>>) src(%dma_wait3A_169 : memref<160xi32, #tpu.memory_space<hbm>>) dst(%arg5 : memref<160xi32, #tpu.memory_space<vmem>>)
      tpu.yield
    }) : () -> ()
    %get3A = arith.constant 0 : index
    %get3A_5 = tpu.vector_load %arg5[%get3A] {strides = array<i32>} : memref<160xi32, #tpu.memory_space<vmem>>, vector<16xi32>,
    %get3A_6 = vector.shape_cast %get3A_5 : vector<16xi32> to vector<16xi32>
    %mul3A_7 = arith.constant 17 : i32
    %mul3A_8 = vector.broadcast %mul3A_7 : i32 to vector<16xi32>
    %mul3A_9 = arith.muli %get3A_6, %mul3A_8 : vector<16xi32>
    %jit3A = arith.constant 100000 : i32
    %eq3A = arith.constant 0 : i32
    %eq3A_10 = arith.cmpi eq, %jit3A, %eq3A : i32
    %jit3A_11 = arith.constant 1 : i32
    %select_n3A = arith.select %eq3A_10, %jit3A_11, %jit3A : i32
    %rem3A = vector.broadcast %select_n3A : i32 to vector<16xi32>
    %rem3A_12 = arith.remsi %mul3A_9, %rem3A : vector<16xi32>
    %ne3A = arith.constant 0 : i32
    %ne3A_13 = vector.broadcast %ne3A : i32 to vector<16xi32>
    %ne3A_14 = arith.cmpi ne, %rem3A_12, %ne3A_13 : vector<16xi32>
    %lt3A = arith.constant 0 : i32
    %lt3A_15 = vector.broadcast %lt3A : i32 to vector<16xi32>
    %lt3A_16 = arith.cmpi slt, %rem3A_12, %lt3A_15 : vector<16xi32>
    %lt3A_17 = arith.constant 0 : i32
    %lt3A_18 = arith.cmpi slt, %select_n3A, %lt3A_17 : i32
    %ne3A_19 = vector.broadcast %lt3A_18 : i1 to vector<16xi1>
    %ne3A_20 = vector.broadcast %ne3A_19 : vector<16xi1> to vector<16xi1>
    %ne3A_21 = arith.xori %lt3A_16, %ne3A_20 : vector<16xi1>
    %and3A = arith.andi %ne3A_21, %ne3A_14 : vector<16xi1>
    %add3A_22 = vector.broadcast %select_n3A : i32 to vector<16xi32>
    %add3A_23 = arith.addi %rem3A_12, %add3A_22 : vector<16xi32>
    %select_n3A_24 = arith.select %and3A, %add3A_23, %rem3A_12 : vector<16xi1>, vector<16xi32>
    %swap3A = arith.constant 0 : index
    %swap3A_25 = tpu.vector_load %arg6[%swap3A] {strides = array<i32>} : memref<64xi32, #tpu.memory_space<vmem>>, vector<16xi32>,
    %swap3A_26 = vector.shape_cast %swap3A_25 : vector<16xi32> to vector<16xi32>
    %swap3A_27 = vector.shape_cast %select_n3A_24 : vector<16xi32> to vector<16xi32>
    tpu.vector_store %arg6[%swap3A], %swap3A_27 {strides = array<i32>} : memref<64xi32, #tpu.memory_space<vmem>>, vector<16xi32>,
    %mul3A_28 = arith.constant 31 : i32
    %mul3A_29 = vector.broadcast %mul3A_28 : i32 to vector<16xi32>
    %mul3A_30 = arith.muli %get3A_6, %mul3A_29 : vector<16xi32>
    %jit3A_31 = arith.constant 100000 : i32
    %eq3A_32 = arith.constant 0 : i32
    %eq3A_33 = arith.cmpi eq, %jit3A_31, %eq3A_32 : i32
    %jit3A_34 = arith.constant 1 : i32
    %select_n3A_35 = arith.select %eq3A_33, %jit3A_34, %jit3A_31 : i32
    %rem3A_36 = vector.broadcast %select_n3A_35 : i32 to vector<16xi32>
    %rem3A_37 = arith.remsi %mul3A_30, %rem3A_36 : vector<16xi32>
    %ne3A_38 = arith.constant 0 : i32
    %ne3A_39 = vector.broadcast %ne3A_38 : i32 to vector<16xi32>
    %ne3A_40 = arith.cmpi ne, %rem3A_37, %ne3A_39 : vector<16xi32>
    %lt3A_41 = arith.constant 0 : i32
    %lt3A_42 = vector.broadcast %lt3A_41 : i32 to vector<16xi32>
    %lt3A_43 = arith.cmpi slt, %rem3A_37, %lt3A_42 : vector<16xi32>
    %lt3A_44 = arith.constant 0 : i32
    %lt3A_45 = arith.cmpi slt, %select_n3A_35, %lt3A_44 : i32
    %ne3A_46 = vector.broadcast %lt3A_45 : i1 to vector<16xi1>
    %ne3A_47 = vector.broadcast %ne3A_46 : vector<16xi1> to vector<16xi1>
    %ne3A_48 = arith.xori %lt3A_43, %ne3A_47 : vector<16xi1>
    %and3A_49 = arith.andi %ne3A_48, %ne3A_40 : vector<16xi1>
    %add3A_50 = vector.broadcast %select_n3A_35 : i32 to vector<16xi32>
    %add3A_51 = arith.addi %rem3A_37, %add3A_50 : vector<16xi32>
    %select_n3A_52 = arith.select %and3A_49, %add3A_51, %rem3A_37 : vector<16xi1>, vector<16xi32>
    %swap3A_53 = arith.constant 16 : index
    %swap3A_54 = tpu.vector_load %arg6[%swap3A_53] {strides = array<i32>} : memref<64xi32, #tpu.memory_space<vmem>>, vector<16xi32>,
    %swap3A_55 = vector.shape_cast %swap3A_54 : vector<16xi32> to vector<16xi32>
    %swap3A_56 = vector.shape_cast %select_n3A_52 : vector<16xi32> to vector<16xi32>
    tpu.vector_store %arg6[%swap3A_53], %swap3A_56 {strides = array<i32>} : memref<64xi32, #tpu.memory_space<vmem>>, vector<16xi32>,
    %mul3A_57 = arith.constant 53 : i32
    %mul3A_58 = vector.broadcast %mul3A_57 : i32 to vector<16xi32>
    %mul3A_59 = arith.muli %get3A_6, %mul3A_58 : vector<16xi32>
    %jit3A_60 = arith.constant 100000 : i32
    %eq3A_61 = arith.constant 0 : i32
    %eq3A_62 = arith.cmpi eq, %jit3A_60, %eq3A_61 : i32
    %jit3A_63 = arith.constant 1 : i32
    %select_n3A_64 = arith.select %eq3A_62, %jit3A_63, %jit3A_60 : i32
    %rem3A_65 = vector.broadcast %select_n3A_64 : i32 to vector<16xi32>
    %rem3A_66 = arith.remsi %mul3A_59, %rem3A_65 : vector<16xi32>
    %ne3A_67 = arith.constant 0 : i32
    %ne3A_68 = vector.broadcast %ne3A_67 : i32 to vector<16xi32>
    %ne3A_69 = arith.cmpi ne, %rem3A_66, %ne3A_68 : vector<16xi32>
    %lt3A_70 = arith.constant 0 : i32
    %lt3A_71 = vector.broadcast %lt3A_70 : i32 to vector<16xi32>
    %lt3A_72 = arith.cmpi slt, %rem3A_66, %lt3A_71 : vector<16xi32>
    %lt3A_73 = arith.constant 0 : i32
    %lt3A_74 = arith.cmpi slt, %select_n3A_64, %lt3A_73 : i32
    %ne3A_75 = vector.broadcast %lt3A_74 : i1 to vector<16xi1>
    %ne3A_76 = vector.broadcast %ne3A_75 : vector<16xi1> to vector<16xi1>
    %ne3A_77 = arith.xori %lt3A_72, %ne3A_76 : vector<16xi1>
    %and3A_78 = arith.andi %ne3A_77, %ne3A_69 : vector<16xi1>
    %add3A_79 = vector.broadcast %select_n3A_64 : i32 to vector<16xi32>
    %add3A_80 = arith.addi %rem3A_66, %add3A_79 : vector<16xi32>
    %select_n3A_81 = arith.select %and3A_78, %add3A_80, %rem3A_66 : vector<16xi1>, vector<16xi32>
    %swap3A_82 = arith.constant 32 : index
    %swap3A_83 = tpu.vector_load %arg6[%swap3A_82] {strides = array<i32>} : memref<64xi32, #tpu.memory_space<vmem>>, vector<16xi32>,
    %swap3A_84 = vector.shape_cast %swap3A_83 : vector<16xi32> to vector<16xi32>
    %swap3A_85 = vector.shape_cast %select_n3A_81 : vector<16xi32> to vector<16xi32>
    tpu.vector_store %arg6[%swap3A_82], %swap3A_85 {strides = array<i32>} : memref<64xi32, #tpu.memory_space<vmem>>, vector<16xi32>,
    %mul3A_86 = arith.constant 79 : i32
    %mul3A_87 = vector.broadcast %mul3A_86 : i32 to vector<16xi32>
    %mul3A_88 = arith.muli %get3A_6, %mul3A_87 : vector<16xi32>
    %jit3A_89 = arith.constant 100000 : i32
    %eq3A_90 = arith.constant 0 : i32
    %eq3A_91 = arith.cmpi eq, %jit3A_89, %eq3A_90 : i32
    %jit3A_92 = arith.constant 1 : i32
    %select_n3A_93 = arith.select %eq3A_91, %jit3A_92, %jit3A_89 : i32
    %rem3A_94 = vector.broadcast %select_n3A_93 : i32 to vector<16xi32>
    %rem3A_95 = arith.remsi %mul3A_88, %rem3A_94 : vector<16xi32>
    %ne3A_96 = arith.constant 0 : i32
    %ne3A_97 = vector.broadcast %ne3A_96 : i32 to vector<16xi32>
    %ne3A_98 = arith.cmpi ne, %rem3A_95, %ne3A_97 : vector<16xi32>
    %lt3A_99 = arith.constant 0 : i32
    %lt3A_100 = vector.broadcast %lt3A_99 : i32 to vector<16xi32>
    %lt3A_101 = arith.cmpi slt, %rem3A_95, %lt3A_100 : vector<16xi32>
    %lt3A_102 = arith.constant 0 : i32
    %lt3A_103 = arith.cmpi slt, %select_n3A_93, %lt3A_102 : i32
    %ne3A_104 = vector.broadcast %lt3A_103 : i1 to vector<16xi1>
    %ne3A_105 = vector.broadcast %ne3A_104 : vector<16xi1> to vector<16xi1>
    %ne3A_106 = arith.xori %lt3A_101, %ne3A_105 : vector<16xi1>
    %and3A_107 = arith.andi %ne3A_106, %ne3A_98 : vector<16xi1>
    %add3A_108 = vector.broadcast %select_n3A_93 : i32 to vector<16xi32>
    %add3A_109 = arith.addi %rem3A_95, %add3A_108 : vector<16xi32>
    %select_n3A_110 = arith.select %and3A_107, %add3A_109, %rem3A_95 : vector<16xi1>, vector<16xi32>
    %swap3A_111 = arith.constant 48 : index
    %swap3A_112 = tpu.vector_load %arg6[%swap3A_111] {strides = array<i32>} : memref<64xi32, #tpu.memory_space<vmem>>, vector<16xi32>,
    %swap3A_113 = vector.shape_cast %swap3A_112 : vector<16xi32> to vector<16xi32>
    %swap3A_114 = vector.shape_cast %select_n3A_110 : vector<16xi32> to vector<16xi32>
    tpu.vector_store %arg6[%swap3A_111], %swap3A_114 {strides = array<i32>} : memref<64xi32, #tpu.memory_space<vmem>>, vector<16xi32>,
    %dma_start3A = arith.constant 0 : i32
    %dma_start3A_115 = arith.constant 0 : i32
    %dma_start3A_116 = tpu.memref_slice %arg7[%dma_start3A, %dma_start3A_115] : memref<32x1024xf32, #tpu.memory_space<vmem>> -> memref<8x1024xf32, #tpu.memory_space<vmem>>
    %dma_start3A_117 = arith.constant 0 : i32
    %dma_start3A_118 = tpu.memref_slice %arg6[%dma_start3A_117] : memref<64xi32, #tpu.memory_space<vmem>> -> memref<8xi32, #tpu.memory_space<vmem>>
    %dma_start3A_119 = arith.constant 0 : i32
    %dma_start3A_120 = arith.constant 0 : i32
    %dma_start3A_121 = tpu.memref_slice %arg3[%dma_start3A_119, %dma_start3A_120] : memref<100000x1024xf32, #tpu.memory_space<hbm>> -> memref<100000x1024xf32, #tpu.memory_space<hbm>>
    tpu.enqueue_indirect_dma source(%dma_start3A_121 : memref<100000x1024xf32, #tpu.memory_space<hbm>>) target(%dma_start3A_116 : memref<8x1024xf32, #tpu.memory_space<vmem>>) offsets(%dma_start3A_118 : memref<8xi32, #tpu.memory_space<vmem>>) semaphore(%arg11 : memref<!tpu.dma_semaphore, #tpu.memory_space<semaphore_mem>>)
    %dma_start3A_122 = arith.constant 8 : i32
    %dma_start3A_123 = arith.constant 0 : i32
    %dma_start3A_124 = tpu.memref_slice %arg7[%dma_start3A_122, %dma_start3A_123] : memref<32x1024xf32, #tpu.memory_space<vmem>> -> memref<8x1024xf32, #tpu.memory_space<vmem>>
    %dma_start3A_125 = arith.constant 16 : i32
    %dma_start3A_126 = tpu.memref_slice %arg6[%dma_start3A_125] : memref<64xi32, #tpu.memory_space<vmem>> -> memref<8xi32, #tpu.memory_space<vmem>>
    %dma_start3A_127 = arith.constant 0 : i32
    %dma_start3A_128 = arith.constant 0 : i32
    %dma_start3A_129 = tpu.memref_slice %arg3[%dma_start3A_127, %dma_start3A_128] : memref<100000x1024xf32, #tpu.memory_space<hbm>> -> memref<100000x1024xf32, #tpu.memory_space<hbm>>
    tpu.enqueue_indirect_dma source(%dma_start3A_129 : memref<100000x1024xf32, #tpu.memory_space<hbm>>) target(%dma_start3A_124 : memref<8x1024xf32, #tpu.memory_space<vmem>>) offsets(%dma_start3A_126 : memref<8xi32, #tpu.memory_space<vmem>>) semaphore(%arg11 : memref<!tpu.dma_semaphore, #tpu.memory_space<semaphore_mem>>)
    %dma_start3A_130 = arith.constant 16 : i32
    %dma_start3A_131 = arith.constant 0 : i32
    %dma_start3A_132 = tpu.memref_slice %arg7[%dma_start3A_130, %dma_start3A_131] : memref<32x1024xf32, #tpu.memory_space<vmem>> -> memref<8x1024xf32, #tpu.memory_space<vmem>>
    %dma_start3A_133 = arith.constant 32 : i32
    %dma_start3A_134 = tpu.memref_slice %arg6[%dma_start3A_133] : memref<64xi32, #tpu.memory_space<vmem>> -> memref<8xi32, #tpu.memory_space<vmem>>
    %dma_start3A_135 = arith.constant 0 : i32
    %dma_start3A_136 = arith.constant 0 : i32
    %dma_start3A_137 = tpu.memref_slice %arg3[%dma_start3A_135, %dma_start3A_136] : memref<100000x1024xf32, #tpu.memory_space<hbm>> -> memref<100000x1024xf32, #tpu.memory_space<hbm>>
    tpu.enqueue_indirect_dma source(%dma_start3A_137 : memref<100000x1024xf32, #tpu.memory_space<hbm>>) target(%dma_start3A_132 : memref<8x1024xf32, #tpu.memory_space<vmem>>) offsets(%dma_start3A_134 : memref<8xi32, #tpu.memory_space<vmem>>) semaphore(%arg11 : memref<!tpu.dma_semaphore, #tpu.memory_space<semaphore_mem>>)
    %dma_start3A_138 = arith.constant 24 : i32
    %dma_start3A_139 = arith.constant 0 : i32
    %dma_start3A_140 = tpu.memref_slice %arg7[%dma_start3A_138, %dma_start3A_139] : memref<32x1024xf32, #tpu.memory_space<vmem>> -> memref<8x1024xf32, #tpu.memory_space<vmem>>
    %dma_start3A_141 = arith.constant 48 : i32
    %dma_start3A_142 = tpu.memref_slice %arg6[%dma_start3A_141] : memref<64xi32, #tpu.memory_space<vmem>> -> memref<8xi32, #tpu.memory_space<vmem>>
    %dma_start3A_143 = arith.constant 0 : i32
    %dma_start3A_144 = arith.constant 0 : i32
    %dma_start3A_145 = tpu.memref_slice %arg3[%dma_start3A_143, %dma_start3A_144] : memref<100000x1024xf32, #tpu.memory_space<hbm>> -> memref<100000x1024xf32, #tpu.memory_space<hbm>>
    tpu.enqueue_indirect_dma source(%dma_start3A_145 : memref<100000x1024xf32, #tpu.memory_space<hbm>>) target(%dma_start3A_140 : memref<8x1024xf32, #tpu.memory_space<vmem>>) offsets(%dma_start3A_142 : memref<8xi32, #tpu.memory_space<vmem>>) semaphore(%arg11 : memref<!tpu.dma_semaphore, #tpu.memory_space<semaphore_mem>>)
    %scan3A = arith.constant 0 : i32
    %scan3A_146 = arith.constant 0 : i32
    %scan3A_147 = arith.constant 10 : i32
    %scan3A_148 = arith.addi %scan3A_146, %scan3A_147 : i32
    %scan3A_149 = arith.constant 1 : i32
    scf.for %scan3A_166 = %scan3A_146 to %scan3A_148 step %scan3A_149  : i32 {
      %mul3A_167 = arith.constant 16 : i32
      %mul3A_168 = arith.muli %scan3A_166, %mul3A_167 : i32
      %add3A_169 = arith.addi %mul3A_2, %mul3A_168 : i32
      %dma_start3A_170 = arith.constant 0 : i32
      %dma_start3A_171 = arith.constant 0 : i32
      %dma_start3A_172 = tpu.memref_slice %arg8[%dma_start3A_170, %dma_start3A_171] : memref<32x1024xf32, #tpu.memory_space<vmem>> -> memref<8x1024xf32, #tpu.memory_space<vmem>>
      %dma_start3A_173 = arith.constant 8 : i32
      %dma_start3A_174 = tpu.memref_slice %arg6[%dma_start3A_173] : memref<64xi32, #tpu.memory_space<vmem>> -> memref<8xi32, #tpu.memory_space<vmem>>
      %dma_start3A_175 = arith.constant 0 : i32
      %dma_start3A_176 = arith.constant 0 : i32
      %dma_start3A_177 = tpu.memref_slice %arg3[%dma_start3A_175, %dma_start3A_176] : memref<100000x1024xf32, #tpu.memory_space<hbm>> -> memref<100000x1024xf32, #tpu.memory_space<hbm>>
      tpu.enqueue_indirect_dma source(%dma_start3A_177 : memref<100000x1024xf32, #tpu.memory_space<hbm>>) target(%dma_start3A_172 : memref<8x1024xf32, #tpu.memory_space<vmem>>) offsets(%dma_start3A_174 : memref<8xi32, #tpu.memory_space<vmem>>) semaphore(%arg12 : memref<!tpu.dma_semaphore, #tpu.memory_space<semaphore_mem>>)
      %dma_start3A_178 = arith.constant 8 : i32
      %dma_start3A_179 = arith.constant 0 : i32
      %dma_start3A_180 = tpu.memref_slice %arg8[%dma_start3A_178, %dma_start3A_179] : memref<32x1024xf32, #tpu.memory_space<vmem>> -> memref<8x1024xf32, #tpu.memory_space<vmem>>
      %dma_start3A_181 = arith.constant 24 : i32
      %dma_start3A_182 = tpu.memref_slice %arg6[%dma_start3A_181] : memref<64xi32, #tpu.memory_space<vmem>> -> memref<8xi32, #tpu.memory_space<vmem>>
      %dma_start3A_183 = arith.constant 0 : i32
      %dma_start3A_184 = arith.constant 0 : i32
      %dma_start3A_185 = tpu.memref_slice %arg3[%dma_start3A_183, %dma_start3A_184] : memref<100000x1024xf32, #tpu.memory_space<hbm>> -> memref<100000x1024xf32, #tpu.memory_space<hbm>>
      tpu.enqueue_indirect_dma source(%dma_start3A_185 : memref<100000x1024xf32, #tpu.memory_space<hbm>>) target(%dma_start3A_180 : memref<8x1024xf32, #tpu.memory_space<vmem>>) offsets(%dma_start3A_182 : memref<8xi32, #tpu.memory_space<vmem>>) semaphore(%arg12 : memref<!tpu.dma_semaphore, #tpu.memory_space<semaphore_mem>>)
      %dma_start3A_186 = arith.constant 16 : i32
      %dma_start3A_187 = arith.constant 0 : i32
      %dma_start3A_188 = tpu.memref_slice %arg8[%dma_start3A_186, %dma_start3A_187] : memref<32x1024xf32, #tpu.memory_space<vmem>> -> memref<8x1024xf32, #tpu.memory_space<vmem>>
      %dma_start3A_189 = arith.constant 40 : i32
      %dma_start3A_190 = tpu.memref_slice %arg6[%dma_start3A_189] : memref<64xi32, #tpu.memory_space<vmem>> -> memref<8xi32, #tpu.memory_space<vmem>>
      %dma_start3A_191 = arith.constant 0 : i32
      %dma_start3A_192 = arith.constant 0 : i32
      %dma_start3A_193 = tpu.memref_slice %arg3[%dma_start3A_191, %dma_start3A_192] : memref<100000x1024xf32, #tpu.memory_space<hbm>> -> memref<100000x1024xf32, #tpu.memory_space<hbm>>
      tpu.enqueue_indirect_dma source(%dma_start3A_193 : memref<100000x1024xf32, #tpu.memory_space<hbm>>) target(%dma_start3A_188 : memref<8x1024xf32, #tpu.memory_space<vmem>>) offsets(%dma_start3A_190 : memref<8xi32, #tpu.memory_space<vmem>>) semaphore(%arg12 : memref<!tpu.dma_semaphore, #tpu.memory_space<semaphore_mem>>)
      %dma_start3A_194 = arith.constant 24 : i32
      %dma_start3A_195 = arith.constant 0 : i32
      %dma_start3A_196 = tpu.memref_slice %arg8[%dma_start3A_194, %dma_start3A_195] : memref<32x1024xf32, #tpu.memory_space<vmem>> -> memref<8x1024xf32, #tpu.memory_space<vmem>>
      %dma_start3A_197 = arith.constant 56 : i32
      %dma_start3A_198 = tpu.memref_slice %arg6[%dma_start3A_197] : memref<64xi32, #tpu.memory_space<vmem>> -> memref<8xi32, #tpu.memory_space<vmem>>
      %dma_start3A_199 = arith.constant 0 : i32
      %dma_start3A_200 = arith.constant 0 : i32
      %dma_start3A_201 = tpu.memref_slice %arg3[%dma_start3A_199, %dma_start3A_200] : memref<100000x1024xf32, #tpu.memory_space<hbm>> -> memref<100000x1024xf32, #tpu.memory_space<hbm>>
      tpu.enqueue_indirect_dma source(%dma_start3A_201 : memref<100000x1024xf32, #tpu.memory_space<hbm>>) target(%dma_start3A_196 : memref<8x1024xf32, #tpu.memory_space<vmem>>) offsets(%dma_start3A_198 : memref<8xi32, #tpu.memory_space<vmem>>) semaphore(%arg12 : memref<!tpu.dma_semaphore, #tpu.memory_space<semaphore_mem>>)
      %dma_wait3A_202 = arith.constant 0 : i32
      %dma_wait3A_203 = arith.constant 0 : i32
      %dma_wait3A_204 = tpu.memref_slice %arg3[%dma_wait3A_202, %dma_wait3A_203] : memref<100000x1024xf32, #tpu.memory_space<hbm>> -> memref<32x1024xf32, #tpu.memory_space<hbm>>
      %dma_wait3A_205 = arith.constant 0 : i32
      %dma_wait3A_206 = arith.constant 0 : i32
      %dma_wait3A_207 = tpu.memref_slice %arg3[%dma_wait3A_205, %dma_wait3A_206] : memref<100000x1024xf32, #tpu.memory_space<hbm>> -> memref<32x1024xf32, #tpu.memory_space<hbm>>
      tpu.wait_dma2 semaphore(%arg11 : memref<!tpu.dma_semaphore, #tpu.memory_space<semaphore_mem>>) src(%dma_wait3A_207 : memref<32x1024xf32, #tpu.memory_space<hbm>>) dst(%arg7 : memref<32x1024xf32, #tpu.memory_space<vmem>>)
      %ne3A_208 = arith.constant 0 : i32
      %ne3A_209 = arith.cmpi ne, %scan3A_166, %ne3A_208 : i32
      %convert_element_type3A = arith.extui %ne3A_209 : i1 to i32
      %cond3A = arith.constant 0 : i32
      %cond3A_210 = arith.cmpi ne, %convert_element_type3A, %cond3A : i32
      scf.if %cond3A_210 {
        %dma_wait3A_403 = arith.constant 0 : i32
        %dma_wait3A_404 = tpu.memref_slice %arg4[%add3A_169, %dma_wait3A_403] : memref<5120x1024xf32, #tpu.memory_space<hbm>> -> memref<8x1024xf32, #tpu.memory_space<hbm>>
        %dma_wait3A_405 = arith.constant 0 : i32
        %dma_wait3A_406 = tpu.memref_slice %arg4[%add3A_169, %dma_wait3A_405] : memref<5120x1024xf32, #tpu.memory_space<hbm>> -> memref<8x1024xf32, #tpu.memory_space<hbm>>
        tpu.wait_dma2 semaphore(%arg13 : memref<!tpu.dma_semaphore, #tpu.memory_space<semaphore_mem>>) src(%arg9 : memref<8x1024xf32, #tpu.memory_space<vmem>>) dst(%dma_wait3A_406 : memref<8x1024xf32, #tpu.memory_space<hbm>>)
      } else {
      }
      %scan3A_211 = arith.constant 0 : i32
      %scan3A_212 = arith.constant 0 : i32
      %scan3A_213 = arith.constant 64 : i32
      %scan3A_214 = arith.addi %scan3A_212, %scan3A_213 : i32
      %scan3A_215 = arith.constant 1 : i32
      scf.for %scan3A_403 = %scan3A_212 to %scan3A_214 step %scan3A_215  : i32 {
        %mul3A_404 = arith.constant 16 : i32
        %mul3A_405 = arith.muli %scan3A_403, %mul3A_404 : i32
        %get3A_406 = arith.constant 0 : i32
        %get3A_407 = arith.index_cast %get3A_406 : i32 to index
        %get3A_408 = arith.index_cast %mul3A_405 : i32 to index
        %get3A_409 = tpu.vector_load %arg7[%get3A_407, %get3A_408] {strides = array<i32>} : memref<32x1024xf32, #tpu.memory_space<vmem>>, vector<1x16xf32>,
        %get3A_410 = vector.shape_cast %get3A_409 : vector<1x16xf32> to vector<16xf32>
        %get3A_411 = arith.constant 8 : i32
        %get3A_412 = arith.index_cast %get3A_411 : i32 to index
        %get3A_413 = arith.index_cast %mul3A_405 : i32 to index
        %get3A_414 = tpu.vector_load %arg7[%get3A_412, %get3A_413] {strides = array<i32>} : memref<32x1024xf32, #tpu.memory_space<vmem>>, vector<1x16xf32>,
        %get3A_415 = vector.shape_cast %get3A_414 : vector<1x16xf32> to vector<16xf32>
        %add3A_416 = arith.addf %get3A_410, %get3A_415 : vector<16xf32>
        %get3A_417 = arith.constant 16 : i32
        %get3A_418 = arith.index_cast %get3A_417 : i32 to index
        %get3A_419 = arith.index_cast %mul3A_405 : i32 to index
        %get3A_420 = tpu.vector_load %arg7[%get3A_418, %get3A_419] {strides = array<i32>} : memref<32x1024xf32, #tpu.memory_space<vmem>>, vector<1x16xf32>,
        %get3A_421 = vector.shape_cast %get3A_420 : vector<1x16xf32> to vector<16xf32>
        %get3A_422 = arith.constant 24 : i32
        %get3A_423 = arith.index_cast %get3A_422 : i32 to index
        %get3A_424 = arith.index_cast %mul3A_405 : i32 to index
        %get3A_425 = tpu.vector_load %arg7[%get3A_423, %get3A_424] {strides = array<i32>} : memref<32x1024xf32, #tpu.memory_space<vmem>>, vector<1x16xf32>,
        %get3A_426 = vector.shape_cast %get3A_425 : vector<1x16xf32> to vector<16xf32>
        %add3A_427 = arith.addf %get3A_421, %get3A_426 : vector<16xf32>
        %add3A_428 = arith.addf %add3A_416, %add3A_427 : vector<16xf32>
        %swap3A_429 = arith.constant 0 : i32
        %swap3A_430 = arith.index_cast %swap3A_429 : i32 to index
        %swap3A_431 = arith.index_cast %mul3A_405 : i32 to index
        %swap3A_432 = tpu.vector_load %arg9[%swap3A_430, %swap3A_431] {strides = array<i32>} : memref<8x1024xf32, #tpu.memory_space<vmem>>, vector<1x16xf32>,
        %swap3A_433 = vector.shape_cast %swap3A_432 : vector<1x16xf32> to vector<16xf32>
        %swap3A_434 = vector.shape_cast %add3A_428 : vector<16xf32> to vector<1x16xf32>
        tpu.vector_store %arg9[%swap3A_430, %swap3A_431], %swap3A_434 {strides = array<i32>} : memref<8x1024xf32, #tpu.memory_space<vmem>>, vector<1x16xf32>,
        %get3A_435 = arith.constant 1 : i32
        %get3A_436 = arith.index_cast %get3A_435 : i32 to index
        %get3A_437 = arith.index_cast %mul3A_405 : i32 to index
        %get3A_438 = tpu.vector_load %arg7[%get3A_436, %get3A_437] {strides = array<i32>} : memref<32x1024xf32, #tpu.memory_space<vmem>>, vector<1x16xf32>,
        %get3A_439 = vector.shape_cast %get3A_438 : vector<1x16xf32> to vector<16xf32>
        %get3A_440 = arith.constant 9 : i32
        %get3A_441 = arith.index_cast %get3A_440 : i32 to index
        %get3A_442 = arith.index_cast %mul3A_405 : i32 to index
        %get3A_443 = tpu.vector_load %arg7[%get3A_441, %get3A_442] {strides = array<i32>} : memref<32x1024xf32, #tpu.memory_space<vmem>>, vector<1x16xf32>,
        %get3A_444 = vector.shape_cast %get3A_443 : vector<1x16xf32> to vector<16xf32>
        %add3A_445 = arith.addf %get3A_439, %get3A_444 : vector<16xf32>
        %get3A_446 = arith.constant 17 : i32
        %get3A_447 = arith.index_cast %get3A_446 : i32 to index
        %get3A_448 = arith.index_cast %mul3A_405 : i32 to index
        %get3A_449 = tpu.vector_load %arg7[%get3A_447, %get3A_448] {strides = array<i32>} : memref<32x1024xf32, #tpu.memory_space<vmem>>, vector<1x16xf32>,
        %get3A_450 = vector.shape_cast %get3A_449 : vector<1x16xf32> to vector<16xf32>
        %get3A_451 = arith.constant 25 : i32
        %get3A_452 = arith.index_cast %get3A_451 : i32 to index
        %get3A_453 = arith.index_cast %mul3A_405 : i32 to index
        %get3A_454 = tpu.vector_load %arg7[%get3A_452, %get3A_453] {strides = array<i32>} : memref<32x1024xf32, #tpu.memory_space<vmem>>, vector<1x16xf32>,
        %get3A_455 = vector.shape_cast %get3A_454 : vector<1x16xf32> to vector<16xf32>
        %add3A_456 = arith.addf %get3A_450, %get3A_455 : vector<16xf32>
        %add3A_457 = arith.addf %add3A_445, %add3A_456 : vector<16xf32>
        %swap3A_458 = arith.constant 1 : i32
        %swap3A_459 = arith.index_cast %swap3A_458 : i32 to index
        %swap3A_460 = arith.index_cast %mul3A_405 : i32 to index
        %swap3A_461 = tpu.vector_load %arg9[%swap3A_459, %swap3A_460] {strides = array<i32>} : memref<8x1024xf32, #tpu.memory_space<vmem>>, vector<1x16xf32>,
        %swap3A_462 = vector.shape_cast %swap3A_461 : vector<1x16xf32> to vector<16xf32>
        %swap3A_463 = vector.shape_cast %add3A_457 : vector<16xf32> to vector<1x16xf32>
        tpu.vector_store %arg9[%swap3A_459, %swap3A_460], %swap3A_463 {strides = array<i32>} : memref<8x1024xf32, #tpu.memory_space<vmem>>, vector<1x16xf32>,
        %get3A_464 = arith.constant 2 : i32
        %get3A_465 = arith.index_cast %get3A_464 : i32 to index
        %get3A_466 = arith.index_cast %mul3A_405 : i32 to index
        %get3A_467 = tpu.vector_load %arg7[%get3A_465, %get3A_466] {strides = array<i32>} : memref<32x1024xf32, #tpu.memory_space<vmem>>, vector<1x16xf32>,
        %get3A_468 = vector.shape_cast %get3A_467 : vector<1x16xf32> to vector<16xf32>
        %get3A_469 = arith.constant 10 : i32
        %get3A_470 = arith.index_cast %get3A_469 : i32 to index
        %get3A_471 = arith.index_cast %mul3A_405 : i32 to index
        %get3A_472 = tpu.vector_load %arg7[%get3A_470, %get3A_471] {strides = array<i32>} : memref<32x1024xf32, #tpu.memory_space<vmem>>, vector<1x16xf32>,
        %get3A_473 = vector.shape_cast %get3A_472 : vector<1x16xf32> to vector<16xf32>
        %add3A_474 = arith.addf %get3A_468, %get3A_473 : vector<16xf32>
        %get3A_475 = arith.constant 18 : i32
        %get3A_476 = arith.index_cast %get3A_475 : i32 to index
        %get3A_477 = arith.index_cast %mul3A_405 : i32 to index
        %get3A_478 = tpu.vector_load %arg7[%get3A_476, %get3A_477] {strides = array<i32>} : memref<32x1024xf32, #tpu.memory_space<vmem>>, vector<1x16xf32>,
        %get3A_479 = vector.shape_cast %get3A_478 : vector<1x16xf32> to vector<16xf32>
        %get3A_480 = arith.constant 26 : i32
        %get3A_481 = arith.index_cast %get3A_480 : i32 to index
        %get3A_482 = arith.index_cast %mul3A_405 : i32 to index
        %get3A_483 = tpu.vector_load %arg7[%get3A_481, %get3A_482] {strides = array<i32>} : memref<32x1024xf32, #tpu.memory_space<vmem>>, vector<1x16xf32>,
        %get3A_484 = vector.shape_cast %get3A_483 : vector<1x16xf32> to vector<16xf32>
        %add3A_485 = arith.addf %get3A_479, %get3A_484 : vector<16xf32>
        %add3A_486 = arith.addf %add3A_474, %add3A_485 : vector<16xf32>
        %swap3A_487 = arith.constant 2 : i32
        %swap3A_488 = arith.index_cast %swap3A_487 : i32 to index
        %swap3A_489 = arith.index_cast %mul3A_405 : i32 to index
        %swap3A_490 = tpu.vector_load %arg9[%swap3A_488, %swap3A_489] {strides = array<i32>} : memref<8x1024xf32, #tpu.memory_space<vmem>>, vector<1x16xf32>,
        %swap3A_491 = vector.shape_cast %swap3A_490 : vector<1x16xf32> to vector<16xf32>
        %swap3A_492 = vector.shape_cast %add3A_486 : vector<16xf32> to vector<1x16xf32>
        tpu.vector_store %arg9[%swap3A_488, %swap3A_489], %swap3A_492 {strides = array<i32>} : memref<8x1024xf32, #tpu.memory_space<vmem>>, vector<1x16xf32>,
        %get3A_493 = arith.constant 3 : i32
        %get3A_494 = arith.index_cast %get3A_493 : i32 to index
        %get3A_495 = arith.index_cast %mul3A_405 : i32 to index
        %get3A_496 = tpu.vector_load %arg7[%get3A_494, %get3A_495] {strides = array<i32>} : memref<32x1024xf32, #tpu.memory_space<vmem>>, vector<1x16xf32>,
        %get3A_497 = vector.shape_cast %get3A_496 : vector<1x16xf32> to vector<16xf32>
        %get3A_498 = arith.constant 11 : i32
        %get3A_499 = arith.index_cast %get3A_498 : i32 to index
        %get3A_500 = arith.index_cast %mul3A_405 : i32 to index
        %get3A_501 = tpu.vector_load %arg7[%get3A_499, %get3A_500] {strides = array<i32>} : memref<32x1024xf32, #tpu.memory_space<vmem>>, vector<1x16xf32>,
        %get3A_502 = vector.shape_cast %get3A_501 : vector<1x16xf32> to vector<16xf32>
        %add3A_503 = arith.addf %get3A_497, %get3A_502 : vector<16xf32>
        %get3A_504 = arith.constant 19 : i32
        %get3A_505 = arith.index_cast %get3A_504 : i32 to index
        %get3A_506 = arith.index_cast %mul3A_405 : i32 to index
        %get3A_507 = tpu.vector_load %arg7[%get3A_505, %get3A_506] {strides = array<i32>} : memref<32x1024xf32, #tpu.memory_space<vmem>>, vector<1x16xf32>,
        %get3A_508 = vector.shape_cast %get3A_507 : vector<1x16xf32> to vector<16xf32>
        %get3A_509 = arith.constant 27 : i32
        %get3A_510 = arith.index_cast %get3A_509 : i32 to index
        %get3A_511 = arith.index_cast %mul3A_405 : i32 to index
        %get3A_512 = tpu.vector_load %arg7[%get3A_510, %get3A_511] {strides = array<i32>} : memref<32x1024xf32, #tpu.memory_space<vmem>>, vector<1x16xf32>,
        %get3A_513 = vector.shape_cast %get3A_512 : vector<1x16xf32> to vector<16xf32>
        %add3A_514 = arith.addf %get3A_508, %get3A_513 : vector<16xf32>
        %add3A_515 = arith.addf %add3A_503, %add3A_514 : vector<16xf32>
        %swap3A_516 = arith.constant 3 : i32
        %swap3A_517 = arith.index_cast %swap3A_516 : i32 to index
        %swap3A_518 = arith.index_cast %mul3A_405 : i32 to index
        %swap3A_519 = tpu.vector_load %arg9[%swap3A_517, %swap3A_518] {strides = array<i32>} : memref<8x1024xf32, #tpu.memory_space<vmem>>, vector<1x16xf32>,
        %swap3A_520 = vector.shape_cast %swap3A_519 : vector<1x16xf32> to vector<16xf32>
        %swap3A_521 = vector.shape_cast %add3A_515 : vector<16xf32> to vector<1x16xf32>
        tpu.vector_store %arg9[%swap3A_517, %swap3A_518], %swap3A_521 {strides = array<i32>} : memref<8x1024xf32, #tpu.memory_space<vmem>>, vector<1x16xf32>,
        %get3A_522 = arith.constant 4 : i32
        %get3A_523 = arith.index_cast %get3A_522 : i32 to index
        %get3A_524 = arith.index_cast %mul3A_405 : i32 to index
        %get3A_525 = tpu.vector_load %arg7[%get3A_523, %get3A_524] {strides = array<i32>} : memref<32x1024xf32, #tpu.memory_space<vmem>>, vector<1x16xf32>,
        %get3A_526 = vector.shape_cast %get3A_525 : vector<1x16xf32> to vector<16xf32>
        %get3A_527 = arith.constant 12 : i32
        %get3A_528 = arith.index_cast %get3A_527 : i32 to index
        %get3A_529 = arith.index_cast %mul3A_405 : i32 to index
        %get3A_530 = tpu.vector_load %arg7[%get3A_528, %get3A_529] {strides = array<i32>} : memref<32x1024xf32, #tpu.memory_space<vmem>>, vector<1x16xf32>,
        %get3A_531 = vector.shape_cast %get3A_530 : vector<1x16xf32> to vector<16xf32>
        %add3A_532 = arith.addf %get3A_526, %get3A_531 : vector<16xf32>
        %get3A_533 = arith.constant 20 : i32
        %get3A_534 = arith.index_cast %get3A_533 : i32 to index
        %get3A_535 = arith.index_cast %mul3A_405 : i32 to index
        %get3A_536 = tpu.vector_load %arg7[%get3A_534, %get3A_535] {strides = array<i32>} : memref<32x1024xf32, #tpu.memory_space<vmem>>, vector<1x16xf32>,
        %get3A_537 = vector.shape_cast %get3A_536 : vector<1x16xf32> to vector<16xf32>
        %get3A_538 = arith.constant 28 : i32
        %get3A_539 = arith.index_cast %get3A_538 : i32 to index
        %get3A_540 = arith.index_cast %mul3A_405 : i32 to index
        %get3A_541 = tpu.vector_load %arg7[%get3A_539, %get3A_540] {strides = array<i32>} : memref<32x1024xf32, #tpu.memory_space<vmem>>, vector<1x16xf32>,
        %get3A_542 = vector.shape_cast %get3A_541 : vector<1x16xf32> to vector<16xf32>
        %add3A_543 = arith.addf %get3A_537, %get3A_542 : vector<16xf32>
        %add3A_544 = arith.addf %add3A_532, %add3A_543 : vector<16xf32>
        %swap3A_545 = arith.constant 4 : i32
        %swap3A_546 = arith.index_cast %swap3A_545 : i32 to index
        %swap3A_547 = arith.index_cast %mul3A_405 : i32 to index
        %swap3A_548 = tpu.vector_load %arg9[%swap3A_546, %swap3A_547] {strides = array<i32>} : memref<8x1024xf32, #tpu.memory_space<vmem>>, vector<1x16xf32>,
        %swap3A_549 = vector.shape_cast %swap3A_548 : vector<1x16xf32> to vector<16xf32>
        %swap3A_550 = vector.shape_cast %add3A_544 : vector<16xf32> to vector<1x16xf32>
        tpu.vector_store %arg9[%swap3A_546, %swap3A_547], %swap3A_550 {strides = array<i32>} : memref<8x1024xf32, #tpu.memory_space<vmem>>, vector<1x16xf32>,
        %get3A_551 = arith.constant 5 : i32
        %get3A_552 = arith.index_cast %get3A_551 : i32 to index
        %get3A_553 = arith.index_cast %mul3A_405 : i32 to index
        %get3A_554 = tpu.vector_load %arg7[%get3A_552, %get3A_553] {strides = array<i32>} : memref<32x1024xf32, #tpu.memory_space<vmem>>, vector<1x16xf32>,
        %get3A_555 = vector.shape_cast %get3A_554 : vector<1x16xf32> to vector<16xf32>
        %get3A_556 = arith.constant 13 : i32
        %get3A_557 = arith.index_cast %get3A_556 : i32 to index
        %get3A_558 = arith.index_cast %mul3A_405 : i32 to index
        %get3A_559 = tpu.vector_load %arg7[%get3A_557, %get3A_558] {strides = array<i32>} : memref<32x1024xf32, #tpu.memory_space<vmem>>, vector<1x16xf32>,
        %get3A_560 = vector.shape_cast %get3A_559 : vector<1x16xf32> to vector<16xf32>
        %add3A_561 = arith.addf %get3A_555, %get3A_560 : vector<16xf32>
        %get3A_562 = arith.constant 21 : i32
        %get3A_563 = arith.index_cast %get3A_562 : i32 to index
        %get3A_564 = arith.index_cast %mul3A_405 : i32 to index
        %get3A_565 = tpu.vector_load %arg7[%get3A_563, %get3A_564] {strides = array<i32>} : memref<32x1024xf32, #tpu.memory_space<vmem>>, vector<1x16xf32>,
        %get3A_566 = vector.shape_cast %get3A_565 : vector<1x16xf32> to vector<16xf32>
        %get3A_567 = arith.constant 29 : i32
        %get3A_568 = arith.index_cast %get3A_567 : i32 to index
        %get3A_569 = arith.index_cast %mul3A_405 : i32 to index
        %get3A_570 = tpu.vector_load %arg7[%get3A_568, %get3A_569] {strides = array<i32>} : memref<32x1024xf32, #tpu.memory_space<vmem>>, vector<1x16xf32>,
        %get3A_571 = vector.shape_cast %get3A_570 : vector<1x16xf32> to vector<16xf32>
        %add3A_572 = arith.addf %get3A_566, %get3A_571 : vector<16xf32>
        %add3A_573 = arith.addf %add3A_561, %add3A_572 : vector<16xf32>
        %swap3A_574 = arith.constant 5 : i32
        %swap3A_575 = arith.index_cast %swap3A_574 : i32 to index
        %swap3A_576 = arith.index_cast %mul3A_405 : i32 to index
        %swap3A_577 = tpu.vector_load %arg9[%swap3A_575, %swap3A_576] {strides = array<i32>} : memref<8x1024xf32, #tpu.memory_space<vmem>>, vector<1x16xf32>,
        %swap3A_578 = vector.shape_cast %swap3A_577 : vector<1x16xf32> to vector<16xf32>
        %swap3A_579 = vector.shape_cast %add3A_573 : vector<16xf32> to vector<1x16xf32>
        tpu.vector_store %arg9[%swap3A_575, %swap3A_576], %swap3A_579 {strides = array<i32>} : memref<8x1024xf32, #tpu.memory_space<vmem>>, vector<1x16xf32>,
        %get3A_580 = arith.constant 6 : i32
        %get3A_581 = arith.index_cast %get3A_580 : i32 to index
        %get3A_582 = arith.index_cast %mul3A_405 : i32 to index
        %get3A_583 = tpu.vector_load %arg7[%get3A_581, %get3A_582] {strides = array<i32>} : memref<32x1024xf32, #tpu.memory_space<vmem>>, vector<1x16xf32>,
        %get3A_584 = vector.shape_cast %get3A_583 : vector<1x16xf32> to vector<16xf32>
        %get3A_585 = arith.constant 14 : i32
        %get3A_586 = arith.index_cast %get3A_585 : i32 to index
        %get3A_587 = arith.index_cast %mul3A_405 : i32 to index
        %get3A_588 = tpu.vector_load %arg7[%get3A_586, %get3A_587] {strides = array<i32>} : memref<32x1024xf32, #tpu.memory_space<vmem>>, vector<1x16xf32>,
        %get3A_589 = vector.shape_cast %get3A_588 : vector<1x16xf32> to vector<16xf32>
        %add3A_590 = arith.addf %get3A_584, %get3A_589 : vector<16xf32>
        %get3A_591 = arith.constant 22 : i32
        %get3A_592 = arith.index_cast %get3A_591 : i32 to index
        %get3A_593 = arith.index_cast %mul3A_405 : i32 to index
        %get3A_594 = tpu.vector_load %arg7[%get3A_592, %get3A_593] {strides = array<i32>} : memref<32x1024xf32, #tpu.memory_space<vmem>>, vector<1x16xf32>,
        %get3A_595 = vector.shape_cast %get3A_594 : vector<1x16xf32> to vector<16xf32>
        %get3A_596 = arith.constant 30 : i32
        %get3A_597 = arith.index_cast %get3A_596 : i32 to index
        %get3A_598 = arith.index_cast %mul3A_405 : i32 to index
        %get3A_599 = tpu.vector_load %arg7[%get3A_597, %get3A_598] {strides = array<i32>} : memref<32x1024xf32, #tpu.memory_space<vmem>>, vector<1x16xf32>,
        %get3A_600 = vector.shape_cast %get3A_599 : vector<1x16xf32> to vector<16xf32>
        %add3A_601 = arith.addf %get3A_595, %get3A_600 : vector<16xf32>
        %add3A_602 = arith.addf %add3A_590, %add3A_601 : vector<16xf32>
        %swap3A_603 = arith.constant 6 : i32
        %swap3A_604 = arith.index_cast %swap3A_603 : i32 to index
        %swap3A_605 = arith.index_cast %mul3A_405 : i32 to index
        %swap3A_606 = tpu.vector_load %arg9[%swap3A_604, %swap3A_605] {strides = array<i32>} : memref<8x1024xf32, #tpu.memory_space<vmem>>, vector<1x16xf32>,
        %swap3A_607 = vector.shape_cast %swap3A_606 : vector<1x16xf32> to vector<16xf32>
        %swap3A_608 = vector.shape_cast %add3A_602 : vector<16xf32> to vector<1x16xf32>
        tpu.vector_store %arg9[%swap3A_604, %swap3A_605], %swap3A_608 {strides = array<i32>} : memref<8x1024xf32, #tpu.memory_space<vmem>>, vector<1x16xf32>,
        %get3A_609 = arith.constant 7 : i32
        %get3A_610 = arith.index_cast %get3A_609 : i32 to index
        %get3A_611 = arith.index_cast %mul3A_405 : i32 to index
        %get3A_612 = tpu.vector_load %arg7[%get3A_610, %get3A_611] {strides = array<i32>} : memref<32x1024xf32, #tpu.memory_space<vmem>>, vector<1x16xf32>,
        %get3A_613 = vector.shape_cast %get3A_612 : vector<1x16xf32> to vector<16xf32>
        %get3A_614 = arith.constant 15 : i32
        %get3A_615 = arith.index_cast %get3A_614 : i32 to index
        %get3A_616 = arith.index_cast %mul3A_405 : i32 to index
        %get3A_617 = tpu.vector_load %arg7[%get3A_615, %get3A_616] {strides = array<i32>} : memref<32x1024xf32, #tpu.memory_space<vmem>>, vector<1x16xf32>,
        %get3A_618 = vector.shape_cast %get3A_617 : vector<1x16xf32> to vector<16xf32>
        %add3A_619 = arith.addf %get3A_613, %get3A_618 : vector<16xf32>
        %get3A_620 = arith.constant 23 : i32
        %get3A_621 = arith.index_cast %get3A_620 : i32 to index
        %get3A_622 = arith.index_cast %mul3A_405 : i32 to index
        %get3A_623 = tpu.vector_load %arg7[%get3A_621, %get3A_622] {strides = array<i32>} : memref<32x1024xf32, #tpu.memory_space<vmem>>, vector<1x16xf32>,
        %get3A_624 = vector.shape_cast %get3A_623 : vector<1x16xf32> to vector<16xf32>
        %get3A_625 = arith.constant 31 : i32
        %get3A_626 = arith.index_cast %get3A_625 : i32 to index
        %get3A_627 = arith.index_cast %mul3A_405 : i32 to index
        %get3A_628 = tpu.vector_load %arg7[%get3A_626, %get3A_627] {strides = array<i32>} : memref<32x1024xf32, #tpu.memory_space<vmem>>, vector<1x16xf32>,
        %get3A_629 = vector.shape_cast %get3A_628 : vector<1x16xf32> to vector<16xf32>
        %add3A_630 = arith.addf %get3A_624, %get3A_629 : vector<16xf32>
        %add3A_631 = arith.addf %add3A_619, %add3A_630 : vector<16xf32>
        %swap3A_632 = arith.constant 7 : i32
        %swap3A_633 = arith.index_cast %swap3A_632 : i32 to index
        %swap3A_634 = arith.index_cast %mul3A_405 : i32 to index
        %swap3A_635 = tpu.vector_load %arg9[%swap3A_633, %swap3A_634] {strides = array<i32>} : memref<8x1024xf32, #tpu.memory_space<vmem>>, vector<1x16xf32>,
        %swap3A_636 = vector.shape_cast %swap3A_635 : vector<1x16xf32> to vector<16xf32>
        %swap3A_637 = vector.shape_cast %add3A_631 : vector<16xf32> to vector<1x16xf32>
        tpu.vector_store %arg9[%swap3A_633, %swap3A_634], %swap3A_637 {strides = array<i32>} : memref<8x1024xf32, #tpu.memory_space<vmem>>, vector<1x16xf32>,
      }
      %scan3A_216 = arith.constant 64 : i32
      %dma_start3A_217 = arith.constant 0 : i32
      %dma_start3A_218 = tpu.memref_slice %arg4[%add3A_169, %dma_start3A_217] : memref<5120x1024xf32, #tpu.memory_space<hbm>> -> memref<8x1024xf32, #tpu.memory_space<hbm>>
      %dma_start3A_219 = arith.constant 0 : i32
      %dma_start3A_220 = tpu.memref_slice %arg4[%add3A_169, %dma_start3A_219] : memref<5120x1024xf32, #tpu.memory_space<hbm>> -> memref<8x1024xf32, #tpu.memory_space<hbm>>
      tpu.enqueue_dma source(%arg9 : memref<8x1024xf32, #tpu.memory_space<vmem>>) target(%dma_start3A_220 : memref<8x1024xf32, #tpu.memory_space<hbm>>) target_semaphore(%arg13 : memref<!tpu.dma_semaphore, #tpu.memory_space<semaphore_mem>>)
      %dma_wait3A_221 = arith.constant 0 : i32
      %dma_wait3A_222 = arith.constant 0 : i32
      %dma_wait3A_223 = tpu.memref_slice %arg3[%dma_wait3A_221, %dma_wait3A_222] : memref<100000x1024xf32, #tpu.memory_space<hbm>> -> memref<32x1024xf32, #tpu.memory_space<hbm>>
      %dma_wait3A_224 = arith.constant 0 : i32
      %dma_wait3A_225 = arith.constant 0 : i32
      %dma_wait3A_226 = tpu.memref_slice %arg3[%dma_wait3A_224, %dma_wait3A_225] : memref<100000x1024xf32, #tpu.memory_space<hbm>> -> memref<32x1024xf32, #tpu.memory_space<hbm>>
      tpu.wait_dma2 semaphore(%arg12 : memref<!tpu.dma_semaphore, #tpu.memory_space<semaphore_mem>>) src(%dma_wait3A_226 : memref<32x1024xf32, #tpu.memory_space<hbm>>) dst(%arg8 : memref<32x1024xf32, #tpu.memory_space<vmem>>)
      %eq3A_227 = arith.constant 9 : i32
      %eq3A_228 = arith.cmpi eq, %scan3A_166, %eq3A_227 : i32
      %add3A_229 = arith.constant 1 : i32
      %add3A_230 = arith.addi %scan3A_166, %add3A_229 : i32
      %jit3A_231 = arith.constant 0 : i32
      %select_n3A_232 = arith.select %eq3A_228, %jit3A_231, %add3A_230 : i32
      %mul3A_233 = arith.constant 16 : i32
      %mul3A_234 = arith.muli %select_n3A_232, %mul3A_233 : i32
      %get3A_235 = arith.index_cast %mul3A_234 : i32 to index
      %get3A_236 = tpu.vector_load %arg5[%get3A_235] {strides = array<i32>} : memref<160xi32, #tpu.memory_space<vmem>>, vector<16xi32>,
      %get3A_237 = vector.shape_cast %get3A_236 : vector<16xi32> to vector<16xi32>
      %mul3A_238 = arith.constant 17 : i32
      %mul3A_239 = vector.broadcast %mul3A_238 : i32 to vector<16xi32>
      %mul3A_240 = arith.muli %get3A_237, %mul3A_239 : vector<16xi32>
      %jit3A_241 = arith.constant 100000 : i32
      %eq3A_242 = arith.constant 0 : i32
      %eq3A_243 = arith.cmpi eq, %jit3A_241, %eq3A_242 : i32
      %jit3A_244 = arith.constant 1 : i32
      %select_n3A_245 = arith.select %eq3A_243, %jit3A_244, %jit3A_241 : i32
      %rem3A_246 = vector.broadcast %select_n3A_245 : i32 to vector<16xi32>
      %rem3A_247 = arith.remsi %mul3A_240, %rem3A_246 : vector<16xi32>
      %ne3A_248 = arith.constant 0 : i32
      %ne3A_249 = vector.broadcast %ne3A_248 : i32 to vector<16xi32>
      %ne3A_250 = arith.cmpi ne, %rem3A_247, %ne3A_249 : vector<16xi32>
      %lt3A_251 = arith.constant 0 : i32
      %lt3A_252 = vector.broadcast %lt3A_251 : i32 to vector<16xi32>
      %lt3A_253 = arith.cmpi slt, %rem3A_247, %lt3A_252 : vector<16xi32>
      %lt3A_254 = arith.constant 0 : i32
      %lt3A_255 = arith.cmpi slt, %select_n3A_245, %lt3A_254 : i32
      %ne3A_256 = vector.broadcast %lt3A_255 : i1 to vector<16xi1>
      %ne3A_257 = vector.broadcast %ne3A_256 : vector<16xi1> to vector<16xi1>
      %ne3A_258 = arith.xori %lt3A_253, %ne3A_257 : vector<16xi1>
      %and3A_259 = arith.andi %ne3A_258, %ne3A_250 : vector<16xi1>
      %add3A_260 = vector.broadcast %select_n3A_245 : i32 to vector<16xi32>
      %add3A_261 = arith.addi %rem3A_247, %add3A_260 : vector<16xi32>
      %select_n3A_262 = arith.select %and3A_259, %add3A_261, %rem3A_247 : vector<16xi1>, vector<16xi32>
      %swap3A_263 = arith.constant 0 : index
      %swap3A_264 = tpu.vector_load %arg6[%swap3A_263] {strides = array<i32>} : memref<64xi32, #tpu.memory_space<vmem>>, vector<16xi32>,
      %swap3A_265 = vector.shape_cast %swap3A_264 : vector<16xi32> to vector<16xi32>
      %swap3A_266 = vector.shape_cast %select_n3A_262 : vector<16xi32> to vector<16xi32>
      tpu.vector_store %arg6[%swap3A_263], %swap3A_266 {strides = array<i32>} : memref<64xi32, #tpu.memory_space<vmem>>, vector<16xi32>,
      %mul3A_267 = arith.constant 31 : i32
      %mul3A_268 = vector.broadcast %mul3A_267 : i32 to vector<16xi32>
      %mul3A_269 = arith.muli %get3A_237, %mul3A_268 : vector<16xi32>
      %jit3A_270 = arith.constant 100000 : i32
      %eq3A_271 = arith.constant 0 : i32
      %eq3A_272 = arith.cmpi eq, %jit3A_270, %eq3A_271 : i32
      %jit3A_273 = arith.constant 1 : i32
      %select_n3A_274 = arith.select %eq3A_272, %jit3A_273, %jit3A_270 : i32
      %rem3A_275 = vector.broadcast %select_n3A_274 : i32 to vector<16xi32>
      %rem3A_276 = arith.remsi %mul3A_269, %rem3A_275 : vector<16xi32>
      %ne3A_277 = arith.constant 0 : i32
      %ne3A_278 = vector.broadcast %ne3A_277 : i32 to vector<16xi32>
      %ne3A_279 = arith.cmpi ne, %rem3A_276, %ne3A_278 : vector<16xi32>
      %lt3A_280 = arith.constant 0 : i32
      %lt3A_281 = vector.broadcast %lt3A_280 : i32 to vector<16xi32>
      %lt3A_282 = arith.cmpi slt, %rem3A_276, %lt3A_281 : vector<16xi32>
      %lt3A_283 = arith.constant 0 : i32
      %lt3A_284 = arith.cmpi slt, %select_n3A_274, %lt3A_283 : i32
      %ne3A_285 = vector.broadcast %lt3A_284 : i1 to vector<16xi1>
      %ne3A_286 = vector.broadcast %ne3A_285 : vector<16xi1> to vector<16xi1>
      %ne3A_287 = arith.xori %lt3A_282, %ne3A_286 : vector<16xi1>
      %and3A_288 = arith.andi %ne3A_287, %ne3A_279 : vector<16xi1>
      %add3A_289 = vector.broadcast %select_n3A_274 : i32 to vector<16xi32>
      %add3A_290 = arith.addi %rem3A_276, %add3A_289 : vector<16xi32>
      %select_n3A_291 = arith.select %and3A_288, %add3A_290, %rem3A_276 : vector<16xi1>, vector<16xi32>
      %swap3A_292 = arith.constant 16 : index
      %swap3A_293 = tpu.vector_load %arg6[%swap3A_292] {strides = array<i32>} : memref<64xi32, #tpu.memory_space<vmem>>, vector<16xi32>,
      %swap3A_294 = vector.shape_cast %swap3A_293 : vector<16xi32> to vector<16xi32>
      %swap3A_295 = vector.shape_cast %select_n3A_291 : vector<16xi32> to vector<16xi32>
      tpu.vector_store %arg6[%swap3A_292], %swap3A_295 {strides = array<i32>} : memref<64xi32, #tpu.memory_space<vmem>>, vector<16xi32>,
      %mul3A_296 = arith.constant 53 : i32
      %mul3A_297 = vector.broadcast %mul3A_296 : i32 to vector<16xi32>
      %mul3A_298 = arith.muli %get3A_237, %mul3A_297 : vector<16xi32>
      %jit3A_299 = arith.constant 100000 : i32
      %eq3A_300 = arith.constant 0 : i32
      %eq3A_301 = arith.cmpi eq, %jit3A_299, %eq3A_300 : i32
      %jit3A_302 = arith.constant 1 : i32
      %select_n3A_303 = arith.select %eq3A_301, %jit3A_302, %jit3A_299 : i32
      %rem3A_304 = vector.broadcast %select_n3A_303 : i32 to vector<16xi32>
      %rem3A_305 = arith.remsi %mul3A_298, %rem3A_304 : vector<16xi32>
      %ne3A_306 = arith.constant 0 : i32
      %ne3A_307 = vector.broadcast %ne3A_306 : i32 to vector<16xi32>
      %ne3A_308 = arith.cmpi ne, %rem3A_305, %ne3A_307 : vector<16xi32>
      %lt3A_309 = arith.constant 0 : i32
      %lt3A_310 = vector.broadcast %lt3A_309 : i32 to vector<16xi32>
      %lt3A_311 = arith.cmpi slt, %rem3A_305, %lt3A_310 : vector<16xi32>
      %lt3A_312 = arith.constant 0 : i32
      %lt3A_313 = arith.cmpi slt, %select_n3A_303, %lt3A_312 : i32
      %ne3A_314 = vector.broadcast %lt3A_313 : i1 to vector<16xi1>
      %ne3A_315 = vector.broadcast %ne3A_314 : vector<16xi1> to vector<16xi1>
      %ne3A_316 = arith.xori %lt3A_311, %ne3A_315 : vector<16xi1>
      %and3A_317 = arith.andi %ne3A_316, %ne3A_308 : vector<16xi1>
      %add3A_318 = vector.broadcast %select_n3A_303 : i32 to vector<16xi32>
      %add3A_319 = arith.addi %rem3A_305, %add3A_318 : vector<16xi32>
      %select_n3A_320 = arith.select %and3A_317, %add3A_319, %rem3A_305 : vector<16xi1>, vector<16xi32>
      %swap3A_321 = arith.constant 32 : index
      %swap3A_322 = tpu.vector_load %arg6[%swap3A_321] {strides = array<i32>} : memref<64xi32, #tpu.memory_space<vmem>>, vector<16xi32>,
      %swap3A_323 = vector.shape_cast %swap3A_322 : vector<16xi32> to vector<16xi32>
      %swap3A_324 = vector.shape_cast %select_n3A_320 : vector<16xi32> to vector<16xi32>
      tpu.vector_store %arg6[%swap3A_321], %swap3A_324 {strides = array<i32>} : memref<64xi32, #tpu.memory_space<vmem>>, vector<16xi32>,
      %mul3A_325 = arith.constant 79 : i32
      %mul3A_326 = vector.broadcast %mul3A_325 : i32 to vector<16xi32>
      %mul3A_327 = arith.muli %get3A_237, %mul3A_326 : vector<16xi32>
      %jit3A_328 = arith.constant 100000 : i32
      %eq3A_329 = arith.constant 0 : i32
      %eq3A_330 = arith.cmpi eq, %jit3A_328, %eq3A_329 : i32
      %jit3A_331 = arith.constant 1 : i32
      %select_n3A_332 = arith.select %eq3A_330, %jit3A_331, %jit3A_328 : i32
      %rem3A_333 = vector.broadcast %select_n3A_332 : i32 to vector<16xi32>
      %rem3A_334 = arith.remsi %mul3A_327, %rem3A_333 : vector<16xi32>
      %ne3A_335 = arith.constant 0 : i32
      %ne3A_336 = vector.broadcast %ne3A_335 : i32 to vector<16xi32>
      %ne3A_337 = arith.cmpi ne, %rem3A_334, %ne3A_336 : vector<16xi32>
      %lt3A_338 = arith.constant 0 : i32
      %lt3A_339 = vector.broadcast %lt3A_338 : i32 to vector<16xi32>
      %lt3A_340 = arith.cmpi slt, %rem3A_334, %lt3A_339 : vector<16xi32>
      %lt3A_341 = arith.constant 0 : i32
      %lt3A_342 = arith.cmpi slt, %select_n3A_332, %lt3A_341 : i32
      %ne3A_343 = vector.broadcast %lt3A_342 : i1 to vector<16xi1>
      %ne3A_344 = vector.broadcast %ne3A_343 : vector<16xi1> to vector<16xi1>
      %ne3A_345 = arith.xori %lt3A_340, %ne3A_344 : vector<16xi1>
      %and3A_346 = arith.andi %ne3A_345, %ne3A_337 : vector<16xi1>
      %add3A_347 = vector.broadcast %select_n3A_332 : i32 to vector<16xi32>
      %add3A_348 = arith.addi %rem3A_334, %add3A_347 : vector<16xi32>
      %select_n3A_349 = arith.select %and3A_346, %add3A_348, %rem3A_334 : vector<16xi1>, vector<16xi32>
      %swap3A_350 = arith.constant 48 : index
      %swap3A_351 = tpu.vector_load %arg6[%swap3A_350] {strides = array<i32>} : memref<64xi32, #tpu.memory_space<vmem>>, vector<16xi32>,
      %swap3A_352 = vector.shape_cast %swap3A_351 : vector<16xi32> to vector<16xi32>
      %swap3A_353 = vector.shape_cast %select_n3A_349 : vector<16xi32> to vector<16xi32>
      tpu.vector_store %arg6[%swap3A_350], %swap3A_353 {strides = array<i32>} : memref<64xi32, #tpu.memory_space<vmem>>, vector<16xi32>,
      %dma_start3A_354 = arith.constant 0 : i32
      %dma_start3A_355 = arith.constant 0 : i32
      %dma_start3A_356 = tpu.memref_slice %arg7[%dma_start3A_354, %dma_start3A_355] : memref<32x1024xf32, #tpu.memory_space<vmem>> -> memref<8x1024xf32, #tpu.memory_space<vmem>>
      %dma_start3A_357 = arith.constant 0 : i32
      %dma_start3A_358 = tpu.memref_slice %arg6[%dma_start3A_357] : memref<64xi32, #tpu.memory_space<vmem>> -> memref<8xi32, #tpu.memory_space<vmem>>
      %dma_start3A_359 = arith.constant 0 : i32
      %dma_start3A_360 = arith.constant 0 : i32
      %dma_start3A_361 = tpu.memref_slice %arg3[%dma_start3A_359, %dma_start3A_360] : memref<100000x1024xf32, #tpu.memory_space<hbm>> -> memref<100000x1024xf32, #tpu.memory_space<hbm>>
      tpu.enqueue_indirect_dma source(%dma_start3A_361 : memref<100000x1024xf32, #tpu.memory_space<hbm>>) target(%dma_start3A_356 : memref<8x1024xf32, #tpu.memory_space<vmem>>) offsets(%dma_start3A_358 : memref<8xi32, #tpu.memory_space<vmem>>) semaphore(%arg11 : memref<!tpu.dma_semaphore, #tpu.memory_space<semaphore_mem>>)
      %dma_start3A_362 = arith.constant 8 : i32
      %dma_start3A_363 = arith.constant 0 : i32
      %dma_start3A_364 = tpu.memref_slice %arg7[%dma_start3A_362, %dma_start3A_363] : memref<32x1024xf32, #tpu.memory_space<vmem>> -> memref<8x1024xf32, #tpu.memory_space<vmem>>
      %dma_start3A_365 = arith.constant 16 : i32
      %dma_start3A_366 = tpu.memref_slice %arg6[%dma_start3A_365] : memref<64xi32, #tpu.memory_space<vmem>> -> memref<8xi32, #tpu.memory_space<vmem>>
      %dma_start3A_367 = arith.constant 0 : i32
      %dma_start3A_368 = arith.constant 0 : i32
      %dma_start3A_369 = tpu.memref_slice %arg3[%dma_start3A_367, %dma_start3A_368] : memref<100000x1024xf32, #tpu.memory_space<hbm>> -> memref<100000x1024xf32, #tpu.memory_space<hbm>>
      tpu.enqueue_indirect_dma source(%dma_start3A_369 : memref<100000x1024xf32, #tpu.memory_space<hbm>>) target(%dma_start3A_364 : memref<8x1024xf32, #tpu.memory_space<vmem>>) offsets(%dma_start3A_366 : memref<8xi32, #tpu.memory_space<vmem>>) semaphore(%arg11 : memref<!tpu.dma_semaphore, #tpu.memory_space<semaphore_mem>>)
      %dma_start3A_370 = arith.constant 16 : i32
      %dma_start3A_371 = arith.constant 0 : i32
      %dma_start3A_372 = tpu.memref_slice %arg7[%dma_start3A_370, %dma_start3A_371] : memref<32x1024xf32, #tpu.memory_space<vmem>> -> memref<8x1024xf32, #tpu.memory_space<vmem>>
      %dma_start3A_373 = arith.constant 32 : i32
      %dma_start3A_374 = tpu.memref_slice %arg6[%dma_start3A_373] : memref<64xi32, #tpu.memory_space<vmem>> -> memref<8xi32, #tpu.memory_space<vmem>>
      %dma_start3A_375 = arith.constant 0 : i32
      %dma_start3A_376 = arith.constant 0 : i32
      %dma_start3A_377 = tpu.memref_slice %arg3[%dma_start3A_375, %dma_start3A_376] : memref<100000x1024xf32, #tpu.memory_space<hbm>> -> memref<100000x1024xf32, #tpu.memory_space<hbm>>
      tpu.enqueue_indirect_dma source(%dma_start3A_377 : memref<100000x1024xf32, #tpu.memory_space<hbm>>) target(%dma_start3A_372 : memref<8x1024xf32, #tpu.memory_space<vmem>>) offsets(%dma_start3A_374 : memref<8xi32, #tpu.memory_space<vmem>>) semaphore(%arg11 : memref<!tpu.dma_semaphore, #tpu.memory_space<semaphore_mem>>)
      %dma_start3A_378 = arith.constant 24 : i32
      %dma_start3A_379 = arith.constant 0 : i32
      %dma_start3A_380 = tpu.memref_slice %arg7[%dma_start3A_378, %dma_start3A_379] : memref<32x1024xf32, #tpu.memory_space<vmem>> -> memref<8x1024xf32, #tpu.memory_space<vmem>>
      %dma_start3A_381 = arith.constant 48 : i32
      %dma_start3A_382 = tpu.memref_slice %arg6[%dma_start3A_381] : memref<64xi32, #tpu.memory_space<vmem>> -> memref<8xi32, #tpu.memory_space<vmem>>
      %dma_start3A_383 = arith.constant 0 : i32
      %dma_start3A_384 = arith.constant 0 : i32
      %dma_start3A_385 = tpu.memref_slice %arg3[%dma_start3A_383, %dma_start3A_384] : memref<100000x1024xf32, #tpu.memory_space<hbm>> -> memref<100000x1024xf32, #tpu.memory_space<hbm>>
      tpu.enqueue_indirect_dma source(%dma_start3A_385 : memref<100000x1024xf32, #tpu.memory_space<hbm>>) target(%dma_start3A_380 : memref<8x1024xf32, #tpu.memory_space<vmem>>) offsets(%dma_start3A_382 : memref<8xi32, #tpu.memory_space<vmem>>) semaphore(%arg11 : memref<!tpu.dma_semaphore, #tpu.memory_space<semaphore_mem>>)
      %ne3A_386 = arith.constant 0 : i32
      %ne3A_387 = arith.cmpi ne, %scan3A_166, %ne3A_386 : i32
      %convert_element_type3A_388 = arith.extui %ne3A_387 : i1 to i32
      %cond3A_389 = arith.constant 0 : i32
      %cond3A_390 = arith.cmpi ne, %convert_element_type3A_388, %cond3A_389 : i32
      scf.if %cond3A_390 {
        %add3A_403 = arith.constant 8 : i32
        %add3A_404 = arith.addi %add3A_169, %add3A_403 : i32
        %dma_wait3A_405 = arith.constant 0 : i32
        %dma_wait3A_406 = tpu.memref_slice %arg4[%add3A_404, %dma_wait3A_405] : memref<5120x1024xf32, #tpu.memory_space<hbm>> -> memref<8x1024xf32, #tpu.memory_space<hbm>>
        %dma_wait3A_407 = arith.constant 0 : i32
        %dma_wait3A_408 = tpu.memref_slice %arg4[%add3A_404, %dma_wait3A_407] : memref<5120x1024xf32, #tpu.memory_space<hbm>> -> memref<8x1024xf32, #tpu.memory_space<hbm>>
        tpu.wait_dma2 semaphore(%arg14 : memref<!tpu.dma_semaphore, #tpu.memory_space<semaphore_mem>>) src(%arg10 : memref<8x1024xf32, #tpu.memory_space<vmem>>) dst(%dma_wait3A_408 : memref<8x1024xf32, #tpu.memory_space<hbm>>)
      } else {
      }
      %scan3A_391 = arith.constant 0 : i32
      %scan3A_392 = arith.constant 0 : i32
      %scan3A_393 = arith.constant 64 : i32
      %scan3A_394 = arith.addi %scan3A_392, %scan3A_393 : i32
      %scan3A_395 = arith.constant 1 : i32
      scf.for %scan3A_403 = %scan3A_392 to %scan3A_394 step %scan3A_395  : i32 {
        %mul3A_404 = arith.constant 16 : i32
        %mul3A_405 = arith.muli %scan3A_403, %mul3A_404 : i32
        %get3A_406 = arith.constant 0 : i32
        %get3A_407 = arith.index_cast %get3A_406 : i32 to index
        %get3A_408 = arith.index_cast %mul3A_405 : i32 to index
        %get3A_409 = tpu.vector_load %arg8[%get3A_407, %get3A_408] {strides = array<i32>} : memref<32x1024xf32, #tpu.memory_space<vmem>>, vector<1x16xf32>,
        %get3A_410 = vector.shape_cast %get3A_409 : vector<1x16xf32> to vector<16xf32>
        %get3A_411 = arith.constant 8 : i32
        %get3A_412 = arith.index_cast %get3A_411 : i32 to index
        %get3A_413 = arith.index_cast %mul3A_405 : i32 to index
        %get3A_414 = tpu.vector_load %arg8[%get3A_412, %get3A_413] {strides = array<i32>} : memref<32x1024xf32, #tpu.memory_space<vmem>>, vector<1x16xf32>,
        %get3A_415 = vector.shape_cast %get3A_414 : vector<1x16xf32> to vector<16xf32>
        %add3A_416 = arith.addf %get3A_410, %get3A_415 : vector<16xf32>
        %get3A_417 = arith.constant 16 : i32
        %get3A_418 = arith.index_cast %get3A_417 : i32 to index
        %get3A_419 = arith.index_cast %mul3A_405 : i32 to index
        %get3A_420 = tpu.vector_load %arg8[%get3A_418, %get3A_419] {strides = array<i32>} : memref<32x1024xf32, #tpu.memory_space<vmem>>, vector<1x16xf32>,
        %get3A_421 = vector.shape_cast %get3A_420 : vector<1x16xf32> to vector<16xf32>
        %get3A_422 = arith.constant 24 : i32
        %get3A_423 = arith.index_cast %get3A_422 : i32 to index
        %get3A_424 = arith.index_cast %mul3A_405 : i32 to index
        %get3A_425 = tpu.vector_load %arg8[%get3A_423, %get3A_424] {strides = array<i32>} : memref<32x1024xf32, #tpu.memory_space<vmem>>, vector<1x16xf32>,
        %get3A_426 = vector.shape_cast %get3A_425 : vector<1x16xf32> to vector<16xf32>
        %add3A_427 = arith.addf %get3A_421, %get3A_426 : vector<16xf32>
        %add3A_428 = arith.addf %add3A_416, %add3A_427 : vector<16xf32>
        %swap3A_429 = arith.constant 0 : i32
        %swap3A_430 = arith.index_cast %swap3A_429 : i32 to index
        %swap3A_431 = arith.index_cast %mul3A_405 : i32 to index
        %swap3A_432 = tpu.vector_load %arg10[%swap3A_430, %swap3A_431] {strides = array<i32>} : memref<8x1024xf32, #tpu.memory_space<vmem>>, vector<1x16xf32>,
        %swap3A_433 = vector.shape_cast %swap3A_432 : vector<1x16xf32> to vector<16xf32>
        %swap3A_434 = vector.shape_cast %add3A_428 : vector<16xf32> to vector<1x16xf32>
        tpu.vector_store %arg10[%swap3A_430, %swap3A_431], %swap3A_434 {strides = array<i32>} : memref<8x1024xf32, #tpu.memory_space<vmem>>, vector<1x16xf32>,
        %get3A_435 = arith.constant 1 : i32
        %get3A_436 = arith.index_cast %get3A_435 : i32 to index
        %get3A_437 = arith.index_cast %mul3A_405 : i32 to index
        %get3A_438 = tpu.vector_load %arg8[%get3A_436, %get3A_437] {strides = array<i32>} : memref<32x1024xf32, #tpu.memory_space<vmem>>, vector<1x16xf32>,
        %get3A_439 = vector.shape_cast %get3A_438 : vector<1x16xf32> to vector<16xf32>
        %get3A_440 = arith.constant 9 : i32
        %get3A_441 = arith.index_cast %get3A_440 : i32 to index
        %get3A_442 = arith.index_cast %mul3A_405 : i32 to index
        %get3A_443 = tpu.vector_load %arg8[%get3A_441, %get3A_442] {strides = array<i32>} : memref<32x1024xf32, #tpu.memory_space<vmem>>, vector<1x16xf32>,
        %get3A_444 = vector.shape_cast %get3A_443 : vector<1x16xf32> to vector<16xf32>
        %add3A_445 = arith.addf %get3A_439, %get3A_444 : vector<16xf32>
        %get3A_446 = arith.constant 17 : i32
        %get3A_447 = arith.index_cast %get3A_446 : i32 to index
        %get3A_448 = arith.index_cast %mul3A_405 : i32 to index
        %get3A_449 = tpu.vector_load %arg8[%get3A_447, %get3A_448] {strides = array<i32>} : memref<32x1024xf32, #tpu.memory_space<vmem>>, vector<1x16xf32>,
        %get3A_450 = vector.shape_cast %get3A_449 : vector<1x16xf32> to vector<16xf32>
        %get3A_451 = arith.constant 25 : i32
        %get3A_452 = arith.index_cast %get3A_451 : i32 to index
        %get3A_453 = arith.index_cast %mul3A_405 : i32 to index
        %get3A_454 = tpu.vector_load %arg8[%get3A_452, %get3A_453] {strides = array<i32>} : memref<32x1024xf32, #tpu.memory_space<vmem>>, vector<1x16xf32>,
        %get3A_455 = vector.shape_cast %get3A_454 : vector<1x16xf32> to vector<16xf32>
        %add3A_456 = arith.addf %get3A_450, %get3A_455 : vector<16xf32>
        %add3A_457 = arith.addf %add3A_445, %add3A_456 : vector<16xf32>
        %swap3A_458 = arith.constant 1 : i32
        %swap3A_459 = arith.index_cast %swap3A_458 : i32 to index
        %swap3A_460 = arith.index_cast %mul3A_405 : i32 to index
        %swap3A_461 = tpu.vector_load %arg10[%swap3A_459, %swap3A_460] {strides = array<i32>} : memref<8x1024xf32, #tpu.memory_space<vmem>>, vector<1x16xf32>,
        %swap3A_462 = vector.shape_cast %swap3A_461 : vector<1x16xf32> to vector<16xf32>
        %swap3A_463 = vector.shape_cast %add3A_457 : vector<16xf32> to vector<1x16xf32>
        tpu.vector_store %arg10[%swap3A_459, %swap3A_460], %swap3A_463 {strides = array<i32>} : memref<8x1024xf32, #tpu.memory_space<vmem>>, vector<1x16xf32>,
        %get3A_464 = arith.constant 2 : i32
        %get3A_465 = arith.index_cast %get3A_464 : i32 to index
        %get3A_466 = arith.index_cast %mul3A_405 : i32 to index
        %get3A_467 = tpu.vector_load %arg8[%get3A_465, %get3A_466] {strides = array<i32>} : memref<32x1024xf32, #tpu.memory_space<vmem>>, vector<1x16xf32>,
        %get3A_468 = vector.shape_cast %get3A_467 : vector<1x16xf32> to vector<16xf32>
        %get3A_469 = arith.constant 10 : i32
        %get3A_470 = arith.index_cast %get3A_469 : i32 to index
        %get3A_471 = arith.index_cast %mul3A_405 : i32 to index
        %get3A_472 = tpu.vector_load %arg8[%get3A_470, %get3A_471] {strides = array<i32>} : memref<32x1024xf32, #tpu.memory_space<vmem>>, vector<1x16xf32>,
        %get3A_473 = vector.shape_cast %get3A_472 : vector<1x16xf32> to vector<16xf32>
        %add3A_474 = arith.addf %get3A_468, %get3A_473 : vector<16xf32>
        %get3A_475 = arith.constant 18 : i32
        %get3A_476 = arith.index_cast %get3A_475 : i32 to index
        %get3A_477 = arith.index_cast %mul3A_405 : i32 to index
        %get3A_478 = tpu.vector_load %arg8[%get3A_476, %get3A_477] {strides = array<i32>} : memref<32x1024xf32, #tpu.memory_space<vmem>>, vector<1x16xf32>,
        %get3A_479 = vector.shape_cast %get3A_478 : vector<1x16xf32> to vector<16xf32>
        %get3A_480 = arith.constant 26 : i32
        %get3A_481 = arith.index_cast %get3A_480 : i32 to index
        %get3A_482 = arith.index_cast %mul3A_405 : i32 to index
        %get3A_483 = tpu.vector_load %arg8[%get3A_481, %get3A_482] {strides = array<i32>} : memref<32x1024xf32, #tpu.memory_space<vmem>>, vector<1x16xf32>,
        %get3A_484 = vector.shape_cast %get3A_483 : vector<1x16xf32> to vector<16xf32>
        %add3A_485 = arith.addf %get3A_479, %get3A_484 : vector<16xf32>
        %add3A_486 = arith.addf %add3A_474, %add3A_485 : vector<16xf32>
        %swap3A_487 = arith.constant 2 : i32
        %swap3A_488 = arith.index_cast %swap3A_487 : i32 to index
        %swap3A_489 = arith.index_cast %mul3A_405 : i32 to index
        %swap3A_490 = tpu.vector_load %arg10[%swap3A_488, %swap3A_489] {strides = array<i32>} : memref<8x1024xf32, #tpu.memory_space<vmem>>, vector<1x16xf32>,
        %swap3A_491 = vector.shape_cast %swap3A_490 : vector<1x16xf32> to vector<16xf32>
        %swap3A_492 = vector.shape_cast %add3A_486 : vector<16xf32> to vector<1x16xf32>
        tpu.vector_store %arg10[%swap3A_488, %swap3A_489], %swap3A_492 {strides = array<i32>} : memref<8x1024xf32, #tpu.memory_space<vmem>>, vector<1x16xf32>,
        %get3A_493 = arith.constant 3 : i32
        %get3A_494 = arith.index_cast %get3A_493 : i32 to index
        %get3A_495 = arith.index_cast %mul3A_405 : i32 to index
        %get3A_496 = tpu.vector_load %arg8[%get3A_494, %get3A_495] {strides = array<i32>} : memref<32x1024xf32, #tpu.memory_space<vmem>>, vector<1x16xf32>,
        %get3A_497 = vector.shape_cast %get3A_496 : vector<1x16xf32> to vector<16xf32>
        %get3A_498 = arith.constant 11 : i32
        %get3A_499 = arith.index_cast %get3A_498 : i32 to index
        %get3A_500 = arith.index_cast %mul3A_405 : i32 to index
        %get3A_501 = tpu.vector_load %arg8[%get3A_499, %get3A_500] {strides = array<i32>} : memref<32x1024xf32, #tpu.memory_space<vmem>>, vector<1x16xf32>,
        %get3A_502 = vector.shape_cast %get3A_501 : vector<1x16xf32> to vector<16xf32>
        %add3A_503 = arith.addf %get3A_497, %get3A_502 : vector<16xf32>
        %get3A_504 = arith.constant 19 : i32
        %get3A_505 = arith.index_cast %get3A_504 : i32 to index
        %get3A_506 = arith.index_cast %mul3A_405 : i32 to index
        %get3A_507 = tpu.vector_load %arg8[%get3A_505, %get3A_506] {strides = array<i32>} : memref<32x1024xf32, #tpu.memory_space<vmem>>, vector<1x16xf32>,
        %get3A_508 = vector.shape_cast %get3A_507 : vector<1x16xf32> to vector<16xf32>
        %get3A_509 = arith.constant 27 : i32
        %get3A_510 = arith.index_cast %get3A_509 : i32 to index
        %get3A_511 = arith.index_cast %mul3A_405 : i32 to index
        %get3A_512 = tpu.vector_load %arg8[%get3A_510, %get3A_511] {strides = array<i32>} : memref<32x1024xf32, #tpu.memory_space<vmem>>, vector<1x16xf32>,
        %get3A_513 = vector.shape_cast %get3A_512 : vector<1x16xf32> to vector<16xf32>
        %add3A_514 = arith.addf %get3A_508, %get3A_513 : vector<16xf32>
        %add3A_515 = arith.addf %add3A_503, %add3A_514 : vector<16xf32>
        %swap3A_516 = arith.constant 3 : i32
        %swap3A_517 = arith.index_cast %swap3A_516 : i32 to index
        %swap3A_518 = arith.index_cast %mul3A_405 : i32 to index
        %swap3A_519 = tpu.vector_load %arg10[%swap3A_517, %swap3A_518] {strides = array<i32>} : memref<8x1024xf32, #tpu.memory_space<vmem>>, vector<1x16xf32>,
        %swap3A_520 = vector.shape_cast %swap3A_519 : vector<1x16xf32> to vector<16xf32>
        %swap3A_521 = vector.shape_cast %add3A_515 : vector<16xf32> to vector<1x16xf32>
        tpu.vector_store %arg10[%swap3A_517, %swap3A_518], %swap3A_521 {strides = array<i32>} : memref<8x1024xf32, #tpu.memory_space<vmem>>, vector<1x16xf32>,
        %get3A_522 = arith.constant 4 : i32
        %get3A_523 = arith.index_cast %get3A_522 : i32 to index
        %get3A_524 = arith.index_cast %mul3A_405 : i32 to index
        %get3A_525 = tpu.vector_load %arg8[%get3A_523, %get3A_524] {strides = array<i32>} : memref<32x1024xf32, #tpu.memory_space<vmem>>, vector<1x16xf32>,
        %get3A_526 = vector.shape_cast %get3A_525 : vector<1x16xf32> to vector<16xf32>
        %get3A_527 = arith.constant 12 : i32
        %get3A_528 = arith.index_cast %get3A_527 : i32 to index
        %get3A_529 = arith.index_cast %mul3A_405 : i32 to index
        %get3A_530 = tpu.vector_load %arg8[%get3A_528, %get3A_529] {strides = array<i32>} : memref<32x1024xf32, #tpu.memory_space<vmem>>, vector<1x16xf32>,
        %get3A_531 = vector.shape_cast %get3A_530 : vector<1x16xf32> to vector<16xf32>
        %add3A_532 = arith.addf %get3A_526, %get3A_531 : vector<16xf32>
        %get3A_533 = arith.constant 20 : i32
        %get3A_534 = arith.index_cast %get3A_533 : i32 to index
        %get3A_535 = arith.index_cast %mul3A_405 : i32 to index
        %get3A_536 = tpu.vector_load %arg8[%get3A_534, %get3A_535] {strides = array<i32>} : memref<32x1024xf32, #tpu.memory_space<vmem>>, vector<1x16xf32>,
        %get3A_537 = vector.shape_cast %get3A_536 : vector<1x16xf32> to vector<16xf32>
        %get3A_538 = arith.constant 28 : i32
        %get3A_539 = arith.index_cast %get3A_538 : i32 to index
        %get3A_540 = arith.index_cast %mul3A_405 : i32 to index
        %get3A_541 = tpu.vector_load %arg8[%get3A_539, %get3A_540] {strides = array<i32>} : memref<32x1024xf32, #tpu.memory_space<vmem>>, vector<1x16xf32>,
        %get3A_542 = vector.shape_cast %get3A_541 : vector<1x16xf32> to vector<16xf32>
        %add3A_543 = arith.addf %get3A_537, %get3A_542 : vector<16xf32>
        %add3A_544 = arith.addf %add3A_532, %add3A_543 : vector<16xf32>
        %swap3A_545 = arith.constant 4 : i32
        %swap3A_546 = arith.index_cast %swap3A_545 : i32 to index
        %swap3A_547 = arith.index_cast %mul3A_405 : i32 to index
        %swap3A_548 = tpu.vector_load %arg10[%swap3A_546, %swap3A_547] {strides = array<i32>} : memref<8x1024xf32, #tpu.memory_space<vmem>>, vector<1x16xf32>,
        %swap3A_549 = vector.shape_cast %swap3A_548 : vector<1x16xf32> to vector<16xf32>
        %swap3A_550 = vector.shape_cast %add3A_544 : vector<16xf32> to vector<1x16xf32>
        tpu.vector_store %arg10[%swap3A_546, %swap3A_547], %swap3A_550 {strides = array<i32>} : memref<8x1024xf32, #tpu.memory_space<vmem>>, vector<1x16xf32>,
        %get3A_551 = arith.constant 5 : i32
        %get3A_552 = arith.index_cast %get3A_551 : i32 to index
        %get3A_553 = arith.index_cast %mul3A_405 : i32 to index
        %get3A_554 = tpu.vector_load %arg8[%get3A_552, %get3A_553] {strides = array<i32>} : memref<32x1024xf32, #tpu.memory_space<vmem>>, vector<1x16xf32>,
        %get3A_555 = vector.shape_cast %get3A_554 : vector<1x16xf32> to vector<16xf32>
        %get3A_556 = arith.constant 13 : i32
        %get3A_557 = arith.index_cast %get3A_556 : i32 to index
        %get3A_558 = arith.index_cast %mul3A_405 : i32 to index
        %get3A_559 = tpu.vector_load %arg8[%get3A_557, %get3A_558] {strides = array<i32>} : memref<32x1024xf32, #tpu.memory_space<vmem>>, vector<1x16xf32>,
        %get3A_560 = vector.shape_cast %get3A_559 : vector<1x16xf32> to vector<16xf32>
        %add3A_561 = arith.addf %get3A_555, %get3A_560 : vector<16xf32>
        %get3A_562 = arith.constant 21 : i32
        %get3A_563 = arith.index_cast %get3A_562 : i32 to index
        %get3A_564 = arith.index_cast %mul3A_405 : i32 to index
        %get3A_565 = tpu.vector_load %arg8[%get3A_563, %get3A_564] {strides = array<i32>} : memref<32x1024xf32, #tpu.memory_space<vmem>>, vector<1x16xf32>,
        %get3A_566 = vector.shape_cast %get3A_565 : vector<1x16xf32> to vector<16xf32>
        %get3A_567 = arith.constant 29 : i32
        %get3A_568 = arith.index_cast %get3A_567 : i32 to index
        %get3A_569 = arith.index_cast %mul3A_405 : i32 to index
        %get3A_570 = tpu.vector_load %arg8[%get3A_568, %get3A_569] {strides = array<i32>} : memref<32x1024xf32, #tpu.memory_space<vmem>>, vector<1x16xf32>,
        %get3A_571 = vector.shape_cast %get3A_570 : vector<1x16xf32> to vector<16xf32>
        %add3A_572 = arith.addf %get3A_566, %get3A_571 : vector<16xf32>
        %add3A_573 = arith.addf %add3A_561, %add3A_572 : vector<16xf32>
        %swap3A_574 = arith.constant 5 : i32
        %swap3A_575 = arith.index_cast %swap3A_574 : i32 to index
        %swap3A_576 = arith.index_cast %mul3A_405 : i32 to index
        %swap3A_577 = tpu.vector_load %arg10[%swap3A_575, %swap3A_576] {strides = array<i32>} : memref<8x1024xf32, #tpu.memory_space<vmem>>, vector<1x16xf32>,
        %swap3A_578 = vector.shape_cast %swap3A_577 : vector<1x16xf32> to vector<16xf32>
        %swap3A_579 = vector.shape_cast %add3A_573 : vector<16xf32> to vector<1x16xf32>
        tpu.vector_store %arg10[%swap3A_575, %swap3A_576], %swap3A_579 {strides = array<i32>} : memref<8x1024xf32, #tpu.memory_space<vmem>>, vector<1x16xf32>,
        %get3A_580 = arith.constant 6 : i32
        %get3A_581 = arith.index_cast %get3A_580 : i32 to index
        %get3A_582 = arith.index_cast %mul3A_405 : i32 to index
        %get3A_583 = tpu.vector_load %arg8[%get3A_581, %get3A_582] {strides = array<i32>} : memref<32x1024xf32, #tpu.memory_space<vmem>>, vector<1x16xf32>,
        %get3A_584 = vector.shape_cast %get3A_583 : vector<1x16xf32> to vector<16xf32>
        %get3A_585 = arith.constant 14 : i32
        %get3A_586 = arith.index_cast %get3A_585 : i32 to index
        %get3A_587 = arith.index_cast %mul3A_405 : i32 to index
        %get3A_588 = tpu.vector_load %arg8[%get3A_586, %get3A_587] {strides = array<i32>} : memref<32x1024xf32, #tpu.memory_space<vmem>>, vector<1x16xf32>,
        %get3A_589 = vector.shape_cast %get3A_588 : vector<1x16xf32> to vector<16xf32>
        %add3A_590 = arith.addf %get3A_584, %get3A_589 : vector<16xf32>
        %get3A_591 = arith.constant 22 : i32
        %get3A_592 = arith.index_cast %get3A_591 : i32 to index
        %get3A_593 = arith.index_cast %mul3A_405 : i32 to index
        %get3A_594 = tpu.vector_load %arg8[%get3A_592, %get3A_593] {strides = array<i32>} : memref<32x1024xf32, #tpu.memory_space<vmem>>, vector<1x16xf32>,
        %get3A_595 = vector.shape_cast %get3A_594 : vector<1x16xf32> to vector<16xf32>
        %get3A_596 = arith.constant 30 : i32
        %get3A_597 = arith.index_cast %get3A_596 : i32 to index
        %get3A_598 = arith.index_cast %mul3A_405 : i32 to index
        %get3A_599 = tpu.vector_load %arg8[%get3A_597, %get3A_598] {strides = array<i32>} : memref<32x1024xf32, #tpu.memory_space<vmem>>, vector<1x16xf32>,
        %get3A_600 = vector.shape_cast %get3A_599 : vector<1x16xf32> to vector<16xf32>
        %add3A_601 = arith.addf %get3A_595, %get3A_600 : vector<16xf32>
        %add3A_602 = arith.addf %add3A_590, %add3A_601 : vector<16xf32>
        %swap3A_603 = arith.constant 6 : i32
        %swap3A_604 = arith.index_cast %swap3A_603 : i32 to index
        %swap3A_605 = arith.index_cast %mul3A_405 : i32 to index
        %swap3A_606 = tpu.vector_load %arg10[%swap3A_604, %swap3A_605] {strides = array<i32>} : memref<8x1024xf32, #tpu.memory_space<vmem>>, vector<1x16xf32>,
        %swap3A_607 = vector.shape_cast %swap3A_606 : vector<1x16xf32> to vector<16xf32>
        %swap3A_608 = vector.shape_cast %add3A_602 : vector<16xf32> to vector<1x16xf32>
        tpu.vector_store %arg10[%swap3A_604, %swap3A_605], %swap3A_608 {strides = array<i32>} : memref<8x1024xf32, #tpu.memory_space<vmem>>, vector<1x16xf32>,
        %get3A_609 = arith.constant 7 : i32
        %get3A_610 = arith.index_cast %get3A_609 : i32 to index
        %get3A_611 = arith.index_cast %mul3A_405 : i32 to index
        %get3A_612 = tpu.vector_load %arg8[%get3A_610, %get3A_611] {strides = array<i32>} : memref<32x1024xf32, #tpu.memory_space<vmem>>, vector<1x16xf32>,
        %get3A_613 = vector.shape_cast %get3A_612 : vector<1x16xf32> to vector<16xf32>
        %get3A_614 = arith.constant 15 : i32
        %get3A_615 = arith.index_cast %get3A_614 : i32 to index
        %get3A_616 = arith.index_cast %mul3A_405 : i32 to index
        %get3A_617 = tpu.vector_load %arg8[%get3A_615, %get3A_616] {strides = array<i32>} : memref<32x1024xf32, #tpu.memory_space<vmem>>, vector<1x16xf32>,
        %get3A_618 = vector.shape_cast %get3A_617 : vector<1x16xf32> to vector<16xf32>
        %add3A_619 = arith.addf %get3A_613, %get3A_618 : vector<16xf32>
        %get3A_620 = arith.constant 23 : i32
        %get3A_621 = arith.index_cast %get3A_620 : i32 to index
        %get3A_622 = arith.index_cast %mul3A_405 : i32 to index
        %get3A_623 = tpu.vector_load %arg8[%get3A_621, %get3A_622] {strides = array<i32>} : memref<32x1024xf32, #tpu.memory_space<vmem>>, vector<1x16xf32>,
        %get3A_624 = vector.shape_cast %get3A_623 : vector<1x16xf32> to vector<16xf32>
        %get3A_625 = arith.constant 31 : i32
        %get3A_626 = arith.index_cast %get3A_625 : i32 to index
        %get3A_627 = arith.index_cast %mul3A_405 : i32 to index
        %get3A_628 = tpu.vector_load %arg8[%get3A_626, %get3A_627] {strides = array<i32>} : memref<32x1024xf32, #tpu.memory_space<vmem>>, vector<1x16xf32>,
        %get3A_629 = vector.shape_cast %get3A_628 : vector<1x16xf32> to vector<16xf32>
        %add3A_630 = arith.addf %get3A_624, %get3A_629 : vector<16xf32>
        %add3A_631 = arith.addf %add3A_619, %add3A_630 : vector<16xf32>
        %swap3A_632 = arith.constant 7 : i32
        %swap3A_633 = arith.index_cast %swap3A_632 : i32 to index
        %swap3A_634 = arith.index_cast %mul3A_405 : i32 to index
        %swap3A_635 = tpu.vector_load %arg10[%swap3A_633, %swap3A_634] {strides = array<i32>} : memref<8x1024xf32, #tpu.memory_space<vmem>>, vector<1x16xf32>,
        %swap3A_636 = vector.shape_cast %swap3A_635 : vector<1x16xf32> to vector<16xf32>
        %swap3A_637 = vector.shape_cast %add3A_631 : vector<16xf32> to vector<1x16xf32>
        tpu.vector_store %arg10[%swap3A_633, %swap3A_634], %swap3A_637 {strides = array<i32>} : memref<8x1024xf32, #tpu.memory_space<vmem>>, vector<1x16xf32>,
      }
      %scan3A_396 = arith.constant 64 : i32
      %add3A_397 = arith.constant 8 : i32
      %add3A_398 = arith.addi %add3A_169, %add3A_397 : i32
      %dma_start3A_399 = arith.constant 0 : i32
      %dma_start3A_400 = tpu.memref_slice %arg4[%add3A_398, %dma_start3A_399] : memref<5120x1024xf32, #tpu.memory_space<hbm>> -> memref<8x1024xf32, #tpu.memory_space<hbm>>
      %dma_start3A_401 = arith.constant 0 : i32
      %dma_start3A_402 = tpu.memref_slice %arg4[%add3A_398, %dma_start3A_401] : memref<5120x1024xf32, #tpu.memory_space<hbm>> -> memref<8x1024xf32, #tpu.memory_space<hbm>>
      tpu.enqueue_dma source(%arg10 : memref<8x1024xf32, #tpu.memory_space<vmem>>) target(%dma_start3A_402 : memref<8x1024xf32, #tpu.memory_space<hbm>>) target_semaphore(%arg14 : memref<!tpu.dma_semaphore, #tpu.memory_space<semaphore_mem>>)
    }
    %scan3A_150 = arith.constant 10 : i32
    %dma_wait3A = arith.constant 0 : i32
    %dma_wait3A_151 = arith.constant 0 : i32
    %dma_wait3A_152 = tpu.memref_slice %arg3[%dma_wait3A, %dma_wait3A_151] : memref<100000x1024xf32, #tpu.memory_space<hbm>> -> memref<32x1024xf32, #tpu.memory_space<hbm>>
    %dma_wait3A_153 = arith.constant 0 : i32
    %dma_wait3A_154 = arith.constant 0 : i32
    %dma_wait3A_155 = tpu.memref_slice %arg3[%dma_wait3A_153, %dma_wait3A_154] : memref<100000x1024xf32, #tpu.memory_space<hbm>> -> memref<32x1024xf32, #tpu.memory_space<hbm>>
    tpu.wait_dma2 semaphore(%arg11 : memref<!tpu.dma_semaphore, #tpu.memory_space<semaphore_mem>>) src(%dma_wait3A_155 : memref<32x1024xf32, #tpu.memory_space<hbm>>) dst(%arg7 : memref<32x1024xf32, #tpu.memory_space<vmem>>)
    %dma_wait3A_156 = arith.constant 0 : i32
    %dma_wait3A_157 = tpu.memref_slice %arg4[%mul3A_2, %dma_wait3A_156] : memref<5120x1024xf32, #tpu.memory_space<hbm>> -> memref<8x1024xf32, #tpu.memory_space<hbm>>
    %dma_wait3A_158 = arith.constant 0 : i32
    %dma_wait3A_159 = tpu.memref_slice %arg4[%mul3A_2, %dma_wait3A_158] : memref<5120x1024xf32, #tpu.memory_space<hbm>> -> memref<8x1024xf32, #tpu.memory_space<hbm>>
    tpu.wait_dma2 semaphore(%arg13 : memref<!tpu.dma_semaphore, #tpu.memory_space<semaphore_mem>>) src(%arg9 : memref<8x1024xf32, #tpu.memory_space<vmem>>) dst(%dma_wait3A_159 : memref<8x1024xf32, #tpu.memory_space<hbm>>)
    %add3A_160 = arith.constant 8 : i32
    %add3A_161 = arith.addi %mul3A_2, %add3A_160 : i32
    %dma_wait3A_162 = arith.constant 0 : i32
    %dma_wait3A_163 = tpu.memref_slice %arg4[%add3A_161, %dma_wait3A_162] : memref<5120x1024xf32, #tpu.memory_space<hbm>> -> memref<8x1024xf32, #tpu.memory_space<hbm>>
    %dma_wait3A_164 = arith.constant 0 : i32
    %dma_wait3A_165 = tpu.memref_slice %arg4[%add3A_161, %dma_wait3A_164] : memref<5120x1024xf32, #tpu.memory_space<hbm>> -> memref<8x1024xf32, #tpu.memory_space<hbm>>
    tpu.wait_dma2 semaphore(%arg14 : memref<!tpu.dma_semaphore, #tpu.memory_space<semaphore_mem>>) src(%arg10 : memref<8x1024xf32, #tpu.memory_space<vmem>>) dst(%dma_wait3A_165 : memref<8x1024xf32, #tpu.memory_space<hbm>>)
    return
  }
}

#map = affine_map<(d0, d1) -> (0)>
#map1 = affine_map<(d0, d1) -> (0, 0)>
module attributes {stable_mosaic.version = 14 : i64} {
  func.func @kern(%arg0: i32, %arg1: i32, %arg2: memref<8192xi32, #tpu.memory_space<hbm>>, %arg3: memref<100000x1024xf32, #tpu.memory_space<hbm>>, %arg4: memref<3072x1024xf32, #tpu.memory_space<hbm>>, %arg5: memref<96xi32, #tpu.memory_space<vmem>>, %arg6: memref<64xi32, #tpu.memory_space<vmem>>, %arg7: memref<32x1024xf32, #tpu.memory_space<vmem>>, %arg8: memref<32x1024xf32, #tpu.memory_space<vmem>>, %arg9: memref<8x1024xf32, #tpu.memory_space<vmem>>, %arg10: memref<8x1024xf32, #tpu.memory_space<vmem>>, %arg11: memref<!tpu.dma_semaphore, #tpu.memory_space<semaphore_mem>>, %arg12: memref<!tpu.dma_semaphore, #tpu.memory_space<semaphore_mem>>, %arg13: memref<!tpu.dma_semaphore, #tpu.memory_space<semaphore_mem>>, %arg14: memref<!tpu.dma_semaphore, #tpu.memory_space<semaphore_mem>>) attributes {dimension_semantics = [#tpu.dimension_semantics<core_parallel>, #tpu.dimension_semantics<subcore_parallel>], iteration_bounds = array<i64: 2, 16>, scalar_prefetch = 0 : i64, scratch_operands = 10 : i64, tpu.core_type = #tpu.core_type<sc_vector_subcore>, window_params = [{transform_indices = #map}, {transform_indices = #map1}, {transform_indices = #map1}]} {
    %mul3A = arith.constant 2 : i32
    %mul3A_0 = arith.muli %arg1, %mul3A : i32
    %add3A = arith.addi %mul3A_0, %arg0 : i32
    %mul3A_1 = arith.constant 96 : i32
    %mul3A_2 = arith.muli %add3A, %mul3A_1 : i32
    %add3A_3 = arith.constant 5120 : i32
    %add3A_4 = arith.addi %add3A_3, %mul3A_2 : i32
    "tpu.region"() ({
      %run_scoped3A = tpu.sem_alloc : memref<!tpu.dma_semaphore, #tpu.memory_space<semaphore_mem>>
      %dma_start3A_166 = tpu.memref_slice %arg2[%add3A_4] : memref<8192xi32, #tpu.memory_space<hbm>> -> memref<96xi32, #tpu.memory_space<hbm>>
      %dma_start3A_167 = tpu.memref_slice %arg2[%add3A_4] : memref<8192xi32, #tpu.memory_space<hbm>> -> memref<96xi32, #tpu.memory_space<hbm>>
      tpu.enqueue_dma source(%dma_start3A_167 : memref<96xi32, #tpu.memory_space<hbm>>) target(%arg5 : memref<96xi32, #tpu.memory_space<vmem>>) target_semaphore(%run_scoped3A : memref<!tpu.dma_semaphore, #tpu.memory_space<semaphore_mem>>)
      %dma_wait3A_168 = tpu.memref_slice %arg2[%add3A_4] : memref<8192xi32, #tpu.memory_space<hbm>> -> memref<96xi32, #tpu.memory_space<hbm>>
      %dma_wait3A_169 = tpu.memref_slice %arg2[%add3A_4] : memref<8192xi32, #tpu.memory_space<hbm>> -> memref<96xi32, #tpu.memory_space<hbm>>
      tpu.wait_dma2 semaphore(%run_scoped3A : memref<!tpu.dma_semaphore, #tpu.memory_space<semaphore_mem>>) src(%dma_wait3A_169 : memref<96xi32, #tpu.memory_space<hbm>>) dst(%arg5 : memref<96xi32, #tpu.memory_space<vmem>>)
      tpu.yield
    }) : () -> ()
    %get3A = arith.constant 0 : index
    %get3A_5 = tpu.vector_load %arg5[%get3A] {strides = array<i32>} : memref<96xi32, #tpu.memory_space<vmem>>, vector<16xi32>,
    %get3A_6 = vector.shape_cast %get3A_5 : vector<16xi32> to vector<16xi32>
    %mul3A_7 = arith.constant 17 : i32
    %mul3A_8 = vector.broadcast %mul3A_7 : i32 to vector<16xi32>
    %mul3A_9 = arith.muli %get3A_6, %mul3A_8 : vector<16xi32>
    %jit3A = arith.constant 100000 : i32
    %eq3A = arith.constant 0 : i32
    %eq3A_10 = arith.cmpi eq, %jit3A, %eq3A : i32
    %jit3A_11 = arith.constant 1 : i32
    %select_n3A = arith.select %eq3A_10, %jit3A_11, %jit3A : i32
    %rem3A = vector.broadcast %select_n3A : i32 to vector<16xi32>
    %rem3A_12 = arith.remsi %mul3A_9, %rem3A : vector<16xi32>
    %ne3A = arith.constant 0 : i32
    %ne3A_13 = vector.broadcast %ne3A : i32 to vector<16xi32>
    %ne3A_14 = arith.cmpi ne, %rem3A_12, %ne3A_13 : vector<16xi32>
    %lt3A = arith.constant 0 : i32
    %lt3A_15 = vector.broadcast %lt3A : i32 to vector<16xi32>
    %lt3A_16 = arith.cmpi slt, %rem3A_12, %lt3A_15 : vector<16xi32>
    %lt3A_17 = arith.constant 0 : i32
    %lt3A_18 = arith.cmpi slt, %select_n3A, %lt3A_17 : i32
    %ne3A_19 = vector.broadcast %lt3A_18 : i1 to vector<16xi1>
    %ne3A_20 = vector.broadcast %ne3A_19 : vector<16xi1> to vector<16xi1>
    %ne3A_21 = arith.xori %lt3A_16, %ne3A_20 : vector<16xi1>
    %and3A = arith.andi %ne3A_21, %ne3A_14 : vector<16xi1>
    %add3A_22 = vector.broadcast %select_n3A : i32 to vector<16xi32>
    %add3A_23 = arith.addi %rem3A_12, %add3A_22 : vector<16xi32>
    %select_n3A_24 = arith.select %and3A, %add3A_23, %rem3A_12 : vector<16xi1>, vector<16xi32>
    %swap3A = arith.constant 0 : index
    %swap3A_25 = tpu.vector_load %arg6[%swap3A] {strides = array<i32>} : memref<64xi32, #tpu.memory_space<vmem>>, vector<16xi32>,
    %swap3A_26 = vector.shape_cast %swap3A_25 : vector<16xi32> to vector<16xi32>
    %swap3A_27 = vector.shape_cast %select_n3A_24 : vector<16xi32> to vector<16xi32>
    tpu.vector_store %arg6[%swap3A], %swap3A_27 {strides = array<i32>} : memref<64xi32, #tpu.memory_space<vmem>>, vector<16xi32>,
    %mul3A_28 = arith.constant 31 : i32
    %mul3A_29 = vector.broadcast %mul3A_28 : i32 to vector<16xi32>
    %mul3A_30 = arith.muli %get3A_6, %mul3A_29 : vector<16xi32>
    %jit3A_31 = arith.constant 100000 : i32
    %eq3A_32 = arith.constant 0 : i32
    %eq3A_33 = arith.cmpi eq, %jit3A_31, %eq3A_32 : i32
    %jit3A_34 = arith.constant 1 : i32
    %select_n3A_35 = arith.select %eq3A_33, %jit3A_34, %jit3A_31 : i32
    %rem3A_36 = vector.broadcast %select_n3A_35 : i32 to vector<16xi32>
    %rem3A_37 = arith.remsi %mul3A_30, %rem3A_36 : vector<16xi32>
    %ne3A_38 = arith.constant 0 : i32
    %ne3A_39 = vector.broadcast %ne3A_38 : i32 to vector<16xi32>
    %ne3A_40 = arith.cmpi ne, %rem3A_37, %ne3A_39 : vector<16xi32>
    %lt3A_41 = arith.constant 0 : i32
    %lt3A_42 = vector.broadcast %lt3A_41 : i32 to vector<16xi32>
    %lt3A_43 = arith.cmpi slt, %rem3A_37, %lt3A_42 : vector<16xi32>
    %lt3A_44 = arith.constant 0 : i32
    %lt3A_45 = arith.cmpi slt, %select_n3A_35, %lt3A_44 : i32
    %ne3A_46 = vector.broadcast %lt3A_45 : i1 to vector<16xi1>
    %ne3A_47 = vector.broadcast %ne3A_46 : vector<16xi1> to vector<16xi1>
    %ne3A_48 = arith.xori %lt3A_43, %ne3A_47 : vector<16xi1>
    %and3A_49 = arith.andi %ne3A_48, %ne3A_40 : vector<16xi1>
    %add3A_50 = vector.broadcast %select_n3A_35 : i32 to vector<16xi32>
    %add3A_51 = arith.addi %rem3A_37, %add3A_50 : vector<16xi32>
    %select_n3A_52 = arith.select %and3A_49, %add3A_51, %rem3A_37 : vector<16xi1>, vector<16xi32>
    %swap3A_53 = arith.constant 16 : index
    %swap3A_54 = tpu.vector_load %arg6[%swap3A_53] {strides = array<i32>} : memref<64xi32, #tpu.memory_space<vmem>>, vector<16xi32>,
    %swap3A_55 = vector.shape_cast %swap3A_54 : vector<16xi32> to vector<16xi32>
    %swap3A_56 = vector.shape_cast %select_n3A_52 : vector<16xi32> to vector<16xi32>
    tpu.vector_store %arg6[%swap3A_53], %swap3A_56 {strides = array<i32>} : memref<64xi32, #tpu.memory_space<vmem>>, vector<16xi32>,
    %mul3A_57 = arith.constant 53 : i32
    %mul3A_58 = vector.broadcast %mul3A_57 : i32 to vector<16xi32>
    %mul3A_59 = arith.muli %get3A_6, %mul3A_58 : vector<16xi32>
    %jit3A_60 = arith.constant 100000 : i32
    %eq3A_61 = arith.constant 0 : i32
    %eq3A_62 = arith.cmpi eq, %jit3A_60, %eq3A_61 : i32
    %jit3A_63 = arith.constant 1 : i32
    %select_n3A_64 = arith.select %eq3A_62, %jit3A_63, %jit3A_60 : i32
    %rem3A_65 = vector.broadcast %select_n3A_64 : i32 to vector<16xi32>
    %rem3A_66 = arith.remsi %mul3A_59, %rem3A_65 : vector<16xi32>
    %ne3A_67 = arith.constant 0 : i32
    %ne3A_68 = vector.broadcast %ne3A_67 : i32 to vector<16xi32>
    %ne3A_69 = arith.cmpi ne, %rem3A_66, %ne3A_68 : vector<16xi32>
    %lt3A_70 = arith.constant 0 : i32
    %lt3A_71 = vector.broadcast %lt3A_70 : i32 to vector<16xi32>
    %lt3A_72 = arith.cmpi slt, %rem3A_66, %lt3A_71 : vector<16xi32>
    %lt3A_73 = arith.constant 0 : i32
    %lt3A_74 = arith.cmpi slt, %select_n3A_64, %lt3A_73 : i32
    %ne3A_75 = vector.broadcast %lt3A_74 : i1 to vector<16xi1>
    %ne3A_76 = vector.broadcast %ne3A_75 : vector<16xi1> to vector<16xi1>
    %ne3A_77 = arith.xori %lt3A_72, %ne3A_76 : vector<16xi1>
    %and3A_78 = arith.andi %ne3A_77, %ne3A_69 : vector<16xi1>
    %add3A_79 = vector.broadcast %select_n3A_64 : i32 to vector<16xi32>
    %add3A_80 = arith.addi %rem3A_66, %add3A_79 : vector<16xi32>
    %select_n3A_81 = arith.select %and3A_78, %add3A_80, %rem3A_66 : vector<16xi1>, vector<16xi32>
    %swap3A_82 = arith.constant 32 : index
    %swap3A_83 = tpu.vector_load %arg6[%swap3A_82] {strides = array<i32>} : memref<64xi32, #tpu.memory_space<vmem>>, vector<16xi32>,
    %swap3A_84 = vector.shape_cast %swap3A_83 : vector<16xi32> to vector<16xi32>
    %swap3A_85 = vector.shape_cast %select_n3A_81 : vector<16xi32> to vector<16xi32>
    tpu.vector_store %arg6[%swap3A_82], %swap3A_85 {strides = array<i32>} : memref<64xi32, #tpu.memory_space<vmem>>, vector<16xi32>,
    %mul3A_86 = arith.constant 79 : i32
    %mul3A_87 = vector.broadcast %mul3A_86 : i32 to vector<16xi32>
    %mul3A_88 = arith.muli %get3A_6, %mul3A_87 : vector<16xi32>
    %jit3A_89 = arith.constant 100000 : i32
    %eq3A_90 = arith.constant 0 : i32
    %eq3A_91 = arith.cmpi eq, %jit3A_89, %eq3A_90 : i32
    %jit3A_92 = arith.constant 1 : i32
    %select_n3A_93 = arith.select %eq3A_91, %jit3A_92, %jit3A_89 : i32
    %rem3A_94 = vector.broadcast %select_n3A_93 : i32 to vector<16xi32>
    %rem3A_95 = arith.remsi %mul3A_88, %rem3A_94 : vector<16xi32>
    %ne3A_96 = arith.constant 0 : i32
    %ne3A_97 = vector.broadcast %ne3A_96 : i32 to vector<16xi32>
    %ne3A_98 = arith.cmpi ne, %rem3A_95, %ne3A_97 : vector<16xi32>
    %lt3A_99 = arith.constant 0 : i32
    %lt3A_100 = vector.broadcast %lt3A_99 : i32 to vector<16xi32>
    %lt3A_101 = arith.cmpi slt, %rem3A_95, %lt3A_100 : vector<16xi32>
    %lt3A_102 = arith.constant 0 : i32
    %lt3A_103 = arith.cmpi slt, %select_n3A_93, %lt3A_102 : i32
    %ne3A_104 = vector.broadcast %lt3A_103 : i1 to vector<16xi1>
    %ne3A_105 = vector.broadcast %ne3A_104 : vector<16xi1> to vector<16xi1>
    %ne3A_106 = arith.xori %lt3A_101, %ne3A_105 : vector<16xi1>
    %and3A_107 = arith.andi %ne3A_106, %ne3A_98 : vector<16xi1>
    %add3A_108 = vector.broadcast %select_n3A_93 : i32 to vector<16xi32>
    %add3A_109 = arith.addi %rem3A_95, %add3A_108 : vector<16xi32>
    %select_n3A_110 = arith.select %and3A_107, %add3A_109, %rem3A_95 : vector<16xi1>, vector<16xi32>
    %swap3A_111 = arith.constant 48 : index
    %swap3A_112 = tpu.vector_load %arg6[%swap3A_111] {strides = array<i32>} : memref<64xi32, #tpu.memory_space<vmem>>, vector<16xi32>,
    %swap3A_113 = vector.shape_cast %swap3A_112 : vector<16xi32> to vector<16xi32>
    %swap3A_114 = vector.shape_cast %select_n3A_110 : vector<16xi32> to vector<16xi32>
    tpu.vector_store %arg6[%swap3A_111], %swap3A_114 {strides = array<i32>} : memref<64xi32, #tpu.memory_space<vmem>>, vector<16xi32>,
    %dma_start3A = arith.constant 0 : i32
    %dma_start3A_115 = arith.constant 0 : i32
    %dma_start3A_116 = tpu.memref_slice %arg7[%dma_start3A, %dma_start3A_115] : memref<32x1024xf32, #tpu.memory_space<vmem>> -> memref<8x1024xf32, #tpu.memory_space<vmem>>
    %dma_start3A_117 = arith.constant 0 : i32
    %dma_start3A_118 = tpu.memref_slice %arg6[%dma_start3A_117] : memref<64xi32, #tpu.memory_space<vmem>> -> memref<8xi32, #tpu.memory_space<vmem>>
    %dma_start3A_119 = arith.constant 0 : i32
    %dma_start3A_120 = arith.constant 0 : i32
    %dma_start3A_121 = tpu.memref_slice %arg3[%dma_start3A_119, %dma_start3A_120] : memref<100000x1024xf32, #tpu.memory_space<hbm>> -> memref<100000x1024xf32, #tpu.memory_space<hbm>>
    tpu.enqueue_indirect_dma source(%dma_start3A_121 : memref<100000x1024xf32, #tpu.memory_space<hbm>>) target(%dma_start3A_116 : memref<8x1024xf32, #tpu.memory_space<vmem>>) offsets(%dma_start3A_118 : memref<8xi32, #tpu.memory_space<vmem>>) semaphore(%arg11 : memref<!tpu.dma_semaphore, #tpu.memory_space<semaphore_mem>>)
    %dma_start3A_122 = arith.constant 8 : i32
    %dma_start3A_123 = arith.constant 0 : i32
    %dma_start3A_124 = tpu.memref_slice %arg7[%dma_start3A_122, %dma_start3A_123] : memref<32x1024xf32, #tpu.memory_space<vmem>> -> memref<8x1024xf32, #tpu.memory_space<vmem>>
    %dma_start3A_125 = arith.constant 16 : i32
    %dma_start3A_126 = tpu.memref_slice %arg6[%dma_start3A_125] : memref<64xi32, #tpu.memory_space<vmem>> -> memref<8xi32, #tpu.memory_space<vmem>>
    %dma_start3A_127 = arith.constant 0 : i32
    %dma_start3A_128 = arith.constant 0 : i32
    %dma_start3A_129 = tpu.memref_slice %arg3[%dma_start3A_127, %dma_start3A_128] : memref<100000x1024xf32, #tpu.memory_space<hbm>> -> memref<100000x1024xf32, #tpu.memory_space<hbm>>
    tpu.enqueue_indirect_dma source(%dma_start3A_129 : memref<100000x1024xf32, #tpu.memory_space<hbm>>) target(%dma_start3A_124 : memref<8x1024xf32, #tpu.memory_space<vmem>>) offsets(%dma_start3A_126 : memref<8xi32, #tpu.memory_space<vmem>>) semaphore(%arg11 : memref<!tpu.dma_semaphore, #tpu.memory_space<semaphore_mem>>)
    %dma_start3A_130 = arith.constant 16 : i32
    %dma_start3A_131 = arith.constant 0 : i32
    %dma_start3A_132 = tpu.memref_slice %arg7[%dma_start3A_130, %dma_start3A_131] : memref<32x1024xf32, #tpu.memory_space<vmem>> -> memref<8x1024xf32, #tpu.memory_space<vmem>>
    %dma_start3A_133 = arith.constant 32 : i32
    %dma_start3A_134 = tpu.memref_slice %arg6[%dma_start3A_133] : memref<64xi32, #tpu.memory_space<vmem>> -> memref<8xi32, #tpu.memory_space<vmem>>
    %dma_start3A_135 = arith.constant 0 : i32
    %dma_start3A_136 = arith.constant 0 : i32
    %dma_start3A_137 = tpu.memref_slice %arg3[%dma_start3A_135, %dma_start3A_136] : memref<100000x1024xf32, #tpu.memory_space<hbm>> -> memref<100000x1024xf32, #tpu.memory_space<hbm>>
    tpu.enqueue_indirect_dma source(%dma_start3A_137 : memref<100000x1024xf32, #tpu.memory_space<hbm>>) target(%dma_start3A_132 : memref<8x1024xf32, #tpu.memory_space<vmem>>) offsets(%dma_start3A_134 : memref<8xi32, #tpu.memory_space<vmem>>) semaphore(%arg11 : memref<!tpu.dma_semaphore, #tpu.memory_space<semaphore_mem>>)
    %dma_start3A_138 = arith.constant 24 : i32
    %dma_start3A_139 = arith.constant 0 : i32
    %dma_start3A_140 = tpu.memref_slice %arg7[%dma_start3A_138, %dma_start3A_139] : memref<32x1024xf32, #tpu.memory_space<vmem>> -> memref<8x1024xf32, #tpu.memory_space<vmem>>
    %dma_start3A_141 = arith.constant 48 : i32
    %dma_start3A_142 = tpu.memref_slice %arg6[%dma_start3A_141] : memref<64xi32, #tpu.memory_space<vmem>> -> memref<8xi32, #tpu.memory_space<vmem>>
    %dma_start3A_143 = arith.constant 0 : i32
    %dma_start3A_144 = arith.constant 0 : i32
    %dma_start3A_145 = tpu.memref_slice %arg3[%dma_start3A_143, %dma_start3A_144] : memref<100000x1024xf32, #tpu.memory_space<hbm>> -> memref<100000x1024xf32, #tpu.memory_space<hbm>>
    tpu.enqueue_indirect_dma source(%dma_start3A_145 : memref<100000x1024xf32, #tpu.memory_space<hbm>>) target(%dma_start3A_140 : memref<8x1024xf32, #tpu.memory_space<vmem>>) offsets(%dma_start3A_142 : memref<8xi32, #tpu.memory_space<vmem>>) semaphore(%arg11 : memref<!tpu.dma_semaphore, #tpu.memory_space<semaphore_mem>>)
    %scan3A = arith.constant 0 : i32
    %scan3A_146 = arith.constant 0 : i32
    %scan3A_147 = arith.constant 6 : i32
    %scan3A_148 = arith.addi %scan3A_146, %scan3A_147 : i32
    %scan3A_149 = arith.constant 1 : i32
    scf.for %scan3A_166 = %scan3A_146 to %scan3A_148 step %scan3A_149  : i32 {
      %mul3A_167 = arith.constant 16 : i32
      %mul3A_168 = arith.muli %scan3A_166, %mul3A_167 : i32
      %add3A_169 = arith.addi %mul3A_2, %mul3A_168 : i32
      %dma_start3A_170 = arith.constant 0 : i32
      %dma_start3A_171 = arith.constant 0 : i32
      %dma_start3A_172 = tpu.memref_slice %arg8[%dma_start3A_170, %dma_start3A_171] : memref<32x1024xf32, #tpu.memory_space<vmem>> -> memref<8x1024xf32, #tpu.memory_space<vmem>>
      %dma_start3A_173 = arith.constant 8 : i32
      %dma_start3A_174 = tpu.memref_slice %arg6[%dma_start3A_173] : memref<64xi32, #tpu.memory_space<vmem>> -> memref<8xi32, #tpu.memory_space<vmem>>
      %dma_start3A_175 = arith.constant 0 : i32
      %dma_start3A_176 = arith.constant 0 : i32
      %dma_start3A_177 = tpu.memref_slice %arg3[%dma_start3A_175, %dma_start3A_176] : memref<100000x1024xf32, #tpu.memory_space<hbm>> -> memref<100000x1024xf32, #tpu.memory_space<hbm>>
      tpu.enqueue_indirect_dma source(%dma_start3A_177 : memref<100000x1024xf32, #tpu.memory_space<hbm>>) target(%dma_start3A_172 : memref<8x1024xf32, #tpu.memory_space<vmem>>) offsets(%dma_start3A_174 : memref<8xi32, #tpu.memory_space<vmem>>) semaphore(%arg12 : memref<!tpu.dma_semaphore, #tpu.memory_space<semaphore_mem>>)
      %dma_start3A_178 = arith.constant 8 : i32
      %dma_start3A_179 = arith.constant 0 : i32
      %dma_start3A_180 = tpu.memref_slice %arg8[%dma_start3A_178, %dma_start3A_179] : memref<32x1024xf32, #tpu.memory_space<vmem>> -> memref<8x1024xf32, #tpu.memory_space<vmem>>
      %dma_start3A_181 = arith.constant 24 : i32
      %dma_start3A_182 = tpu.memref_slice %arg6[%dma_start3A_181] : memref<64xi32, #tpu.memory_space<vmem>> -> memref<8xi32, #tpu.memory_space<vmem>>
      %dma_start3A_183 = arith.constant 0 : i32
      %dma_start3A_184 = arith.constant 0 : i32
      %dma_start3A_185 = tpu.memref_slice %arg3[%dma_start3A_183, %dma_start3A_184] : memref<100000x1024xf32, #tpu.memory_space<hbm>> -> memref<100000x1024xf32, #tpu.memory_space<hbm>>
      tpu.enqueue_indirect_dma source(%dma_start3A_185 : memref<100000x1024xf32, #tpu.memory_space<hbm>>) target(%dma_start3A_180 : memref<8x1024xf32, #tpu.memory_space<vmem>>) offsets(%dma_start3A_182 : memref<8xi32, #tpu.memory_space<vmem>>) semaphore(%arg12 : memref<!tpu.dma_semaphore, #tpu.memory_space<semaphore_mem>>)
      %dma_start3A_186 = arith.constant 16 : i32
      %dma_start3A_187 = arith.constant 0 : i32
      %dma_start3A_188 = tpu.memref_slice %arg8[%dma_start3A_186, %dma_start3A_187] : memref<32x1024xf32, #tpu.memory_space<vmem>> -> memref<8x1024xf32, #tpu.memory_space<vmem>>
      %dma_start3A_189 = arith.constant 40 : i32
      %dma_start3A_190 = tpu.memref_slice %arg6[%dma_start3A_189] : memref<64xi32, #tpu.memory_space<vmem>> -> memref<8xi32, #tpu.memory_space<vmem>>
      %dma_start3A_191 = arith.constant 0 : i32
      %dma_start3A_192 = arith.constant 0 : i32
      %dma_start3A_193 = tpu.memref_slice %arg3[%dma_start3A_191, %dma_start3A_192] : memref<100000x1024xf32, #tpu.memory_space<hbm>> -> memref<100000x1024xf32, #tpu.memory_space<hbm>>
      tpu.enqueue_indirect_dma source(%dma_start3A_193 : memref<100000x1024xf32, #tpu.memory_space<hbm>>) target(%dma_start3A_188 : memref<8x1024xf32, #tpu.memory_space<vmem>>) offsets(%dma_start3A_190 : memref<8xi32, #tpu.memory_space<vmem>>) semaphore(%arg12 : memref<!tpu.dma_semaphore, #tpu.memory_space<semaphore_mem>>)
      %dma_start3A_194 = arith.constant 24 : i32
      %dma_start3A_195 = arith.constant 0 : i32
      %dma_start3A_196 = tpu.memref_slice %arg8[%dma_start3A_194, %dma_start3A_195] : memref<32x1024xf32, #tpu.memory_space<vmem>> -> memref<8x1024xf32, #tpu.memory_space<vmem>>
      %dma_start3A_197 = arith.constant 56 : i32
      %dma_start3A_198 = tpu.memref_slice %arg6[%dma_start3A_197] : memref<64xi32, #tpu.memory_space<vmem>> -> memref<8xi32, #tpu.memory_space<vmem>>
      %dma_start3A_199 = arith.constant 0 : i32
      %dma_start3A_200 = arith.constant 0 : i32
      %dma_start3A_201 = tpu.memref_slice %arg3[%dma_start3A_199, %dma_start3A_200] : memref<100000x1024xf32, #tpu.memory_space<hbm>> -> memref<100000x1024xf32, #tpu.memory_space<hbm>>
      tpu.enqueue_indirect_dma source(%dma_start3A_201 : memref<100000x1024xf32, #tpu.memory_space<hbm>>) target(%dma_start3A_196 : memref<8x1024xf32, #tpu.memory_space<vmem>>) offsets(%dma_start3A_198 : memref<8xi32, #tpu.memory_space<vmem>>) semaphore(%arg12 : memref<!tpu.dma_semaphore, #tpu.memory_space<semaphore_mem>>)
      %dma_wait3A_202 = arith.constant 0 : i32
      %dma_wait3A_203 = arith.constant 0 : i32
      %dma_wait3A_204 = tpu.memref_slice %arg3[%dma_wait3A_202, %dma_wait3A_203] : memref<100000x1024xf32, #tpu.memory_space<hbm>> -> memref<32x1024xf32, #tpu.memory_space<hbm>>
      %dma_wait3A_205 = arith.constant 0 : i32
      %dma_wait3A_206 = arith.constant 0 : i32
      %dma_wait3A_207 = tpu.memref_slice %arg3[%dma_wait3A_205, %dma_wait3A_206] : memref<100000x1024xf32, #tpu.memory_space<hbm>> -> memref<32x1024xf32, #tpu.memory_space<hbm>>
      tpu.wait_dma2 semaphore(%arg11 : memref<!tpu.dma_semaphore, #tpu.memory_space<semaphore_mem>>) src(%dma_wait3A_207 : memref<32x1024xf32, #tpu.memory_space<hbm>>) dst(%arg7 : memref<32x1024xf32, #tpu.memory_space<vmem>>)
      %ne3A_208 = arith.constant 0 : i32
      %ne3A_209 = arith.cmpi ne, %scan3A_166, %ne3A_208 : i32
      %convert_element_type3A = arith.extui %ne3A_209 : i1 to i32
      %cond3A = arith.constant 0 : i32
      %cond3A_210 = arith.cmpi ne, %convert_element_type3A, %cond3A : i32
      scf.if %cond3A_210 {
        %dma_wait3A_403 = arith.constant 0 : i32
        %dma_wait3A_404 = tpu.memref_slice %arg4[%add3A_169, %dma_wait3A_403] : memref<3072x1024xf32, #tpu.memory_space<hbm>> -> memref<8x1024xf32, #tpu.memory_space<hbm>>
        %dma_wait3A_405 = arith.constant 0 : i32
        %dma_wait3A_406 = tpu.memref_slice %arg4[%add3A_169, %dma_wait3A_405] : memref<3072x1024xf32, #tpu.memory_space<hbm>> -> memref<8x1024xf32, #tpu.memory_space<hbm>>
        tpu.wait_dma2 semaphore(%arg13 : memref<!tpu.dma_semaphore, #tpu.memory_space<semaphore_mem>>) src(%arg9 : memref<8x1024xf32, #tpu.memory_space<vmem>>) dst(%dma_wait3A_406 : memref<8x1024xf32, #tpu.memory_space<hbm>>)
      } else {
      }
      %scan3A_211 = arith.constant 0 : i32
      %scan3A_212 = arith.constant 0 : i32
      %scan3A_213 = arith.constant 64 : i32
      %scan3A_214 = arith.addi %scan3A_212, %scan3A_213 : i32
      %scan3A_215 = arith.constant 1 : i32
      scf.for %scan3A_403 = %scan3A_212 to %scan3A_214 step %scan3A_215  : i32 {
        %mul3A_404 = arith.constant 16 : i32
        %mul3A_405 = arith.muli %scan3A_403, %mul3A_404 : i32
        %get3A_406 = arith.constant 0 : i32
        %get3A_407 = arith.index_cast %get3A_406 : i32 to index
        %get3A_408 = arith.index_cast %mul3A_405 : i32 to index
        %get3A_409 = tpu.vector_load %arg7[%get3A_407, %get3A_408] {strides = array<i32>} : memref<32x1024xf32, #tpu.memory_space<vmem>>, vector<1x16xf32>,
        %get3A_410 = vector.shape_cast %get3A_409 : vector<1x16xf32> to vector<16xf32>
        %get3A_411 = arith.constant 8 : i32
        %get3A_412 = arith.index_cast %get3A_411 : i32 to index
        %get3A_413 = arith.index_cast %mul3A_405 : i32 to index
        %get3A_414 = tpu.vector_load %arg7[%get3A_412, %get3A_413] {strides = array<i32>} : memref<32x1024xf32, #tpu.memory_space<vmem>>, vector<1x16xf32>,
        %get3A_415 = vector.shape_cast %get3A_414 : vector<1x16xf32> to vector<16xf32>
        %add3A_416 = arith.addf %get3A_410, %get3A_415 : vector<16xf32>
        %get3A_417 = arith.constant 16 : i32
        %get3A_418 = arith.index_cast %get3A_417 : i32 to index
        %get3A_419 = arith.index_cast %mul3A_405 : i32 to index
        %get3A_420 = tpu.vector_load %arg7[%get3A_418, %get3A_419] {strides = array<i32>} : memref<32x1024xf32, #tpu.memory_space<vmem>>, vector<1x16xf32>,
        %get3A_421 = vector.shape_cast %get3A_420 : vector<1x16xf32> to vector<16xf32>
        %get3A_422 = arith.constant 24 : i32
        %get3A_423 = arith.index_cast %get3A_422 : i32 to index
        %get3A_424 = arith.index_cast %mul3A_405 : i32 to index
        %get3A_425 = tpu.vector_load %arg7[%get3A_423, %get3A_424] {strides = array<i32>} : memref<32x1024xf32, #tpu.memory_space<vmem>>, vector<1x16xf32>,
        %get3A_426 = vector.shape_cast %get3A_425 : vector<1x16xf32> to vector<16xf32>
        %add3A_427 = arith.addf %get3A_421, %get3A_426 : vector<16xf32>
        %add3A_428 = arith.addf %add3A_416, %add3A_427 : vector<16xf32>
        %swap3A_429 = arith.constant 0 : i32
        %swap3A_430 = arith.index_cast %swap3A_429 : i32 to index
        %swap3A_431 = arith.index_cast %mul3A_405 : i32 to index
        %swap3A_432 = tpu.vector_load %arg9[%swap3A_430, %swap3A_431] {strides = array<i32>} : memref<8x1024xf32, #tpu.memory_space<vmem>>, vector<1x16xf32>,
        %swap3A_433 = vector.shape_cast %swap3A_432 : vector<1x16xf32> to vector<16xf32>
        %swap3A_434 = vector.shape_cast %add3A_428 : vector<16xf32> to vector<1x16xf32>
        tpu.vector_store %arg9[%swap3A_430, %swap3A_431], %swap3A_434 {strides = array<i32>} : memref<8x1024xf32, #tpu.memory_space<vmem>>, vector<1x16xf32>,
        %get3A_435 = arith.constant 1 : i32
        %get3A_436 = arith.index_cast %get3A_435 : i32 to index
        %get3A_437 = arith.index_cast %mul3A_405 : i32 to index
        %get3A_438 = tpu.vector_load %arg7[%get3A_436, %get3A_437] {strides = array<i32>} : memref<32x1024xf32, #tpu.memory_space<vmem>>, vector<1x16xf32>,
        %get3A_439 = vector.shape_cast %get3A_438 : vector<1x16xf32> to vector<16xf32>
        %get3A_440 = arith.constant 9 : i32
        %get3A_441 = arith.index_cast %get3A_440 : i32 to index
        %get3A_442 = arith.index_cast %mul3A_405 : i32 to index
        %get3A_443 = tpu.vector_load %arg7[%get3A_441, %get3A_442] {strides = array<i32>} : memref<32x1024xf32, #tpu.memory_space<vmem>>, vector<1x16xf32>,
        %get3A_444 = vector.shape_cast %get3A_443 : vector<1x16xf32> to vector<16xf32>
        %add3A_445 = arith.addf %get3A_439, %get3A_444 : vector<16xf32>
        %get3A_446 = arith.constant 17 : i32
        %get3A_447 = arith.index_cast %get3A_446 : i32 to index
        %get3A_448 = arith.index_cast %mul3A_405 : i32 to index
        %get3A_449 = tpu.vector_load %arg7[%get3A_447, %get3A_448] {strides = array<i32>} : memref<32x1024xf32, #tpu.memory_space<vmem>>, vector<1x16xf32>,
        %get3A_450 = vector.shape_cast %get3A_449 : vector<1x16xf32> to vector<16xf32>
        %get3A_451 = arith.constant 25 : i32
        %get3A_452 = arith.index_cast %get3A_451 : i32 to index
        %get3A_453 = arith.index_cast %mul3A_405 : i32 to index
        %get3A_454 = tpu.vector_load %arg7[%get3A_452, %get3A_453] {strides = array<i32>} : memref<32x1024xf32, #tpu.memory_space<vmem>>, vector<1x16xf32>,
        %get3A_455 = vector.shape_cast %get3A_454 : vector<1x16xf32> to vector<16xf32>
        %add3A_456 = arith.addf %get3A_450, %get3A_455 : vector<16xf32>
        %add3A_457 = arith.addf %add3A_445, %add3A_456 : vector<16xf32>
        %swap3A_458 = arith.constant 1 : i32
        %swap3A_459 = arith.index_cast %swap3A_458 : i32 to index
        %swap3A_460 = arith.index_cast %mul3A_405 : i32 to index
        %swap3A_461 = tpu.vector_load %arg9[%swap3A_459, %swap3A_460] {strides = array<i32>} : memref<8x1024xf32, #tpu.memory_space<vmem>>, vector<1x16xf32>,
        %swap3A_462 = vector.shape_cast %swap3A_461 : vector<1x16xf32> to vector<16xf32>
        %swap3A_463 = vector.shape_cast %add3A_457 : vector<16xf32> to vector<1x16xf32>
        tpu.vector_store %arg9[%swap3A_459, %swap3A_460], %swap3A_463 {strides = array<i32>} : memref<8x1024xf32, #tpu.memory_space<vmem>>, vector<1x16xf32>,
        %get3A_464 = arith.constant 2 : i32
        %get3A_465 = arith.index_cast %get3A_464 : i32 to index
        %get3A_466 = arith.index_cast %mul3A_405 : i32 to index
        %get3A_467 = tpu.vector_load %arg7[%get3A_465, %get3A_466] {strides = array<i32>} : memref<32x1024xf32, #tpu.memory_space<vmem>>, vector<1x16xf32>,
        %get3A_468 = vector.shape_cast %get3A_467 : vector<1x16xf32> to vector<16xf32>
        %get3A_469 = arith.constant 10 : i32
        %get3A_470 = arith.index_cast %get3A_469 : i32 to index
        %get3A_471 = arith.index_cast %mul3A_405 : i32 to index
        %get3A_472 = tpu.vector_load %arg7[%get3A_470, %get3A_471] {strides = array<i32>} : memref<32x1024xf32, #tpu.memory_space<vmem>>, vector<1x16xf32>,
        %get3A_473 = vector.shape_cast %get3A_472 : vector<1x16xf32> to vector<16xf32>
        %add3A_474 = arith.addf %get3A_468, %get3A_473 : vector<16xf32>
        %get3A_475 = arith.constant 18 : i32
        %get3A_476 = arith.index_cast %get3A_475 : i32 to index
        %get3A_477 = arith.index_cast %mul3A_405 : i32 to index
        %get3A_478 = tpu.vector_load %arg7[%get3A_476, %get3A_477] {strides = array<i32>} : memref<32x1024xf32, #tpu.memory_space<vmem>>, vector<1x16xf32>,
        %get3A_479 = vector.shape_cast %get3A_478 : vector<1x16xf32> to vector<16xf32>
        %get3A_480 = arith.constant 26 : i32
        %get3A_481 = arith.index_cast %get3A_480 : i32 to index
        %get3A_482 = arith.index_cast %mul3A_405 : i32 to index
        %get3A_483 = tpu.vector_load %arg7[%get3A_481, %get3A_482] {strides = array<i32>} : memref<32x1024xf32, #tpu.memory_space<vmem>>, vector<1x16xf32>,
        %get3A_484 = vector.shape_cast %get3A_483 : vector<1x16xf32> to vector<16xf32>
        %add3A_485 = arith.addf %get3A_479, %get3A_484 : vector<16xf32>
        %add3A_486 = arith.addf %add3A_474, %add3A_485 : vector<16xf32>
        %swap3A_487 = arith.constant 2 : i32
        %swap3A_488 = arith.index_cast %swap3A_487 : i32 to index
        %swap3A_489 = arith.index_cast %mul3A_405 : i32 to index
        %swap3A_490 = tpu.vector_load %arg9[%swap3A_488, %swap3A_489] {strides = array<i32>} : memref<8x1024xf32, #tpu.memory_space<vmem>>, vector<1x16xf32>,
        %swap3A_491 = vector.shape_cast %swap3A_490 : vector<1x16xf32> to vector<16xf32>
        %swap3A_492 = vector.shape_cast %add3A_486 : vector<16xf32> to vector<1x16xf32>
        tpu.vector_store %arg9[%swap3A_488, %swap3A_489], %swap3A_492 {strides = array<i32>} : memref<8x1024xf32, #tpu.memory_space<vmem>>, vector<1x16xf32>,
        %get3A_493 = arith.constant 3 : i32
        %get3A_494 = arith.index_cast %get3A_493 : i32 to index
        %get3A_495 = arith.index_cast %mul3A_405 : i32 to index
        %get3A_496 = tpu.vector_load %arg7[%get3A_494, %get3A_495] {strides = array<i32>} : memref<32x1024xf32, #tpu.memory_space<vmem>>, vector<1x16xf32>,
        %get3A_497 = vector.shape_cast %get3A_496 : vector<1x16xf32> to vector<16xf32>
        %get3A_498 = arith.constant 11 : i32
        %get3A_499 = arith.index_cast %get3A_498 : i32 to index
        %get3A_500 = arith.index_cast %mul3A_405 : i32 to index
        %get3A_501 = tpu.vector_load %arg7[%get3A_499, %get3A_500] {strides = array<i32>} : memref<32x1024xf32, #tpu.memory_space<vmem>>, vector<1x16xf32>,
        %get3A_502 = vector.shape_cast %get3A_501 : vector<1x16xf32> to vector<16xf32>
        %add3A_503 = arith.addf %get3A_497, %get3A_502 : vector<16xf32>
        %get3A_504 = arith.constant 19 : i32
        %get3A_505 = arith.index_cast %get3A_504 : i32 to index
        %get3A_506 = arith.index_cast %mul3A_405 : i32 to index
        %get3A_507 = tpu.vector_load %arg7[%get3A_505, %get3A_506] {strides = array<i32>} : memref<32x1024xf32, #tpu.memory_space<vmem>>, vector<1x16xf32>,
        %get3A_508 = vector.shape_cast %get3A_507 : vector<1x16xf32> to vector<16xf32>
        %get3A_509 = arith.constant 27 : i32
        %get3A_510 = arith.index_cast %get3A_509 : i32 to index
        %get3A_511 = arith.index_cast %mul3A_405 : i32 to index
        %get3A_512 = tpu.vector_load %arg7[%get3A_510, %get3A_511] {strides = array<i32>} : memref<32x1024xf32, #tpu.memory_space<vmem>>, vector<1x16xf32>,
        %get3A_513 = vector.shape_cast %get3A_512 : vector<1x16xf32> to vector<16xf32>
        %add3A_514 = arith.addf %get3A_508, %get3A_513 : vector<16xf32>
        %add3A_515 = arith.addf %add3A_503, %add3A_514 : vector<16xf32>
        %swap3A_516 = arith.constant 3 : i32
        %swap3A_517 = arith.index_cast %swap3A_516 : i32 to index
        %swap3A_518 = arith.index_cast %mul3A_405 : i32 to index
        %swap3A_519 = tpu.vector_load %arg9[%swap3A_517, %swap3A_518] {strides = array<i32>} : memref<8x1024xf32, #tpu.memory_space<vmem>>, vector<1x16xf32>,
        %swap3A_520 = vector.shape_cast %swap3A_519 : vector<1x16xf32> to vector<16xf32>
        %swap3A_521 = vector.shape_cast %add3A_515 : vector<16xf32> to vector<1x16xf32>
        tpu.vector_store %arg9[%swap3A_517, %swap3A_518], %swap3A_521 {strides = array<i32>} : memref<8x1024xf32, #tpu.memory_space<vmem>>, vector<1x16xf32>,
        %get3A_522 = arith.constant 4 : i32
        %get3A_523 = arith.index_cast %get3A_522 : i32 to index
        %get3A_524 = arith.index_cast %mul3A_405 : i32 to index
        %get3A_525 = tpu.vector_load %arg7[%get3A_523, %get3A_524] {strides = array<i32>} : memref<32x1024xf32, #tpu.memory_space<vmem>>, vector<1x16xf32>,
        %get3A_526 = vector.shape_cast %get3A_525 : vector<1x16xf32> to vector<16xf32>
        %get3A_527 = arith.constant 12 : i32
        %get3A_528 = arith.index_cast %get3A_527 : i32 to index
        %get3A_529 = arith.index_cast %mul3A_405 : i32 to index
        %get3A_530 = tpu.vector_load %arg7[%get3A_528, %get3A_529] {strides = array<i32>} : memref<32x1024xf32, #tpu.memory_space<vmem>>, vector<1x16xf32>,
        %get3A_531 = vector.shape_cast %get3A_530 : vector<1x16xf32> to vector<16xf32>
        %add3A_532 = arith.addf %get3A_526, %get3A_531 : vector<16xf32>
        %get3A_533 = arith.constant 20 : i32
        %get3A_534 = arith.index_cast %get3A_533 : i32 to index
        %get3A_535 = arith.index_cast %mul3A_405 : i32 to index
        %get3A_536 = tpu.vector_load %arg7[%get3A_534, %get3A_535] {strides = array<i32>} : memref<32x1024xf32, #tpu.memory_space<vmem>>, vector<1x16xf32>,
        %get3A_537 = vector.shape_cast %get3A_536 : vector<1x16xf32> to vector<16xf32>
        %get3A_538 = arith.constant 28 : i32
        %get3A_539 = arith.index_cast %get3A_538 : i32 to index
        %get3A_540 = arith.index_cast %mul3A_405 : i32 to index
        %get3A_541 = tpu.vector_load %arg7[%get3A_539, %get3A_540] {strides = array<i32>} : memref<32x1024xf32, #tpu.memory_space<vmem>>, vector<1x16xf32>,
        %get3A_542 = vector.shape_cast %get3A_541 : vector<1x16xf32> to vector<16xf32>
        %add3A_543 = arith.addf %get3A_537, %get3A_542 : vector<16xf32>
        %add3A_544 = arith.addf %add3A_532, %add3A_543 : vector<16xf32>
        %swap3A_545 = arith.constant 4 : i32
        %swap3A_546 = arith.index_cast %swap3A_545 : i32 to index
        %swap3A_547 = arith.index_cast %mul3A_405 : i32 to index
        %swap3A_548 = tpu.vector_load %arg9[%swap3A_546, %swap3A_547] {strides = array<i32>} : memref<8x1024xf32, #tpu.memory_space<vmem>>, vector<1x16xf32>,
        %swap3A_549 = vector.shape_cast %swap3A_548 : vector<1x16xf32> to vector<16xf32>
        %swap3A_550 = vector.shape_cast %add3A_544 : vector<16xf32> to vector<1x16xf32>
        tpu.vector_store %arg9[%swap3A_546, %swap3A_547], %swap3A_550 {strides = array<i32>} : memref<8x1024xf32, #tpu.memory_space<vmem>>, vector<1x16xf32>,
        %get3A_551 = arith.constant 5 : i32
        %get3A_552 = arith.index_cast %get3A_551 : i32 to index
        %get3A_553 = arith.index_cast %mul3A_405 : i32 to index
        %get3A_554 = tpu.vector_load %arg7[%get3A_552, %get3A_553] {strides = array<i32>} : memref<32x1024xf32, #tpu.memory_space<vmem>>, vector<1x16xf32>,
        %get3A_555 = vector.shape_cast %get3A_554 : vector<1x16xf32> to vector<16xf32>
        %get3A_556 = arith.constant 13 : i32
        %get3A_557 = arith.index_cast %get3A_556 : i32 to index
        %get3A_558 = arith.index_cast %mul3A_405 : i32 to index
        %get3A_559 = tpu.vector_load %arg7[%get3A_557, %get3A_558] {strides = array<i32>} : memref<32x1024xf32, #tpu.memory_space<vmem>>, vector<1x16xf32>,
        %get3A_560 = vector.shape_cast %get3A_559 : vector<1x16xf32> to vector<16xf32>
        %add3A_561 = arith.addf %get3A_555, %get3A_560 : vector<16xf32>
        %get3A_562 = arith.constant 21 : i32
        %get3A_563 = arith.index_cast %get3A_562 : i32 to index
        %get3A_564 = arith.index_cast %mul3A_405 : i32 to index
        %get3A_565 = tpu.vector_load %arg7[%get3A_563, %get3A_564] {strides = array<i32>} : memref<32x1024xf32, #tpu.memory_space<vmem>>, vector<1x16xf32>,
        %get3A_566 = vector.shape_cast %get3A_565 : vector<1x16xf32> to vector<16xf32>
        %get3A_567 = arith.constant 29 : i32
        %get3A_568 = arith.index_cast %get3A_567 : i32 to index
        %get3A_569 = arith.index_cast %mul3A_405 : i32 to index
        %get3A_570 = tpu.vector_load %arg7[%get3A_568, %get3A_569] {strides = array<i32>} : memref<32x1024xf32, #tpu.memory_space<vmem>>, vector<1x16xf32>,
        %get3A_571 = vector.shape_cast %get3A_570 : vector<1x16xf32> to vector<16xf32>
        %add3A_572 = arith.addf %get3A_566, %get3A_571 : vector<16xf32>
        %add3A_573 = arith.addf %add3A_561, %add3A_572 : vector<16xf32>
        %swap3A_574 = arith.constant 5 : i32
        %swap3A_575 = arith.index_cast %swap3A_574 : i32 to index
        %swap3A_576 = arith.index_cast %mul3A_405 : i32 to index
        %swap3A_577 = tpu.vector_load %arg9[%swap3A_575, %swap3A_576] {strides = array<i32>} : memref<8x1024xf32, #tpu.memory_space<vmem>>, vector<1x16xf32>,
        %swap3A_578 = vector.shape_cast %swap3A_577 : vector<1x16xf32> to vector<16xf32>
        %swap3A_579 = vector.shape_cast %add3A_573 : vector<16xf32> to vector<1x16xf32>
        tpu.vector_store %arg9[%swap3A_575, %swap3A_576], %swap3A_579 {strides = array<i32>} : memref<8x1024xf32, #tpu.memory_space<vmem>>, vector<1x16xf32>,
        %get3A_580 = arith.constant 6 : i32
        %get3A_581 = arith.index_cast %get3A_580 : i32 to index
        %get3A_582 = arith.index_cast %mul3A_405 : i32 to index
        %get3A_583 = tpu.vector_load %arg7[%get3A_581, %get3A_582] {strides = array<i32>} : memref<32x1024xf32, #tpu.memory_space<vmem>>, vector<1x16xf32>,
        %get3A_584 = vector.shape_cast %get3A_583 : vector<1x16xf32> to vector<16xf32>
        %get3A_585 = arith.constant 14 : i32
        %get3A_586 = arith.index_cast %get3A_585 : i32 to index
        %get3A_587 = arith.index_cast %mul3A_405 : i32 to index
        %get3A_588 = tpu.vector_load %arg7[%get3A_586, %get3A_587] {strides = array<i32>} : memref<32x1024xf32, #tpu.memory_space<vmem>>, vector<1x16xf32>,
        %get3A_589 = vector.shape_cast %get3A_588 : vector<1x16xf32> to vector<16xf32>
        %add3A_590 = arith.addf %get3A_584, %get3A_589 : vector<16xf32>
        %get3A_591 = arith.constant 22 : i32
        %get3A_592 = arith.index_cast %get3A_591 : i32 to index
        %get3A_593 = arith.index_cast %mul3A_405 : i32 to index
        %get3A_594 = tpu.vector_load %arg7[%get3A_592, %get3A_593] {strides = array<i32>} : memref<32x1024xf32, #tpu.memory_space<vmem>>, vector<1x16xf32>,
        %get3A_595 = vector.shape_cast %get3A_594 : vector<1x16xf32> to vector<16xf32>
        %get3A_596 = arith.constant 30 : i32
        %get3A_597 = arith.index_cast %get3A_596 : i32 to index
        %get3A_598 = arith.index_cast %mul3A_405 : i32 to index
        %get3A_599 = tpu.vector_load %arg7[%get3A_597, %get3A_598] {strides = array<i32>} : memref<32x1024xf32, #tpu.memory_space<vmem>>, vector<1x16xf32>,
        %get3A_600 = vector.shape_cast %get3A_599 : vector<1x16xf32> to vector<16xf32>
        %add3A_601 = arith.addf %get3A_595, %get3A_600 : vector<16xf32>
        %add3A_602 = arith.addf %add3A_590, %add3A_601 : vector<16xf32>
        %swap3A_603 = arith.constant 6 : i32
        %swap3A_604 = arith.index_cast %swap3A_603 : i32 to index
        %swap3A_605 = arith.index_cast %mul3A_405 : i32 to index
        %swap3A_606 = tpu.vector_load %arg9[%swap3A_604, %swap3A_605] {strides = array<i32>} : memref<8x1024xf32, #tpu.memory_space<vmem>>, vector<1x16xf32>,
        %swap3A_607 = vector.shape_cast %swap3A_606 : vector<1x16xf32> to vector<16xf32>
        %swap3A_608 = vector.shape_cast %add3A_602 : vector<16xf32> to vector<1x16xf32>
        tpu.vector_store %arg9[%swap3A_604, %swap3A_605], %swap3A_608 {strides = array<i32>} : memref<8x1024xf32, #tpu.memory_space<vmem>>, vector<1x16xf32>,
        %get3A_609 = arith.constant 7 : i32
        %get3A_610 = arith.index_cast %get3A_609 : i32 to index
        %get3A_611 = arith.index_cast %mul3A_405 : i32 to index
        %get3A_612 = tpu.vector_load %arg7[%get3A_610, %get3A_611] {strides = array<i32>} : memref<32x1024xf32, #tpu.memory_space<vmem>>, vector<1x16xf32>,
        %get3A_613 = vector.shape_cast %get3A_612 : vector<1x16xf32> to vector<16xf32>
        %get3A_614 = arith.constant 15 : i32
        %get3A_615 = arith.index_cast %get3A_614 : i32 to index
        %get3A_616 = arith.index_cast %mul3A_405 : i32 to index
        %get3A_617 = tpu.vector_load %arg7[%get3A_615, %get3A_616] {strides = array<i32>} : memref<32x1024xf32, #tpu.memory_space<vmem>>, vector<1x16xf32>,
        %get3A_618 = vector.shape_cast %get3A_617 : vector<1x16xf32> to vector<16xf32>
        %add3A_619 = arith.addf %get3A_613, %get3A_618 : vector<16xf32>
        %get3A_620 = arith.constant 23 : i32
        %get3A_621 = arith.index_cast %get3A_620 : i32 to index
        %get3A_622 = arith.index_cast %mul3A_405 : i32 to index
        %get3A_623 = tpu.vector_load %arg7[%get3A_621, %get3A_622] {strides = array<i32>} : memref<32x1024xf32, #tpu.memory_space<vmem>>, vector<1x16xf32>,
        %get3A_624 = vector.shape_cast %get3A_623 : vector<1x16xf32> to vector<16xf32>
        %get3A_625 = arith.constant 31 : i32
        %get3A_626 = arith.index_cast %get3A_625 : i32 to index
        %get3A_627 = arith.index_cast %mul3A_405 : i32 to index
        %get3A_628 = tpu.vector_load %arg7[%get3A_626, %get3A_627] {strides = array<i32>} : memref<32x1024xf32, #tpu.memory_space<vmem>>, vector<1x16xf32>,
        %get3A_629 = vector.shape_cast %get3A_628 : vector<1x16xf32> to vector<16xf32>
        %add3A_630 = arith.addf %get3A_624, %get3A_629 : vector<16xf32>
        %add3A_631 = arith.addf %add3A_619, %add3A_630 : vector<16xf32>
        %swap3A_632 = arith.constant 7 : i32
        %swap3A_633 = arith.index_cast %swap3A_632 : i32 to index
        %swap3A_634 = arith.index_cast %mul3A_405 : i32 to index
        %swap3A_635 = tpu.vector_load %arg9[%swap3A_633, %swap3A_634] {strides = array<i32>} : memref<8x1024xf32, #tpu.memory_space<vmem>>, vector<1x16xf32>,
        %swap3A_636 = vector.shape_cast %swap3A_635 : vector<1x16xf32> to vector<16xf32>
        %swap3A_637 = vector.shape_cast %add3A_631 : vector<16xf32> to vector<1x16xf32>
        tpu.vector_store %arg9[%swap3A_633, %swap3A_634], %swap3A_637 {strides = array<i32>} : memref<8x1024xf32, #tpu.memory_space<vmem>>, vector<1x16xf32>,
      }
      %scan3A_216 = arith.constant 64 : i32
      %dma_start3A_217 = arith.constant 0 : i32
      %dma_start3A_218 = tpu.memref_slice %arg4[%add3A_169, %dma_start3A_217] : memref<3072x1024xf32, #tpu.memory_space<hbm>> -> memref<8x1024xf32, #tpu.memory_space<hbm>>
      %dma_start3A_219 = arith.constant 0 : i32
      %dma_start3A_220 = tpu.memref_slice %arg4[%add3A_169, %dma_start3A_219] : memref<3072x1024xf32, #tpu.memory_space<hbm>> -> memref<8x1024xf32, #tpu.memory_space<hbm>>
      tpu.enqueue_dma source(%arg9 : memref<8x1024xf32, #tpu.memory_space<vmem>>) target(%dma_start3A_220 : memref<8x1024xf32, #tpu.memory_space<hbm>>) target_semaphore(%arg13 : memref<!tpu.dma_semaphore, #tpu.memory_space<semaphore_mem>>)
      %dma_wait3A_221 = arith.constant 0 : i32
      %dma_wait3A_222 = arith.constant 0 : i32
      %dma_wait3A_223 = tpu.memref_slice %arg3[%dma_wait3A_221, %dma_wait3A_222] : memref<100000x1024xf32, #tpu.memory_space<hbm>> -> memref<32x1024xf32, #tpu.memory_space<hbm>>
      %dma_wait3A_224 = arith.constant 0 : i32
      %dma_wait3A_225 = arith.constant 0 : i32
      %dma_wait3A_226 = tpu.memref_slice %arg3[%dma_wait3A_224, %dma_wait3A_225] : memref<100000x1024xf32, #tpu.memory_space<hbm>> -> memref<32x1024xf32, #tpu.memory_space<hbm>>
      tpu.wait_dma2 semaphore(%arg12 : memref<!tpu.dma_semaphore, #tpu.memory_space<semaphore_mem>>) src(%dma_wait3A_226 : memref<32x1024xf32, #tpu.memory_space<hbm>>) dst(%arg8 : memref<32x1024xf32, #tpu.memory_space<vmem>>)
      %eq3A_227 = arith.constant 5 : i32
      %eq3A_228 = arith.cmpi eq, %scan3A_166, %eq3A_227 : i32
      %add3A_229 = arith.constant 1 : i32
      %add3A_230 = arith.addi %scan3A_166, %add3A_229 : i32
      %jit3A_231 = arith.constant 0 : i32
      %select_n3A_232 = arith.select %eq3A_228, %jit3A_231, %add3A_230 : i32
      %mul3A_233 = arith.constant 16 : i32
      %mul3A_234 = arith.muli %select_n3A_232, %mul3A_233 : i32
      %get3A_235 = arith.index_cast %mul3A_234 : i32 to index
      %get3A_236 = tpu.vector_load %arg5[%get3A_235] {strides = array<i32>} : memref<96xi32, #tpu.memory_space<vmem>>, vector<16xi32>,
      %get3A_237 = vector.shape_cast %get3A_236 : vector<16xi32> to vector<16xi32>
      %mul3A_238 = arith.constant 17 : i32
      %mul3A_239 = vector.broadcast %mul3A_238 : i32 to vector<16xi32>
      %mul3A_240 = arith.muli %get3A_237, %mul3A_239 : vector<16xi32>
      %jit3A_241 = arith.constant 100000 : i32
      %eq3A_242 = arith.constant 0 : i32
      %eq3A_243 = arith.cmpi eq, %jit3A_241, %eq3A_242 : i32
      %jit3A_244 = arith.constant 1 : i32
      %select_n3A_245 = arith.select %eq3A_243, %jit3A_244, %jit3A_241 : i32
      %rem3A_246 = vector.broadcast %select_n3A_245 : i32 to vector<16xi32>
      %rem3A_247 = arith.remsi %mul3A_240, %rem3A_246 : vector<16xi32>
      %ne3A_248 = arith.constant 0 : i32
      %ne3A_249 = vector.broadcast %ne3A_248 : i32 to vector<16xi32>
      %ne3A_250 = arith.cmpi ne, %rem3A_247, %ne3A_249 : vector<16xi32>
      %lt3A_251 = arith.constant 0 : i32
      %lt3A_252 = vector.broadcast %lt3A_251 : i32 to vector<16xi32>
      %lt3A_253 = arith.cmpi slt, %rem3A_247, %lt3A_252 : vector<16xi32>
      %lt3A_254 = arith.constant 0 : i32
      %lt3A_255 = arith.cmpi slt, %select_n3A_245, %lt3A_254 : i32
      %ne3A_256 = vector.broadcast %lt3A_255 : i1 to vector<16xi1>
      %ne3A_257 = vector.broadcast %ne3A_256 : vector<16xi1> to vector<16xi1>
      %ne3A_258 = arith.xori %lt3A_253, %ne3A_257 : vector<16xi1>
      %and3A_259 = arith.andi %ne3A_258, %ne3A_250 : vector<16xi1>
      %add3A_260 = vector.broadcast %select_n3A_245 : i32 to vector<16xi32>
      %add3A_261 = arith.addi %rem3A_247, %add3A_260 : vector<16xi32>
      %select_n3A_262 = arith.select %and3A_259, %add3A_261, %rem3A_247 : vector<16xi1>, vector<16xi32>
      %swap3A_263 = arith.constant 0 : index
      %swap3A_264 = tpu.vector_load %arg6[%swap3A_263] {strides = array<i32>} : memref<64xi32, #tpu.memory_space<vmem>>, vector<16xi32>,
      %swap3A_265 = vector.shape_cast %swap3A_264 : vector<16xi32> to vector<16xi32>
      %swap3A_266 = vector.shape_cast %select_n3A_262 : vector<16xi32> to vector<16xi32>
      tpu.vector_store %arg6[%swap3A_263], %swap3A_266 {strides = array<i32>} : memref<64xi32, #tpu.memory_space<vmem>>, vector<16xi32>,
      %mul3A_267 = arith.constant 31 : i32
      %mul3A_268 = vector.broadcast %mul3A_267 : i32 to vector<16xi32>
      %mul3A_269 = arith.muli %get3A_237, %mul3A_268 : vector<16xi32>
      %jit3A_270 = arith.constant 100000 : i32
      %eq3A_271 = arith.constant 0 : i32
      %eq3A_272 = arith.cmpi eq, %jit3A_270, %eq3A_271 : i32
      %jit3A_273 = arith.constant 1 : i32
      %select_n3A_274 = arith.select %eq3A_272, %jit3A_273, %jit3A_270 : i32
      %rem3A_275 = vector.broadcast %select_n3A_274 : i32 to vector<16xi32>
      %rem3A_276 = arith.remsi %mul3A_269, %rem3A_275 : vector<16xi32>
      %ne3A_277 = arith.constant 0 : i32
      %ne3A_278 = vector.broadcast %ne3A_277 : i32 to vector<16xi32>
      %ne3A_279 = arith.cmpi ne, %rem3A_276, %ne3A_278 : vector<16xi32>
      %lt3A_280 = arith.constant 0 : i32
      %lt3A_281 = vector.broadcast %lt3A_280 : i32 to vector<16xi32>
      %lt3A_282 = arith.cmpi slt, %rem3A_276, %lt3A_281 : vector<16xi32>
      %lt3A_283 = arith.constant 0 : i32
      %lt3A_284 = arith.cmpi slt, %select_n3A_274, %lt3A_283 : i32
      %ne3A_285 = vector.broadcast %lt3A_284 : i1 to vector<16xi1>
      %ne3A_286 = vector.broadcast %ne3A_285 : vector<16xi1> to vector<16xi1>
      %ne3A_287 = arith.xori %lt3A_282, %ne3A_286 : vector<16xi1>
      %and3A_288 = arith.andi %ne3A_287, %ne3A_279 : vector<16xi1>
      %add3A_289 = vector.broadcast %select_n3A_274 : i32 to vector<16xi32>
      %add3A_290 = arith.addi %rem3A_276, %add3A_289 : vector<16xi32>
      %select_n3A_291 = arith.select %and3A_288, %add3A_290, %rem3A_276 : vector<16xi1>, vector<16xi32>
      %swap3A_292 = arith.constant 16 : index
      %swap3A_293 = tpu.vector_load %arg6[%swap3A_292] {strides = array<i32>} : memref<64xi32, #tpu.memory_space<vmem>>, vector<16xi32>,
      %swap3A_294 = vector.shape_cast %swap3A_293 : vector<16xi32> to vector<16xi32>
      %swap3A_295 = vector.shape_cast %select_n3A_291 : vector<16xi32> to vector<16xi32>
      tpu.vector_store %arg6[%swap3A_292], %swap3A_295 {strides = array<i32>} : memref<64xi32, #tpu.memory_space<vmem>>, vector<16xi32>,
      %mul3A_296 = arith.constant 53 : i32
      %mul3A_297 = vector.broadcast %mul3A_296 : i32 to vector<16xi32>
      %mul3A_298 = arith.muli %get3A_237, %mul3A_297 : vector<16xi32>
      %jit3A_299 = arith.constant 100000 : i32
      %eq3A_300 = arith.constant 0 : i32
      %eq3A_301 = arith.cmpi eq, %jit3A_299, %eq3A_300 : i32
      %jit3A_302 = arith.constant 1 : i32
      %select_n3A_303 = arith.select %eq3A_301, %jit3A_302, %jit3A_299 : i32
      %rem3A_304 = vector.broadcast %select_n3A_303 : i32 to vector<16xi32>
      %rem3A_305 = arith.remsi %mul3A_298, %rem3A_304 : vector<16xi32>
      %ne3A_306 = arith.constant 0 : i32
      %ne3A_307 = vector.broadcast %ne3A_306 : i32 to vector<16xi32>
      %ne3A_308 = arith.cmpi ne, %rem3A_305, %ne3A_307 : vector<16xi32>
      %lt3A_309 = arith.constant 0 : i32
      %lt3A_310 = vector.broadcast %lt3A_309 : i32 to vector<16xi32>
      %lt3A_311 = arith.cmpi slt, %rem3A_305, %lt3A_310 : vector<16xi32>
      %lt3A_312 = arith.constant 0 : i32
      %lt3A_313 = arith.cmpi slt, %select_n3A_303, %lt3A_312 : i32
      %ne3A_314 = vector.broadcast %lt3A_313 : i1 to vector<16xi1>
      %ne3A_315 = vector.broadcast %ne3A_314 : vector<16xi1> to vector<16xi1>
      %ne3A_316 = arith.xori %lt3A_311, %ne3A_315 : vector<16xi1>
      %and3A_317 = arith.andi %ne3A_316, %ne3A_308 : vector<16xi1>
      %add3A_318 = vector.broadcast %select_n3A_303 : i32 to vector<16xi32>
      %add3A_319 = arith.addi %rem3A_305, %add3A_318 : vector<16xi32>
      %select_n3A_320 = arith.select %and3A_317, %add3A_319, %rem3A_305 : vector<16xi1>, vector<16xi32>
      %swap3A_321 = arith.constant 32 : index
      %swap3A_322 = tpu.vector_load %arg6[%swap3A_321] {strides = array<i32>} : memref<64xi32, #tpu.memory_space<vmem>>, vector<16xi32>,
      %swap3A_323 = vector.shape_cast %swap3A_322 : vector<16xi32> to vector<16xi32>
      %swap3A_324 = vector.shape_cast %select_n3A_320 : vector<16xi32> to vector<16xi32>
      tpu.vector_store %arg6[%swap3A_321], %swap3A_324 {strides = array<i32>} : memref<64xi32, #tpu.memory_space<vmem>>, vector<16xi32>,
      %mul3A_325 = arith.constant 79 : i32
      %mul3A_326 = vector.broadcast %mul3A_325 : i32 to vector<16xi32>
      %mul3A_327 = arith.muli %get3A_237, %mul3A_326 : vector<16xi32>
      %jit3A_328 = arith.constant 100000 : i32
      %eq3A_329 = arith.constant 0 : i32
      %eq3A_330 = arith.cmpi eq, %jit3A_328, %eq3A_329 : i32
      %jit3A_331 = arith.constant 1 : i32
      %select_n3A_332 = arith.select %eq3A_330, %jit3A_331, %jit3A_328 : i32
      %rem3A_333 = vector.broadcast %select_n3A_332 : i32 to vector<16xi32>
      %rem3A_334 = arith.remsi %mul3A_327, %rem3A_333 : vector<16xi32>
      %ne3A_335 = arith.constant 0 : i32
      %ne3A_336 = vector.broadcast %ne3A_335 : i32 to vector<16xi32>
      %ne3A_337 = arith.cmpi ne, %rem3A_334, %ne3A_336 : vector<16xi32>
      %lt3A_338 = arith.constant 0 : i32
      %lt3A_339 = vector.broadcast %lt3A_338 : i32 to vector<16xi32>
      %lt3A_340 = arith.cmpi slt, %rem3A_334, %lt3A_339 : vector<16xi32>
      %lt3A_341 = arith.constant 0 : i32
      %lt3A_342 = arith.cmpi slt, %select_n3A_332, %lt3A_341 : i32
      %ne3A_343 = vector.broadcast %lt3A_342 : i1 to vector<16xi1>
      %ne3A_344 = vector.broadcast %ne3A_343 : vector<16xi1> to vector<16xi1>
      %ne3A_345 = arith.xori %lt3A_340, %ne3A_344 : vector<16xi1>
      %and3A_346 = arith.andi %ne3A_345, %ne3A_337 : vector<16xi1>
      %add3A_347 = vector.broadcast %select_n3A_332 : i32 to vector<16xi32>
      %add3A_348 = arith.addi %rem3A_334, %add3A_347 : vector<16xi32>
      %select_n3A_349 = arith.select %and3A_346, %add3A_348, %rem3A_334 : vector<16xi1>, vector<16xi32>
      %swap3A_350 = arith.constant 48 : index
      %swap3A_351 = tpu.vector_load %arg6[%swap3A_350] {strides = array<i32>} : memref<64xi32, #tpu.memory_space<vmem>>, vector<16xi32>,
      %swap3A_352 = vector.shape_cast %swap3A_351 : vector<16xi32> to vector<16xi32>
      %swap3A_353 = vector.shape_cast %select_n3A_349 : vector<16xi32> to vector<16xi32>
      tpu.vector_store %arg6[%swap3A_350], %swap3A_353 {strides = array<i32>} : memref<64xi32, #tpu.memory_space<vmem>>, vector<16xi32>,
      %dma_start3A_354 = arith.constant 0 : i32
      %dma_start3A_355 = arith.constant 0 : i32
      %dma_start3A_356 = tpu.memref_slice %arg7[%dma_start3A_354, %dma_start3A_355] : memref<32x1024xf32, #tpu.memory_space<vmem>> -> memref<8x1024xf32, #tpu.memory_space<vmem>>
      %dma_start3A_357 = arith.constant 0 : i32
      %dma_start3A_358 = tpu.memref_slice %arg6[%dma_start3A_357] : memref<64xi32, #tpu.memory_space<vmem>> -> memref<8xi32, #tpu.memory_space<vmem>>
      %dma_start3A_359 = arith.constant 0 : i32
      %dma_start3A_360 = arith.constant 0 : i32
      %dma_start3A_361 = tpu.memref_slice %arg3[%dma_start3A_359, %dma_start3A_360] : memref<100000x1024xf32, #tpu.memory_space<hbm>> -> memref<100000x1024xf32, #tpu.memory_space<hbm>>
      tpu.enqueue_indirect_dma source(%dma_start3A_361 : memref<100000x1024xf32, #tpu.memory_space<hbm>>) target(%dma_start3A_356 : memref<8x1024xf32, #tpu.memory_space<vmem>>) offsets(%dma_start3A_358 : memref<8xi32, #tpu.memory_space<vmem>>) semaphore(%arg11 : memref<!tpu.dma_semaphore, #tpu.memory_space<semaphore_mem>>)
      %dma_start3A_362 = arith.constant 8 : i32
      %dma_start3A_363 = arith.constant 0 : i32
      %dma_start3A_364 = tpu.memref_slice %arg7[%dma_start3A_362, %dma_start3A_363] : memref<32x1024xf32, #tpu.memory_space<vmem>> -> memref<8x1024xf32, #tpu.memory_space<vmem>>
      %dma_start3A_365 = arith.constant 16 : i32
      %dma_start3A_366 = tpu.memref_slice %arg6[%dma_start3A_365] : memref<64xi32, #tpu.memory_space<vmem>> -> memref<8xi32, #tpu.memory_space<vmem>>
      %dma_start3A_367 = arith.constant 0 : i32
      %dma_start3A_368 = arith.constant 0 : i32
      %dma_start3A_369 = tpu.memref_slice %arg3[%dma_start3A_367, %dma_start3A_368] : memref<100000x1024xf32, #tpu.memory_space<hbm>> -> memref<100000x1024xf32, #tpu.memory_space<hbm>>
      tpu.enqueue_indirect_dma source(%dma_start3A_369 : memref<100000x1024xf32, #tpu.memory_space<hbm>>) target(%dma_start3A_364 : memref<8x1024xf32, #tpu.memory_space<vmem>>) offsets(%dma_start3A_366 : memref<8xi32, #tpu.memory_space<vmem>>) semaphore(%arg11 : memref<!tpu.dma_semaphore, #tpu.memory_space<semaphore_mem>>)
      %dma_start3A_370 = arith.constant 16 : i32
      %dma_start3A_371 = arith.constant 0 : i32
      %dma_start3A_372 = tpu.memref_slice %arg7[%dma_start3A_370, %dma_start3A_371] : memref<32x1024xf32, #tpu.memory_space<vmem>> -> memref<8x1024xf32, #tpu.memory_space<vmem>>
      %dma_start3A_373 = arith.constant 32 : i32
      %dma_start3A_374 = tpu.memref_slice %arg6[%dma_start3A_373] : memref<64xi32, #tpu.memory_space<vmem>> -> memref<8xi32, #tpu.memory_space<vmem>>
      %dma_start3A_375 = arith.constant 0 : i32
      %dma_start3A_376 = arith.constant 0 : i32
      %dma_start3A_377 = tpu.memref_slice %arg3[%dma_start3A_375, %dma_start3A_376] : memref<100000x1024xf32, #tpu.memory_space<hbm>> -> memref<100000x1024xf32, #tpu.memory_space<hbm>>
      tpu.enqueue_indirect_dma source(%dma_start3A_377 : memref<100000x1024xf32, #tpu.memory_space<hbm>>) target(%dma_start3A_372 : memref<8x1024xf32, #tpu.memory_space<vmem>>) offsets(%dma_start3A_374 : memref<8xi32, #tpu.memory_space<vmem>>) semaphore(%arg11 : memref<!tpu.dma_semaphore, #tpu.memory_space<semaphore_mem>>)
      %dma_start3A_378 = arith.constant 24 : i32
      %dma_start3A_379 = arith.constant 0 : i32
      %dma_start3A_380 = tpu.memref_slice %arg7[%dma_start3A_378, %dma_start3A_379] : memref<32x1024xf32, #tpu.memory_space<vmem>> -> memref<8x1024xf32, #tpu.memory_space<vmem>>
      %dma_start3A_381 = arith.constant 48 : i32
      %dma_start3A_382 = tpu.memref_slice %arg6[%dma_start3A_381] : memref<64xi32, #tpu.memory_space<vmem>> -> memref<8xi32, #tpu.memory_space<vmem>>
      %dma_start3A_383 = arith.constant 0 : i32
      %dma_start3A_384 = arith.constant 0 : i32
      %dma_start3A_385 = tpu.memref_slice %arg3[%dma_start3A_383, %dma_start3A_384] : memref<100000x1024xf32, #tpu.memory_space<hbm>> -> memref<100000x1024xf32, #tpu.memory_space<hbm>>
      tpu.enqueue_indirect_dma source(%dma_start3A_385 : memref<100000x1024xf32, #tpu.memory_space<hbm>>) target(%dma_start3A_380 : memref<8x1024xf32, #tpu.memory_space<vmem>>) offsets(%dma_start3A_382 : memref<8xi32, #tpu.memory_space<vmem>>) semaphore(%arg11 : memref<!tpu.dma_semaphore, #tpu.memory_space<semaphore_mem>>)
      %ne3A_386 = arith.constant 0 : i32
      %ne3A_387 = arith.cmpi ne, %scan3A_166, %ne3A_386 : i32
      %convert_element_type3A_388 = arith.extui %ne3A_387 : i1 to i32
      %cond3A_389 = arith.constant 0 : i32
      %cond3A_390 = arith.cmpi ne, %convert_element_type3A_388, %cond3A_389 : i32
      scf.if %cond3A_390 {
        %add3A_403 = arith.constant 8 : i32
        %add3A_404 = arith.addi %add3A_169, %add3A_403 : i32
        %dma_wait3A_405 = arith.constant 0 : i32
        %dma_wait3A_406 = tpu.memref_slice %arg4[%add3A_404, %dma_wait3A_405] : memref<3072x1024xf32, #tpu.memory_space<hbm>> -> memref<8x1024xf32, #tpu.memory_space<hbm>>
        %dma_wait3A_407 = arith.constant 0 : i32
        %dma_wait3A_408 = tpu.memref_slice %arg4[%add3A_404, %dma_wait3A_407] : memref<3072x1024xf32, #tpu.memory_space<hbm>> -> memref<8x1024xf32, #tpu.memory_space<hbm>>
        tpu.wait_dma2 semaphore(%arg14 : memref<!tpu.dma_semaphore, #tpu.memory_space<semaphore_mem>>) src(%arg10 : memref<8x1024xf32, #tpu.memory_space<vmem>>) dst(%dma_wait3A_408 : memref<8x1024xf32, #tpu.memory_space<hbm>>)
      } else {
      }
      %scan3A_391 = arith.constant 0 : i32
      %scan3A_392 = arith.constant 0 : i32
      %scan3A_393 = arith.constant 64 : i32
      %scan3A_394 = arith.addi %scan3A_392, %scan3A_393 : i32
      %scan3A_395 = arith.constant 1 : i32
      scf.for %scan3A_403 = %scan3A_392 to %scan3A_394 step %scan3A_395  : i32 {
        %mul3A_404 = arith.constant 16 : i32
        %mul3A_405 = arith.muli %scan3A_403, %mul3A_404 : i32
        %get3A_406 = arith.constant 0 : i32
        %get3A_407 = arith.index_cast %get3A_406 : i32 to index
        %get3A_408 = arith.index_cast %mul3A_405 : i32 to index
        %get3A_409 = tpu.vector_load %arg8[%get3A_407, %get3A_408] {strides = array<i32>} : memref<32x1024xf32, #tpu.memory_space<vmem>>, vector<1x16xf32>,
        %get3A_410 = vector.shape_cast %get3A_409 : vector<1x16xf32> to vector<16xf32>
        %get3A_411 = arith.constant 8 : i32
        %get3A_412 = arith.index_cast %get3A_411 : i32 to index
        %get3A_413 = arith.index_cast %mul3A_405 : i32 to index
        %get3A_414 = tpu.vector_load %arg8[%get3A_412, %get3A_413] {strides = array<i32>} : memref<32x1024xf32, #tpu.memory_space<vmem>>, vector<1x16xf32>,
        %get3A_415 = vector.shape_cast %get3A_414 : vector<1x16xf32> to vector<16xf32>
        %add3A_416 = arith.addf %get3A_410, %get3A_415 : vector<16xf32>
        %get3A_417 = arith.constant 16 : i32
        %get3A_418 = arith.index_cast %get3A_417 : i32 to index
        %get3A_419 = arith.index_cast %mul3A_405 : i32 to index
        %get3A_420 = tpu.vector_load %arg8[%get3A_418, %get3A_419] {strides = array<i32>} : memref<32x1024xf32, #tpu.memory_space<vmem>>, vector<1x16xf32>,
        %get3A_421 = vector.shape_cast %get3A_420 : vector<1x16xf32> to vector<16xf32>
        %get3A_422 = arith.constant 24 : i32
        %get3A_423 = arith.index_cast %get3A_422 : i32 to index
        %get3A_424 = arith.index_cast %mul3A_405 : i32 to index
        %get3A_425 = tpu.vector_load %arg8[%get3A_423, %get3A_424] {strides = array<i32>} : memref<32x1024xf32, #tpu.memory_space<vmem>>, vector<1x16xf32>,
        %get3A_426 = vector.shape_cast %get3A_425 : vector<1x16xf32> to vector<16xf32>
        %add3A_427 = arith.addf %get3A_421, %get3A_426 : vector<16xf32>
        %add3A_428 = arith.addf %add3A_416, %add3A_427 : vector<16xf32>
        %swap3A_429 = arith.constant 0 : i32
        %swap3A_430 = arith.index_cast %swap3A_429 : i32 to index
        %swap3A_431 = arith.index_cast %mul3A_405 : i32 to index
        %swap3A_432 = tpu.vector_load %arg10[%swap3A_430, %swap3A_431] {strides = array<i32>} : memref<8x1024xf32, #tpu.memory_space<vmem>>, vector<1x16xf32>,
        %swap3A_433 = vector.shape_cast %swap3A_432 : vector<1x16xf32> to vector<16xf32>
        %swap3A_434 = vector.shape_cast %add3A_428 : vector<16xf32> to vector<1x16xf32>
        tpu.vector_store %arg10[%swap3A_430, %swap3A_431], %swap3A_434 {strides = array<i32>} : memref<8x1024xf32, #tpu.memory_space<vmem>>, vector<1x16xf32>,
        %get3A_435 = arith.constant 1 : i32
        %get3A_436 = arith.index_cast %get3A_435 : i32 to index
        %get3A_437 = arith.index_cast %mul3A_405 : i32 to index
        %get3A_438 = tpu.vector_load %arg8[%get3A_436, %get3A_437] {strides = array<i32>} : memref<32x1024xf32, #tpu.memory_space<vmem>>, vector<1x16xf32>,
        %get3A_439 = vector.shape_cast %get3A_438 : vector<1x16xf32> to vector<16xf32>
        %get3A_440 = arith.constant 9 : i32
        %get3A_441 = arith.index_cast %get3A_440 : i32 to index
        %get3A_442 = arith.index_cast %mul3A_405 : i32 to index
        %get3A_443 = tpu.vector_load %arg8[%get3A_441, %get3A_442] {strides = array<i32>} : memref<32x1024xf32, #tpu.memory_space<vmem>>, vector<1x16xf32>,
        %get3A_444 = vector.shape_cast %get3A_443 : vector<1x16xf32> to vector<16xf32>
        %add3A_445 = arith.addf %get3A_439, %get3A_444 : vector<16xf32>
        %get3A_446 = arith.constant 17 : i32
        %get3A_447 = arith.index_cast %get3A_446 : i32 to index
        %get3A_448 = arith.index_cast %mul3A_405 : i32 to index
        %get3A_449 = tpu.vector_load %arg8[%get3A_447, %get3A_448] {strides = array<i32>} : memref<32x1024xf32, #tpu.memory_space<vmem>>, vector<1x16xf32>,
        %get3A_450 = vector.shape_cast %get3A_449 : vector<1x16xf32> to vector<16xf32>
        %get3A_451 = arith.constant 25 : i32
        %get3A_452 = arith.index_cast %get3A_451 : i32 to index
        %get3A_453 = arith.index_cast %mul3A_405 : i32 to index
        %get3A_454 = tpu.vector_load %arg8[%get3A_452, %get3A_453] {strides = array<i32>} : memref<32x1024xf32, #tpu.memory_space<vmem>>, vector<1x16xf32>,
        %get3A_455 = vector.shape_cast %get3A_454 : vector<1x16xf32> to vector<16xf32>
        %add3A_456 = arith.addf %get3A_450, %get3A_455 : vector<16xf32>
        %add3A_457 = arith.addf %add3A_445, %add3A_456 : vector<16xf32>
        %swap3A_458 = arith.constant 1 : i32
        %swap3A_459 = arith.index_cast %swap3A_458 : i32 to index
        %swap3A_460 = arith.index_cast %mul3A_405 : i32 to index
        %swap3A_461 = tpu.vector_load %arg10[%swap3A_459, %swap3A_460] {strides = array<i32>} : memref<8x1024xf32, #tpu.memory_space<vmem>>, vector<1x16xf32>,
        %swap3A_462 = vector.shape_cast %swap3A_461 : vector<1x16xf32> to vector<16xf32>
        %swap3A_463 = vector.shape_cast %add3A_457 : vector<16xf32> to vector<1x16xf32>
        tpu.vector_store %arg10[%swap3A_459, %swap3A_460], %swap3A_463 {strides = array<i32>} : memref<8x1024xf32, #tpu.memory_space<vmem>>, vector<1x16xf32>,
        %get3A_464 = arith.constant 2 : i32
        %get3A_465 = arith.index_cast %get3A_464 : i32 to index
        %get3A_466 = arith.index_cast %mul3A_405 : i32 to index
        %get3A_467 = tpu.vector_load %arg8[%get3A_465, %get3A_466] {strides = array<i32>} : memref<32x1024xf32, #tpu.memory_space<vmem>>, vector<1x16xf32>,
        %get3A_468 = vector.shape_cast %get3A_467 : vector<1x16xf32> to vector<16xf32>
        %get3A_469 = arith.constant 10 : i32
        %get3A_470 = arith.index_cast %get3A_469 : i32 to index
        %get3A_471 = arith.index_cast %mul3A_405 : i32 to index
        %get3A_472 = tpu.vector_load %arg8[%get3A_470, %get3A_471] {strides = array<i32>} : memref<32x1024xf32, #tpu.memory_space<vmem>>, vector<1x16xf32>,
        %get3A_473 = vector.shape_cast %get3A_472 : vector<1x16xf32> to vector<16xf32>
        %add3A_474 = arith.addf %get3A_468, %get3A_473 : vector<16xf32>
        %get3A_475 = arith.constant 18 : i32
        %get3A_476 = arith.index_cast %get3A_475 : i32 to index
        %get3A_477 = arith.index_cast %mul3A_405 : i32 to index
        %get3A_478 = tpu.vector_load %arg8[%get3A_476, %get3A_477] {strides = array<i32>} : memref<32x1024xf32, #tpu.memory_space<vmem>>, vector<1x16xf32>,
        %get3A_479 = vector.shape_cast %get3A_478 : vector<1x16xf32> to vector<16xf32>
        %get3A_480 = arith.constant 26 : i32
        %get3A_481 = arith.index_cast %get3A_480 : i32 to index
        %get3A_482 = arith.index_cast %mul3A_405 : i32 to index
        %get3A_483 = tpu.vector_load %arg8[%get3A_481, %get3A_482] {strides = array<i32>} : memref<32x1024xf32, #tpu.memory_space<vmem>>, vector<1x16xf32>,
        %get3A_484 = vector.shape_cast %get3A_483 : vector<1x16xf32> to vector<16xf32>
        %add3A_485 = arith.addf %get3A_479, %get3A_484 : vector<16xf32>
        %add3A_486 = arith.addf %add3A_474, %add3A_485 : vector<16xf32>
        %swap3A_487 = arith.constant 2 : i32
        %swap3A_488 = arith.index_cast %swap3A_487 : i32 to index
        %swap3A_489 = arith.index_cast %mul3A_405 : i32 to index
        %swap3A_490 = tpu.vector_load %arg10[%swap3A_488, %swap3A_489] {strides = array<i32>} : memref<8x1024xf32, #tpu.memory_space<vmem>>, vector<1x16xf32>,
        %swap3A_491 = vector.shape_cast %swap3A_490 : vector<1x16xf32> to vector<16xf32>
        %swap3A_492 = vector.shape_cast %add3A_486 : vector<16xf32> to vector<1x16xf32>
        tpu.vector_store %arg10[%swap3A_488, %swap3A_489], %swap3A_492 {strides = array<i32>} : memref<8x1024xf32, #tpu.memory_space<vmem>>, vector<1x16xf32>,
        %get3A_493 = arith.constant 3 : i32
        %get3A_494 = arith.index_cast %get3A_493 : i32 to index
        %get3A_495 = arith.index_cast %mul3A_405 : i32 to index
        %get3A_496 = tpu.vector_load %arg8[%get3A_494, %get3A_495] {strides = array<i32>} : memref<32x1024xf32, #tpu.memory_space<vmem>>, vector<1x16xf32>,
        %get3A_497 = vector.shape_cast %get3A_496 : vector<1x16xf32> to vector<16xf32>
        %get3A_498 = arith.constant 11 : i32
        %get3A_499 = arith.index_cast %get3A_498 : i32 to index
        %get3A_500 = arith.index_cast %mul3A_405 : i32 to index
        %get3A_501 = tpu.vector_load %arg8[%get3A_499, %get3A_500] {strides = array<i32>} : memref<32x1024xf32, #tpu.memory_space<vmem>>, vector<1x16xf32>,
        %get3A_502 = vector.shape_cast %get3A_501 : vector<1x16xf32> to vector<16xf32>
        %add3A_503 = arith.addf %get3A_497, %get3A_502 : vector<16xf32>
        %get3A_504 = arith.constant 19 : i32
        %get3A_505 = arith.index_cast %get3A_504 : i32 to index
        %get3A_506 = arith.index_cast %mul3A_405 : i32 to index
        %get3A_507 = tpu.vector_load %arg8[%get3A_505, %get3A_506] {strides = array<i32>} : memref<32x1024xf32, #tpu.memory_space<vmem>>, vector<1x16xf32>,
        %get3A_508 = vector.shape_cast %get3A_507 : vector<1x16xf32> to vector<16xf32>
        %get3A_509 = arith.constant 27 : i32
        %get3A_510 = arith.index_cast %get3A_509 : i32 to index
        %get3A_511 = arith.index_cast %mul3A_405 : i32 to index
        %get3A_512 = tpu.vector_load %arg8[%get3A_510, %get3A_511] {strides = array<i32>} : memref<32x1024xf32, #tpu.memory_space<vmem>>, vector<1x16xf32>,
        %get3A_513 = vector.shape_cast %get3A_512 : vector<1x16xf32> to vector<16xf32>
        %add3A_514 = arith.addf %get3A_508, %get3A_513 : vector<16xf32>
        %add3A_515 = arith.addf %add3A_503, %add3A_514 : vector<16xf32>
        %swap3A_516 = arith.constant 3 : i32
        %swap3A_517 = arith.index_cast %swap3A_516 : i32 to index
        %swap3A_518 = arith.index_cast %mul3A_405 : i32 to index
        %swap3A_519 = tpu.vector_load %arg10[%swap3A_517, %swap3A_518] {strides = array<i32>} : memref<8x1024xf32, #tpu.memory_space<vmem>>, vector<1x16xf32>,
        %swap3A_520 = vector.shape_cast %swap3A_519 : vector<1x16xf32> to vector<16xf32>
        %swap3A_521 = vector.shape_cast %add3A_515 : vector<16xf32> to vector<1x16xf32>
        tpu.vector_store %arg10[%swap3A_517, %swap3A_518], %swap3A_521 {strides = array<i32>} : memref<8x1024xf32, #tpu.memory_space<vmem>>, vector<1x16xf32>,
        %get3A_522 = arith.constant 4 : i32
        %get3A_523 = arith.index_cast %get3A_522 : i32 to index
        %get3A_524 = arith.index_cast %mul3A_405 : i32 to index
        %get3A_525 = tpu.vector_load %arg8[%get3A_523, %get3A_524] {strides = array<i32>} : memref<32x1024xf32, #tpu.memory_space<vmem>>, vector<1x16xf32>,
        %get3A_526 = vector.shape_cast %get3A_525 : vector<1x16xf32> to vector<16xf32>
        %get3A_527 = arith.constant 12 : i32
        %get3A_528 = arith.index_cast %get3A_527 : i32 to index
        %get3A_529 = arith.index_cast %mul3A_405 : i32 to index
        %get3A_530 = tpu.vector_load %arg8[%get3A_528, %get3A_529] {strides = array<i32>} : memref<32x1024xf32, #tpu.memory_space<vmem>>, vector<1x16xf32>,
        %get3A_531 = vector.shape_cast %get3A_530 : vector<1x16xf32> to vector<16xf32>
        %add3A_532 = arith.addf %get3A_526, %get3A_531 : vector<16xf32>
        %get3A_533 = arith.constant 20 : i32
        %get3A_534 = arith.index_cast %get3A_533 : i32 to index
        %get3A_535 = arith.index_cast %mul3A_405 : i32 to index
        %get3A_536 = tpu.vector_load %arg8[%get3A_534, %get3A_535] {strides = array<i32>} : memref<32x1024xf32, #tpu.memory_space<vmem>>, vector<1x16xf32>,
        %get3A_537 = vector.shape_cast %get3A_536 : vector<1x16xf32> to vector<16xf32>
        %get3A_538 = arith.constant 28 : i32
        %get3A_539 = arith.index_cast %get3A_538 : i32 to index
        %get3A_540 = arith.index_cast %mul3A_405 : i32 to index
        %get3A_541 = tpu.vector_load %arg8[%get3A_539, %get3A_540] {strides = array<i32>} : memref<32x1024xf32, #tpu.memory_space<vmem>>, vector<1x16xf32>,
        %get3A_542 = vector.shape_cast %get3A_541 : vector<1x16xf32> to vector<16xf32>
        %add3A_543 = arith.addf %get3A_537, %get3A_542 : vector<16xf32>
        %add3A_544 = arith.addf %add3A_532, %add3A_543 : vector<16xf32>
        %swap3A_545 = arith.constant 4 : i32
        %swap3A_546 = arith.index_cast %swap3A_545 : i32 to index
        %swap3A_547 = arith.index_cast %mul3A_405 : i32 to index
        %swap3A_548 = tpu.vector_load %arg10[%swap3A_546, %swap3A_547] {strides = array<i32>} : memref<8x1024xf32, #tpu.memory_space<vmem>>, vector<1x16xf32>,
        %swap3A_549 = vector.shape_cast %swap3A_548 : vector<1x16xf32> to vector<16xf32>
        %swap3A_550 = vector.shape_cast %add3A_544 : vector<16xf32> to vector<1x16xf32>
        tpu.vector_store %arg10[%swap3A_546, %swap3A_547], %swap3A_550 {strides = array<i32>} : memref<8x1024xf32, #tpu.memory_space<vmem>>, vector<1x16xf32>,
        %get3A_551 = arith.constant 5 : i32
        %get3A_552 = arith.index_cast %get3A_551 : i32 to index
        %get3A_553 = arith.index_cast %mul3A_405 : i32 to index
        %get3A_554 = tpu.vector_load %arg8[%get3A_552, %get3A_553] {strides = array<i32>} : memref<32x1024xf32, #tpu.memory_space<vmem>>, vector<1x16xf32>,
        %get3A_555 = vector.shape_cast %get3A_554 : vector<1x16xf32> to vector<16xf32>
        %get3A_556 = arith.constant 13 : i32
        %get3A_557 = arith.index_cast %get3A_556 : i32 to index
        %get3A_558 = arith.index_cast %mul3A_405 : i32 to index
        %get3A_559 = tpu.vector_load %arg8[%get3A_557, %get3A_558] {strides = array<i32>} : memref<32x1024xf32, #tpu.memory_space<vmem>>, vector<1x16xf32>,
        %get3A_560 = vector.shape_cast %get3A_559 : vector<1x16xf32> to vector<16xf32>
        %add3A_561 = arith.addf %get3A_555, %get3A_560 : vector<16xf32>
        %get3A_562 = arith.constant 21 : i32
        %get3A_563 = arith.index_cast %get3A_562 : i32 to index
        %get3A_564 = arith.index_cast %mul3A_405 : i32 to index
        %get3A_565 = tpu.vector_load %arg8[%get3A_563, %get3A_564] {strides = array<i32>} : memref<32x1024xf32, #tpu.memory_space<vmem>>, vector<1x16xf32>,
        %get3A_566 = vector.shape_cast %get3A_565 : vector<1x16xf32> to vector<16xf32>
        %get3A_567 = arith.constant 29 : i32
        %get3A_568 = arith.index_cast %get3A_567 : i32 to index
        %get3A_569 = arith.index_cast %mul3A_405 : i32 to index
        %get3A_570 = tpu.vector_load %arg8[%get3A_568, %get3A_569] {strides = array<i32>} : memref<32x1024xf32, #tpu.memory_space<vmem>>, vector<1x16xf32>,
        %get3A_571 = vector.shape_cast %get3A_570 : vector<1x16xf32> to vector<16xf32>
        %add3A_572 = arith.addf %get3A_566, %get3A_571 : vector<16xf32>
        %add3A_573 = arith.addf %add3A_561, %add3A_572 : vector<16xf32>
        %swap3A_574 = arith.constant 5 : i32
        %swap3A_575 = arith.index_cast %swap3A_574 : i32 to index
        %swap3A_576 = arith.index_cast %mul3A_405 : i32 to index
        %swap3A_577 = tpu.vector_load %arg10[%swap3A_575, %swap3A_576] {strides = array<i32>} : memref<8x1024xf32, #tpu.memory_space<vmem>>, vector<1x16xf32>,
        %swap3A_578 = vector.shape_cast %swap3A_577 : vector<1x16xf32> to vector<16xf32>
        %swap3A_579 = vector.shape_cast %add3A_573 : vector<16xf32> to vector<1x16xf32>
        tpu.vector_store %arg10[%swap3A_575, %swap3A_576], %swap3A_579 {strides = array<i32>} : memref<8x1024xf32, #tpu.memory_space<vmem>>, vector<1x16xf32>,
        %get3A_580 = arith.constant 6 : i32
        %get3A_581 = arith.index_cast %get3A_580 : i32 to index
        %get3A_582 = arith.index_cast %mul3A_405 : i32 to index
        %get3A_583 = tpu.vector_load %arg8[%get3A_581, %get3A_582] {strides = array<i32>} : memref<32x1024xf32, #tpu.memory_space<vmem>>, vector<1x16xf32>,
        %get3A_584 = vector.shape_cast %get3A_583 : vector<1x16xf32> to vector<16xf32>
        %get3A_585 = arith.constant 14 : i32
        %get3A_586 = arith.index_cast %get3A_585 : i32 to index
        %get3A_587 = arith.index_cast %mul3A_405 : i32 to index
        %get3A_588 = tpu.vector_load %arg8[%get3A_586, %get3A_587] {strides = array<i32>} : memref<32x1024xf32, #tpu.memory_space<vmem>>, vector<1x16xf32>,
        %get3A_589 = vector.shape_cast %get3A_588 : vector<1x16xf32> to vector<16xf32>
        %add3A_590 = arith.addf %get3A_584, %get3A_589 : vector<16xf32>
        %get3A_591 = arith.constant 22 : i32
        %get3A_592 = arith.index_cast %get3A_591 : i32 to index
        %get3A_593 = arith.index_cast %mul3A_405 : i32 to index
        %get3A_594 = tpu.vector_load %arg8[%get3A_592, %get3A_593] {strides = array<i32>} : memref<32x1024xf32, #tpu.memory_space<vmem>>, vector<1x16xf32>,
        %get3A_595 = vector.shape_cast %get3A_594 : vector<1x16xf32> to vector<16xf32>
        %get3A_596 = arith.constant 30 : i32
        %get3A_597 = arith.index_cast %get3A_596 : i32 to index
        %get3A_598 = arith.index_cast %mul3A_405 : i32 to index
        %get3A_599 = tpu.vector_load %arg8[%get3A_597, %get3A_598] {strides = array<i32>} : memref<32x1024xf32, #tpu.memory_space<vmem>>, vector<1x16xf32>,
        %get3A_600 = vector.shape_cast %get3A_599 : vector<1x16xf32> to vector<16xf32>
        %add3A_601 = arith.addf %get3A_595, %get3A_600 : vector<16xf32>
        %add3A_602 = arith.addf %add3A_590, %add3A_601 : vector<16xf32>
        %swap3A_603 = arith.constant 6 : i32
        %swap3A_604 = arith.index_cast %swap3A_603 : i32 to index
        %swap3A_605 = arith.index_cast %mul3A_405 : i32 to index
        %swap3A_606 = tpu.vector_load %arg10[%swap3A_604, %swap3A_605] {strides = array<i32>} : memref<8x1024xf32, #tpu.memory_space<vmem>>, vector<1x16xf32>,
        %swap3A_607 = vector.shape_cast %swap3A_606 : vector<1x16xf32> to vector<16xf32>
        %swap3A_608 = vector.shape_cast %add3A_602 : vector<16xf32> to vector<1x16xf32>
        tpu.vector_store %arg10[%swap3A_604, %swap3A_605], %swap3A_608 {strides = array<i32>} : memref<8x1024xf32, #tpu.memory_space<vmem>>, vector<1x16xf32>,
        %get3A_609 = arith.constant 7 : i32
        %get3A_610 = arith.index_cast %get3A_609 : i32 to index
        %get3A_611 = arith.index_cast %mul3A_405 : i32 to index
        %get3A_612 = tpu.vector_load %arg8[%get3A_610, %get3A_611] {strides = array<i32>} : memref<32x1024xf32, #tpu.memory_space<vmem>>, vector<1x16xf32>,
        %get3A_613 = vector.shape_cast %get3A_612 : vector<1x16xf32> to vector<16xf32>
        %get3A_614 = arith.constant 15 : i32
        %get3A_615 = arith.index_cast %get3A_614 : i32 to index
        %get3A_616 = arith.index_cast %mul3A_405 : i32 to index
        %get3A_617 = tpu.vector_load %arg8[%get3A_615, %get3A_616] {strides = array<i32>} : memref<32x1024xf32, #tpu.memory_space<vmem>>, vector<1x16xf32>,
        %get3A_618 = vector.shape_cast %get3A_617 : vector<1x16xf32> to vector<16xf32>
        %add3A_619 = arith.addf %get3A_613, %get3A_618 : vector<16xf32>
        %get3A_620 = arith.constant 23 : i32
        %get3A_621 = arith.index_cast %get3A_620 : i32 to index
        %get3A_622 = arith.index_cast %mul3A_405 : i32 to index
        %get3A_623 = tpu.vector_load %arg8[%get3A_621, %get3A_622] {strides = array<i32>} : memref<32x1024xf32, #tpu.memory_space<vmem>>, vector<1x16xf32>,
        %get3A_624 = vector.shape_cast %get3A_623 : vector<1x16xf32> to vector<16xf32>
        %get3A_625 = arith.constant 31 : i32
        %get3A_626 = arith.index_cast %get3A_625 : i32 to index
        %get3A_627 = arith.index_cast %mul3A_405 : i32 to index
        %get3A_628 = tpu.vector_load %arg8[%get3A_626, %get3A_627] {strides = array<i32>} : memref<32x1024xf32, #tpu.memory_space<vmem>>, vector<1x16xf32>,
        %get3A_629 = vector.shape_cast %get3A_628 : vector<1x16xf32> to vector<16xf32>
        %add3A_630 = arith.addf %get3A_624, %get3A_629 : vector<16xf32>
        %add3A_631 = arith.addf %add3A_619, %add3A_630 : vector<16xf32>
        %swap3A_632 = arith.constant 7 : i32
        %swap3A_633 = arith.index_cast %swap3A_632 : i32 to index
        %swap3A_634 = arith.index_cast %mul3A_405 : i32 to index
        %swap3A_635 = tpu.vector_load %arg10[%swap3A_633, %swap3A_634] {strides = array<i32>} : memref<8x1024xf32, #tpu.memory_space<vmem>>, vector<1x16xf32>,
        %swap3A_636 = vector.shape_cast %swap3A_635 : vector<1x16xf32> to vector<16xf32>
        %swap3A_637 = vector.shape_cast %add3A_631 : vector<16xf32> to vector<1x16xf32>
        tpu.vector_store %arg10[%swap3A_633, %swap3A_634], %swap3A_637 {strides = array<i32>} : memref<8x1024xf32, #tpu.memory_space<vmem>>, vector<1x16xf32>,
      }
      %scan3A_396 = arith.constant 64 : i32
      %add3A_397 = arith.constant 8 : i32
      %add3A_398 = arith.addi %add3A_169, %add3A_397 : i32
      %dma_start3A_399 = arith.constant 0 : i32
      %dma_start3A_400 = tpu.memref_slice %arg4[%add3A_398, %dma_start3A_399] : memref<3072x1024xf32, #tpu.memory_space<hbm>> -> memref<8x1024xf32, #tpu.memory_space<hbm>>
      %dma_start3A_401 = arith.constant 0 : i32
      %dma_start3A_402 = tpu.memref_slice %arg4[%add3A_398, %dma_start3A_401] : memref<3072x1024xf32, #tpu.memory_space<hbm>> -> memref<8x1024xf32, #tpu.memory_space<hbm>>
      tpu.enqueue_dma source(%arg10 : memref<8x1024xf32, #tpu.memory_space<vmem>>) target(%dma_start3A_402 : memref<8x1024xf32, #tpu.memory_space<hbm>>) target_semaphore(%arg14 : memref<!tpu.dma_semaphore, #tpu.memory_space<semaphore_mem>>)
    }
    %scan3A_150 = arith.constant 6 : i32
    %dma_wait3A = arith.constant 0 : i32
    %dma_wait3A_151 = arith.constant 0 : i32
    %dma_wait3A_152 = tpu.memref_slice %arg3[%dma_wait3A, %dma_wait3A_151] : memref<100000x1024xf32, #tpu.memory_space<hbm>> -> memref<32x1024xf32, #tpu.memory_space<hbm>>
    %dma_wait3A_153 = arith.constant 0 : i32
    %dma_wait3A_154 = arith.constant 0 : i32
    %dma_wait3A_155 = tpu.memref_slice %arg3[%dma_wait3A_153, %dma_wait3A_154] : memref<100000x1024xf32, #tpu.memory_space<hbm>> -> memref<32x1024xf32, #tpu.memory_space<hbm>>
    tpu.wait_dma2 semaphore(%arg11 : memref<!tpu.dma_semaphore, #tpu.memory_space<semaphore_mem>>) src(%dma_wait3A_155 : memref<32x1024xf32, #tpu.memory_space<hbm>>) dst(%arg7 : memref<32x1024xf32, #tpu.memory_space<vmem>>)
    %dma_wait3A_156 = arith.constant 0 : i32
    %dma_wait3A_157 = tpu.memref_slice %arg4[%mul3A_2, %dma_wait3A_156] : memref<3072x1024xf32, #tpu.memory_space<hbm>> -> memref<8x1024xf32, #tpu.memory_space<hbm>>
    %dma_wait3A_158 = arith.constant 0 : i32
    %dma_wait3A_159 = tpu.memref_slice %arg4[%mul3A_2, %dma_wait3A_158] : memref<3072x1024xf32, #tpu.memory_space<hbm>> -> memref<8x1024xf32, #tpu.memory_space<hbm>>
    tpu.wait_dma2 semaphore(%arg13 : memref<!tpu.dma_semaphore, #tpu.memory_space<semaphore_mem>>) src(%arg9 : memref<8x1024xf32, #tpu.memory_space<vmem>>) dst(%dma_wait3A_159 : memref<8x1024xf32, #tpu.memory_space<hbm>>)
    %add3A_160 = arith.constant 8 : i32
    %add3A_161 = arith.addi %mul3A_2, %add3A_160 : i32
    %dma_wait3A_162 = arith.constant 0 : i32
    %dma_wait3A_163 = tpu.memref_slice %arg4[%add3A_161, %dma_wait3A_162] : memref<3072x1024xf32, #tpu.memory_space<hbm>> -> memref<8x1024xf32, #tpu.memory_space<hbm>>
    %dma_wait3A_164 = arith.constant 0 : i32
    %dma_wait3A_165 = tpu.memref_slice %arg4[%add3A_161, %dma_wait3A_164] : memref<3072x1024xf32, #tpu.memory_space<hbm>> -> memref<8x1024xf32, #tpu.memory_space<hbm>>
    tpu.wait_dma2 semaphore(%arg14 : memref<!tpu.dma_semaphore, #tpu.memory_space<semaphore_mem>>) src(%arg10 : memref<8x1024xf32, #tpu.memory_space<vmem>>) dst(%dma_wait3A_165 : memref<8x1024xf32, #tpu.memory_space<hbm>>)
    return
  }
}

module attributes {stable_mosaic.version = 14 : i64} {
  func.func @body(%arg0: i32, %arg1: memref<8192x1024xf32, #tpu.memory_space<any>>, %arg2: memref<512x1024xf32, #tpu.memory_space<vmem>>, %arg3: memref<512x1024xf32, #tpu.memory_space<vmem>>, %arg4: memref<1024x2048xbf16, #tpu.memory_space<vmem>>, %arg5: memref<1x1024xf32, #tpu.memory_space<vmem>>, %arg6: memref<1x1024xf32, #tpu.memory_space<vmem>>, %arg7: memref<1x1xf32, #tpu.memory_space<vmem>>, %arg8: memref<1024x1024xbf16, #tpu.memory_space<vmem>>, %arg9: memref<1x1024xf32, #tpu.memory_space<vmem>>, %arg10: memref<512x1024xf32, #tpu.memory_space<vmem>>) attributes {dimension_semantics = [#tpu.dimension_semantics<arbitrary>], iteration_bounds = array<i64: 6>, scalar_prefetch = 0 : i64, scratch_operands = 0 : i64, tpu.core_type = #tpu.core_type<tc>, window_params = [{}, {transform_indices = @transform_1, window_bounds = array<i64: 512, 1024>}, {transform_indices = @transform_2, window_bounds = array<i64: 512, 1024>}, {pipeline_mode = #tpu.pipeline_mode<synchronous>, transform_indices = @transform_3, window_bounds = array<i64: 1024, 2048>}, {pipeline_mode = #tpu.pipeline_mode<synchronous>, transform_indices = @transform_4, window_bounds = array<i64: 1, 1024>}, {pipeline_mode = #tpu.pipeline_mode<synchronous>, transform_indices = @transform_5, window_bounds = array<i64: 1, 1024>}, {pipeline_mode = #tpu.pipeline_mode<synchronous>, transform_indices = @transform_6, window_bounds = array<i64: 1, 1>}, {pipeline_mode = #tpu.pipeline_mode<synchronous>, transform_indices = @transform_7, window_bounds = array<i64: 1024, 1024>}, {pipeline_mode = #tpu.pipeline_mode<synchronous>, transform_indices = @transform_8, window_bounds = array<i64: 1, 1024>}, {transform_indices = @transform_9, window_bounds = array<i64: 512, 1024>}]} {
    %get3A = arith.constant 0 : index
    %get3A_0 = arith.constant 0 : index
    %get3A_1 = vector.load %arg2[%get3A, %get3A_0] : memref<512x1024xf32, #tpu.memory_space<vmem>>, vector<512x1024xf32>
    %get3A_2 = arith.constant 0 : index
    %get3A_3 = arith.constant 0 : index
    %get3A_4 = vector.load %arg3[%get3A_2, %get3A_3] : memref<512x1024xf32, #tpu.memory_space<vmem>>, vector<512x1024xf32>
    %mul3A = arith.constant 2.500000e-01 : f32
    %mul3A_5 = vector.broadcast %mul3A : f32 to vector<512x1024xf32>
    %mul3A_6 = arith.mulf %get3A_4, %mul3A_5 : vector<512x1024xf32>
    %convert_element_type3A = arith.truncf %mul3A_6 : vector<512x1024xf32> to vector<512x1024xbf16>
    %convert_element_type3A_7 = arith.truncf %get3A_1 : vector<512x1024xf32> to vector<512x1024xbf16>
    %get3A_8 = arith.constant 0 : index
    %get3A_9 = arith.constant 0 : index
    %get3A_10 = vector.load %arg4[%get3A_8, %get3A_9] : memref<1024x2048xbf16, #tpu.memory_space<vmem>>, vector<1024x1024xbf16>
    %dot_general3A = arith.constant dense<0.000000e+00> : vector<512x1024xf32>
    %dot_general3A_11 = tpu.matmul %convert_element_type3A_7, %get3A_10, %dot_general3A {dimension_numbers = #tpu.dot_dimension_numbers<[1], [1], [0], [0], [0, 0, 1, 0], [], []>, transpose_lhs_hint = false} : vector<512x1024xbf16>, vector<1024x1024xbf16>, vector<512x1024xf32> -> vector<512x1024xf32>
    %get3A_12 = arith.constant 0 : index
    %get3A_13 = arith.constant 1024 : index
    %get3A_14 = vector.load %arg4[%get3A_12, %get3A_13] : memref<1024x2048xbf16, #tpu.memory_space<vmem>>, vector<1024x1024xbf16>
    %dot_general3A_15 = arith.constant dense<0.000000e+00> : vector<512x1024xf32>
    %dot_general3A_16 = tpu.matmul %convert_element_type3A, %get3A_14, %dot_general3A_15 {dimension_numbers = #tpu.dot_dimension_numbers<[1], [1], [0], [0], [0, 0, 1, 0], [], []>, transpose_lhs_hint = false} : vector<512x1024xbf16>, vector<1024x1024xbf16>, vector<512x1024xf32> -> vector<512x1024xf32>
    %add3A = arith.addf %dot_general3A_11, %dot_general3A_16 : vector<512x1024xf32>
    %get3A_17 = arith.constant 0 : index
    %get3A_18 = arith.constant 0 : index
    %get3A_19 = vector.load %arg8[%get3A_17, %get3A_18] : memref<1024x1024xbf16, #tpu.memory_space<vmem>>, vector<1024x1024xbf16>
    %dot_general3A_20 = arith.constant dense<0.000000e+00> : vector<512x1024xf32>
    %dot_general3A_21 = tpu.matmul %convert_element_type3A, %get3A_19, %dot_general3A_20 {dimension_numbers = #tpu.dot_dimension_numbers<[1], [1], [0], [0], [0, 0, 1, 0], [], []>, transpose_lhs_hint = false} : vector<512x1024xbf16>, vector<1024x1024xbf16>, vector<512x1024xf32> -> vector<512x1024xf32>
    %get3A_22 = arith.constant 0 : index
    %get3A_23 = arith.constant 0 : index
    %get3A_24 = vector.load %arg6[%get3A_22, %get3A_23] : memref<1x1024xf32, #tpu.memory_space<vmem>>, vector<1x1024xf32>
    %add3A_25 = vector.broadcast %get3A_24 : vector<1x1024xf32> to vector<512x1024xf32>
    %add3A_26 = arith.addf %add3A, %add3A_25 : vector<512x1024xf32>
    %max3A = arith.constant 0.000000e+00 : f32
    %max3A_27 = vector.broadcast %max3A : f32 to vector<512x1024xf32>
    %max3A_28 = arith.maximumf %add3A_26, %max3A_27 : vector<512x1024xf32>
    %get3A_29 = arith.constant 0 : index
    %get3A_30 = arith.constant 0 : index
    %get3A_31 = vector.load %arg5[%get3A_29, %get3A_30] : memref<1x1024xf32, #tpu.memory_space<vmem>>, vector<1x1024xf32>
    %mul3A_32 = vector.broadcast %get3A_31 : vector<1x1024xf32> to vector<512x1024xf32>
    %mul3A_33 = arith.mulf %max3A_28, %mul3A_32 : vector<512x1024xf32>
    %reduce_sum3A = arith.constant dense<0.000000e+00> : vector<512xf32>
    %reduce_sum3A_34 = vector.multi_reduction <add>, %mul3A_33, %reduce_sum3A [1] : vector<512x1024xf32> to vector<512xf32>
    %broadcast_in_dim3A = vector.shape_cast %reduce_sum3A_34 : vector<512xf32> to vector<512x1xf32>
    %get3A_35 = arith.constant 0 : index
    %get3A_36 = arith.constant 0 : index
    %get3A_37 = vector.load %arg7[%get3A_35, %get3A_36] : memref<1x1xf32, #tpu.memory_space<vmem>>, vector<1x1xf32>
    %add3A_38 = vector.broadcast %get3A_37 : vector<1x1xf32> to vector<512x1xf32>
    %add3A_39 = arith.addf %broadcast_in_dim3A, %add3A_38 : vector<512x1xf32>
    %logistic3A = arith.negf %add3A_39 : vector<512x1xf32>
    %logistic3A_40 = math.exp %logistic3A : vector<512x1xf32>
    %logistic3A_41 = arith.constant 1.000000e+00 : f32
    %logistic3A_42 = vector.broadcast %logistic3A_41 : f32 to vector<512x1xf32>
    %logistic3A_43 = arith.addf %logistic3A_42, %logistic3A_40 : vector<512x1xf32>
    %logistic3A_44 = arith.divf %logistic3A_42, %logistic3A_43 : vector<512x1xf32>
    %mul3A_45 = vector.broadcast %logistic3A_44 : vector<512x1xf32> to vector<512x1024xf32>
    %mul3A_46 = arith.mulf %mul3A_45, %dot_general3A_21 : vector<512x1024xf32>
    %add3A_47 = arith.addf %get3A_1, %mul3A_46 : vector<512x1024xf32>
    %get3A_48 = arith.constant 0 : index
    %get3A_49 = arith.constant 0 : index
    %get3A_50 = vector.load %arg9[%get3A_48, %get3A_49] : memref<1x1024xf32, #tpu.memory_space<vmem>>, vector<1x1024xf32>
    %add3A_51 = vector.broadcast %get3A_50 : vector<1x1024xf32> to vector<512x1024xf32>
    %add3A_52 = arith.addf %add3A_47, %add3A_51 : vector<512x1024xf32>
    %swap3A = arith.constant 0 : index
    %swap3A_53 = arith.constant 0 : index
    %swap3A_54 = vector.load %arg10[%swap3A, %swap3A_53] : memref<512x1024xf32, #tpu.memory_space<vmem>>, vector<512x1024xf32>
    tpu.vector_store %arg10[%swap3A, %swap3A_53], %add3A_52 {strides = array<i32>} : memref<512x1024xf32, #tpu.memory_space<vmem>>, vector<512x1024xf32>,
    return
  }
  func.func @transform_1(%arg0: i32) -> (i32, i32) {
    %add3A = arith.constant 10 : i32
    %add3A_0 = arith.addi %arg0, %add3A : i32
    %c0_i32 = arith.constant 0 : i32
    %c0_i32_1 = arith.constant 0 : i32
    return %add3A_0, %c0_i32 : i32, i32
  }
  func.func @transform_2(%arg0: i32) -> (i32, i32) {
    %c0_i32 = arith.constant 0 : i32
    %c0_i32_0 = arith.constant 0 : i32
    return %arg0, %c0_i32 : i32, i32
  }
  func.func @transform_3(%arg0: i32) -> (i32, i32) {
    %c0_i32 = arith.constant 0 : i32
    %c0_i32_0 = arith.constant 0 : i32
    %c0_i32_1 = arith.constant 0 : i32
    return %c0_i32, %c0_i32_0 : i32, i32
  }
  func.func @transform_4(%arg0: i32) -> (i32, i32) {
    %c0_i32 = arith.constant 0 : i32
    %c0_i32_0 = arith.constant 0 : i32
    %c0_i32_1 = arith.constant 0 : i32
    return %c0_i32, %c0_i32_0 : i32, i32
  }
  func.func @transform_5(%arg0: i32) -> (i32, i32) {
    %c0_i32 = arith.constant 0 : i32
    %c0_i32_0 = arith.constant 0 : i32
    %c0_i32_1 = arith.constant 0 : i32
    return %c0_i32, %c0_i32_0 : i32, i32
  }
  func.func @transform_6(%arg0: i32) -> (i32, i32) {
    %c0_i32 = arith.constant 0 : i32
    %c0_i32_0 = arith.constant 0 : i32
    %c0_i32_1 = arith.constant 0 : i32
    return %c0_i32, %c0_i32_0 : i32, i32
  }
  func.func @transform_7(%arg0: i32) -> (i32, i32) {
    %c0_i32 = arith.constant 0 : i32
    %c0_i32_0 = arith.constant 0 : i32
    %c0_i32_1 = arith.constant 0 : i32
    return %c0_i32, %c0_i32_0 : i32, i32
  }
  func.func @transform_8(%arg0: i32) -> (i32, i32) {
    %c0_i32 = arith.constant 0 : i32
    %c0_i32_0 = arith.constant 0 : i32
    %c0_i32_1 = arith.constant 0 : i32
    return %c0_i32, %c0_i32_0 : i32, i32
  }
  func.func @transform_9(%arg0: i32) -> (i32, i32) {
    %add3A = arith.constant 10 : i32
    %add3A_0 = arith.addi %arg0, %add3A : i32
    %c0_i32 = arith.constant 0 : i32
    %c0_i32_1 = arith.constant 0 : i32
    return %add3A_0, %c0_i32 : i32, i32
  }
}

module attributes {stable_mosaic.version = 14 : i64} {
  func.func @body(%arg0: i32, %arg1: memref<512x1024xf32, #tpu.memory_space<vmem>>, %arg2: memref<512x1024xf32, #tpu.memory_space<vmem>>, %arg3: memref<1024x2048xbf16, #tpu.memory_space<vmem>>, %arg4: memref<1x1024xf32, #tpu.memory_space<vmem>>, %arg5: memref<1x1024xf32, #tpu.memory_space<vmem>>, %arg6: memref<1x1xf32, #tpu.memory_space<vmem>>, %arg7: memref<1024x1024xbf16, #tpu.memory_space<vmem>>, %arg8: memref<1x1024xf32, #tpu.memory_space<vmem>>, %arg9: memref<512x1024xf32, #tpu.memory_space<vmem>>) attributes {dimension_semantics = [#tpu.dimension_semantics<arbitrary>], iteration_bounds = array<i64: 10>, scalar_prefetch = 0 : i64, scratch_operands = 0 : i64, tpu.core_type = #tpu.core_type<tc>, window_params = [{transform_indices = @transform_0, window_bounds = array<i64: 512, 1024>}, {transform_indices = @transform_1, window_bounds = array<i64: 512, 1024>}, {pipeline_mode = #tpu.pipeline_mode<synchronous>, transform_indices = @transform_2, window_bounds = array<i64: 1024, 2048>}, {pipeline_mode = #tpu.pipeline_mode<synchronous>, transform_indices = @transform_3, window_bounds = array<i64: 1, 1024>}, {pipeline_mode = #tpu.pipeline_mode<synchronous>, transform_indices = @transform_4, window_bounds = array<i64: 1, 1024>}, {pipeline_mode = #tpu.pipeline_mode<synchronous>, transform_indices = @transform_5, window_bounds = array<i64: 1, 1>}, {pipeline_mode = #tpu.pipeline_mode<synchronous>, transform_indices = @transform_6, window_bounds = array<i64: 1024, 1024>}, {pipeline_mode = #tpu.pipeline_mode<synchronous>, transform_indices = @transform_7, window_bounds = array<i64: 1, 1024>}, {transform_indices = @transform_8, window_bounds = array<i64: 512, 1024>}]} {
    %get3A = arith.constant 0 : index
    %get3A_0 = arith.constant 0 : index
    %get3A_1 = vector.load %arg1[%get3A, %get3A_0] : memref<512x1024xf32, #tpu.memory_space<vmem>>, vector<512x1024xf32>
    %get3A_2 = arith.constant 0 : index
    %get3A_3 = arith.constant 0 : index
    %get3A_4 = vector.load %arg2[%get3A_2, %get3A_3] : memref<512x1024xf32, #tpu.memory_space<vmem>>, vector<512x1024xf32>
    %mul3A = arith.constant 2.500000e-01 : f32
    %mul3A_5 = vector.broadcast %mul3A : f32 to vector<512x1024xf32>
    %mul3A_6 = arith.mulf %get3A_4, %mul3A_5 : vector<512x1024xf32>
    %convert_element_type3A = arith.truncf %mul3A_6 : vector<512x1024xf32> to vector<512x1024xbf16>
    %convert_element_type3A_7 = arith.truncf %get3A_1 : vector<512x1024xf32> to vector<512x1024xbf16>
    %get3A_8 = arith.constant 0 : index
    %get3A_9 = arith.constant 0 : index
    %get3A_10 = vector.load %arg3[%get3A_8, %get3A_9] : memref<1024x2048xbf16, #tpu.memory_space<vmem>>, vector<1024x1024xbf16>
    %dot_general3A = arith.constant dense<0.000000e+00> : vector<512x1024xf32>
    %dot_general3A_11 = tpu.matmul %convert_element_type3A_7, %get3A_10, %dot_general3A {dimension_numbers = #tpu.dot_dimension_numbers<[1], [1], [0], [0], [0, 0, 1, 0], [], []>, transpose_lhs_hint = false} : vector<512x1024xbf16>, vector<1024x1024xbf16>, vector<512x1024xf32> -> vector<512x1024xf32>
    %get3A_12 = arith.constant 0 : index
    %get3A_13 = arith.constant 1024 : index
    %get3A_14 = vector.load %arg3[%get3A_12, %get3A_13] : memref<1024x2048xbf16, #tpu.memory_space<vmem>>, vector<1024x1024xbf16>
    %dot_general3A_15 = arith.constant dense<0.000000e+00> : vector<512x1024xf32>
    %dot_general3A_16 = tpu.matmul %convert_element_type3A, %get3A_14, %dot_general3A_15 {dimension_numbers = #tpu.dot_dimension_numbers<[1], [1], [0], [0], [0, 0, 1, 0], [], []>, transpose_lhs_hint = false} : vector<512x1024xbf16>, vector<1024x1024xbf16>, vector<512x1024xf32> -> vector<512x1024xf32>
    %add3A = arith.addf %dot_general3A_11, %dot_general3A_16 : vector<512x1024xf32>
    %get3A_17 = arith.constant 0 : index
    %get3A_18 = arith.constant 0 : index
    %get3A_19 = vector.load %arg7[%get3A_17, %get3A_18] : memref<1024x1024xbf16, #tpu.memory_space<vmem>>, vector<1024x1024xbf16>
    %dot_general3A_20 = arith.constant dense<0.000000e+00> : vector<512x1024xf32>
    %dot_general3A_21 = tpu.matmul %convert_element_type3A, %get3A_19, %dot_general3A_20 {dimension_numbers = #tpu.dot_dimension_numbers<[1], [1], [0], [0], [0, 0, 1, 0], [], []>, transpose_lhs_hint = false} : vector<512x1024xbf16>, vector<1024x1024xbf16>, vector<512x1024xf32> -> vector<512x1024xf32>
    %get3A_22 = arith.constant 0 : index
    %get3A_23 = arith.constant 0 : index
    %get3A_24 = vector.load %arg5[%get3A_22, %get3A_23] : memref<1x1024xf32, #tpu.memory_space<vmem>>, vector<1x1024xf32>
    %add3A_25 = vector.broadcast %get3A_24 : vector<1x1024xf32> to vector<512x1024xf32>
    %add3A_26 = arith.addf %add3A, %add3A_25 : vector<512x1024xf32>
    %max3A = arith.constant 0.000000e+00 : f32
    %max3A_27 = vector.broadcast %max3A : f32 to vector<512x1024xf32>
    %max3A_28 = arith.maximumf %add3A_26, %max3A_27 : vector<512x1024xf32>
    %get3A_29 = arith.constant 0 : index
    %get3A_30 = arith.constant 0 : index
    %get3A_31 = vector.load %arg4[%get3A_29, %get3A_30] : memref<1x1024xf32, #tpu.memory_space<vmem>>, vector<1x1024xf32>
    %mul3A_32 = vector.broadcast %get3A_31 : vector<1x1024xf32> to vector<512x1024xf32>
    %mul3A_33 = arith.mulf %max3A_28, %mul3A_32 : vector<512x1024xf32>
    %reduce_sum3A = arith.constant dense<0.000000e+00> : vector<512xf32>
    %reduce_sum3A_34 = vector.multi_reduction <add>, %mul3A_33, %reduce_sum3A [1] : vector<512x1024xf32> to vector<512xf32>
    %broadcast_in_dim3A = vector.shape_cast %reduce_sum3A_34 : vector<512xf32> to vector<512x1xf32>
    %get3A_35 = arith.constant 0 : index
    %get3A_36 = arith.constant 0 : index
    %get3A_37 = vector.load %arg6[%get3A_35, %get3A_36] : memref<1x1xf32, #tpu.memory_space<vmem>>, vector<1x1xf32>
    %add3A_38 = vector.broadcast %get3A_37 : vector<1x1xf32> to vector<512x1xf32>
    %add3A_39 = arith.addf %broadcast_in_dim3A, %add3A_38 : vector<512x1xf32>
    %logistic3A = arith.negf %add3A_39 : vector<512x1xf32>
    %logistic3A_40 = math.exp %logistic3A : vector<512x1xf32>
    %logistic3A_41 = arith.constant 1.000000e+00 : f32
    %logistic3A_42 = vector.broadcast %logistic3A_41 : f32 to vector<512x1xf32>
    %logistic3A_43 = arith.addf %logistic3A_42, %logistic3A_40 : vector<512x1xf32>
    %logistic3A_44 = arith.divf %logistic3A_42, %logistic3A_43 : vector<512x1xf32>
    %mul3A_45 = vector.broadcast %logistic3A_44 : vector<512x1xf32> to vector<512x1024xf32>
    %mul3A_46 = arith.mulf %mul3A_45, %dot_general3A_21 : vector<512x1024xf32>
    %add3A_47 = arith.addf %get3A_1, %mul3A_46 : vector<512x1024xf32>
    %get3A_48 = arith.constant 0 : index
    %get3A_49 = arith.constant 0 : index
    %get3A_50 = vector.load %arg8[%get3A_48, %get3A_49] : memref<1x1024xf32, #tpu.memory_space<vmem>>, vector<1x1024xf32>
    %add3A_51 = vector.broadcast %get3A_50 : vector<1x1024xf32> to vector<512x1024xf32>
    %add3A_52 = arith.addf %add3A_47, %add3A_51 : vector<512x1024xf32>
    %swap3A = arith.constant 0 : index
    %swap3A_53 = arith.constant 0 : index
    %swap3A_54 = vector.load %arg9[%swap3A, %swap3A_53] : memref<512x1024xf32, #tpu.memory_space<vmem>>, vector<512x1024xf32>
    tpu.vector_store %arg9[%swap3A, %swap3A_53], %add3A_52 {strides = array<i32>} : memref<512x1024xf32, #tpu.memory_space<vmem>>, vector<512x1024xf32>,
    return
  }
  func.func @transform_0(%arg0: i32) -> (i32, i32) {
    %add3A = arith.constant 0 : i32
    %add3A_0 = arith.addi %arg0, %add3A : i32
    %c0_i32 = arith.constant 0 : i32
    %c0_i32_1 = arith.constant 0 : i32
    return %add3A_0, %c0_i32 : i32, i32
  }
  func.func @transform_1(%arg0: i32) -> (i32, i32) {
    %c0_i32 = arith.constant 0 : i32
    %c0_i32_0 = arith.constant 0 : i32
    return %arg0, %c0_i32 : i32, i32
  }
  func.func @transform_2(%arg0: i32) -> (i32, i32) {
    %c0_i32 = arith.constant 0 : i32
    %c0_i32_0 = arith.constant 0 : i32
    %c0_i32_1 = arith.constant 0 : i32
    return %c0_i32, %c0_i32_0 : i32, i32
  }
  func.func @transform_3(%arg0: i32) -> (i32, i32) {
    %c0_i32 = arith.constant 0 : i32
    %c0_i32_0 = arith.constant 0 : i32
    %c0_i32_1 = arith.constant 0 : i32
    return %c0_i32, %c0_i32_0 : i32, i32
  }
  func.func @transform_4(%arg0: i32) -> (i32, i32) {
    %c0_i32 = arith.constant 0 : i32
    %c0_i32_0 = arith.constant 0 : i32
    %c0_i32_1 = arith.constant 0 : i32
    return %c0_i32, %c0_i32_0 : i32, i32
  }
  func.func @transform_5(%arg0: i32) -> (i32, i32) {
    %c0_i32 = arith.constant 0 : i32
    %c0_i32_0 = arith.constant 0 : i32
    %c0_i32_1 = arith.constant 0 : i32
    return %c0_i32, %c0_i32_0 : i32, i32
  }
  func.func @transform_6(%arg0: i32) -> (i32, i32) {
    %c0_i32 = arith.constant 0 : i32
    %c0_i32_0 = arith.constant 0 : i32
    %c0_i32_1 = arith.constant 0 : i32
    return %c0_i32, %c0_i32_0 : i32, i32
  }
  func.func @transform_7(%arg0: i32) -> (i32, i32) {
    %c0_i32 = arith.constant 0 : i32
    %c0_i32_0 = arith.constant 0 : i32
    %c0_i32_1 = arith.constant 0 : i32
    return %c0_i32, %c0_i32_0 : i32, i32
  }
  func.func @transform_8(%arg0: i32) -> (i32, i32) {
    %add3A = arith.constant 0 : i32
    %add3A_0 = arith.addi %arg0, %add3A : i32
    %c0_i32 = arith.constant 0 : i32
    %c0_i32_1 = arith.constant 0 : i32
    return %add3A_0, %c0_i32 : i32, i32
  }
}

</mosaic_0001>

<sc_bundles>
// kernel: kernel.6.cloned.1.call-start
scs
__scs_entry_jumppad:
0x0: {  	(pc) =	sbr.rel $0x88, $3  }
0x1: {  	(tag) =	ssettag $0x0;
	lr =	simm.s32 $0x1  }
0x2: {  	[smem:$0x3F98] =	sst lr;
	_ =	strace $0xD0000000  }
0x3: {  	_ = 	snop  }
0x4: {  	_ = 	snop  }
0x5: {  	_ = 	snop  }
0x6: {  	_ = 	snop  }
0x7: {  	_ = 	snop  }
__scs_overlays_trampoline_lowered:
0x8: {  	[smem:$0x3FA7] =	sst s0  }
0x9: {  	[smem:$0x3FA8] =	sst s1  }
0xa: {  	[smem:$0x3FA9] =	sst s2  }
0xb: {  	[smem:$0x3FAA] =	sst s3  }
0xc: {  	[smem:$0x3FAB] =	sst s4  }
0xd: {  	[smem:$0x3FAC] =	sst s5  }
0xe: {  	[smem:$0x3FAD] =	sst s6  }
0xf: {  	[smem:$0x3FAE] =	sst s7  }
0x10: {  	[smem:$0x3FAF] =	sst s8  }
0x11: {  	[smem:$0x3FB0] =	sst s9;
	s0 =	simm.s32 @!p0 $0x0  }
0x12: {  	s1 =	sld [smem:$0x3F96];
	s0 =	simm.s32 @p0 $0x1  }
0x13: {  	[smem:$0x3FB1] =	sst s0;
	s0 =	simm.s32 @!p1 $0x0  }
0x14: {  	s2 =	sld [smem:$0x3F95];
	s0 =	simm.s32 @p1 $0x1  }
0x15: {  	[smem:$0x3FB2] =	sst s0;
	s0 =	simm.s32 @!p2 $0x0  }
0x16: {  	s3 =	sld [smem:$0x3FDB];
	s0 =	simm.s32 @p2 $0x1  }
0x17: {  	s4 =	simm.s32 $0x1BF5;
	[smem:$0x3FB4] =	sst s0  }
0x18: {  	s0 =	sld [smem:$0x3F97];
	_ =	swait.ge [sflag:s4], $0x0  }
0x19: {  	s7 =	sld [smem:$0x3F98]  }
0x1a: {  	s8 =	sadd.s32 $0xFFFFE003, lr  }
0x1b: {  	s9 =	sadd.s32 $0xFFFFFEF7, lr;
	s5 =	simm.s32 $0xFFFFFFFF;
	p2 =	slt.u32 s8, $0xFFFFF086  }
0x1c: {  	p1 =	slt.u32 s9, $0xF7A;
	s5 =	simm.s32 @!p2 $0x0  }
0x1d: {  	s5 =	simm.s32 @p1 $0x1;
	p0 =	seq.s32 s7, s2  }
0x1e: {  	s7 =	smul.u32 @!p0 $0xF7A, s2;
	p2 =	seq.s32 @!p0 s5, $0x0  }
0x1f: {  	s9 =	smul.u32 $0xF7A, s1;
	s8 =	simm.s32 @!p0 $0x1BF5;
	p2 =	por !p2, p0  }
0x20: {  	[sflag:s8] =	ssyncset.s32 @!p0 $0xFFFFF086;
	s6 =	sadd.s32 @!p0 s3, s7;
	s7 =	simm.s32 @!p0 $0x108  }
0x21: {  	s3 =	sadd.s32 s3, s9;
	s6 =	sadd.s32 @!p0 $0x88, s6;
	s7 =	simm.s32 @p2 $0x1082  }
0x22: {  	[simem:s7], [sflag:s8] =	dma.local @!p0 [hbm:s6], $0xF7A  }
0x23: {  	s9 =	sor.u32 $0xD0000000, s2;
	s6 =	simm.s32 $0x108;
	_ =	swait.ge @!p0 [sflag:s8], $0x0  }
0x24: {  	s3 =	sadd.s32 $0x88, s3;
	s6 =	simm.s32 @!p1 $0x1082;
	[sflag:s4] =	ssyncset.s32 $0xFFFFF086  }
0x25: {  	[simem:s6], [sflag:s4] =	dma.local [hbm:s3], $0xF7A  }
0x26: {  	[smem:$0x3F98] =	sst s1;
	(tag) =	ssettag s2;
	_ =	strace s9  }
0x27: {  	s1 =	sld [smem:$0x3FA8]  }
0x28: {  	s2 =	sld [smem:$0x3FA9]  }
0x29: {  	s4 =	sld [smem:$0x3FAB]  }
0x2a: {  	p0 =	seq.s32 s5, $0x0;
	s5 =	sld [smem:$0x3FAC]  }
0x2b: {  	s6 =	sld [smem:$0x3FAD]  }
0x2c: {  	s7 =	sld [smem:$0x3FAE]  }
0x2d: {  	s3 =	simm.s32 $0x108;
	s8 =	sld [smem:$0x3FAF]  }
0x2e: {  	s3 =	simm.s32 @!p0 $0x1082;
	s9 =	sld [smem:$0x3FB0]  }
0x2f: {  	lr =	sadd.s32 s0, s3;
	s0 =	sld [smem:$0x3FA7]  }
0x30: {  	s3 =	sld [smem:$0x3FAA]  }
0x31: {  	[smem:$0x3FB3] =	sst s10  }
0x32: {  	s10 =	sld [smem:$0x3FB1];
	_ =	sdelay $0x3  }
0x33: {  	p0 =	seq.s32 s10, $0x1;
	s10 =	sld [smem:$0x3FB3];
	_ =	sdelay $0x3  }
0x34: {  	[smem:$0x3FB3] =	sst s10  }
0x35: {  	s10 =	sld [smem:$0x3FB2];
	_ =	sdelay $0x3  }
0x36: {  	p1 =	seq.s32 s10, $0x1;
	s10 =	sld [smem:$0x3FB3];
	_ =	sdelay $0x3  }
0x37: {  	[smem:$0x3FB3] =	sst s10  }
0x38: {  	s10 =	sld [smem:$0x3FB4]  }
0x39: {  	_ = 	snop;
	(pc) =	sbr.ind lr, $3  }
0x3a: {  	_ = 	snop  }
0x3b: {  	_ = 	snop  }
0x3c: {  	p2 =	seq.s32 s10, $0x1;
	s10 =	sld [smem:$0x3FB3]  }
0x3d: {  	_ =	shalt  }
0x3e: {  	_ =	shalt  }
0x3f: {  	_ =	shalt  }
0x40: {  	_ =	shalt  }
0x41: {  	_ =	shalt  }
0x42: {  	_ =	shalt  }
0x43: {  	_ =	shalt  }
0x44: {  	_ =	shalt  }
0x45: {  	_ =	shalt  }
0x46: {  	_ =	shalt  }
0x47: {  	_ =	shalt  }
0x48: {  	_ =	shalt  }
0x49: {  	_ =	shalt  }
0x4a: {  	_ =	shalt  }
0x4b: {  	_ =	shalt  }
0x4c: {  	_ =	shalt  }
0x4d: {  	_ =	shalt  }
0x4e: {  	_ =	shalt  }
0x4f: {  	_ =	shalt  }
0x50: {  	_ =	shalt  }
0x51: {  	_ =	shalt  }
0x52: {  	_ =	shalt  }
0x53: {  	_ =	shalt  }
0x54: {  	_ =	shalt  }
0x55: {  	_ =	shalt  }
0x56: {  	_ =	shalt  }
0x57: {  	_ =	shalt  }
0x58: {  	_ =	shalt  }
0x59: {  	_ =	shalt  }
0x5a: {  	_ =	shalt  }
0x5b: {  	_ =	shalt  }
0x5c: {  	_ =	shalt  }
0x5d: {  	_ =	shalt  }
0x5e: {  	_ =	shalt  }
0x5f: {  	_ =	shalt  }
0x60: {  	_ =	shalt  }
0x61: {  	_ =	shalt  }
0x62: {  	_ =	shalt  }
0x63: {  	_ =	shalt  }
0x64: {  	_ =	shalt  }
0x65: {  	_ =	shalt  }
0x66: {  	_ =	shalt  }
0x67: {  	_ =	shalt  }
0x68: {  	_ =	shalt  }
0x69: {  	_ =	shalt  }
0x6a: {  	_ =	shalt  }
0x6b: {  	_ =	shalt  }
0x6c: {  	_ =	shalt  }
0x6d: {  	_ =	shalt  }
0x6e: {  	_ =	shalt  }
0x6f: {  	_ =	shalt  }
0x70: {  	_ =	shalt  }
0x71: {  	_ =	shalt  }
0x72: {  	_ =	shalt  }
0x73: {  	_ =	shalt  }
0x74: {  	_ =	shalt  }
0x75: {  	_ =	shalt  }
0x76: {  	_ =	shalt  }
0x77: {  	_ =	shalt  }
0x78: {  	_ =	shalt  }
0x79: {  	_ =	shalt  }
0x7a: {  	_ =	shalt  }
0x7b: {  	_ =	shalt  }
0x7c: {  	_ =	shalt  }
0x7d: {  	_ =	shalt  }
0x7e: {  	_ =	shalt  }
0x7f: {  	_ =	shalt  }
0x80: {  	_ =	shalt  }
0x81: {  	_ =	shalt  }
0x82: {  	_ =	shalt  }
0x83: {  	_ =	shalt  }
0x84: {  	_ =	shalt  }
0x85: {  	_ =	shalt  }
0x86: {  	_ =	shalt  }
0x87: {  	_ =	shalt  }
.Lfunc_end0:
.L_simem_size_0:
called_computation_lowered:
.L_overlay_start_0:
0x88: {  	s2 =	sld [smem:$0x3FD9]  }
0x89: {  	s3 =	sld [smem:$0x3FFE];
	_ =	sdelay $0x1  }
0x8a: {  	s1 =	srdreg.scid  }
0x8b: {  	s0 =	sand.u32 $0x1, s1  }
0x8c: {  	s17 =	sshll.u32 s0, $0xA;
	s2 =	sadd.s32 s3, s2  }
0x8d: {  	s2 =	sadd.s32 s2, s17  }
0x8e: {  	[smem:$0x3FBF] =	sst s2  }
0x8f: {  	_ = 	snop  }
0x90: {  	s2 =	sld [smem:$0x3FC7];
	(tm) =	ssettm $0x1  }
0x91: {  	s18 =	sld [smem:$0x3FFB];
	_ =	sdelay $0x3  }
0x92: {  	_ =	strace s18  }
0x93: {  	s3 =	sld [smem:$0x3FFC];
	_ =	sdelay $0x3  }
0x94: {  	_ =	strace s3  }
0x95: {  	s3 =	sld [smem:$0x3FFD];
	_ =	sdelay $0x3  }
0x96: {  	_ =	strace s3  }
0x97: {  	_ =	strace $0x8FFFFFFF  }
0x98: {  	s19 =	sld [smem:$0x3FDB];
	_ =	sdelay $0x1  }
0x99: {  	s4 =	simm.s32 $_scs_section_size  }
0x9a: {  	s5 =	simm.s32 $_size__tile_overlayer_lowered;
	s6 =	simm.s32 $_tile_overlayer_lowered  }
0x9b: {  	s22 =	simm.s32 $0x1BFF;
	s21 =	sshll.u32 s6, $0x1;
	s3 =	sadd.s32 s4, s19  }
0x9c: {  	s7 =	simm.s32 $0x0;
	s20 =	sshll.u32 s5, $0x1;
	s5 =	sadd.s32 s21, s3  }
0x9d: {  	[timem:s7], [sflag:s22] =	dma.local [hbm:s5], s20  }
0x9e: {  	_ =	swait.ge [sflag:s22], s20  }
0x9f: {  	s4 =	ssub.s32 $0x0, s20;
	[sflag:s22] =	ssyncset.done $0x0  }
0xa0: {  	[sflag:s22] =	ssyncadd.s32 s4;
	_ =	sdelay $0x1  }
0xa1: {  	s23 =	simm.s32 $0x1B8B  }
0xa2: {  	_ =	swait.ge [sflag:s23], $0x1  }
0xa3: {  	[sflag:s23] =	ssyncset.done $0x0  }
0xa4: {  	s25 =	simm.s32 $0x1B8E;
	s24 =	sld [smem:$0x3FFE];
	[sflag:s23] =	ssyncadd.s32 $0xFFFFFFFF  }
0xa5: {  	s26 =	simm.s32 $execute0_lowered;
	[smem:$0x3FD2] =	sst s25  }
0xa6: {  	s5 =	sshll.u32 s26, $0x1;
	_ =	strace $0x80000046;
	[dreg:$0x1] =	wrdreg $0xFFFFFFFF  }
0xa7: {  	s28 =	simm.s32 $_size_execute0_lowered;
	s3 =	sadd.s32 s3, s5;
	[dreg:$0x0] =	wrdreg $0x0  }
0xa8: {  	s5 =	sshll.u32 s28, $0x1;
	[dreg:$0x2] =	wrdreg s3  }
0xa9: {  	[dreg:$0x3] =	wrdreg s5  }
0xaa: {  	[dreg:$0x4] =	wrdreg $0xC0  }
0xab: {  	_ =	task [dreg:s7], $0x5FFFF  }
0xac: {  	[dreg:$0x1] =	wrdreg $0xFFFFFFFF  }
0xad: {  	[dreg:$0x0] =	wrdreg $0x60  }
0xae: {  	[dreg:$0x2] =	wrdreg s24  }
0xaf: {  	[dreg:$0x3] =	wrdreg s2  }
0xb0: {  	[dreg:$0x4] =	wrdreg $0x9  }
0xb1: {  	_ =	task.clear_ibuf [dreg:s7], $0x5FFFF;
	_ =	strace $0x90000046  }
0xb2: {  	s29 =	simm.s32 $0x9;
	_ =	strace $0x80000048  }
0xb3: {  	_ =	swait.ge [sflag:s29], $0x1  }
0xb4: {  	[sflag:s29] =	ssyncadd.s32 $0xFFFFFFFF  }
0xb5: {  	_ =	strace $0x90000048  }
0xb6: {  	_ =	sfence  }
0xb7: {  	s30 =	sld [smem:$0x0];
	_ =	sdelay $0x2  }
0xb8: {  	s31 =	sshll.u32 s1, $0xD;
	s1 =	sshrl.u32 s1, $0x2  }
0xb9: {  	s3 =	sand.u32 $0x4000, s31;
	s1 =	sadd.s32 s1, s30  }
0xba: {  	s0 =	sor.u32 s3, s0;
	s1 =	sshll.u32 s1, $0x11  }
0xbb: {  	s0 =	sor.u32 s1, s0  }
0xbc: {  	s0 =	sadd.s32 $0x8F2B, s0  }
0xbd: {  	[sflag:s0] =	ssyncadd.remote.s32 $0x1  }
0xbe: {  	_ =	sfence.sel $0xFFFF  }
0xbf: {  	[dreg:$0x0] =	wrdreg $0xFFFFFFFF;
	(pc) =	sbr.abs _section_cstart, $3  }
0xc0: {  	[dreg:$0x1] =	wrdreg $0xFFFFFFFF  }
0xc1: {  	_ =	task.clear_ibuf [dreg:s7], $0x2FFFF;
	_ =	strace $0x9FFFFFFF  }
0xc2: {  	(tm) =	ssettm $0x7FFFFFFF  }
0xc3: {  	_ =	shalt  }
tec
execute0_lowered:
.L_overlay_start_1:
0x0: {  	(tag) =	ssettag $0x1  }
0x1: {  	s0 =	rddreg [dreg:$0x0]  }
0x2: {  	s1 =	srdreg.scid;
	s2 =	stileid.u32  }
0x3: {  	s5 =	rddreg [dreg:$0x1];
	s6 =	simm.s32 $0x0;
	s1 =	sand.u32 $0x1, s1  }
0x4: {  	s2 =	sshll.u32 s2, $0x1;
	[smem:$0x7FF] =	sst s6;
	s4 =	sadd.s32 $0x1800, s0  }
0x5: {  	s28 =	sadd.s32 $0x100, s5;
	s29 =	sadd.s32 $0x200, s5;
	s30 =	sadd.s32 $0x300, s5  }
0x6: {  	s2 =	sor.u32 s1, s2;
	_ =	strace $0x80000047;
	[dreg:$0x3] =	wrdreg s4  }
0x7: {  	s1 =	ssub.s32 $0x2, s1;
	[dreg:$0x5] =	wrdreg s28;
	s3 =	smul.u32 $0x14, s2  }
0x8: {  	[dreg:$0x6] =	wrdreg s29;
	s26 =	sshrl.u32 s1, $0x1;
	s2 =	smul.u32 $0x5000, s2  }
0x9: {  	v0 =	vimm.s32 $0xECA86420;
	vm0 =	vcmask $0xB08;
	vm1 =	vcmask $0x1310;
	[dreg:$0x7] =	wrdreg s30;
	s1 =	ssub.s32 s1, s26  }
0xa: {  	vm2 =	vcmask $0x1B18;
	vm3 =	vmmov $0xff;
	v3 =	vimm.s32 $0x0;
	s3 =	sadd.s32 s3, s0;
	[dreg:$0x8] =	wrdreg s2;
	s0 =	sadd.s32 $0x1C00, s0  }
0xb: {  	v2 =	vlaneseq.u32;
	v0 =	vunpack.c.l.s4.s8 v0;
	v3 =	vsel vm3, $0xFFFFFFFF, v3;
	s31 =	smax.u32 s1, $0x1;
	[dreg:$0x9] =	wrdreg s0  }
0xc: {  	vm9 =	vmmov $0xffff;
	v1 =	vmul.u32 $0x2, v2;
	[tilespmem:$0x1FFF0] =	vst v3;
	v3 =	vshrl.u32 v2, $0x3;
	s3 =	sadd.s32 $0x1400, s3;
	[dreg:$0xa] =	wrdreg s31  }
0xd: {  	v2 =	vand.u32 $0x7, v2;
	v0 =	vunpack.c.0.s8.s32 v0;
	v3 =	vmul.u32 $0x8, v3;
	s2 =	simm.s32 $0x0;
	[dreg:$0x4] =	wrdreg s3  }
.LBB2_1:
0xe: {  	[dreg:$0xb] =	wrdreg s2  }
0xf: {  	s0 =	rddreg [dreg:$0x4];
	s4 =	simm.s32 $0x5  }
0x10: {  	[tilespmem:s6], [sflag:$0x5] =	stream.linear.gather [hbm4b:s0+s6], $0xA0, $0x38;
	[tilespmem:$0x14180] =	vst v63  }
0x11: {  	_ =	swait.ge [sflag:s4], $0xA0  }
0x12: {  	[sflag:s4] =	ssyncset.done $0x0  }
0x13: {  	[sflag:s4] =	ssyncadd.s32 $0xFFFFFF60  }
0x14: {  	v7 =	vld [tilespmem:$0x0];
	_ =	sdelay $0x4  }
0x15: {  	v4 =	vmul.u32 $0x11, v7;
	_ =	sdelay $0x1  }
0x16: {  	(v2sf) =	vpush v4, $0xD;
	_ =	sdelay $0x1  }
0x17: {  	(v2sf) =	vpush v4, $0xC  }
0x18: {  	(v2sf) =	vpush v4, $0xE;
	_ =	sdelay $0x2  }
0x19: {  	(v2sf) =	vpush v4, $0xF;
	_ =	sdelay $0x1  }
0x1a: {  	(v2sf) =	vpush v4, $0x9;
	_ =	sdelay $0x1  }
0x1b: {  	(v2sf) =	vpush v4, $0x8;
	_ =	sdelay $0x1  }
0x1c: {  	(v2sf) =	vpush v4, $0xA;
	_ =	sdelay $0x1  }
0x1d: {  	(v2sf) =	vpush v4, $0xB  }
0x1e: {  	s5 =	spop (v2sf)  }
0x1f: {  	(v2sf) =	vpush v4, $0x0;
	s1 =	smulhi.u32 $0x14F8B589, s5;
	s0 =	sshra.s32 s5, $0x1F  }
0x20: {  	s6 =	spop (v2sf);
	(v2sf) =	vpush v4, $0x1;
	s4 =	smul.u32 $0x14F8B589, s0  }
0x21: {  	s21 =	smulhi.u32 $0x14F8B589, s6;
	s0 =	sshra.s32 s6, $0x1F;
	s7 =	spop (v2sf)  }
0x22: {  	(v2sf) =	vpush v4, $0x2;
	[smem:$0x7A5] =	sst s1;
	s1 =	smul.u32 $0x14F8B589, s0  }
0x23: {  	s22 =	smulhi.u32 $0x14F8B589, s7;
	s0 =	sshra.s32 s7, $0x1F  }
0x24: {  	s8 =	spop (v2sf);
	(v2sf) =	vpush v4, $0x3;
	s17 =	smul.u32 $0x14F8B589, s0  }
0x25: {  	s23 =	smulhi.u32 $0x14F8B589, s8;
	s0 =	sshra.s32 s8, $0x1F  }
0x26: {  	s9 =	spop (v2sf);
	(v2sf) =	vpush v4, $0x4;
	s16 =	smul.u32 $0x14F8B589, s0  }
0x27: {  	s24 =	smulhi.u32 $0x14F8B589, s9;
	s0 =	sshra.s32 s9, $0x1F  }
0x28: {  	s10 =	spop (v2sf);
	(v2sf) =	vpush v4, $0x5;
	s14 =	smul.u32 $0x14F8B589, s0  }
0x29: {  	s25 =	smulhi.u32 $0x14F8B589, s10;
	s0 =	sshra.s32 s10, $0x1F  }
0x2a: {  	s11 =	spop (v2sf);
	(v2sf) =	vpush v4, $0x6;
	s7 =	smul.u32 $0x14F8B589, s0  }
0x2b: {  	s26 =	smulhi.u32 $0x14F8B589, s11;
	s0 =	sshra.s32 s11, $0x1F  }
0x2c: {  	v5 =	vmul.u32 $0x1F, v7;
	s12 =	spop (v2sf);
	(v2sf) =	vpush v4, $0x7;
	s8 =	smul.u32 $0x14F8B589, s0  }
0x2d: {  	s28 =	smulhi.u32 $0x14F8B589, s12;
	s0 =	sshra.s32 s12, $0x1F  }
0x2e: {  	s30 =	smul.u32 $0x14F8B589, s0;
	s13 =	spop (v2sf);
	(v2sf) =	vpush v5, $0xD  }
0x2f: {  	s29 =	smulhi.u32 $0x14F8B589, s13;
	s15 =	spop (v2sf)  }
0x30: {  	(v2sf) =	vpush v5, $0xC;
	s31 =	smulhi.u32 $0x14F8B589, s15;
	s2 =	sshra.s32 s15, $0x1F  }
0x31: {  	s18 =	spop (v2sf);
	s5 =	smul.u32 $0x14F8B589, s2  }
0x32: {  	(v2sf) =	vpush v5, $0xE;
	s3 =	smulhi.u32 $0x14F8B589, s18;
	s2 =	sshra.s32 s18, $0x1F  }
0x33: {  	s0 =	sshra.s32 s13, $0x1F;
	s19 =	spop (v2sf);
	s13 =	smul.u32 $0x14F8B589, s2  }
0x34: {  	s20 =	smulhi.u32 $0x14F8B589, s19;
	s2 =	sshra.s32 s19, $0x1F  }
0x35: {  	s6 =	spop (v2sf);
	s19 =	smul.u32 $0x14F8B589, s2  }
0x36: {  	(v2sf) =	vpush v5, $0xF;
	s9 =	smulhi.u32 $0x14F8B589, s6;
	s2 =	sshra.s32 s6, $0x1F  }
0x37: {  	s10 =	spop (v2sf);
	s18 =	smul.u32 $0x14F8B589, s2  }
0x38: {  	(v2sf) =	vpush v5, $0x9;
	[smem:$0x7A7] =	sst s20;
	s11 =	smulhi.u32 $0x14F8B589, s10;
	s2 =	sshra.s32 s10, $0x1F  }
0x39: {  	s12 =	spop (v2sf);
	s6 =	smul.u32 $0x14F8B589, s2  }
0x3a: {  	(v2sf) =	vpush v5, $0x8;
	[smem:$0x7A8] =	sst s9;
	s15 =	smulhi.u32 $0x14F8B589, s12  }
0x3b: {  	s20 =	spop (v2sf);
	[smem:$0x7A9] =	sst s11  }
0x3c: {  	s2 =	sshra.s32 s12, $0x1F;
	s9 =	smulhi.u32 $0x14F8B589, s20;
	[smem:$0x7AA] =	sst s15  }
0x3d: {  	s15 =	smul.u32 $0x14F8B589, s2;
	s11 =	spop (v2sf)  }
0x3e: {  	(v2sf) =	vpush v5, $0xA;
	s10 =	smulhi.u32 $0x14F8B589, s11;
	s11 =	sshra.s32 s11, $0x1F  }
0x3f: {  	s2 =	sshra.s32 s20, $0x1F;
	s20 =	spop (v2sf);
	s11 =	smul.u32 $0x14F8B589, s11  }
0x40: {  	[smem:$0x7A6] =	sst s3;
	(v2sf) =	vpush v5, $0xB;
	s3 =	smulhi.u32 $0x14F8B589, s20  }
0x41: {  	[smem:$0x7AC] =	sst s10;
	s10 =	spop (v2sf)  }
0x42: {  	(v2sf) =	vpush v5, $0x0;
	[smem:$0x7AD] =	sst s11;
	s11 =	sshra.s32 s20, $0x1F;
	s20 =	smulhi.u32 $0x14F8B589, s10  }
0x43: {  	[smem:$0x7AB] =	sst s9;
	s9 =	smul.u32 $0x14F8B589, s11;
	s11 =	sshra.s32 s10, $0x1F  }
0x44: {  	(v2sf) =	vpush v5, $0x1;
	[smem:$0x7AE] =	sst s3;
	s3 =	smul.u32 $0x14F8B589, s11  }
0x45: {  	[smem:$0x7AF] =	sst s9;
	s9 =	spop (v2sf)  }
0x46: {  	(v2sf) =	vpush v5, $0x2;
	[smem:$0x7B0] =	sst s20;
	s10 =	smulhi.u32 $0x14F8B589, s9;
	s11 =	sshra.s32 s9, $0x1F  }
0x47: {  	s20 =	spop (v2sf);
	s11 =	smul.u32 $0x14F8B589, s11  }
0x48: {  	[smem:$0x7B1] =	sst s3;
	s3 =	smulhi.u32 $0x14F8B589, s20  }
0x49: {  	[smem:$0x7B2] =	sst s10;
	s10 =	spop (v2sf)  }
0x4a: {  	(v2sf) =	vpush v5, $0x3;
	[smem:$0x7B3] =	sst s11;
	s11 =	sshra.s32 s20, $0x1F;
	s20 =	smulhi.u32 $0x14F8B589, s10  }
0x4b: {  	s9 =	smul.u32 $0x14F8B589, s11;
	s11 =	sshra.s32 s10, $0x1F  }
0x4c: {  	[smem:$0x7B4] =	sst s3;
	s3 =	smul.u32 $0x14F8B589, s11  }
0x4d: {  	[smem:$0x7B5] =	sst s9;
	s9 =	spop (v2sf)  }
0x4e: {  	(v2sf) =	vpush v5, $0x4;
	[smem:$0x7B6] =	sst s20;
	s10 =	smulhi.u32 $0x14F8B589, s9;
	s11 =	sshra.s32 s9, $0x1F  }
0x4f: {  	s20 =	spop (v2sf);
	s11 =	smul.u32 $0x14F8B589, s11  }
0x50: {  	(v2sf) =	vpush v5, $0x5;
	[smem:$0x7B7] =	sst s3;
	s3 =	smulhi.u32 $0x14F8B589, s20  }
0x51: {  	[smem:$0x7B8] =	sst s10;
	s10 =	spop (v2sf)  }
0x52: {  	[smem:$0x7B9] =	sst s11;
	s11 =	sshra.s32 s20, $0x1F;
	s20 =	smulhi.u32 $0x14F8B589, s10  }
0x53: {  	[smem:$0x7BA] =	sst s3;
	s3 =	spop (v2sf)  }
0x54: {  	(v2sf) =	vpush v5, $0x6;
	s9 =	smul.u32 $0x14F8B589, s11;
	s11 =	sshra.s32 s10, $0x1F;
	[smem:$0x7BC] =	sst s20  }
0x55: {  	s10 =	smul.u32 $0x14F8B589, s11;
	s20 =	spop (v2sf)  }
0x56: {  	[smem:$0x7BB] =	sst s9;
	s9 =	smulhi.u32 $0x14F8B589, s3  }
0x57: {  	s11 =	sshra.s32 s3, $0x1F;
	s3 =	smulhi.u32 $0x14F8B589, s20  }
0x58: {  	(v2sf) =	vpush v5, $0x7;
	[smem:$0x7BD] =	sst s9;
	s9 =	smul.u32 $0x14F8B589, s11;
	s11 =	sshra.s32 s20, $0x1F  }
0x59: {  	s20 =	spop (v2sf);
	s11 =	smul.u32 $0x14F8B589, s11  }
0x5a: {  	v6 =	vmul.u32 $0x35, v7;
	[smem:$0x7BE] =	sst s3;
	s3 =	smulhi.u32 $0x14F8B589, s20  }
0x5b: {  	[smem:$0x7BF] =	sst s11  }
0x5c: {  	s12 =	smul.u32 $0x14F8B589, s2;
	(v2sf) =	vpush v6, $0xD;
	[smem:$0x7C0] =	sst s3;
	s11 =	sshra.s32 s20, $0x1F  }
0x5d: {  	s3 =	smul.u32 $0x14F8B589, s11;
	s11 =	spop (v2sf)  }
0x5e: {  	s20 =	smulhi.u32 $0x14F8B589, s11;
	s11 =	sshra.s32 s11, $0x1F  }
0x5f: {  	s2 =	smul.u32 $0x14F8B589, s11;
	s11 =	spop (v2sf)  }
0x60: {  	[smem:$0x7C1] =	sst s20;
	s20 =	smulhi.u32 $0x14F8B589, s11;
	s11 =	sshra.s32 s11, $0x1F  }
0x61: {  	s11 =	smul.u32 $0x14F8B589, s11  }
0x62: {  	(v2sf) =	vpush v6, $0xC  }
0x63: {  	(v2sf) =	vpush v6, $0xE;
	[smem:$0x7C3] =	sst s11;
	s11 =	spop (v2sf)  }
0x64: {  	(v2sf) =	vpush v6, $0xF;
	[smem:$0x7C2] =	sst s20;
	s20 =	smulhi.u32 $0x14F8B589, s11;
	s11 =	sshra.s32 s11, $0x1F  }
0x65: {  	s1 =	sadd.s32 s1, s21;
	s11 =	smul.u32 $0x14F8B589, s11  }
0x66: {  	[smem:$0x7DA] =	sst s1  }
0x67: {  	s22 =	sadd.s32 s17, s22;
	[smem:$0x7C5] =	sst s11;
	s11 =	spop (v2sf)  }
0x68: {  	[smem:$0x7C4] =	sst s20;
	s20 =	smulhi.u32 $0x14F8B589, s11;
	s11 =	sshra.s32 s11, $0x1F  }
0x69: {  	[smem:$0x7DB] =	sst s22;
	s16 =	sadd.s32 s16, s23;
	(v2sf) =	vpush v6, $0x9;
	s11 =	smul.u32 $0x14F8B589, s11  }
0x6a: {  	[smem:$0x7DC] =	sst s16  }
0x6b: {  	[smem:$0x7C7] =	sst s11;
	s11 =	spop (v2sf)  }
0x6c: {  	s22 =	sadd.s32 s7, s25;
	[smem:$0x7C6] =	sst s20;
	s20 =	smulhi.u32 $0x14F8B589, s11  }
0x6d: {  	[smem:$0x7DE] =	sst s22  }
0x6e: {  	s11 =	sshra.s32 s11, $0x1F;
	[smem:$0x7C8] =	sst s20  }
0x6f: {  	s11 =	smul.u32 $0x14F8B589, s11;
	s20 =	sld [smem:$0x7A5]  }
0x70: {  	s7 =	sld [smem:$0x7A7]  }
0x71: {  	(v2sf) =	vpush v6, $0x8;
	[smem:$0x7C9] =	sst s11;
	s11 =	spop (v2sf)  }
0x72: {  	s21 =	spop (v2sf);
	s4 =	sadd.s32 s4, s20;
	s20 =	smulhi.u32 $0x14F8B589, s11  }
0x73: {  	s1 =	sshra.s32 s21, $0x1F;
	s17 =	spop (v2sf);
	[smem:$0x7D9] =	sst s4  }
0x74: {  	s11 =	sshra.s32 s11, $0x1F;
	s1 =	smul.u32 $0x14F8B589, s1;
	s4 =	sld [smem:$0x7A6]  }
0x75: {  	[smem:$0x7CA] =	sst s20;
	s20 =	smul.u32 $0x14F8B589, s11  }
0x76: {  	s11 =	smulhi.u32 $0x14F8B589, s21;
	[smem:$0x7CD] =	sst s1  }
0x77: {  	(v2sf) =	vpush v6, $0xA;
	s21 =	smulhi.u32 $0x14F8B589, s17;
	s1 =	sshra.s32 s17, $0x1F;
	s17 =	sld [smem:$0x7AA]  }
0x78: {  	s23 =	spop (v2sf);
	[smem:$0x7CB] =	sst s20  }
0x79: {  	s25 =	smulhi.u32 $0x14F8B589, s23;
	[smem:$0x7CC] =	sst s11  }
0x7a: {  	(v2sf) =	vpush v6, $0xB;
	[smem:$0x7CE] =	sst s21  }
0x7b: {  	[smem:$0x7D0] =	sst s25  }
0x7c: {  	s11 =	sld [smem:$0x7A8]  }
0x7d: {  	s20 =	sadd.s32 s14, s24;
	s14 =	sld [smem:$0x7A9]  }
0x7e: {  	s21 =	sld [smem:$0x7AC]  }
0x7f: {  	s0 =	smul.u32 $0x14F8B589, s0;
	s24 =	sadd.s32 s8, s26;
	[smem:$0x7DD] =	sst s20  }
0x80: {  	s26 =	sadd.s32 s30, s28;
	s28 =	spop (v2sf);
	[smem:$0x7E0] =	sst s24  }
0x81: {  	s22 =	sadd.s32 s0, s29;
	[smem:$0x7E1] =	sst s26;
	s29 =	smulhi.u32 $0x14F8B589, s28  }
0x82: {  	s30 =	sshra.s32 s28, $0x1F;
	s28 =	sadd.s32 s19, s7;
	s19 =	sld [smem:$0x7AB]  }
0x83: {  	s24 =	sld [smem:$0x7AE]  }
0x84: {  	s1 =	smul.u32 $0x14F8B589, s1;
	s7 =	sld [smem:$0x7B1]  }
0x85: {  	s26 =	sadd.s32 s13, s4;
	s4 =	sld [smem:$0x7BA]  }
0x86: {  	(v2sf) =	vpush v6, $0x0;
	s25 =	sadd.s32 s5, s31;
	s31 =	spop (v2sf);
	[smem:$0x7CF] =	sst s1  }
0x87: {  	s1 =	sshra.s32 s23, $0x1F;
	s0 =	smul.u32 $0x14F8B589, s30;
	s23 =	sld [smem:$0x7AD]  }
0x88: {  	s5 =	smulhi.u32 $0x14F8B589, s31;
	[smem:$0x7D2] =	sst s29  }
0x89: {  	s8 =	spop (v2sf);
	s29 =	sld [smem:$0x7AF]  }
0x8a: {  	s1 =	smul.u32 $0x14F8B589, s1;
	[smem:$0x7D3] =	sst s0  }
0x8b: {  	s13 =	smulhi.u32 $0x14F8B589, s8;
	[smem:$0x7D4] =	sst s5  }
0x8c: {  	[smem:$0x7D1] =	sst s1  }
0x8d: {  	[smem:$0x7D6] =	sst s13  }
0x8e: {  	s1 =	sadd.s32 s18, s11;
	s11 =	sld [smem:$0x7B3]  }
0x8f: {  	(v2sf) =	vpush v6, $0x1;
	s13 =	sld [smem:$0x7B4]  }
0x90: {  	(v2sf) =	vpush v6, $0x2;
	s0 =	sshra.s32 s31, $0x1F;
	[smem:$0x7E2] =	sst s1  }
0x91: {  	s0 =	smul.u32 $0x14F8B589, s0;
	s1 =	sadd.s32 s6, s14;
	s6 =	sld [smem:$0x7B0]  }
0x92: {  	s14 =	sld [smem:$0x7B5]  }
0x93: {  	[smem:$0x7D5] =	sst s0  }
0x94: {  	[smem:$0x7E3] =	sst s1  }
0x95: {  	(v2sf) =	vpush v6, $0x3;
	s16 =	spop (v2sf);
	s0 =	sshra.s32 s8, $0x1F;
	s8 =	sld [smem:$0x7B2]  }
0x96: {  	s18 =	smulhi.u32 $0x14F8B589, s16;
	s1 =	sadd.s32 s15, s17;
	s15 =	sld [smem:$0x7B6]  }
0x97: {  	[smem:$0x7E4] =	sst s1  }
0x98: {  	[smem:$0x7D8] =	sst s18  }
0x99: {  	(v2sf) =	vpush v6, $0x4;
	s0 =	smul.u32 $0x14F8B589, s0;
	s1 =	sadd.s32 s12, s19;
	s19 =	sld [smem:$0x7B8]  }
0x9a: {  	[smem:$0x7DF] =	sst s1  }
0x9b: {  	s1 =	sadd.s32 s23, s21;
	[smem:$0x7D7] =	sst s0  }
0x9c: {  	[smem:$0x7E5] =	sst s1  }
0x9d: {  	(v2sf) =	vpush v6, $0x5;
	s0 =	sshra.s32 s16, $0x1F;
	s16 =	sld [smem:$0x7B7]  }
0x9e: {  	s20 =	spop (v2sf);
	s1 =	sadd.s32 s29, s24;
	s29 =	sld [smem:$0x7B9]  }
0x9f: {  	s5 =	spop (v2sf);
	[smem:$0x7E6] =	sst s1  }
0xa0: {  	(v2sf) =	vpush v6, $0x6;
	s30 =	smul.u32 $0x14F8B589, s0;
	s1 =	sadd.s32 s7, s6;
	s7 =	sld [smem:$0x7BC]  }
0xa1: {  	s0 =	sshra.s32 s20, $0x1F;
	s23 =	smulhi.u32 $0x14F8B589, s5;
	[smem:$0x7E7] =	sst s1  }
0xa2: {  	(v2sf) =	vpush v6, $0x7;
	s24 =	smul.u32 $0x14F8B589, s0;
	s0 =	sshra.s32 s5, $0x1F;
	s5 =	sld [smem:$0x7BB]  }
0xa3: {  	v7 =	vmul.u32 $0x4F, v7;
	s31 =	smulhi.u32 $0x14F8B589, s20;
	s1 =	sadd.s32 s11, s8;
	s8 =	sld [smem:$0x7BD]  }
0xa4: {  	s12 =	spop (v2sf);
	s11 =	sld [smem:$0x7BE]  }
0xa5: {  	(v2sf) =	vpush v7, $0xD;
	s21 =	smulhi.u32 $0x14F8B589, s12;
	[smem:$0x7E8] =	sst s1  }
0xa6: {  	s20 =	smul.u32 $0x14F8B589, s0;
	s0 =	sshra.s32 s12, $0x1F;
	s12 =	sld [smem:$0x7BF]  }
0xa7: {  	s1 =	sadd.s32 s14, s13;
	s13 =	sld [smem:$0x7C0]  }
0xa8: {  	s17 =	spop (v2sf);
	[smem:$0x7E9] =	sst s1;
	s1 =	sadd.s32 s16, s15  }
0xa9: {  	s18 =	smul.u32 $0x14F8B589, s0;
	[smem:$0x7EA] =	sst s1;
	s1 =	sadd.s32 s29, s19  }
0xaa: {  	s0 =	sshra.s32 s17, $0x1F;
	s19 =	smulhi.u32 $0x14F8B589, s17;
	[smem:$0x7EB] =	sst s1  }
0xab: {  	s16 =	smul.u32 $0x14F8B589, s0;
	s1 =	sadd.s32 s5, s4;
	s4 =	sld [smem:$0x7C2]  }
0xac: {  	s6 =	spop (v2sf);
	s5 =	sld [smem:$0x7C3]  }
0xad: {  	(v2sf) =	vpush v7, $0xC;
	s17 =	smulhi.u32 $0x14F8B589, s6;
	s0 =	sshra.s32 s6, $0x1F;
	[smem:$0x7ED] =	sst s1  }
0xae: {  	s1 =	sadd.s32 s10, s7;
	s14 =	smul.u32 $0x14F8B589, s0;
	s7 =	sld [smem:$0x7C4]  }
0xaf: {  	s10 =	spop (v2sf);
	[smem:$0x7EE] =	sst s1  }
0xb0: {  	s1 =	sadd.s32 s9, s8;
	s15 =	smulhi.u32 $0x14F8B589, s10;
	s8 =	sld [smem:$0x7C5]  }
0xb1: {  	s0 =	sshra.s32 s10, $0x1F;
	s29 =	spop (v2sf);
	s9 =	sld [smem:$0x7C6]  }
0xb2: {  	(v2sf) =	vpush v7, $0xE;
	[smem:$0x7EF] =	sst s1;
	s1 =	sadd.s32 s12, s11;
	s12 =	smulhi.u32 $0x14F8B589, s29  }
0xb3: {  	[smem:$0x7F0] =	sst s1;
	s1 =	sadd.s32 s3, s13;
	s13 =	smul.u32 $0x14F8B589, s0  }
0xb4: {  	s3 =	sld [smem:$0x7C1];
	s0 =	sshra.s32 s29, $0x1F;
	s6 =	spop (v2sf)  }
0xb5: {  	s29 =	sld [smem:$0x7C7];
	s11 =	smul.u32 $0x14F8B589, s0  }
0xb6: {  	[smem:$0x7F1] =	sst s1;
	s10 =	smulhi.u32 $0x14F8B589, s6  }
0xb7: {  	s0 =	sshra.s32 s6, $0x1F;
	s6 =	sld [smem:$0x7CA];
	s1 =	sadd.s32 s2, s3  }
0xb8: {  	[smem:$0x7F2] =	sst s1  }
0xb9: {  	(v2sf) =	vpush v7, $0xF;
	s1 =	sadd.s32 s5, s4;
	s4 =	sld [smem:$0x7C8]  }
0xba: {  	s5 =	sld [smem:$0x7C9]  }
0xbb: {  	[smem:$0x7F3] =	sst s1  }
0xbc: {  	s3 =	spop (v2sf);
	s1 =	sadd.s32 s8, s7;
	s7 =	sld [smem:$0x7CB]  }
0xbd: {  	s8 =	smulhi.u32 $0x14F8B589, s3;
	[smem:$0x7F4] =	sst s1;
	s1 =	sadd.s32 s29, s9  }
0xbe: {  	s9 =	smul.u32 $0x14F8B589, s0;
	s0 =	sshra.s32 s3, $0x1F;
	s3 =	sld [smem:$0x7CC]  }
0xbf: {  	[smem:$0x7EC] =	sst s1  }
0xc0: {  	s1 =	sadd.s32 s5, s4;
	s4 =	sld [smem:$0x7CD]  }
0xc1: {  	s29 =	spop (v2sf);
	s5 =	sld [smem:$0x7CE]  }
0xc2: {  	[smem:$0x7F5] =	sst s1;
	s1 =	sadd.s32 s7, s6;
	s7 =	smul.u32 $0x14F8B589, s0  }
0xc3: {  	s6 =	smulhi.u32 $0x14F8B589, s29;
	s0 =	sshra.s32 s29, $0x1F;
	s29 =	sld [smem:$0x7CF]  }
0xc4: {  	[smem:$0x7F6] =	sst s1  }
0xc5: {  	s1 =	sadd.s32 s4, s3;
	s4 =	sld [smem:$0x7D0]  }
0xc6: {  	[smem:$0x7F7] =	sst s1  }
0xc7: {  	(v2sf) =	vpush v7, $0x9;
	s1 =	sadd.s32 s29, s5;
	s29 =	sld [smem:$0x7D1]  }
0xc8: {  	s3 =	spop (v2sf)  }
0xc9: {  	(v2sf) =	vpush v7, $0x8;
	s5 =	smul.u32 $0x14F8B589, s0;
	s0 =	sshra.s32 s3, $0x1F;
	[smem:$0x7F8] =	sst s1  }
0xca: {  	(v2sf) =	vpush v7, $0xA;
	s1 =	sadd.s32 s29, s4;
	s4 =	smulhi.u32 $0x14F8B589, s3;
	s3 =	sld [smem:$0x7D2]  }
0xcb: {  	s29 =	sld [smem:$0x7D3]  }
0xcc: {  	s2 =	sld [smem:$0x7D4]  }
0xcd: {  	[smem:$0x7F9] =	sst s1  }
0xce: {  	(v2sf) =	vpush v7, $0xB;
	s1 =	sadd.s32 s29, s3;
	s29 =	sld [smem:$0x7D5];
	_ =	sdelay $0x1  }
0xcf: {  	(v2sf) =	vpush v7, $0x0;
	[smem:$0x7FA] =	sst s1  }
0xd0: {  	s1 =	sadd.s32 s29, s2;
	s29 =	sld [smem:$0x7D7]  }
0xd1: {  	s24 =	sadd.s32 s24, s31;
	s23 =	sadd.s32 s20, s23;
	(v2sf) =	vpush v7, $0x1;
	[smem:$0x7FB] =	sst s1  }
0xd2: {  	s18 =	sadd.s32 s18, s21;
	s13 =	sadd.s32 s13, s15;
	s1 =	sld [smem:$0x7D6]  }
0xd3: {  	s16 =	sadd.s32 s16, s19;
	[dreg:$0x1f] =	wrdreg s13;
	(v2sf) =	vpush v7, $0x2;
	s9 =	sadd.s32 s9, s10  }
0xd4: {  	s14 =	sadd.s32 s14, s17;
	[dreg:$0x12] =	wrdreg s9;
	s3 =	smul.u32 $0x14F8B589, s0  }
0xd5: {  	s0 =	spop (v2sf);
	s1 =	sadd.s32 s29, s1;
	s29 =	sld [smem:$0x7D8]  }
0xd6: {  	s2 =	smulhi.u32 $0x14F8B589, s0;
	s0 =	sshra.s32 s0, $0x1F;
	[smem:$0x7FC] =	sst s1  }
0xd7: {  	(v2sf) =	vpush v7, $0x3;
	s7 =	sadd.s32 s7, s8;
	s1 =	smul.u32 $0x14F8B589, s0;
	s0 =	spop (v2sf)  }
0xd8: {  	[dreg:$0x15] =	wrdreg s7;
	s30 =	sadd.s32 s30, s29;
	s29 =	spop (v2sf)  }
0xd9: {  	s11 =	sadd.s32 s11, s12;
	[smem:$0x7FD] =	sst s30;
	s30 =	smulhi.u32 $0x14F8B589, s0  }
0xda: {  	s5 =	sadd.s32 s5, s6;
	s0 =	sshra.s32 s0, $0x1F;
	s20 =	smulhi.u32 $0x14F8B589, s29  }
0xdb: {  	[dreg:$0x13] =	wrdreg s5;
	s31 =	sshra.s32 s29, $0x1F;
	s0 =	smul.u32 $0x14F8B589, s0  }
0xdc: {  	s3 =	sadd.s32 s3, s4;
	s29 =	spop (v2sf);
	s21 =	smul.u32 $0x14F8B589, s31  }
0xdd: {  	[dreg:$0x16] =	wrdreg s3;
	s19 =	smulhi.u32 $0x14F8B589, s29;
	s31 =	sshra.s32 s29, $0x1F  }
0xde: {  	s1 =	sadd.s32 s1, s2;
	s29 =	spop (v2sf);
	s17 =	smul.u32 $0x14F8B589, s31  }
0xdf: {  	[dreg:$0x11] =	wrdreg s1;
	s13 =	smulhi.u32 $0x14F8B589, s29;
	s29 =	sshra.s32 s29, $0x1F  }
0xe0: {  	s31 =	spop (v2sf);
	s12 =	smul.u32 $0x14F8B589, s29;
	s0 =	sadd.s32 s0, s30  }
0xe1: {  	s9 =	smulhi.u32 $0x14F8B589, s31;
	s29 =	sshra.s32 s31, $0x1F;
	[dreg:$0x14] =	wrdreg s0  }
0xe2: {  	s31 =	spop (v2sf);
	s6 =	sadd.s32 s17, s19;
	s17 =	sld [smem:$0x7DD]  }
0xe3: {  	s5 =	smulhi.u32 $0x14F8B589, s31;
	s19 =	sld [smem:$0x7DE]  }
0xe4: {  	s8 =	sshra.s32 s31, $0x1F;
	s31 =	sadd.s32 s21, s20;
	s21 =	sld [smem:$0x7DF]  }
0xe5: {  	s7 =	smul.u32 $0x14F8B589, s29;
	[dreg:$0xf] =	wrdreg s31  }
0xe6: {  	s10 =	spop (v2sf);
	[dreg:$0xe] =	wrdreg s6  }
0xe7: {  	s15 =	smulhi.u32 $0x14F8B589, s10;
	s29 =	sshra.s32 s10, $0x1F;
	s10 =	sld [smem:$0x7D9]  }
0xe8: {  	s31 =	sadd.s32 s12, s13;
	s12 =	sld [smem:$0x7DA]  }
0xe9: {  	s3 =	smul.u32 $0x14F8B589, s8;
	s13 =	sld [smem:$0x7DB]  }
0xea: {  	s4 =	smul.u32 $0x14F8B589, s29;
	s8 =	sadd.s32 s7, s9;
	s29 =	sld [smem:$0x7E0]  }
0xeb: {  	[dreg:$0x18] =	wrdreg s8;
	s9 =	sadd.s32 s3, s5  }
0xec: {  	s5 =	sshra.s32 s17, $0xD;
	s20 =	sshra.s32 s21, $0x1F;
	[dreg:$0x17] =	wrdreg s9  }
0xed: {  	s30 =	sadd.s32 s4, s15;
	s4 =	sshrl.u32 s10, $0x1F;
	s3 =	sshra.s32 s10, $0xD  }
0xee: {  	s6 =	sshrl.u32 s12, $0x1F;
	s2 =	sshra.s32 s12, $0xD;
	s7 =	sshrl.u32 s13, $0x1F  }
0xef: {  	s0 =	sshra.s32 s13, $0xD;
	s15 =	sld [smem:$0x7DC];
	s10 =	sshrl.u32 s17, $0x1F  }
0xf0: {  	s12 =	sshrl.u32 s19, $0x1F;
	s13 =	sshra.s32 s19, $0xD;
	s17 =	sshrl.u32 s22, $0x1F  }
0xf1: {  	vm15 =	vcmask $0x300;
	v8 =	vmov s20;
	s20 =	sshra.s32 s22, $0xD;
	s22 =	sshra.s32 s22, $0x1F;
	s19 =	sshrl.u32 s25, $0x1F  }
0xf2: {  	vm8 =	vcmask $0x704;
	v9 =	vmov s6;
	v8 =	vsel vm15, s20, v8;
	s6 =	sshra.s32 s29, $0xD;
	s20 =	sshra.s32 s25, $0xD;
	s9 =	sshrl.u32 s15, $0x1F  }
0xf3: {  	vm10 =	vcmask $0xF0C;
	vm11 =	vcmask $0x1714;
	v8 =	vsel vm8, s22, v8;
	s1 =	sshra.s32 s15, $0xD;
	s15 =	sshrl.u32 s29, $0x1F;
	s29 =	sld [smem:$0x7E1]  }
0xf4: {  	v10 =	vmov s17;
	v9 =	vsel vm0, s4, v9;
	s22 =	sshra.s32 s25, $0x1F;
	s25 =	sshrl.u32 s26, $0x1F;
	v11 =	vsel vm0, s20, v8;
	s20 =	sshrl.u32 s28, $0x1F  }
0xf5: {  	v10 =	vnsel vm15, $0x0, v10;
	v9 =	vsel vm1, s7, v9;
	s7 =	sshra.s32 s28, $0x1F;
	v50 =	vsel vm10, s22, v11;
	s22 =	sshra.s32 s28, $0xD;
	s28 =	sld [smem:$0x7E2]  }
0xf6: {  	v51 =	vmov s12;
	v10 =	vsel vm0, s19, v10;
	v48 =	vsel vm2, s9, v9;
	s17 =	sshrl.u32 s29, $0x1F;
	s8 =	sshra.s32 s29, $0xD;
	s29 =	sshra.s32 s26, $0xD  }
0xf7: {  	v49 =	vsel vm1, s25, v10;
	s9 =	sshra.s32 s26, $0x1F;
	v11 =	vsel vm0, s10, v51;
	s10 =	sld [smem:$0x7E6];
	v10 =	vsel vm1, s29, v50  }
0xf8: {  	vm4 =	vcmask $0x2320;
	s25 =	sld [smem:$0x7E3];
	v9 =	vsel vm2, s20, v49;
	s20 =	sshra.s32 s21, $0xD;
	s29 =	sshrl.u32 s28, $0x1F;
	v10 =	vsel vm11, s9, v10  }
0xf9: {  	vm12 =	vcmask $0x1F1C;
	vm13 =	vcmask $0x2724;
	s19 =	sshra.s32 s28, $0xD;
	s12 =	sshra.s32 s28, $0x1F;
	v12 =	vsel vm2, s22, v10;
	s22 =	sld [smem:$0x7E4]  }
0xfa: {  	v11 =	vsel vm1, s15, v11;
	v9 =	vsel vm4, s29, v9;
	s29 =	sshrl.u32 s21, $0x1F;
	s21 =	sshrl.u32 s10, $0x1F;
	s9 =	sld [smem:$0x7EA];
	v53 =	vsel vm12, s7, v12  }
0xfb: {  	s26 =	sshrl.u32 s25, $0x1F;
	s28 =	sshra.s32 s25, $0xD;
	v52 =	vsel vm2, s17, v11;
	v58 =	vmov s21;
	s21 =	sld [smem:$0x7EE];
	v11 =	vsel vm4, s19, v53  }
0xfc: {  	vm5 =	vcmask $0x2B28;
	s15 =	sshra.s32 s25, $0x1F;
	s7 =	sld [smem:$0x7E5];
	s25 =	sshrl.u32 s22, $0x1F;
	v11 =	vsel vm13, s12, v11  }
0xfd: {  	vm14 =	vcmask $0x2F2C;
	v9 =	vsel vm5, s26, v9;
	s26 =	sshra.s32 s22, $0xD;
	s17 =	sshra.s32 s22, $0x1F;
	s22 =	sld [smem:$0x7E7];
	v14 =	vsel vm5, s28, v11  }
0xfe: {  	vm6 =	vcmask $0x3330;
	s28 =	sld [smem:$0x7E8];
	v14 =	vsel vm14, s15, v14  }
0xff: {  	vm7 =	vcmask $0x3B38;
	v9 =	vsel vm6, s25, v9;
	v57 =	vsel vm6, s26, v14;
	s26 =	sld [smem:$0x7EC]  }
0x100: {  	s19 =	sshrl.u32 s7, $0x1F;
	v9 =	vsel vm7, s29, v9;
	s29 =	sld [smem:$0x7E9]  }
0x101: {  	v54 =	vmov s2;
	s2 =	sshra.s32 s7, $0xD;
	v15 =	vsel vm0, s19, v58;
	s19 =	sld [smem:$0x7ED];
	s25 =	sshrl.u32 s22, $0x1F  }
0x102: {  	v13 =	vmov s13;
	v12 =	vsel vm0, s3, v54;
	s3 =	sshra.s32 s22, $0xD;
	s22 =	sshra.s32 s21, $0xD;
	s15 =	sshra.s32 s26, $0x1F  }
0x103: {  	v13 =	vsel vm0, s5, v13;
	v12 =	vsel vm1, s0, v12;
	s5 =	sshrl.u32 s28, $0x1F;
	s0 =	sshra.s32 s28, $0xD;
	s28 =	sshra.s32 s21, $0x1F;
	v16 =	vmov s15  }
0x104: {  	s12 =	sshrl.u32 s29, $0x1F;
	s7 =	sshra.s32 s29, $0xD;
	s29 =	sld [smem:$0x7EF];
	v61 =	vsel vm15, s22, v16  }
0x105: {  	v60 =	vsel vm1, s25, v15;
	v15 =	vsel vm8, s28, v61;
	s28 =	sld [smem:$0x7F0]  }
0x106: {  	vm3 =	vcmask $0x3734;
	v56 =	vsel vm1, s6, v13;
	s4 =	sshra.s32 s10, $0xD;
	s10 =	sld [smem:$0x7EB];
	s25 =	sshrl.u32 s21, $0x1F  }
0x107: {  	v13 =	vsel vm2, s8, v56;
	v55 =	vsel vm2, s1, v12;
	v12 =	vsel vm3, s17, v57;
	s8 =	sshra.s32 s19, $0xD;
	s15 =	sshrl.u32 s19, $0x1F;
	s19 =	sshrl.u32 s29, $0x1F  }
0x108: {  	v59 =	vsel vm7, s20, v12;
	s21 =	sshra.s32 s29, $0xD;
	s22 =	sshra.s32 s29, $0x1F;
	s20 =	sshrl.u32 s28, $0x1F  }
0x109: {  	s29 =	sshra.s32 s28, $0xD;
	s13 =	sshra.s32 s28, $0x1F;
	s28 =	sld [smem:$0x7F2]  }
0x10a: {  	v62 =	vmov s25;
	v15 =	vsel vm0, s21, v15  }
0x10b: {  	s6 =	sshra.s32 s9, $0xD;
	s1 =	sshrl.u32 s9, $0x1F;
	s25 =	sld [smem:$0x7F1];
	v16 =	vnsel vm15, $0x0, v62;
	v15 =	vsel vm10, s22, v15  }
0x10c: {  	s9 =	sshrl.u32 s10, $0x1F;
	v17 =	vmov s1;
	v16 =	vsel vm0, s19, v16;
	v15 =	vsel vm1, s29, v15;
	s29 =	sld [smem:$0x7F3];
	s22 =	sshrl.u32 s28, $0x1F  }
0x10d: {  	v12 =	vsel vm2, s5, v60;
	v17 =	vsel vm0, s12, v17;
	v16 =	vsel vm1, s20, v16;
	s5 =	sshra.s32 s28, $0xD;
	s20 =	sshra.s32 s28, $0x1F;
	s28 =	sld [smem:$0x7F4]  }
0x10e: {  	v17 =	vsel vm1, s9, v17;
	s9 =	sld [smem:$0x7F5];
	s17 =	sshra.s32 s25, $0xD  }
0x10f: {  	(v2sf) =	vpush v7, $0x4;
	s19 =	sshra.s32 s25, $0x1F;
	s21 =	sshrl.u32 s25, $0x1F;
	v15 =	vsel vm11, s13, v15;
	s1 =	sshrl.u32 s29, $0x1F  }
0x110: {  	(v2sf) =	vpush v7, $0x5;
	v16 =	vsel vm2, s21, v16;
	v15 =	vsel vm2, s17, v15;
	s12 =	sshra.s32 s29, $0xD;
	s13 =	sshra.s32 s29, $0x1F;
	s29 =	sshrl.u32 s28, $0x1F  }
0x111: {  	v19 =	vmov s6;
	v16 =	vsel vm4, s22, v16;
	v15 =	vsel vm12, s19, v15;
	s17 =	sshra.s32 s28, $0xD;
	s22 =	sshra.s32 s28, $0x1F;
	s28 =	sld [smem:$0x7F6]  }
0x112: {  	s10 =	sshra.s32 s10, $0xD;
	v19 =	vsel vm0, s7, v19;
	s7 =	sld [smem:$0x7FB];
	s25 =	sshrl.u32 s26, $0x1F;
	v18 =	vsel vm5, s1, v16;
	v32 =	vsel vm4, s5, v15  }
0x113: {  	s19 =	sshra.s32 s26, $0xD;
	s26 =	sshrl.u32 s9, $0x1F;
	v31 =	vsel vm6, s29, v18;
	s29 =	sld [smem:$0x7F7];
	v18 =	vsel vm13, s20, v32  }
0x114: {  	v63 =	vsel vm2, s15, v17;
	s1 =	sshra.s32 s9, $0xD;
	v33 =	vsel vm7, s25, v31;
	s25 =	sld [smem:$0x7F8];
	v18 =	vsel vm5, s12, v18;
	s15 =	sshrl.u32 s28, $0x1F  }
0x115: {  	s9 =	sshra.s32 s28, $0xD;
	s28 =	sld [smem:$0x7F9];
	v18 =	vsel vm14, s13, v18;
	s13 =	sshrl.u32 s7, $0x1F  }
0x116: {  	s21 =	sshrl.u32 s29, $0x1F;
	s5 =	sshra.s32 s29, $0xD;
	s29 =	sld [smem:$0x7FA]  }
0x117: {  	(v2sf) =	vpush v7, $0x6;
	v34 =	vmov s4;
	v8 =	vcombine.low v52, v48;
	s7 =	sshra.s32 s7, $0xD;
	s20 =	sshrl.u32 s25, $0x1F;
	s4 =	sshra.s32 s25, $0xD  }
0x118: {  	(v2sf) =	vpush v7, $0x7;
	v17 =	vsel vm0, s2, v34;
	s12 =	sshrl.u32 s28, $0x1F;
	s2 =	sshra.s32 s28, $0xD;
	s28 =	sld [smem:$0x7FC]  }
0x119: {  	v8 =	vperm.xlane v8, v0;
	v18 =	vsel vm6, s17, v18;
	v20 =	vmov s15;
	s25 =	sshrl.u32 s29, $0x1F;
	s6 =	sshra.s32 s29, $0xD;
	s29 =	sld [smem:$0x7FD]  }
0x11a: {  	v11 =	vcombine.low v13, v55;
	s15 =	sshrl.u32 s24, $0x1F;
	v18 =	vsel vm3, s22, v18;
	s22 =	sshra.s32 s24, $0x1F;
	v20 =	vsel vm0, s26, v20;
	s26 =	sshra.s32 s18, $0xD  }
0x11b: {  	v9 =	vperm.xlane v9, v1;
	v18 =	vsel vm7, s19, v18;
	s19 =	sshra.s32 s24, $0xD;
	s24 =	sshra.s32 s23, $0xD;
	v20 =	vsel vm1, s21, v20;
	s21 =	sshrl.u32 s18, $0x1F  }
0x11c: {  	v11 =	vperm.xlane v11, v0;
	v19 =	vsel vm1, s10, v19;
	v17 =	vsel vm1, s3, v17;
	s10 =	sshrl.u32 s28, $0x1F;
	s3 =	sshra.s32 s28, $0xD;
	s17 =	sshrl.u32 s29, $0x1F  }
0x11d: {  	v14 =	vperm.xlane v59, v1;
	v19 =	vsel vm2, s8, v19;
	v17 =	vsel vm2, s0, v17;
	s0 =	sshra.s32 s29, $0xD;
	s8 =	sshra.s32 s29, $0x1F;
	s29 =	sshra.s32 s11, $0x1F  }
0x11e: {  	v23 =	vmov s25;
	s28 =	sshrl.u32 s23, $0x1F;
	s23 =	sshra.s32 s23, $0x1F;
	v21 =	vmov s29;
	v22 =	vmov s17;
	s29 =	spop (v2sf)  }
0x11f: {  	v23 =	vsel vm0, s12, v23;
	s12 =	sshra.s32 s16, $0xD;
	s17 =	rddreg [dreg:$0x16];
	v21 =	vsel vm15, s0, v21;
	v22 =	vnsel vm15, $0x0, v22;
	s0 =	smulhi.u32 $0x14F8B589, s29  }
0x120: {  	v25 =	vmov s6;
	v21 =	vsel vm8, s8, v21;
	v22 =	vsel vm0, s15, v22;
	s15 =	sshra.s32 s18, $0x1F;
	s8 =	sshra.s32 s29, $0x1F;
	s18 =	rddreg [dreg:$0x11]  }
0x121: {  	v44 =	vcombine.low v63, v12;
	v25 =	vsel vm0, s2, v25;
	s29 =	sshrl.u32 s16, $0x1F;
	v22 =	vsel vm1, s28, v22;
	s8 =	smul.u32 $0x14F8B589, s8;
	s28 =	spop (v2sf)  }
0x122: {  	v46 =	vcombine.low v19, v17;
	v25 =	vsel vm1, s7, v25;
	s16 =	sshra.s32 s16, $0x1F;
	v21 =	vsel vm0, s19, v21;
	s7 =	sshrl.u32 s18, $0x1F;
	s19 =	smulhi.u32 $0x14F8B589, s28  }
0x123: {  	v20 =	vsel vm2, s20, v20;
	v21 =	vsel vm10, s22, v21;
	v22 =	vsel vm2, s21, v22;
	s20 =	sshra.s32 s28, $0x1F;
	s21 =	sshrl.u32 s14, $0x1F;
	s22 =	sshra.s32 s14, $0xD  }
0x124: {  	v47 =	vperm.xlane v44, v0;
	v48 =	vperm.xlane v33, v1;
	s28 =	sshrl.u32 s11, $0x1F;
	s11 =	sshra.s32 s11, $0xD;
	v21 =	vsel vm1, s24, v21;
	s24 =	rddreg [dreg:$0x1f]  }
0x125: {  	v37 =	vmov s9;
	v23 =	vsel vm1, s13, v23;
	v25 =	vsel vm2, s3, v25;
	s13 =	smul.u32 $0x14F8B589, s20;
	s20 =	rddreg [dreg:$0x17];
	s3 =	sadd.s32 s8, s0  }
0x126: {  	v49 =	vperm.xlane v18, v1;
	v22 =	vsel vm4, s29, v22;
	v24 =	vsel vm11, s23, v21;
	s23 =	sshra.s32 s14, $0x1F;
	s25 =	sshrl.u32 s24, $0x1F;
	s29 =	sshra.s32 s24, $0xD  }
0x127: {  	v35 =	vsel vm2, s10, v23;
	v22 =	vsel vm5, s21, v22;
	s21 =	rddreg [dreg:$0x12];
	s14 =	sshrl.u32 s17, $0x1F;
	v36 =	vsel vm2, s26, v24;
	s26 =	spop (v2sf)  }
0x128: {  	v22 =	vsel vm6, s25, v22;
	v24 =	vsel vm0, s1, v37;
	s1 =	sshra.s32 s24, $0x1F;
	s6 =	sshrl.u32 s21, $0x1F;
	s25 =	rddreg [dreg:$0x15];
	v23 =	vsel vm12, s15, v36  }
0x129: {  	v52 =	vcombine.low v35, v20;
	s24 =	sshrl.u32 s31, $0x1F;
	s2 =	sadd.s32 s13, s19;
	s13 =	sshrl.u32 s30, $0x1F;
	v22 =	vsel vm7, s28, v22;
	v23 =	vsel vm4, s12, v23  }
0x12a: {  	s19 =	sshrl.u32 s3, $0x1F;
	v24 =	vsel vm1, s5, v24;
	s9 =	sshra.s32 s26, $0x1F;
	v26 =	vmov s24;
	s24 =	rddreg [dreg:$0x14];
	v23 =	vsel vm13, s16, v23  }
0x12b: {  	s28 =	sshrl.u32 s20, $0x1F;
	s12 =	smulhi.u32 $0x14F8B589, s26;
	v24 =	vsel vm2, s4, v24;
	s10 =	sshrl.u32 s24, $0x1F;
	v26 =	vnsel vm15, $0x0, v26;
	v23 =	vsel vm5, s22, v23  }
0x12c: {  	s5 =	smul.u32 $0x14F8B589, s9;
	v54 =	vperm.xlane v22, v1;
	s16 =	sshrl.u32 s25, $0x1F;
	v28 =	vmov s10;
	v23 =	vsel vm14, s23, v23;
	s23 =	rddreg [dreg:$0x18]  }
0x12d: {  	v53 =	vcombine.low v25, v24;
	s22 =	rddreg [dreg:$0x13];
	v27 =	vmov s16;
	v23 =	vsel vm6, s29, v23;
	s26 =	sshrl.u32 s23, $0x1F;
	s29 =	spop (v2sf)  }
0x12e: {  	v28 =	vsel vm0, s7, v28;
	s4 =	sshrl.u32 s22, $0x1F;
	v27 =	vsel vm0, s6, v27;
	v26 =	vsel vm0, s26, v26;
	s8 =	smulhi.u32 $0x14F8B589, s29;
	s9 =	sshra.s32 s29, $0x1F  }
0x12f: {  	s10 =	sshra.s32 s21, $0xD;
	v27 =	vsel vm1, s4, v27;
	v23 =	vsel vm3, s1, v23;
	s29 =	rddreg [dreg:$0xe];
	v26 =	vsel vm1, s28, v26;
	s15 =	smul.u32 $0x14F8B589, s9  }
0x130: {  	v30 =	vld [tilespmem:$0x1FFF0];
	s1 =	sadd.s32 s5, s12;
	v27 =	vsel vm2, s14, v27;
	v23 =	vsel vm7, s11, v23;
	s9 =	rddreg [dreg:$0xf];
	s28 =	sshra.s32 s25, $0xD;
	v26 =	vsel vm2, s13, v26  }
0x131: {  	s16 =	sshrl.u32 s9, $0x1F;
	v29 =	vmov s28;
	s13 =	sshra.s32 s24, $0xD;
	v56 =	vperm.xlane v23, v1;
	v26 =	vsel vm4, s19, v26;
	s0 =	sadd.s32 s15, s8  }
0x132: {  	s26 =	sshrl.u32 s2, $0x1F;
	s5 =	sshrl.u32 s29, $0x1F;
	v28 =	vsel vm1, s16, v28;
	v29 =	vsel vm0, s10, v29;
	v39 =	vmov s13;
	s14 =	sshra.s32 s0, $0x1F  }
0x133: {  	s21 =	sshra.s32 s18, $0xD;
	s12 =	sshra.s32 s22, $0xD;
	s15 =	sshra.s32 s31, $0xD;
	v26 =	vsel vm5, s26, v26;
	v28 =	vsel vm2, s5, v28;
	v40 =	vmov s14  }
0x134: {  	s8 =	sshrl.u32 s1, $0x1F;
	s16 =	sshra.s32 s31, $0x1F;
	v38 =	vsel vm1, s12, v29;
	v29 =	vsel vm0, s21, v39;
	v13 =	vsel vm15, s15, v40  }
0x135: {  	s22 =	sshra.s32 s23, $0xD;
	v26 =	vsel vm6, s8, v26;
	v13 =	vsel vm8, s16, v13;
	vm8 =	vnez.u8 v30  }
0x136: {  	s24 =	sshra.s32 s23, $0x1F;
	s19 =	sshra.s32 s17, $0xD;
	v13 =	vsel vm0, s22, v13;
	v8 =	vsel vm8, v9, v8;
	v41 =	vsel vm8, v14, v11  }
0x137: {  	s25 =	sshra.s32 s9, $0xD;
	s26 =	sshra.s32 s20, $0xD;
	v10 =	vsel vm2, s19, v38;
	v42 =	vsel vm10, s24, v13;
	v8 =	vadd.s32 v8, v41  }
0x138: {  	s29 =	sshra.s32 s29, $0xD;
	s28 =	sshra.s32 s20, $0x1F;
	s11 =	sshrl.u32 s0, $0x1F;
	v43 =	vsel vm1, s25, v29;
	v11 =	vsel vm1, s26, v42;
	v8 =	vmul.u32 $0x186A0, v8  }
0x139: {  	s31 =	sshra.s32 s30, $0xD;
	v26 =	vsel vm7, s11, v26;
	v45 =	vsel vm2, s29, v43;
	v11 =	vsel vm11, s28, v11  }
0x13a: {  	s7 =	sshra.s32 s30, $0x1F;
	v13 =	vperm.xlane v46, v0;
	v11 =	vsel vm2, s31, v11;
	v4 =	vsub.s32 v4, v8  }
0x13b: {  	s8 =	sshra.s32 s3, $0xD;
	v11 =	vsel vm12, s7, v11;
	vm10 =	vlt.s32 v4, $0x0;
	v50 =	vadd.s32 $0x186A0, v4  }
0x13c: {  	s3 =	sshra.s32 s3, $0x1F;
	v10 =	vcombine.low v45, v10;
	v11 =	vsel vm4, s8, v11;
	v4 =	vsel vm10, v50, v4  }
0x13d: {  	s9 =	sshra.s32 s2, $0xD;
	v51 =	vsel vm8, v49, v13;
	v8 =	vsel vm8, v48, v47;
	v11 =	vsel vm13, s3, v11;
	[tilespmem:$0x100] =	vst v4  }
0x13e: {  	s2 =	sshra.s32 s2, $0x1F;
	v57 =	vperm.xlane v26, v1;
	v8 =	vadd.s32 v8, v51;
	v11 =	vsel vm5, s9, v11;
	v55 =	vld.msk [tilespmem:$0x100], $0xff  }
0x13f: {  	s10 =	sshra.s32 s1, $0xD;
	v9 =	vperm.xlane v52, v0;
	v4 =	vmul.u32 $0x186A0, v8;
	v11 =	vsel vm14, s2, v11  }
0x140: {  	s1 =	sshra.s32 s1, $0x1F;
	v10 =	vperm.xlane v10, v0;
	v8 =	vperm.xlane v53, v0;
	v11 =	vsel vm6, s10, v11  }
0x141: {  	s0 =	sshra.s32 s0, $0xD;
	v4 =	vsub.s32 v5, v4;
	v5 =	vcombine.low v28, v27;
	v11 =	vsel vm3, s1, v11  }
0x142: {  	v9 =	vsel vm8, v54, v9;
	v8 =	vsel vm8, v56, v8;
	v11 =	vsel vm7, s0, v11  }
0x143: {  	v5 =	vperm.xlane v5, v0;
	v11 =	vperm.xlane v11, v1;
	v58 =	vshll.u32 v55, $0x3  }
0x144: {  	v8 =	vadd.s32 v9, v8;
	v59 =	vand.u32 $0x7, v55;
	v13 =	vand.u32 $0xFFFFFFC0, v58  }
0x145: {  	v5 =	vsel vm8, v57, v5;
	v10 =	vsel vm8, v11, v10;
	v9 =	vor.u32 v59, v13  }
0x146: {  	v8 =	vmul.u32 $0x186A0, v8;
	v5 =	vadd.s32 v5, v10;
	v9 =	vperm.xlane v9, v2  }
0x147: {  	vm10 =	vlt.s32 v4, $0x0;
	v60 =	vadd.s32 $0x186A0, v4;
	v5 =	vmul.u32 $0x186A0, v5  }
0x148: {  	v4 =	vsel vm10, v60, v4;
	v6 =	vsub.s32 v6, v8;
	v61 =	vadd.s32 v3, v9  }
0x149: {  	vm10 =	vlt.s32 v6, $0x0;
	v62 =	vadd.s32 $0x186A0, v6;
	v5 =	vsub.s32 v7, v5  }
0x14a: {  	[tilespmem:$0x110] =	vst v4;
	v4 =	vsel vm10, v62, v6;
	vm10 =	vlt.s32 v5, $0x0;
	v63 =	vadd.s32 $0x186A0, v5  }
0x14b: {  	[tilespmem:$0x120] =	vst v4;
	v5 =	vsel vm10, v63, v5  }
0x14c: {  	s6 =	simm.s32 $0x0;
	s12 =	simm.s32 $0x180;
	s11 =	rddreg [dreg:$0x1];
	[tilespmem:$0x130] =	vst v5  }
0x14d: {  	[tilespmem:s12], [sflag:$0x1] =	stream.indirect_vreg.gather [hbm4b:s11+s6], $0x80, v61, vm9, $0xb8;
	[tilespmem:$0x14180] =	vst v63  }
0x14e: {  	s13 =	rddreg [dreg:$0x5];
	s14 =	simm.s32 $0x980  }
0x14f: {  	[tilespmem:s14], [sflag:$0x1] =	stream.indirect_vreg.gather [hbm4b:s13+s6], $0x80, v61, vm9, $0xb8;
	[tilespmem:$0x14180] =	vst v63  }
0x150: {  	s15 =	rddreg [dreg:$0x6];
	s16 =	simm.s32 $0x1180  }
0x151: {  	[tilespmem:s16], [sflag:$0x1] =	stream.indirect_vreg.gather [hbm4b:s15+s6], $0x80, v61, vm9, $0xb8;
	[tilespmem:$0x14180] =	vst v63  }
0x152: {  	s18 =	simm.s32 $0x1980;
	s17 =	rddreg [dreg:$0x7]  }
0x153: {  	[tilespmem:s18], [sflag:$0x1] =	stream.indirect_vreg.gather [hbm4b:s17+s6], $0x80, v61, vm9, $0xb8;
	[tilespmem:$0x14180] =	vst v63  }
0x154: {  	v4 =	vld.msk [tilespmem:$0x110], $0xff;
	_ =	sdelay $0x4  }
0x155: {  	v5 =	vshll.u32 v4, $0x3  }
0x156: {  	v4 =	vand.u32 $0x7, v4;
	v5 =	vand.u32 $0xFFFFFFC0, v5  }
0x157: {  	v4 =	vor.u32 v4, v5  }
0x158: {  	v4 =	vperm.xlane v4, v2;
	_ =	sdelay $0x1  }
0x159: {  	v4 =	vadd.s32 v3, v4;
	_ =	sdelay $0x3  }
0x15a: {  	s19 =	simm.s32 $0x2180  }
0x15b: {  	[tilespmem:s19], [sflag:$0x1] =	stream.indirect_vreg.gather [hbm4b:s11+s6], $0x80, v4, vm9, $0xb8;
	[tilespmem:$0x14180] =	vst v63  }
0x15c: {  	s20 =	simm.s32 $0x2980  }
0x15d: {  	[tilespmem:s20], [sflag:$0x1] =	stream.indirect_vreg.gather [hbm4b:s13+s6], $0x80, v4, vm9, $0xb8;
	[tilespmem:$0x14180] =	vst v63  }
0x15e: {  	s21 =	simm.s32 $0x3180  }
0x15f: {  	[tilespmem:s21], [sflag:$0x1] =	stream.indirect_vreg.gather [hbm4b:s15+s6], $0x80, v4, vm9, $0xb8;
	[tilespmem:$0x14180] =	vst v63  }
0x160: {  	s22 =	simm.s32 $0x3980  }
0x161: {  	[tilespmem:s22], [sflag:$0x1] =	stream.indirect_vreg.gather [hbm4b:s17+s6], $0x80, v4, vm9, $0xb8;
	[tilespmem:$0x14180] =	vst v63  }
0x162: {  	v4 =	vld.msk [tilespmem:$0x120], $0xff;
	_ =	sdelay $0x4  }
0x163: {  	v5 =	vshll.u32 v4, $0x3  }
0x164: {  	v4 =	vand.u32 $0x7, v4;
	v5 =	vand.u32 $0xFFFFFFC0, v5  }
0x165: {  	v4 =	vor.u32 v4, v5  }
0x166: {  	v4 =	vperm.xlane v4, v2;
	_ =	sdelay $0x1  }
0x167: {  	v4 =	vadd.s32 v3, v4;
	_ =	sdelay $0x3  }
0x168: {  	s23 =	simm.s32 $0x4180  }
0x169: {  	[tilespmem:s23], [sflag:$0x1] =	stream.indirect_vreg.gather [hbm4b:s11+s6], $0x80, v4, vm9, $0xb8;
	[tilespmem:$0x14180] =	vst v63  }
0x16a: {  	s24 =	simm.s32 $0x4980  }
0x16b: {  	[tilespmem:s24], [sflag:$0x1] =	stream.indirect_vreg.gather [hbm4b:s13+s6], $0x80, v4, vm9, $0xb8;
	[tilespmem:$0x14180] =	vst v63  }
0x16c: {  	s25 =	simm.s32 $0x5180  }
0x16d: {  	[tilespmem:s25], [sflag:$0x1] =	stream.indirect_vreg.gather [hbm4b:s15+s6], $0x80, v4, vm9, $0xb8;
	[tilespmem:$0x14180] =	vst v63  }
0x16e: {  	s26 =	simm.s32 $0x5980  }
0x16f: {  	[tilespmem:s26], [sflag:$0x1] =	stream.indirect_vreg.gather [hbm4b:s17+s6], $0x80, v4, vm9, $0xb8;
	[tilespmem:$0x14180] =	vst v63  }
0x170: {  	v4 =	vld.msk [tilespmem:$0x130], $0xff;
	_ =	sdelay $0x4  }
0x171: {  	v5 =	vshll.u32 v4, $0x3  }
0x172: {  	v4 =	vand.u32 $0x7, v4;
	v5 =	vand.u32 $0xFFFFFFC0, v5  }
0x173: {  	v4 =	vor.u32 v4, v5  }
0x174: {  	v4 =	vperm.xlane v4, v2;
	_ =	sdelay $0x1  }
0x175: {  	v4 =	vadd.s32 v3, v4;
	_ =	sdelay $0x3  }
0x176: {  	s28 =	simm.s32 $0x6180  }
0x177: {  	[tilespmem:s28], [sflag:$0x1] =	stream.indirect_vreg.gather [hbm4b:s11+s6], $0x80, v4, vm9, $0xb8;
	[tilespmem:$0x14180] =	vst v63  }
0x178: {  	s29 =	simm.s32 $0x6980  }
0x179: {  	[tilespmem:s29], [sflag:$0x1] =	stream.indirect_vreg.gather [hbm4b:s13+s6], $0x80, v4, vm9, $0xb8;
	[tilespmem:$0x14180] =	vst v63  }
0x17a: {  	s30 =	simm.s32 $0x7180  }
0x17b: {  	[tilespmem:s30], [sflag:$0x1] =	stream.indirect_vreg.gather [hbm4b:s15+s6], $0x80, v4, vm9, $0xb8;
	[tilespmem:$0x14180] =	vst v63  }
0x17c: {  	s31 =	simm.s32 $0x7980;
	s7 =	simm.s32 $0x0  }
0x17d: {  	[tilespmem:s31], [sflag:$0x1] =	stream.indirect_vreg.gather [hbm4b:s17+s6], $0x80, v4, vm9, $0xb8;
	[tilespmem:$0x14180] =	vst v63  }
.LBB2_2:
0x17e: {  	v4 =	vld.msk [tilespmem:$0x108], $0xff;
	_ =	sdelay $0x4  }
0x17f: {  	v5 =	vshll.u32 v4, $0x3  }
0x180: {  	v4 =	vand.u32 $0x7, v4;
	v5 =	vand.u32 $0xFFFFFFC0, v5  }
0x181: {  	v4 =	vor.u32 v4, v5  }
0x182: {  	v4 =	vperm.xlane v4, v2;
	_ =	sdelay $0x1  }
0x183: {  	v4 =	vadd.s32 v3, v4;
	_ =	sdelay $0x3  }
0x184: {  	s0 =	rddreg [dreg:$0x1];
	s1 =	simm.s32 $0x8180  }
0x185: {  	[tilespmem:s1], [sflag:$0x2] =	stream.indirect_vreg.gather [hbm4b:s0+s6], $0x80, v4, vm9, $0xb8;
	[tilespmem:$0x14180] =	vst v63  }
0x186: {  	s13 =	rddreg [dreg:$0x5];
	s2 =	simm.s32 $0x8980  }
0x187: {  	[tilespmem:s2], [sflag:$0x2] =	stream.indirect_vreg.gather [hbm4b:s13+s6], $0x80, v4, vm9, $0xb8;
	[tilespmem:$0x14180] =	vst v63  }
0x188: {  	s14 =	rddreg [dreg:$0x6];
	s3 =	simm.s32 $0x9180  }
0x189: {  	[tilespmem:s3], [sflag:$0x2] =	stream.indirect_vreg.gather [hbm4b:s14+s6], $0x80, v4, vm9, $0xb8;
	[tilespmem:$0x14180] =	vst v63  }
0x18a: {  	s15 =	rddreg [dreg:$0x7];
	s4 =	simm.s32 $0x9980  }
0x18b: {  	[tilespmem:s4], [sflag:$0x2] =	stream.indirect_vreg.gather [hbm4b:s15+s6], $0x80, v4, vm9, $0xb8;
	[tilespmem:$0x14180] =	vst v63  }
0x18c: {  	v4 =	vld.msk [tilespmem:$0x118], $0xff;
	_ =	sdelay $0x4  }
0x18d: {  	v5 =	vshll.u32 v4, $0x3  }
0x18e: {  	v4 =	vand.u32 $0x7, v4;
	v5 =	vand.u32 $0xFFFFFFC0, v5  }
0x18f: {  	v4 =	vor.u32 v4, v5  }
0x190: {  	v4 =	vperm.xlane v4, v2;
	_ =	sdelay $0x1  }
0x191: {  	v4 =	vadd.s32 v3, v4;
	_ =	sdelay $0x3  }
0x192: {  	s16 =	simm.s32 $0xA180  }
0x193: {  	[tilespmem:s16], [sflag:$0x2] =	stream.indirect_vreg.gather [hbm4b:s0+s6], $0x80, v4, vm9, $0xb8;
	[tilespmem:$0x14180] =	vst v63  }
0x194: {  	s17 =	simm.s32 $0xA980  }
0x195: {  	[tilespmem:s17], [sflag:$0x2] =	stream.indirect_vreg.gather [hbm4b:s13+s6], $0x80, v4, vm9, $0xb8;
	[tilespmem:$0x14180] =	vst v63  }
0x196: {  	s18 =	simm.s32 $0xB180  }
0x197: {  	[tilespmem:s18], [sflag:$0x2] =	stream.indirect_vreg.gather [hbm4b:s14+s6], $0x80, v4, vm9, $0xb8;
	[tilespmem:$0x14180] =	vst v63  }
0x198: {  	s19 =	simm.s32 $0xB980  }
0x199: {  	[tilespmem:s19], [sflag:$0x2] =	stream.indirect_vreg.gather [hbm4b:s15+s6], $0x80, v4, vm9, $0xb8;
	[tilespmem:$0x14180] =	vst v63  }
0x19a: {  	v4 =	vld.msk [tilespmem:$0x128], $0xff;
	_ =	sdelay $0x4  }
0x19b: {  	v5 =	vshll.u32 v4, $0x3  }
0x19c: {  	v4 =	vand.u32 $0x7, v4;
	v5 =	vand.u32 $0xFFFFFFC0, v5  }
0x19d: {  	v4 =	vor.u32 v4, v5  }
0x19e: {  	v4 =	vperm.xlane v4, v2;
	_ =	sdelay $0x1  }
0x19f: {  	v4 =	vadd.s32 v3, v4;
	_ =	sdelay $0x3  }
0x1a0: {  	s20 =	simm.s32 $0xC180  }
0x1a1: {  	[tilespmem:s20], [sflag:$0x2] =	stream.indirect_vreg.gather [hbm4b:s0+s6], $0x80, v4, vm9, $0xb8;
	[tilespmem:$0x14180] =	vst v63  }
0x1a2: {  	s21 =	simm.s32 $0xC980  }
0x1a3: {  	[tilespmem:s21], [sflag:$0x2] =	stream.indirect_vreg.gather [hbm4b:s13+s6], $0x80, v4, vm9, $0xb8;
	[tilespmem:$0x14180] =	vst v63  }
0x1a4: {  	s22 =	simm.s32 $0xD180  }
0x1a5: {  	[tilespmem:s22], [sflag:$0x2] =	stream.indirect_vreg.gather [hbm4b:s14+s6], $0x80, v4, vm9, $0xb8;
	[tilespmem:$0x14180] =	vst v63  }
0x1a6: {  	s23 =	simm.s32 $0xD980  }
0x1a7: {  	[tilespmem:s23], [sflag:$0x2] =	stream.indirect_vreg.gather [hbm4b:s15+s6], $0x80, v4, vm9, $0xb8;
	[tilespmem:$0x14180] =	vst v63  }
0x1a8: {  	v4 =	vld.msk [tilespmem:$0x138], $0xff;
	_ =	sdelay $0x4  }
0x1a9: {  	v5 =	vshll.u32 v4, $0x3  }
0x1aa: {  	v4 =	vand.u32 $0x7, v4;
	v5 =	vand.u32 $0xFFFFFFC0, v5  }
0x1ab: {  	v4 =	vor.u32 v4, v5  }
0x1ac: {  	v4 =	vperm.xlane v4, v2;
	_ =	sdelay $0x1  }
0x1ad: {  	v4 =	vadd.s32 v3, v4;
	_ =	sdelay $0x3  }
0x1ae: {  	s24 =	simm.s32 $0xE180  }
0x1af: {  	[tilespmem:s24], [sflag:$0x2] =	stream.indirect_vreg.gather [hbm4b:s0+s6], $0x80, v4, vm9, $0xb8;
	[tilespmem:$0x14180] =	vst v63  }
0x1b0: {  	s25 =	simm.s32 $0xE980  }
0x1b1: {  	[tilespmem:s25], [sflag:$0x2] =	stream.indirect_vreg.gather [hbm4b:s13+s6], $0x80, v4, vm9, $0xb8;
	[tilespmem:$0x14180] =	vst v63  }
0x1b2: {  	s26 =	simm.s32 $0xF180  }
0x1b3: {  	[tilespmem:s26], [sflag:$0x2] =	stream.indirect_vreg.gather [hbm4b:s14+s6], $0x80, v4, vm9, $0xb8;
	[tilespmem:$0x14180] =	vst v63  }
0x1b4: {  	s28 =	simm.s32 $0xF980;
	s29 =	simm.s32 $0x1  }
0x1b5: {  	[tilespmem:s28], [sflag:$0x2] =	stream.indirect_vreg.gather [hbm4b:s15+s6], $0x80, v4, vm9, $0xb8;
	[tilespmem:$0x14180] =	vst v63  }
0x1b6: {  	_ =	swait.ge [sflag:s29], $0x8000  }
0x1b7: {  	p0 =	seq.s32 s7, $0x0;
	[sflag:s29] =	ssyncset.done $0x0  }
0x1b8: {  	s1 =	simm.s32 @!p0 $0x3;
	[sflag:s29] =	ssyncadd.s32 $0xFFFF8000  }
0x1b9: {  	s0 =	simm.s32 $0x0;
	_ =	swait.ge @!p0 [sflag:s1], $0x2000  }
0x1ba: {  	s30 =	sand.u32 $0x70, s0;
	s31 =	sand.u32 $0x1C00, s0;
	[sflag:s1] =	ssyncset.done @!p0 $0x0  }
0x1bb: {  	[sflag:s1] =	ssyncadd.s32 @!p0 $0xFFFFE000;
	s1 =	sor.u32 s30, s31  }
0x1bc: {  	v14 =	vld [tilespmem:s1+$0x2180]  }
0x1bd: {  	v18 =	vld [tilespmem:s1+$0x180]  }
0x1be: {  	v19 =	vld [tilespmem:s1+$0x4180]  }
0x1bf: {  	v21 =	vld [tilespmem:s1+$0x6180]  }
0x1c0: {  	v23 =	vld [tilespmem:s1+$0x200]  }
0x1c1: {  	v24 =	vld [tilespmem:s1+$0x2200]  }
0x1c2: {  	v25 =	vld [tilespmem:s1+$0x4200]  }
0x1c3: {  	v26 =	vld [tilespmem:s1+$0x6200]  }
0x1c4: {  	v4 =	vld [tilespmem:s1+$0x280]  }
0x1c5: {  	v5 =	vld [tilespmem:s1+$0x2280]  }
0x1c6: {  	v7 =	vld [tilespmem:s1+$0x4280]  }
0x1c7: {  	v10 =	vld [tilespmem:s1+$0x6280]  }
0x1c8: {  	v8 =	vld [tilespmem:s1+$0x300]  }
0x1c9: {  	v11 =	vld [tilespmem:s1+$0x2300]  }
0x1ca: {  	v12 =	vld [tilespmem:s1+$0x4300]  }
0x1cb: {  	v15 =	vld [tilespmem:s1+$0x6300]  }
0x1cc: {  	v13 =	vld [tilespmem:s1+$0x380]  }
0x1cd: {  	v16 =	vld [tilespmem:s1+$0x2380]  }
0x1ce: {  	v17 =	vld [tilespmem:s1+$0x4380]  }
0x1cf: {  	v20 =	vld [tilespmem:s1+$0x6380]  }
0x1d0: {  	v6 =	vld [tilespmem:s1+$0x400]  }
0x1d1: {  	v9 =	vld [tilespmem:s1+$0x2400]  }
0x1d2: {  	v22 =	vadd.f32 v14, v18;
	v14 =	vld [tilespmem:s1+$0x4400]  }
0x1d3: {  	v19 =	vadd.f32 v21, v19;
	v18 =	vld [tilespmem:s1+$0x6400]  }
0x1d4: {  	v23 =	vadd.f32 v24, v23;
	v21 =	vld [tilespmem:s1+$0x2480]  }
0x1d5: {  	s2 =	simm.s32 $0x0;
	s3 =	simm.s32 $0x10;
	v24 =	vadd.f32 v26, v25;
	v22 =	vadd.f32 v19, v22;
	v19 =	vld [tilespmem:s1+$0x480]  }
.LBB2_3:
0x1d6: {  	p1 =	sne.s32 s3, $0x3F0;
	v4 =	vadd.f32 v5, v4;
	v5 =	vadd.f32 v10, v7;
	v7 =	vld [tilespmem:s1+$0x4480]  }
0x1d7: {  	v8 =	vadd.f32 v11, v8;
	v10 =	vadd.f32 v15, v12;
	v11 =	vld [tilespmem:s1+$0x6480]  }
0x1d8: {  	v12 =	vadd.f32 v16, v13;
	v13 =	vadd.f32 v20, v17  }
0x1d9: {  	v15 =	vadd.f32 v24, v23;
	v4 =	vadd.f32 v5, v4  }
0x1da: {  	v5 =	vadd.f32 v10, v8;
	v8 =	vadd.f32 v13, v12;
	[tilespmem:s1+$0x10180] =	vst v22  }
0x1db: {  	v6 =	vadd.f32 v9, v6;
	v9 =	vadd.f32 v18, v14;
	[tilespmem:s1+$0x10200] =	vst v15  }
0x1dc: {  	[tilespmem:s1+$0x10280] =	vst v4;
	v4 =	vadd.f32 v21, v19;
	v7 =	vadd.f32 v11, v7  }
0x1dd: {  	[tilespmem:s1+$0x10300] =	vst v5;
	v5 =	vadd.f32 v9, v6  }
0x1de: {  	[tilespmem:s1+$0x10380] =	vst v8;
	v4 =	vadd.f32 v7, v4;
	v6 =	vld [tilespmem:s1+$0x2500]  }
0x1df: {  	s4 =	sor.u32 s2, s0;
	s0 =	smov.u32 s3;
	[tilespmem:s1+$0x10400] =	vst v5;
	v5 =	vld [tilespmem:s1+$0x4500]  }
0x1e0: {  	s4 =	sor.u32 $0x380, s4;
	[tilespmem:s1+$0x10480] =	vst v4;
	v4 =	vld [tilespmem:s1+$0x6500]  }
0x1e1: {  	v7 =	vld [tilespmem:s4+$0x180];
	_ =	sdelay $0x4  }
0x1e2: {  	v4 =	vadd.f32 v4, v5;
	v6 =	vadd.f32 v6, v7;
	_ =	sdelay $0x1  }
0x1e3: {  	s2 =	sadd.s32 $0x80, s2;
	v4 =	vadd.f32 v4, v6  }
0x1e4: {  	s5 =	sand.u32 $0x1C00, s2;
	s1 =	sand.u32 $0x70, s3  }
0x1e5: {  	s1 =	sor.u32 s1, s5;
	[tilespmem:s4+$0x10180] =	vst v4  }
0x1e6: {  	v14 =	vld [tilespmem:s1+$0x2180]  }
0x1e7: {  	v18 =	vld [tilespmem:s1+$0x180]  }
0x1e8: {  	v19 =	vld [tilespmem:s1+$0x4180]  }
0x1e9: {  	v21 =	vld [tilespmem:s1+$0x6180]  }
0x1ea: {  	v23 =	vld [tilespmem:s1+$0x200]  }
0x1eb: {  	v24 =	vld [tilespmem:s1+$0x2200]  }
0x1ec: {  	v25 =	vld [tilespmem:s1+$0x4200]  }
0x1ed: {  	v26 =	vld [tilespmem:s1+$0x6200]  }
0x1ee: {  	v4 =	vld [tilespmem:s1+$0x280]  }
0x1ef: {  	v5 =	vld [tilespmem:s1+$0x2280]  }
0x1f0: {  	v7 =	vld [tilespmem:s1+$0x4280]  }
0x1f1: {  	v10 =	vld [tilespmem:s1+$0x6280]  }
0x1f2: {  	v8 =	vld [tilespmem:s1+$0x300]  }
0x1f3: {  	v11 =	vld [tilespmem:s1+$0x2300]  }
0x1f4: {  	v12 =	vld [tilespmem:s1+$0x4300]  }
0x1f5: {  	v15 =	vld [tilespmem:s1+$0x6300]  }
0x1f6: {  	v13 =	vld [tilespmem:s1+$0x380]  }
0x1f7: {  	v16 =	vld [tilespmem:s1+$0x2380]  }
0x1f8: {  	v17 =	vld [tilespmem:s1+$0x4380]  }
0x1f9: {  	v20 =	vld [tilespmem:s1+$0x6380]  }
0x1fa: {  	v6 =	vld [tilespmem:s1+$0x400]  }
.Ltmp0:
0x1fb: {  	v9 =	vld [tilespmem:s1+$0x2400];
	(pc) =	sbr.rel @p1 .LBB2_3-.Ltmp0, $4  }
0x1fc: {  	v22 =	vadd.f32 v14, v18;
	v19 =	vadd.f32 v21, v19;
	v14 =	vld [tilespmem:s1+$0x4400]  }
0x1fd: {  	v18 =	vld [tilespmem:s1+$0x6400]  }
0x1fe: {  	v22 =	vadd.f32 v19, v22;
	v19 =	vld [tilespmem:s1+$0x480]  }
0x1ff: {  	s3 =	sadd.s32 $0x10, s3;
	v23 =	vadd.f32 v24, v23;
	v24 =	vadd.f32 v26, v25;
	v21 =	vld [tilespmem:s1+$0x2480]  }
0x200: {  	v4 =	vadd.f32 v5, v4  }
0x201: {  	v5 =	vadd.f32 v10, v7;
	v7 =	vadd.f32 v11, v8;
	v8 =	vld [tilespmem:s1+$0x4480]  }
0x202: {  	v10 =	vadd.f32 v15, v12;
	v12 =	vld [tilespmem:s1+$0x6480]  }
0x203: {  	v11 =	vadd.f32 v16, v13;
	v13 =	vadd.f32 v20, v17  }
0x204: {  	v6 =	vadd.f32 v9, v6;
	v4 =	vadd.f32 v5, v4  }
0x205: {  	[tilespmem:s1+$0x10180] =	vst v22;
	v15 =	vadd.f32 v24, v23;
	v5 =	vadd.f32 v10, v7  }
0x206: {  	v7 =	vadd.f32 v13, v11;
	v9 =	vadd.f32 v18, v14;
	[tilespmem:s1+$0x10280] =	vst v4  }
0x207: {  	v4 =	vadd.f32 v21, v19;
	[tilespmem:s1+$0x10300] =	vst v5;
	v5 =	vadd.f32 v12, v8  }
0x208: {  	[tilespmem:s1+$0x10200] =	vst v15;
	v6 =	vadd.f32 v9, v6  }
0x209: {  	[tilespmem:s1+$0x10380] =	vst v7;
	v7 =	vld [tilespmem:s1+$0x2500];
	v4 =	vadd.f32 v5, v4  }
0x20a: {  	s0 =	sor.u32 s2, s0;
	[tilespmem:s1+$0x10400] =	vst v6;
	v5 =	vld [tilespmem:s1+$0x4500]  }
0x20b: {  	s0 =	sor.u32 $0x380, s0;
	[tilespmem:s1+$0x10480] =	vst v4;
	v4 =	vld [tilespmem:s1+$0x6500]  }
0x20c: {  	v6 =	vld [tilespmem:s0+$0x180];
	_ =	sdelay $0x4  }
0x20d: {  	v4 =	vadd.f32 v4, v5;
	v6 =	vadd.f32 v7, v6;
	_ =	sdelay $0x1  }
0x20e: {  	s16 =	sshll.u32 s7, $0xB;
	s17 =	rddreg [dreg:$0x8];
	v4 =	vadd.f32 v4, v6  }
0x20f: {  	s18 =	rddreg [dreg:$0x3];
	s19 =	simm.s32 $0x10180;
	s1 =	sadd.s32 s17, s16  }
0x210: {  	s20 =	simm.s32 $0x2;
	[dreg:$0xd] =	wrdreg s1;
	[tilespmem:s0+$0x10180] =	vst v4;
	s0 =	sadd.s32 s18, s1  }
0x211: {  	[hbm4b:s0+s6] =	stream.linear.scatter [tilespmem:s19], [sflag:$0x3], $0x2000, $0x38;
	[tilespmem:$0x14180] =	vst v63  }
0x212: {  	s21 =	sadd.s32 $0x1, s7;
	_ =	swait.ge [sflag:s20], $0x8000  }
0x213: {  	p1 =	seq.s32 s7, $0x9;
	s0 =	sshll.u32 s21, $0x4;
	[sflag:s20] =	ssyncset.done $0x0  }
0x214: {  	s0 =	simm.s32 @p1 $0x0;
	[sflag:s20] =	ssyncadd.s32 $0xFFFF8000  }
0x215: {  	v7 =	vld [tilespmem:s0+$0x0];
	_ =	sdelay $0x4  }
0x216: {  	v4 =	vmul.u32 $0x11, v7;
	_ =	sdelay $0x1  }
0x217: {  	(v2sf) =	vpush v4, $0xD  }
0x218: {  	(v2sf) =	vpush v4, $0xC;
	_ =	sdelay $0x1  }
0x219: {  	(v2sf) =	vpush v4, $0xE;
	_ =	sdelay $0x1  }
0x21a: {  	(v2sf) =	vpush v4, $0xF  }
0x21b: {  	(v2sf) =	vpush v4, $0x9;
	_ =	sdelay $0x1  }
0x21c: {  	(v2sf) =	vpush v4, $0x8;
	_ =	sdelay $0x1  }
0x21d: {  	(v2sf) =	vpush v4, $0xA  }
0x21e: {  	(v2sf) =	vpush v4, $0xB;
	_ =	sdelay $0x3  }
0x21f: {  	s22 =	spop (v2sf);
	(v2sf) =	vpush v4, $0x0  }
0x220: {  	s24 =	spop (v2sf);
	(v2sf) =	vpush v4, $0x1  }
0x221: {  	s23 =	smulhi.u32 $0x14F8B589, s22;
	s0 =	sshra.s32 s22, $0x1F  }
0x222: {  	s8 =	smul.u32 $0x14F8B589, s0;
	s25 =	spop (v2sf);
	(v2sf) =	vpush v4, $0x2  }
0x223: {  	[dreg:$0xc] =	wrdreg s21;
	s20 =	smulhi.u32 $0x14F8B589, s24;
	s0 =	sshra.s32 s24, $0x1F  }
0x224: {  	s6 =	smul.u32 $0x14F8B589, s0;
	s26 =	spop (v2sf);
	(v2sf) =	vpush v4, $0x3  }
0x225: {  	s21 =	smulhi.u32 $0x14F8B589, s25;
	s0 =	sshra.s32 s25, $0x1F;
	s28 =	spop (v2sf);
	(v2sf) =	vpush v4, $0x4  }
0x226: {  	s4 =	smul.u32 $0x14F8B589, s0;
	s0 =	sshra.s32 s26, $0x1F  }
0x227: {  	s3 =	smul.u32 $0x14F8B589, s0;
	s29 =	spop (v2sf);
	(v2sf) =	vpush v4, $0x5  }
0x228: {  	[smem:$0x748] =	sst s23;
	s23 =	smulhi.u32 $0x14F8B589, s28;
	s0 =	sshra.s32 s28, $0x1F  }
0x229: {  	s10 =	smul.u32 $0x14F8B589, s0;
	s30 =	spop (v2sf);
	(v2sf) =	vpush v4, $0x6  }
0x22a: {  	s24 =	smulhi.u32 $0x14F8B589, s29;
	s0 =	sshra.s32 s29, $0x1F;
	s31 =	spop (v2sf);
	(v2sf) =	vpush v4, $0x7  }
0x22b: {  	s13 =	smul.u32 $0x14F8B589, s0  }
0x22c: {  	v5 =	vmul.u32 $0x1F, v7;
	s25 =	smulhi.u32 $0x14F8B589, s30;
	s0 =	sshra.s32 s30, $0x1F  }
0x22d: {  	s28 =	smul.u32 $0x14F8B589, s0;
	s0 =	sshra.s32 s31, $0x1F  }
0x22e: {  	s30 =	smul.u32 $0x14F8B589, s0;
	s1 =	spop (v2sf);
	(v2sf) =	vpush v5, $0xD  }
0x22f: {  	s29 =	smulhi.u32 $0x14F8B589, s1;
	s0 =	sshra.s32 s1, $0x1F;
	s2 =	spop (v2sf)  }
0x230: {  	(v2sf) =	vpush v5, $0xC;
	s15 =	smul.u32 $0x14F8B589, s0;
	s0 =	sshra.s32 s2, $0x1F  }
0x231: {  	s5 =	spop (v2sf);
	s1 =	smul.u32 $0x14F8B589, s0  }
0x232: {  	(v2sf) =	vpush v5, $0xE;
	s7 =	smulhi.u32 $0x14F8B589, s5;
	s0 =	sshra.s32 s5, $0x1F  }
0x233: {  	s9 =	spop (v2sf);
	s11 =	smul.u32 $0x14F8B589, s0  }
0x234: {  	s12 =	smulhi.u32 $0x14F8B589, s9;
	s0 =	sshra.s32 s9, $0x1F;
	s14 =	spop (v2sf)  }
0x235: {  	(v2sf) =	vpush v5, $0xF;
	[smem:$0x749] =	sst s7;
	s17 =	smul.u32 $0x14F8B589, s0  }
0x236: {  	s16 =	smulhi.u32 $0x14F8B589, s14;
	s0 =	sshra.s32 s14, $0x1F;
	s18 =	spop (v2sf)  }
0x237: {  	[smem:$0x74A] =	sst s12;
	s7 =	smul.u32 $0x14F8B589, s0  }
0x238: {  	s19 =	smulhi.u32 $0x14F8B589, s18;
	s0 =	sshra.s32 s18, $0x1F;
	s5 =	spop (v2sf)  }
0x239: {  	s18 =	smul.u32 $0x14F8B589, s0;
	s12 =	spop (v2sf)  }
0x23a: {  	(v2sf) =	vpush v5, $0x9;
	[smem:$0x74B] =	sst s16;
	s16 =	smulhi.u32 $0x14F8B589, s12  }
0x23b: {  	(v2sf) =	vpush v5, $0x8;
	s9 =	smulhi.u32 $0x14F8B589, s5;
	s0 =	sshra.s32 s5, $0x1F;
	[smem:$0x74C] =	sst s19  }
0x23c: {  	s14 =	smul.u32 $0x14F8B589, s0;
	s0 =	sshra.s32 s12, $0x1F;
	[smem:$0x74E] =	sst s16  }
0x23d: {  	s16 =	smul.u32 $0x14F8B589, s0;
	s19 =	spop (v2sf)  }
0x23e: {  	(v2sf) =	vpush v5, $0xA;
	[smem:$0x74D] =	sst s9;
	s5 =	smulhi.u32 $0x14F8B589, s19;
	s0 =	sshra.s32 s19, $0x1F  }
0x23f: {  	s9 =	spop (v2sf);
	s0 =	smul.u32 $0x14F8B589, s0  }
0x240: {  	(v2sf) =	vpush v5, $0xB;
	s12 =	smulhi.u32 $0x14F8B589, s9  }
0x241: {  	s19 =	spop (v2sf);
	[smem:$0x74F] =	sst s5  }
0x242: {  	s5 =	smulhi.u32 $0x14F8B589, s19;
	[smem:$0x750] =	sst s0;
	s0 =	sshra.s32 s9, $0x1F  }
0x243: {  	s0 =	smul.u32 $0x14F8B589, s0  }
0x244: {  	(v2sf) =	vpush v5, $0x0;
	[smem:$0x751] =	sst s12;
	s9 =	spop (v2sf)  }
0x245: {  	(v2sf) =	vpush v5, $0x1;
	s12 =	smulhi.u32 $0x14F8B589, s9;
	[smem:$0x752] =	sst s0;
	s0 =	sshra.s32 s19, $0x1F  }
0x246: {  	[smem:$0x753] =	sst s5;
	s0 =	smul.u32 $0x14F8B589, s0  }
0x247: {  	[smem:$0x755] =	sst s12  }
0x248: {  	[smem:$0x754] =	sst s0;
	s0 =	sshra.s32 s9, $0x1F  }
0x249: {  	(v2sf) =	vpush v5, $0x2;
	s19 =	spop (v2sf);
	s0 =	smul.u32 $0x14F8B589, s0  }
0x24a: {  	s5 =	smulhi.u32 $0x14F8B589, s19;
	s9 =	spop (v2sf)  }
0x24b: {  	(v2sf) =	vpush v5, $0x3;
	s12 =	smulhi.u32 $0x14F8B589, s9;
	[smem:$0x756] =	sst s0;
	s0 =	sshra.s32 s19, $0x1F  }
0x24c: {  	[smem:$0x757] =	sst s5;
	s0 =	smul.u32 $0x14F8B589, s0  }
0x24d: {  	[smem:$0x759] =	sst s12;
	s19 =	spop (v2sf)  }
0x24e: {  	s5 =	smulhi.u32 $0x14F8B589, s19;
	[smem:$0x758] =	sst s0;
	s0 =	sshra.s32 s9, $0x1F  }
0x24f: {  	(v2sf) =	vpush v5, $0x4;
	s9 =	spop (v2sf);
	s0 =	smul.u32 $0x14F8B589, s0  }
0x250: {  	[smem:$0x75B] =	sst s5;
	s12 =	smulhi.u32 $0x14F8B589, s9  }
0x251: {  	(v2sf) =	vpush v5, $0x5;
	[smem:$0x75A] =	sst s0  }
0x252: {  	s22 =	smulhi.u32 $0x14F8B589, s26;
	s0 =	sshra.s32 s19, $0x1F;
	[smem:$0x75D] =	sst s12  }
0x253: {  	s19 =	spop (v2sf);
	s0 =	smul.u32 $0x14F8B589, s0  }
0x254: {  	s5 =	smulhi.u32 $0x14F8B589, s19;
	s12 =	spop (v2sf)  }
0x255: {  	(v2sf) =	vpush v5, $0x6;
	[smem:$0x75C] =	sst s0;
	s0 =	sshra.s32 s9, $0x1F;
	s9 =	smulhi.u32 $0x14F8B589, s12  }
0x256: {  	s12 =	sshra.s32 s12, $0x1F;
	s0 =	smul.u32 $0x14F8B589, s0  }
0x257: {  	[smem:$0x760] =	sst s9;
	s9 =	smul.u32 $0x14F8B589, s12  }
0x258: {  	[smem:$0x75E] =	sst s0;
	s0 =	sshra.s32 s19, $0x1F;
	s19 =	spop (v2sf)  }
0x259: {  	(v2sf) =	vpush v5, $0x7;
	[smem:$0x75F] =	sst s5;
	s5 =	smulhi.u32 $0x14F8B589, s19;
	s12 =	sshra.s32 s19, $0x1F  }
0x25a: {  	s19 =	spop (v2sf);
	s12 =	smul.u32 $0x14F8B589, s12  }
0x25b: {  	v6 =	vmul.u32 $0x35, v7;
	[smem:$0x761] =	sst s5;
	s5 =	smulhi.u32 $0x14F8B589, s19  }
0x25c: {  	s26 =	smulhi.u32 $0x14F8B589, s31;
	[smem:$0x762] =	sst s12  }
0x25d: {  	s31 =	smulhi.u32 $0x14F8B589, s2;
	(v2sf) =	vpush v6, $0xD;
	s12 =	sshra.s32 s19, $0x1F;
	[smem:$0x763] =	sst s5  }
0x25e: {  	s5 =	smul.u32 $0x14F8B589, s12;
	s12 =	spop (v2sf)  }
0x25f: {  	s19 =	smulhi.u32 $0x14F8B589, s12;
	s12 =	sshra.s32 s12, $0x1F  }
0x260: {  	s2 =	smul.u32 $0x14F8B589, s12;
	s12 =	spop (v2sf)  }
0x261: {  	(v2sf) =	vpush v6, $0xC;
	[smem:$0x764] =	sst s19;
	s19 =	smulhi.u32 $0x14F8B589, s12;
	s12 =	sshra.s32 s12, $0x1F  }
0x262: {  	s12 =	smul.u32 $0x14F8B589, s12;
	_ =	sdelay $0x1  }
0x263: {  	[smem:$0x766] =	sst s12;
	s12 =	spop (v2sf)  }
0x264: {  	[smem:$0x765] =	sst s19;
	s19 =	smulhi.u32 $0x14F8B589, s12;
	s12 =	sshra.s32 s12, $0x1F  }
0x265: {  	s12 =	smul.u32 $0x14F8B589, s12;
	_ =	sdelay $0x1  }
0x266: {  	(v2sf) =	vpush v6, $0xE;
	[smem:$0x768] =	sst s12;
	s12 =	spop (v2sf)  }
0x267: {  	[smem:$0x767] =	sst s19;
	s19 =	smulhi.u32 $0x14F8B589, s12;
	s12 =	sshra.s32 s12, $0x1F  }
0x268: {  	(v2sf) =	vpush v6, $0xF;
	s12 =	smul.u32 $0x14F8B589, s12;
	_ =	sdelay $0x1  }
0x269: {  	s6 =	sadd.s32 s6, s20;
	[smem:$0x76A] =	sst s12;
	s12 =	spop (v2sf)  }
0x26a: {  	[smem:$0x769] =	sst s19;
	s19 =	smulhi.u32 $0x14F8B589, s12;
	s12 =	sshra.s32 s12, $0x1F  }
0x26b: {  	[smem:$0x77E] =	sst s6;
	s4 =	sadd.s32 s4, s21;
	s12 =	smul.u32 $0x14F8B589, s12  }
0x26c: {  	[smem:$0x77F] =	sst s4;
	(v2sf) =	vpush v6, $0x9  }
0x26d: {  	[smem:$0x76C] =	sst s12;
	s12 =	spop (v2sf)  }
0x26e: {  	s3 =	sadd.s32 s3, s22;
	[smem:$0x76B] =	sst s19;
	s19 =	smulhi.u32 $0x14F8B589, s12  }
0x26f: {  	[smem:$0x780] =	sst s3;
	(v2sf) =	vpush v6, $0x8  }
0x270: {  	[smem:$0x76D] =	sst s19  }
0x271: {  	s21 =	sadd.s32 s10, s23;
	(v2sf) =	vpush v6, $0xA;
	s19 =	sld [smem:$0x748]  }
0x272: {  	[smem:$0x782] =	sst s21;
	s23 =	sadd.s32 s13, s24;
	s12 =	sshra.s32 s12, $0x1F  }
0x273: {  	[smem:$0x783] =	sst s23;
	s23 =	sadd.s32 s1, s31;
	(v2sf) =	vpush v6, $0xB;
	s12 =	smul.u32 $0x14F8B589, s12  }
0x274: {  	s31 =	sld [smem:$0x74B];
	s8 =	sadd.s32 s8, s19;
	s19 =	spop (v2sf)  }
0x275: {  	[smem:$0x76E] =	sst s12;
	s20 =	smulhi.u32 $0x14F8B589, s19  }
0x276: {  	(v2sf) =	vpush v6, $0x0;
	[smem:$0x77D] =	sst s8;
	s8 =	sshra.s32 s19, $0x1F;
	s12 =	spop (v2sf)  }
0x277: {  	s6 =	smul.u32 $0x14F8B589, s8;
	s8 =	sadd.s32 s28, s25;
	[smem:$0x76F] =	sst s20  }
0x278: {  	s19 =	smulhi.u32 $0x14F8B589, s12;
	[smem:$0x784] =	sst s8  }
0x279: {  	s20 =	sshra.s32 s12, $0x1F;
	s12 =	sadd.s32 s30, s26;
	s26 =	sld [smem:$0x74A]  }
0x27a: {  	[smem:$0x770] =	sst s19  }
0x27b: {  	s22 =	spop (v2sf);
	[smem:$0x785] =	sst s12  }
0x27c: {  	s24 =	smulhi.u32 $0x14F8B589, s22;
	s12 =	sld [smem:$0x74E]  }
0x27d: {  	(v2sf) =	vpush v6, $0x1;
	s3 =	smul.u32 $0x14F8B589, s20;
	s20 =	sadd.s32 s15, s29;
	s15 =	sld [smem:$0x750]  }
0x27e: {  	s10 =	spop (v2sf);
	[smem:$0x772] =	sst s24  }
0x27f: {  	s13 =	smulhi.u32 $0x14F8B589, s10;
	s24 =	sld [smem:$0x749]  }
0x280: {  	s19 =	spop (v2sf);
	[smem:$0x771] =	sst s3  }
0x281: {  	s21 =	smulhi.u32 $0x14F8B589, s19;
	[smem:$0x774] =	sst s13  }
0x282: {  	s25 =	spop (v2sf);
	s30 =	sadd.s32 s17, s26;
	s17 =	sld [smem:$0x751]  }
0x283: {  	s3 =	sshra.s32 s22, $0x1F;
	s22 =	sshra.s32 s19, $0x1F;
	s19 =	sld [smem:$0x753]  }
0x284: {  	s29 =	smulhi.u32 $0x14F8B589, s25;
	[smem:$0x776] =	sst s21  }
0x285: {  	s4 =	spop (v2sf);
	s21 =	sld [smem:$0x754]  }
0x286: {  	s3 =	smul.u32 $0x14F8B589, s3;
	[smem:$0x778] =	sst s29  }
0x287: {  	s1 =	smul.u32 $0x14F8B589, s22;
	s28 =	sadd.s32 s11, s24;
	s24 =	sld [smem:$0x755]  }
0x288: {  	s8 =	smulhi.u32 $0x14F8B589, s4;
	[smem:$0x773] =	sst s3  }
0x289: {  	s3 =	sshra.s32 s10, $0x1F;
	[smem:$0x777] =	sst s1  }
0x28a: {  	s1 =	sshra.s32 s25, $0x1F;
	[smem:$0x77A] =	sst s8;
	s3 =	smul.u32 $0x14F8B589, s3  }
0x28b: {  	s10 =	sld [smem:$0x74D];
	s1 =	smul.u32 $0x14F8B589, s1  }
0x28c: {  	s11 =	spop (v2sf);
	[smem:$0x775] =	sst s3  }
0x28d: {  	s13 =	smulhi.u32 $0x14F8B589, s11;
	[smem:$0x779] =	sst s1  }
0x28e: {  	(v2sf) =	vpush v6, $0x2;
	s3 =	sadd.s32 s7, s31;
	s7 =	sld [smem:$0x74C]  }
0x28f: {  	[smem:$0x77C] =	sst s13  }
0x290: {  	s31 =	sld [smem:$0x756]  }
0x291: {  	s1 =	sshra.s32 s4, $0x1F;
	s4 =	sld [smem:$0x757]  }
0x292: {  	s13 =	sld [smem:$0x75C];
	s1 =	smul.u32 $0x14F8B589, s1  }
0x293: {  	(v2sf) =	vpush v6, $0x3;
	[smem:$0x786] =	sst s3  }
0x294: {  	[smem:$0x77B] =	sst s1  }
0x295: {  	(v2sf) =	vpush v6, $0x4;
	s3 =	sadd.s32 s18, s7;
	s18 =	sld [smem:$0x752]  }
0x296: {  	(v2sf) =	vpush v6, $0x5;
	s7 =	sld [smem:$0x758]  }
0x297: {  	s1 =	sshra.s32 s11, $0x1F;
	s11 =	sld [smem:$0x75A]  }
0x298: {  	[smem:$0x787] =	sst s3  }
0x299: {  	s3 =	sadd.s32 s14, s10;
	s14 =	sld [smem:$0x74F]  }
0x29a: {  	(v2sf) =	vpush v6, $0x6;
	s10 =	sld [smem:$0x759]  }
0x29b: {  	[smem:$0x788] =	sst s3  }
0x29c: {  	s29 =	smul.u32 $0x14F8B589, s1;
	s3 =	sadd.s32 s16, s12;
	s12 =	sld [smem:$0x75B]  }
0x29d: {  	s16 =	spop (v2sf);
	[smem:$0x781] =	sst s3  }
0x29e: {  	s26 =	smulhi.u32 $0x14F8B589, s16;
	s1 =	sshra.s32 s16, $0x1F;
	s16 =	sld [smem:$0x75E]  }
0x29f: {  	(v2sf) =	vpush v6, $0x7;
	s3 =	sadd.s32 s15, s14;
	s15 =	sld [smem:$0x75D]  }
0x2a0: {  	[smem:$0x789] =	sst s3  }
0x2a1: {  	s0 =	smul.u32 $0x14F8B589, s0;
	s3 =	sadd.s32 s18, s17;
	s17 =	sld [smem:$0x75F]  }
0x2a2: {  	s22 =	spop (v2sf);
	[smem:$0x78A] =	sst s3;
	s3 =	sadd.s32 s21, s19  }
0x2a3: {  	s25 =	smul.u32 $0x14F8B589, s1;
	[smem:$0x78B] =	sst s3;
	s3 =	sadd.s32 s31, s24  }
0x2a4: {  	s8 =	spop (v2sf);
	[smem:$0x78C] =	sst s3  }
0x2a5: {  	v7 =	vmul.u32 $0x4F, v7;
	s14 =	spop (v2sf);
	s3 =	sadd.s32 s7, s4;
	s4 =	sld [smem:$0x761]  }
0x2a6: {  	s21 =	smulhi.u32 $0x14F8B589, s8;
	s7 =	sld [smem:$0x762]  }
0x2a7: {  	(v2sf) =	vpush v7, $0xD;
	s19 =	smulhi.u32 $0x14F8B589, s14;
	s0 =	sadd.s32 s0, s17;
	[smem:$0x78D] =	sst s3  }
0x2a8: {  	s1 =	sshra.s32 s22, $0x1F;
	s24 =	smulhi.u32 $0x14F8B589, s22;
	[smem:$0x790] =	sst s0  }
0x2a9: {  	(v2sf) =	vpush v7, $0xC;
	s31 =	spop (v2sf);
	s3 =	sadd.s32 s11, s10;
	s10 =	sld [smem:$0x764]  }
0x2aa: {  	s17 =	smulhi.u32 $0x14F8B589, s31;
	s0 =	sshra.s32 s31, $0x1F;
	s31 =	sld [smem:$0x766]  }
0x2ab: {  	s22 =	smul.u32 $0x14F8B589, s1;
	[smem:$0x78F] =	sst s3;
	s3 =	sadd.s32 s13, s12  }
0x2ac: {  	s1 =	sshra.s32 s8, $0x1F;
	[smem:$0x791] =	sst s3;
	s3 =	sadd.s32 s16, s15  }
0x2ad: {  	s18 =	smul.u32 $0x14F8B589, s1;
	[smem:$0x792] =	sst s3  }
0x2ae: {  	s8 =	spop (v2sf);
	s3 =	sld [smem:$0x760]  }
0x2af: {  	s1 =	sshra.s32 s14, $0x1F;
	s14 =	smul.u32 $0x14F8B589, s0;
	s12 =	sld [smem:$0x765]  }
0x2b0: {  	(v2sf) =	vpush v7, $0xE;
	s0 =	sshra.s32 s8, $0x1F;
	s15 =	smulhi.u32 $0x14F8B589, s8;
	s8 =	sld [smem:$0x76A]  }
0x2b1: {  	s16 =	smul.u32 $0x14F8B589, s1;
	s1 =	sadd.s32 s9, s3;
	s9 =	sld [smem:$0x763]  }
0x2b2: {  	s3 =	sld [smem:$0x767]  }
0x2b3: {  	[smem:$0x793] =	sst s1  }
0x2b4: {  	s1 =	sadd.s32 s7, s4;
	s4 =	sld [smem:$0x768]  }
0x2b5: {  	(v2sf) =	vpush v7, $0xF;
	s7 =	sld [smem:$0x769]  }
0x2b6: {  	s11 =	spop (v2sf);
	[smem:$0x794] =	sst s1  }
0x2b7: {  	s13 =	smul.u32 $0x14F8B589, s0;
	s1 =	sadd.s32 s5, s9;
	s9 =	sld [smem:$0x76B]  }
0x2b8: {  	s5 =	spop (v2sf);
	[smem:$0x795] =	sst s1;
	s1 =	sadd.s32 s2, s10  }
0x2b9: {  	s0 =	sshra.s32 s11, $0x1F;
	s10 =	smulhi.u32 $0x14F8B589, s5;
	[smem:$0x796] =	sst s1  }
0x2ba: {  	s1 =	sadd.s32 s31, s12;
	s12 =	smulhi.u32 $0x14F8B589, s11;
	s31 =	sld [smem:$0x76C]  }
0x2bb: {  	s11 =	smul.u32 $0x14F8B589, s0;
	s0 =	sshra.s32 s5, $0x1F;
	s5 =	sld [smem:$0x76E]  }
0x2bc: {  	(v2sf) =	vpush v7, $0x9;
	[smem:$0x797] =	sst s1  }
0x2bd: {  	s1 =	sadd.s32 s4, s3;
	s4 =	sld [smem:$0x76D]  }
0x2be: {  	[smem:$0x798] =	sst s1  }
0x2bf: {  	s3 =	spop (v2sf);
	s1 =	sadd.s32 s8, s7;
	s7 =	sld [smem:$0x76F]  }
0x2c0: {  	s8 =	smulhi.u32 $0x14F8B589, s3;
	[smem:$0x78E] =	sst s1;
	s1 =	sadd.s32 s31, s9  }
0x2c1: {  	s9 =	smul.u32 $0x14F8B589, s0;
	s0 =	sshra.s32 s3, $0x1F;
	s3 =	sld [smem:$0x770]  }
0x2c2: {  	[smem:$0x799] =	sst s1  }
0x2c3: {  	s1 =	sadd.s32 s5, s4;
	s4 =	sld [smem:$0x771]  }
0x2c4: {  	s31 =	spop (v2sf);
	s5 =	sld [smem:$0x772]  }
0x2c5: {  	[smem:$0x79A] =	sst s1;
	s1 =	sadd.s32 s6, s7;
	s7 =	smul.u32 $0x14F8B589, s0  }
0x2c6: {  	s6 =	smulhi.u32 $0x14F8B589, s31;
	s0 =	sshra.s32 s31, $0x1F;
	s31 =	sld [smem:$0x773]  }
0x2c7: {  	[smem:$0x79B] =	sst s1  }
0x2c8: {  	s1 =	sadd.s32 s4, s3;
	s4 =	sld [smem:$0x774]  }
0x2c9: {  	[smem:$0x79C] =	sst s1  }
0x2ca: {  	(v2sf) =	vpush v7, $0x8;
	s1 =	sadd.s32 s31, s5;
	s31 =	sld [smem:$0x775]  }
0x2cb: {  	s3 =	spop (v2sf)  }
0x2cc: {  	(v2sf) =	vpush v7, $0xA;
	s5 =	smul.u32 $0x14F8B589, s0;
	s0 =	sshra.s32 s3, $0x1F;
	[smem:$0x79D] =	sst s1  }
0x2cd: {  	(v2sf) =	vpush v7, $0xB;
	s1 =	sadd.s32 s31, s4;
	s4 =	smulhi.u32 $0x14F8B589, s3;
	s3 =	sld [smem:$0x776]  }
0x2ce: {  	s31 =	sld [smem:$0x777]  }
0x2cf: {  	s2 =	sld [smem:$0x778]  }
0x2d0: {  	[smem:$0x79E] =	sst s1  }
0x2d1: {  	(v2sf) =	vpush v7, $0x0;
	s13 =	sadd.s32 s13, s15;
	s1 =	sadd.s32 s31, s3;
	s31 =	sld [smem:$0x779]  }
0x2d2: {  	[smem:$0x79F] =	sst s13  }
0x2d3: {  	(v2sf) =	vpush v7, $0x1;
	[smem:$0x7A0] =	sst s1  }
0x2d4: {  	s1 =	sadd.s32 s31, s2;
	s31 =	sld [smem:$0x77B]  }
0x2d5: {  	s26 =	sadd.s32 s25, s26;
	(v2sf) =	vpush v7, $0x2;
	[smem:$0x7A2] =	sst s1  }
0x2d6: {  	s24 =	sadd.s32 s22, s24;
	s11 =	sadd.s32 s11, s12;
	s1 =	sld [smem:$0x77A]  }
0x2d7: {  	s18 =	sadd.s32 s18, s21;
	(v2sf) =	vpush v7, $0x3;
	[dreg:$0x1b] =	wrdreg s11;
	s9 =	sadd.s32 s9, s10  }
0x2d8: {  	s14 =	sadd.s32 s14, s17;
	[dreg:$0x1c] =	wrdreg s9;
	s3 =	smul.u32 $0x14F8B589, s0  }
0x2d9: {  	s0 =	spop (v2sf);
	s1 =	sadd.s32 s31, s1;
	s31 =	sld [smem:$0x77C]  }
0x2da: {  	s2 =	smulhi.u32 $0x14F8B589, s0;
	s0 =	sshra.s32 s0, $0x1F;
	[smem:$0x7A1] =	sst s1  }
0x2db: {  	s7 =	sadd.s32 s7, s8;
	s1 =	smul.u32 $0x14F8B589, s0;
	s0 =	spop (v2sf)  }
0x2dc: {  	[dreg:$0x1e] =	wrdreg s7;
	s29 =	sadd.s32 s29, s31;
	s31 =	spop (v2sf)  }
0x2dd: {  	s16 =	sadd.s32 s16, s19;
	[smem:$0x7A3] =	sst s29;
	s29 =	smulhi.u32 $0x14F8B589, s0  }
0x2de: {  	s5 =	sadd.s32 s5, s6;
	s0 =	sshra.s32 s0, $0x1F;
	s22 =	smulhi.u32 $0x14F8B589, s31  }
0x2df: {  	[dreg:$0x1d] =	wrdreg s5;
	s25 =	sshra.s32 s31, $0x1F;
	s0 =	smul.u32 $0x14F8B589, s0  }
0x2e0: {  	s3 =	sadd.s32 s3, s4;
	s31 =	spop (v2sf);
	s21 =	smul.u32 $0x14F8B589, s25  }
0x2e1: {  	[smem:$0x7A4] =	sst s3;
	s19 =	smulhi.u32 $0x14F8B589, s31;
	s25 =	sshra.s32 s31, $0x1F  }
0x2e2: {  	s1 =	sadd.s32 s1, s2;
	s31 =	spop (v2sf);
	s17 =	smul.u32 $0x14F8B589, s25  }
0x2e3: {  	[dreg:$0x1a] =	wrdreg s1;
	s13 =	smulhi.u32 $0x14F8B589, s31;
	s31 =	sshra.s32 s31, $0x1F  }
0x2e4: {  	s25 =	spop (v2sf);
	s11 =	smul.u32 $0x14F8B589, s31  }
0x2e5: {  	s9 =	smulhi.u32 $0x14F8B589, s25;
	s31 =	sshra.s32 s25, $0x1F;
	s0 =	sadd.s32 s0, s29  }
0x2e6: {  	s12 =	spop (v2sf);
	s8 =	sadd.s32 s21, s22;
	[dreg:$0x19] =	wrdreg s0  }
0x2e7: {  	s10 =	smul.u32 $0x14F8B589, s31;
	[dreg:$0x10] =	wrdreg s8  }
0x2e8: {  	s15 =	smulhi.u32 $0x14F8B589, s12;
	s31 =	sshra.s32 s12, $0x1F;
	s12 =	sld [smem:$0x77F]  }
0x2e9: {  	s21 =	sadd.s32 s17, s19;
	s17 =	sld [smem:$0x782];
	s19 =	sshrl.u32 s20, $0x1F  }
0x2ea: {  	s6 =	smul.u32 $0x14F8B589, s31;
	s25 =	sadd.s32 s11, s13;
	s13 =	sld [smem:$0x780]  }
0x2eb: {  	s31 =	sshra.s32 s20, $0xD;
	s29 =	sadd.s32 s10, s9;
	s9 =	sld [smem:$0x77D]  }
0x2ec: {  	v10 =	vmov s19;
	s19 =	sshra.s32 s23, $0xD;
	s10 =	sld [smem:$0x77E];
	s22 =	sadd.s32 s6, s15  }
0x2ed: {  	s7 =	sshrl.u32 s13, $0x1F;
	s1 =	sshra.s32 s13, $0xD;
	s13 =	sld [smem:$0x781]  }
0x2ee: {  	s6 =	sshrl.u32 s12, $0x1F;
	s3 =	sshra.s32 s12, $0xD;
	s8 =	sshrl.u32 s17, $0x1F  }
0x2ef: {  	s4 =	sshra.s32 s17, $0xD;
	s12 =	sshra.s32 s20, $0x1F;
	s17 =	sshrl.u32 s23, $0x1F  }
0x2f0: {  	vm4 =	vcmask $0x300;
	s20 =	sshra.s32 s23, $0x1F;
	s23 =	sld [smem:$0x784];
	s15 =	sshra.s32 s13, $0x1F  }
0x2f1: {  	vm10 =	vcmask $0x704;
	v10 =	vnsel vm4, $0x0, v10;
	s11 =	sshrl.u32 s10, $0x1F;
	v8 =	vmov s15;
	s15 =	sld [smem:$0x783]  }
0x2f2: {  	v10 =	vsel vm0, s17, v10;
	s17 =	sshra.s32 s28, $0xD;
	s2 =	sshrl.u32 s9, $0x1F;
	s0 =	sshra.s32 s9, $0xD;
	v9 =	vmov s11;
	v8 =	vsel vm4, s31, v8  }
0x2f3: {  	s5 =	sshra.s32 s10, $0xD;
	s9 =	sshrl.u32 s23, $0x1F;
	v9 =	vsel vm0, s2, v9;
	s31 =	sshrl.u32 s28, $0x1F;
	v8 =	vsel vm10, s12, v8  }
0x2f4: {  	vm11 =	vcmask $0xF0C;
	v9 =	vsel vm1, s6, v9;
	s12 =	sld [smem:$0x787];
	s10 =	sshrl.u32 s15, $0x1F;
	s2 =	sshra.s32 s15, $0xD;
	v11 =	vsel vm0, s19, v8  }
0x2f5: {  	v8 =	vsel vm2, s7, v9;
	v9 =	vsel vm1, s31, v10;
	s15 =	sshrl.u32 s30, $0x1F;
	s19 =	sshra.s32 s28, $0x1F;
	v10 =	vsel vm11, s20, v11;
	s20 =	sld [smem:$0x785]  }
0x2f6: {  	s31 =	sshra.s32 s30, $0xD;
	v11 =	vmov s10;
	v9 =	vsel vm2, s15, v9;
	s15 =	sshra.s32 s30, $0x1F;
	v10 =	vsel vm1, s17, v10;
	s17 =	sld [smem:$0x786]  }
0x2f7: {  	vm12 =	vcmask $0x1714;
	s30 =	sshrl.u32 s13, $0x1F;
	v11 =	vsel vm0, s8, v11;
	s8 =	sshra.s32 s13, $0xD;
	s13 =	sld [smem:$0x789]  }
0x2f8: {  	s6 =	sshra.s32 s23, $0xD;
	s28 =	sshrl.u32 s12, $0x1F;
	v10 =	vsel vm12, s19, v10;
	s19 =	sld [smem:$0x788]  }
0x2f9: {  	vm13 =	vcmask $0x1F1C;
	v11 =	vsel vm1, s9, v11;
	s9 =	sshra.s32 s12, $0x1F;
	s10 =	sshrl.u32 s20, $0x1F;
	s7 =	sshra.s32 s20, $0xD;
	v12 =	vsel vm2, s31, v10  }
0x2fa: {  	vm5 =	vcmask $0x2320;
	s31 =	sshra.s32 s12, $0xD;
	s23 =	sshrl.u32 s17, $0x1F;
	v10 =	vsel vm2, s10, v11;
	v11 =	vsel vm13, s15, v12;
	s15 =	sshrl.u32 s13, $0x1F  }
0x2fb: {  	vm6 =	vcmask $0x2B28;
	v12 =	vmov s5;
	s5 =	sld [smem:$0x78D];
	v9 =	vsel vm5, s23, v9;
	s20 =	sshrl.u32 s19, $0x1F;
	s23 =	sshra.s32 s17, $0xD  }
0x2fc: {  	vm7 =	vcmask $0x3330;
	vm8 =	vcmask $0x3B38;
	vm14 =	vcmask $0x2724;
	s11 =	sshra.s32 s19, $0xD;
	s12 =	sshra.s32 s19, $0x1F;
	s19 =	sld [smem:$0x78A]  }
0x2fd: {  	v12 =	vsel vm0, s0, v12;
	s0 =	sshra.s32 s13, $0xD;
	s13 =	sld [smem:$0x790];
	v9 =	vsel vm6, s28, v9;
	s28 =	sshra.s32 s17, $0x1F;
	v11 =	vsel vm5, s23, v11  }
0x2fe: {  	vm15 =	vcmask $0x2F2C;
	v13 =	vmov s2;
	s23 =	sld [smem:$0x78B];
	v11 =	vsel vm14, s28, v11  }
0x2ff: {  	v13 =	vsel vm0, s4, v13;
	s17 =	sld [smem:$0x78E];
	v9 =	vsel vm7, s20, v9;
	v11 =	vsel vm6, s31, v11;
	s20 =	sshrl.u32 s19, $0x1F  }
0x300: {  	v13 =	vsel vm1, s6, v13;
	v9 =	vsel vm8, s30, v9;
	s4 =	sshra.s32 s19, $0xD;
	s30 =	sld [smem:$0x78C];
	s19 =	sshrl.u32 s13, $0x1F;
	v11 =	vsel vm15, s9, v11  }
0x301: {  	vm3 =	vcmask $0x3734;
	v14 =	vsel vm2, s7, v13;
	s28 =	sshrl.u32 s23, $0x1F;
	s2 =	sshra.s32 s23, $0xD;
	s23 =	sld [smem:$0x791];
	v11 =	vsel vm7, s11, v11  }
0x302: {  	v12 =	vsel vm1, s3, v12;
	v13 =	vmov s20;
	s9 =	sshra.s32 s17, $0x1F;
	s20 =	sshra.s32 s13, $0x1F;
	v11 =	vsel vm3, s12, v11;
	s12 =	sld [smem:$0x78F]  }
0x303: {  	v12 =	vsel vm2, s1, v12;
	v15 =	vsel vm0, s15, v13;
	s31 =	sshrl.u32 s30, $0x1F;
	s1 =	sshra.s32 s30, $0xD;
	s30 =	sld [smem:$0x793]  }
0x304: {  	v16 =	vmov s9;
	s15 =	sshra.s32 s13, $0xD;
	v13 =	vsel vm8, s8, v11;
	v11 =	vsel vm1, s28, v15;
	s8 =	sshra.s32 s23, $0xD;
	s28 =	sld [smem:$0x792]  }
0x305: {  	v15 =	vsel vm4, s15, v16;
	v16 =	vmov s19;
	s19 =	sld [smem:$0x794];
	s9 =	sshrl.u32 s12, $0x1F;
	s3 =	sshra.s32 s12, $0xD  }
0x306: {  	v11 =	vsel vm2, s31, v11;
	v15 =	vsel vm10, s20, v15;
	s31 =	sshra.s32 s30, $0xD;
	s10 =	sshrl.u32 s30, $0x1F;
	s15 =	sshra.s32 s30, $0x1F  }
0x307: {  	v16 =	vnsel vm4, $0x0, v16;
	s6 =	sshrl.u32 s28, $0x1F;
	v15 =	vsel vm0, s31, v15;
	s11 =	sshra.s32 s28, $0xD;
	s28 =	sld [smem:$0x795]  }
0x308: {  	s12 =	sshrl.u32 s23, $0x1F;
	v16 =	vsel vm0, s10, v16;
	s20 =	sshrl.u32 s19, $0x1F;
	s23 =	sshra.s32 s19, $0xD;
	v15 =	vsel vm11, s15, v15  }
0x309: {  	s7 =	sshrl.u32 s5, $0x1F;
	v17 =	vmov s9;
	s10 =	sshra.s32 s19, $0x1F;
	v16 =	vsel vm1, s20, v16;
	s20 =	sld [smem:$0x797];
	v15 =	vsel vm1, s23, v15  }
0x30a: {  	v17 =	vsel vm0, s7, v17;
	s30 =	sshrl.u32 s28, $0x1F;
	v18 =	vsel vm12, s10, v15;
	s10 =	sld [smem:$0x796]  }
0x30b: {  	v17 =	vsel vm1, s12, v17;
	s31 =	sshra.s32 s28, $0xD;
	s12 =	sshra.s32 s28, $0x1F;
	s28 =	sld [smem:$0x798]  }
0x30c: {  	_ = 	snop  }
0x30d: {  	s23 =	sshrl.u32 s20, $0x1F;
	s7 =	sshra.s32 s20, $0xD;
	s9 =	sshra.s32 s20, $0x1F  }
0x30e: {  	v15 =	vsel vm2, s6, v17;
	v16 =	vsel vm2, s30, v16;
	v17 =	vsel vm2, s31, v18;
	s20 =	sld [smem:$0x799];
	s15 =	sshrl.u32 s10, $0x1F;
	s30 =	sshrl.u32 s28, $0x1F  }
0x30f: {  	v17 =	vsel vm13, s12, v17;
	s12 =	sshra.s32 s28, $0xD;
	v16 =	vsel vm5, s15, v16;
	s15 =	sshra.s32 s28, $0x1F;
	s28 =	sld [smem:$0x79B]  }
0x310: {  	s5 =	sshra.s32 s5, $0xD;
	s31 =	sshrl.u32 s17, $0x1F;
	v16 =	vsel vm6, s23, v16;
	s23 =	sld [smem:$0x79A]  }
0x311: {  	(v2sf) =	vpush v7, $0x4;
	v18 =	vmov s4;
	s17 =	sshra.s32 s17, $0xD;
	s19 =	sshra.s32 s10, $0xD;
	v16 =	vsel vm7, s30, v16;
	s30 =	sld [smem:$0x79C]  }
0x312: {  	v18 =	vsel vm0, s0, v18;
	s13 =	sshra.s32 s10, $0x1F;
	v17 =	vsel vm5, s19, v17;
	s19 =	sshrl.u32 s20, $0x1F;
	v16 =	vsel vm8, s31, v16;
	s31 =	sld [smem:$0x79D]  }
0x313: {  	(v2sf) =	vpush v7, $0x5;
	v18 =	vsel vm1, s2, v18;
	v17 =	vsel vm14, s13, v17;
	s6 =	sshrl.u32 s23, $0x1F;
	s4 =	sshra.s32 s23, $0xD;
	s23 =	sld [smem:$0x79F]  }
0x314: {  	v19 =	vsel vm6, s7, v17;
	v17 =	vsel vm2, s1, v18;
	v18 =	vmov s3;
	s13 =	sshrl.u32 s30, $0x1F;
	s1 =	sshra.s32 s30, $0xD;
	s30 =	sld [smem:$0x7A1]  }
0x315: {  	s0 =	sshra.s32 s20, $0xD;
	s10 =	sshrl.u32 s28, $0x1F;
	v19 =	vsel vm15, s9, v19;
	v18 =	vsel vm0, s5, v18;
	s5 =	sld [smem:$0x79E]  }
0x316: {  	(v2sf) =	vpush v7, $0x6;
	s2 =	sshra.s32 s28, $0xD;
	s28 =	sld [smem:$0x7A0];
	v19 =	vsel vm7, s12, v19;
	s20 =	sshra.s32 s23, $0x1F  }
0x317: {  	v18 =	vsel vm1, s8, v18;
	v20 =	vsel vm3, s15, v19;
	s9 =	sshrl.u32 s31, $0x1F;
	s7 =	sshra.s32 s31, $0xD;
	v21 =	vmov s20;
	s31 =	sshra.s32 s30, $0xD  }
0x318: {  	v19 =	vsel vm2, s11, v18;
	s12 =	sshrl.u32 s5, $0x1F;
	s5 =	sshra.s32 s5, $0xD;
	v18 =	vsel vm8, s17, v20;
	v20 =	vsel vm4, s31, v21;
	s31 =	sld [smem:$0x7A2]  }
0x319: {  	s15 =	sshrl.u32 s28, $0x1F;
	s3 =	sshra.s32 s28, $0xD;
	v21 =	vmov s6;
	s6 =	sld [smem:$0x7A3]  }
0x31a: {  	(v2sf) =	vpush v7, $0x7;
	v24 =	vmov s4;
	s28 =	sshrl.u32 s30, $0x1F;
	s30 =	sshra.s32 s30, $0x1F;
	s20 =	sshra.s32 s26, $0xD;
	v21 =	vsel vm0, s19, v21  }
0x31b: {  	v24 =	vsel vm0, s0, v24;
	s19 =	sshrl.u32 s26, $0x1F;
	v21 =	vsel vm1, s10, v21;
	s10 =	rddreg [dreg:$0x1a];
	s17 =	sshrl.u32 s31, $0x1F  }
0x31c: {  	v25 =	vmov s5;
	v22 =	vmov s28;
	v20 =	vsel vm10, s30, v20;
	s8 =	sshra.s32 s31, $0xD;
	s28 =	sshrl.u32 s6, $0x1F;
	s30 =	sshra.s32 s6, $0xD  }
0x31d: {  	v24 =	vsel vm1, s2, v24;
	v25 =	vsel vm0, s7, v25;
	v22 =	vnsel vm4, $0x0, v22;
	s31 =	sshra.s32 s6, $0x1F;
	s6 =	sshra.s32 s18, $0x1F;
	s2 =	sshrl.u32 s10, $0x1F  }
0x31e: {  	v25 =	vsel vm1, s3, v25;
	v20 =	vsel vm0, s30, v20;
	v22 =	vsel vm0, s28, v22;
	s28 =	sshra.s32 s26, $0x1F;
	s30 =	sshrl.u32 s24, $0x1F;
	s26 =	sshra.s32 s18, $0xD  }
0x31f: {  	v25 =	vsel vm2, s8, v25;
	s8 =	rddreg [dreg:$0x10];
	v23 =	vsel vm11, s31, v20;
	s31 =	sshra.s32 s24, $0xD;
	v20 =	vsel vm2, s13, v21;
	s13 =	sshra.s32 s14, $0x1F  }
0x320: {  	v21 =	vsel vm1, s19, v22;
	s19 =	rddreg [dreg:$0x1e];
	v22 =	vsel vm1, s20, v23;
	s20 =	sshra.s32 s24, $0x1F;
	s24 =	sshrl.u32 s18, $0x1F  }
0x321: {  	v23 =	vmov s12;
	v21 =	vsel vm2, s30, v21;
	s12 =	sshra.s32 s16, $0xD;
	s18 =	sshra.s32 s16, $0x1F;
	s30 =	spop (v2sf)  }
0x322: {  	v22 =	vsel vm12, s28, v22;
	s28 =	sshrl.u32 s16, $0x1F;
	v23 =	vsel vm0, s9, v23;
	v21 =	vsel vm5, s24, v21;
	s11 =	sshra.s32 s30, $0x1F;
	s24 =	spop (v2sf)  }
0x323: {  	v22 =	vsel vm2, s31, v22;
	s31 =	sshrl.u32 s14, $0x1F;
	v23 =	vsel vm1, s15, v23;
	s15 =	sshra.s32 s14, $0xD;
	s14 =	smulhi.u32 $0x14F8B589, s30  }
0x324: {  	v21 =	vsel vm6, s28, v21;
	s28 =	sshra.s32 s23, $0xD;
	s16 =	smulhi.u32 $0x14F8B589, s24;
	v22 =	vsel vm13, s20, v22;
	s20 =	rddreg [dreg:$0x1b]  }
0x325: {  	v23 =	vsel vm2, s17, v23;
	v21 =	vsel vm7, s31, v21;
	s17 =	sld [smem:$0x7A4];
	s31 =	sshra.s32 s24, $0x1F;
	v22 =	vsel vm5, s26, v22;
	s26 =	sshrl.u32 s23, $0x1F  }
0x326: {  	v8 =	vcombine.low v10, v8;
	v24 =	vsel vm2, s1, v24;
	s0 =	sshrl.u32 s20, $0x1F;
	s23 =	rddreg [dreg:$0x1c];
	s1 =	smul.u32 $0x14F8B589, s31  }
0x327: {  	s31 =	sshrl.u32 s25, $0x1F;
	v22 =	vsel vm14, s6, v22;
	s6 =	smul.u32 $0x14F8B589, s11;
	s11 =	spop (v2sf)  }
0x328: {  	v8 =	vperm.xlane v8, v0;
	v12 =	vcombine.low v14, v12;
	s30 =	sshrl.u32 s23, $0x1F;
	v22 =	vsel vm6, s12, v22;
	s12 =	sshrl.u32 s19, $0x1F;
	s9 =	sshrl.u32 s17, $0x1F  }
0x329: {  	v9 =	vperm.xlane v9, v1;
	v21 =	vsel vm8, s26, v21;
	s26 =	spop (v2sf);
	s1 =	sadd.s32 s1, s16;
	s16 =	sshrl.u32 s22, $0x1F;
	v22 =	vsel vm15, s18, v22  }
0x32a: {  	v28 =	vmov s2;
	v27 =	vmov s30;
	s18 =	rddreg [dreg:$0x1d];
	s30 =	sshra.s32 s26, $0x1F;
	v22 =	vsel vm7, s15, v22;
	s15 =	sshrl.u32 s21, $0x1F  }
0x32b: {  	v12 =	vperm.xlane v12, v0;
	s2 =	sadd.s32 s6, s14;
	s14 =	sshrl.u32 s29, $0x1F;
	v28 =	vsel vm0, s9, v28;
	s9 =	sshra.s32 s20, $0xD;
	v26 =	vmov s15  }
0x32c: {  	v27 =	vsel vm0, s0, v27;
	s7 =	sshrl.u32 s18, $0x1F;
	s5 =	smul.u32 $0x14F8B589, s30;
	s30 =	sshra.s32 s11, $0x1F;
	v22 =	vsel vm3, s13, v22;
	v26 =	vnsel vm4, $0x0, v26  }
0x32d: {  	v29 =	vld [tilespmem:$0x1FFF0];
	v27 =	vsel vm1, s12, v27;
	s13 =	rddreg [dreg:$0x19];
	s15 =	sshrl.u32 s8, $0x1F;
	v22 =	vsel vm8, s28, v22;
	s28 =	smulhi.u32 $0x14F8B589, s26;
	v26 =	vsel vm0, s31, v26  }
0x32e: {  	v13 =	vperm.xlane v13, v1;
	v27 =	vsel vm2, s7, v27;
	s7 =	smul.u32 $0x14F8B589, s30;
	s24 =	sshrl.u32 s13, $0x1F;
	s31 =	sshra.s32 s23, $0xD;
	v26 =	vsel vm1, s14, v26  }
0x32f: {  	v28 =	vsel vm1, s24, v28;
	s24 =	sshrl.u32 s2, $0x1F;
	s0 =	sadd.s32 s5, s28;
	s28 =	smulhi.u32 $0x14F8B589, s11;
	v14 =	vmov s31;
	v26 =	vsel vm2, s16, v26  }
0x330: {  	s26 =	sshrl.u32 s1, $0x1F;
	v28 =	vsel vm2, s15, v28;
	s14 =	sshra.s32 s19, $0xD;
	s11 =	sshra.s32 s0, $0x1F;
	v14 =	vsel vm0, s9, v14;
	v10 =	vsel vm5, s24, v26  }
0x331: {  	s12 =	sshra.s32 s21, $0xD;
	s18 =	sshra.s32 s18, $0xD;
	v26 =	vmov s11;
	s3 =	sadd.s32 s7, s28;
	v14 =	vsel vm1, s14, v14;
	v10 =	vsel vm6, s26, v10  }
0x332: {  	s15 =	sshra.s32 s21, $0x1F;
	v26 =	vsel vm4, s12, v26;
	s16 =	sshrl.u32 s3, $0x1F;
	v14 =	vsel vm2, s18, v14;
	vm4 =	vnez.u8 v29  }
0x333: {  	s19 =	sshra.s32 s25, $0xD;
	s21 =	sshra.s32 s10, $0xD;
	v26 =	vsel vm10, s15, v26;
	v10 =	vsel vm7, s16, v10;
	v8 =	vsel vm4, v9, v8  }
0x334: {  	s20 =	sshra.s32 s25, $0x1F;
	v9 =	vsel vm4, v13, v12;
	v13 =	vmov s21;
	v26 =	vsel vm0, s19, v26  }
0x335: {  	s23 =	sshra.s32 s29, $0xD;
	v8 =	vadd.s32 v8, v9;
	v9 =	vcombine.low v15, v11;
	v12 =	vsel vm11, s20, v26  }
0x336: {  	s25 =	sshra.s32 s17, $0xD;
	s24 =	sshra.s32 s29, $0x1F;
	v15 =	vperm.xlane v18, v1;
	v8 =	vmul.u32 $0x186A0, v8;
	v12 =	vsel vm1, s23, v12  }
0x337: {  	s7 =	sshrl.u32 s0, $0x1F;
	v11 =	vsel vm12, s24, v12;
	v12 =	vsel vm0, s25, v13;
	v13 =	vcombine.low v19, v17  }
0x338: {  	s26 =	sshra.s32 s22, $0xD;
	v10 =	vsel vm8, s7, v10;
	v4 =	vsub.s32 v4, v8;
	v8 =	vperm.xlane v9, v0  }
0x339: {  	s30 =	sshra.s32 s13, $0xD;
	v9 =	vperm.xlane v16, v1;
	v11 =	vsel vm2, s26, v11;
	v13 =	vperm.xlane v13, v0  }
0x33a: {  	s28 =	sshra.s32 s22, $0x1F;
	vm10 =	vlt.s32 v4, $0x0;
	v16 =	vadd.s32 $0x186A0, v4;
	v12 =	vsel vm1, s30, v12  }
0x33b: {  	v11 =	vsel vm13, s28, v11;
	v8 =	vsel vm4, v9, v8;
	v9 =	vsel vm4, v15, v13  }
0x33c: {  	s4 =	sshra.s32 s8, $0xD;
	s29 =	sshra.s32 s2, $0xD;
	v4 =	vsel vm10, v16, v4;
	v8 =	vadd.s32 v8, v9;
	v9 =	vcombine.low v25, v24  }
0x33d: {  	s2 =	sshra.s32 s2, $0x1F;
	v12 =	vsel vm2, s4, v12;
	v11 =	vsel vm5, s29, v11;
	v8 =	vmul.u32 $0x186A0, v8  }
0x33e: {  	s31 =	sshra.s32 s1, $0xD;
	[tilespmem:$0x100] =	vst v4;
	v11 =	vsel vm14, s2, v11;
	v4 =	vperm.xlane v9, v0;
	v9 =	vperm.xlane v22, v1  }
0x33f: {  	s1 =	sshra.s32 s1, $0x1F;
	v13 =	vcombine.low v23, v20;
	v11 =	vsel vm6, s31, v11;
	v5 =	vsub.s32 v5, v8;
	v8 =	vld.msk [tilespmem:$0x100], $0xff  }
0x340: {  	s5 =	sshra.s32 s3, $0xD;
	v12 =	vcombine.low v12, v14;
	v4 =	vsel vm4, v9, v4;
	v9 =	vsel vm15, s1, v11  }
0x341: {  	s8 =	sshra.s32 s3, $0x1F;
	v15 =	vperm.xlane v21, v1;
	v13 =	vperm.xlane v13, v0;
	v9 =	vsel vm7, s5, v9  }
0x342: {  	s0 =	sshra.s32 s0, $0xD;
	v10 =	vperm.xlane v10, v1;
	v11 =	vcombine.low v28, v27;
	v9 =	vsel vm3, s8, v9  }
0x343: {  	v12 =	vperm.xlane v12, v0;
	v13 =	vsel vm4, v15, v13;
	v9 =	vsel vm8, s0, v9  }
0x344: {  	v11 =	vperm.xlane v11, v0;
	v9 =	vperm.xlane v9, v1;
	v14 =	vshll.u32 v8, $0x3  }
0x345: {  	v4 =	vadd.s32 v13, v4;
	v8 =	vand.u32 $0x7, v8;
	v13 =	vand.u32 $0xFFFFFFC0, v14  }
0x346: {  	v10 =	vsel vm4, v10, v11;
	v9 =	vsel vm4, v9, v12;
	v8 =	vor.u32 v8, v13  }
0x347: {  	v4 =	vmul.u32 $0x186A0, v4;
	v9 =	vadd.s32 v10, v9;
	v8 =	vperm.xlane v8, v2  }
0x348: {  	vm10 =	vlt.s32 v5, $0x0;
	v10 =	vadd.s32 $0x186A0, v5;
	v9 =	vmul.u32 $0x186A0, v9  }
0x349: {  	v4 =	vsub.s32 v6, v4;
	v5 =	vsel vm10, v10, v5;
	v6 =	vadd.s32 v3, v8  }
0x34a: {  	vm10 =	vlt.s32 v4, $0x0;
	v8 =	vadd.s32 $0x186A0, v4;
	v7 =	vsub.s32 v7, v9  }
0x34b: {  	[tilespmem:$0x110] =	vst v5;
	v4 =	vsel vm10, v8, v4;
	vm10 =	vlt.s32 v7, $0x0;
	v5 =	vadd.s32 $0x186A0, v7  }
0x34c: {  	[tilespmem:$0x120] =	vst v4;
	v5 =	vsel vm10, v5, v7  }
0x34d: {  	s6 =	simm.s32 $0x0;
	s10 =	simm.s32 $0x180;
	s9 =	rddreg [dreg:$0x1];
	[tilespmem:$0x130] =	vst v5  }
0x34e: {  	[tilespmem:s10], [sflag:$0x1] =	stream.indirect_vreg.gather [hbm4b:s9+s6], $0x80, v6, vm9, $0xb8;
	[tilespmem:$0x14180] =	vst v63  }
0x34f: {  	s11 =	rddreg [dreg:$0x5];
	s12 =	simm.s32 $0x980  }
0x350: {  	[tilespmem:s12], [sflag:$0x1] =	stream.indirect_vreg.gather [hbm4b:s11+s6], $0x80, v6, vm9, $0xb8;
	[tilespmem:$0x14180] =	vst v63  }
0x351: {  	s13 =	rddreg [dreg:$0x6];
	s14 =	simm.s32 $0x1180  }
0x352: {  	[tilespmem:s14], [sflag:$0x1] =	stream.indirect_vreg.gather [hbm4b:s13+s6], $0x80, v6, vm9, $0xb8;
	[tilespmem:$0x14180] =	vst v63  }
0x353: {  	s15 =	rddreg [dreg:$0x7];
	s16 =	simm.s32 $0x1980  }
0x354: {  	[tilespmem:s16], [sflag:$0x1] =	stream.indirect_vreg.gather [hbm4b:s15+s6], $0x80, v6, vm9, $0xb8;
	[tilespmem:$0x14180] =	vst v63  }
0x355: {  	v4 =	vld.msk [tilespmem:$0x110], $0xff;
	_ =	sdelay $0x4  }
0x356: {  	v5 =	vshll.u32 v4, $0x3  }
0x357: {  	v4 =	vand.u32 $0x7, v4;
	v5 =	vand.u32 $0xFFFFFFC0, v5  }
0x358: {  	v4 =	vor.u32 v4, v5  }
0x359: {  	v4 =	vperm.xlane v4, v2;
	_ =	sdelay $0x1  }
0x35a: {  	v4 =	vadd.s32 v3, v4;
	_ =	sdelay $0x3  }
0x35b: {  	s17 =	simm.s32 $0x2180  }
0x35c: {  	[tilespmem:s17], [sflag:$0x1] =	stream.indirect_vreg.gather [hbm4b:s9+s6], $0x80, v4, vm9, $0xb8;
	[tilespmem:$0x14180] =	vst v63  }
0x35d: {  	s18 =	simm.s32 $0x2980  }
0x35e: {  	[tilespmem:s18], [sflag:$0x1] =	stream.indirect_vreg.gather [hbm4b:s11+s6], $0x80, v4, vm9, $0xb8;
	[tilespmem:$0x14180] =	vst v63  }
0x35f: {  	s19 =	simm.s32 $0x3180  }
0x360: {  	[tilespmem:s19], [sflag:$0x1] =	stream.indirect_vreg.gather [hbm4b:s13+s6], $0x80, v4, vm9, $0xb8;
	[tilespmem:$0x14180] =	vst v63  }
0x361: {  	s20 =	simm.s32 $0x3980  }
0x362: {  	[tilespmem:s20], [sflag:$0x1] =	stream.indirect_vreg.gather [hbm4b:s15+s6], $0x80, v4, vm9, $0xb8;
	[tilespmem:$0x14180] =	vst v63  }
0x363: {  	v4 =	vld.msk [tilespmem:$0x120], $0xff;
	_ =	sdelay $0x4  }
0x364: {  	v5 =	vshll.u32 v4, $0x3  }
0x365: {  	v4 =	vand.u32 $0x7, v4;
	v5 =	vand.u32 $0xFFFFFFC0, v5  }
0x366: {  	v4 =	vor.u32 v4, v5  }
0x367: {  	v4 =	vperm.xlane v4, v2;
	_ =	sdelay $0x1  }
0x368: {  	v4 =	vadd.s32 v3, v4;
	_ =	sdelay $0x3  }
0x369: {  	s21 =	simm.s32 $0x4180  }
0x36a: {  	[tilespmem:s21], [sflag:$0x1] =	stream.indirect_vreg.gather [hbm4b:s9+s6], $0x80, v4, vm9, $0xb8;
	[tilespmem:$0x14180] =	vst v63  }
0x36b: {  	s22 =	simm.s32 $0x4980  }
0x36c: {  	[tilespmem:s22], [sflag:$0x1] =	stream.indirect_vreg.gather [hbm4b:s11+s6], $0x80, v4, vm9, $0xb8;
	[tilespmem:$0x14180] =	vst v63  }
0x36d: {  	s23 =	simm.s32 $0x5180  }
0x36e: {  	[tilespmem:s23], [sflag:$0x1] =	stream.indirect_vreg.gather [hbm4b:s13+s6], $0x80, v4, vm9, $0xb8;
	[tilespmem:$0x14180] =	vst v63  }
0x36f: {  	s24 =	simm.s32 $0x5980  }
0x370: {  	[tilespmem:s24], [sflag:$0x1] =	stream.indirect_vreg.gather [hbm4b:s15+s6], $0x80, v4, vm9, $0xb8;
	[tilespmem:$0x14180] =	vst v63  }
0x371: {  	v4 =	vld.msk [tilespmem:$0x130], $0xff;
	_ =	sdelay $0x4  }
0x372: {  	v5 =	vshll.u32 v4, $0x3  }
0x373: {  	v4 =	vand.u32 $0x7, v4;
	v5 =	vand.u32 $0xFFFFFFC0, v5  }
0x374: {  	v4 =	vor.u32 v4, v5  }
0x375: {  	v4 =	vperm.xlane v4, v2;
	_ =	sdelay $0x1  }
0x376: {  	v4 =	vadd.s32 v3, v4;
	_ =	sdelay $0x3  }
0x377: {  	s25 =	simm.s32 $0x6180  }
0x378: {  	[tilespmem:s25], [sflag:$0x1] =	stream.indirect_vreg.gather [hbm4b:s9+s6], $0x80, v4, vm9, $0xb8;
	[tilespmem:$0x14180] =	vst v63  }
0x379: {  	s26 =	simm.s32 $0x6980  }
0x37a: {  	[tilespmem:s26], [sflag:$0x1] =	stream.indirect_vreg.gather [hbm4b:s11+s6], $0x80, v4, vm9, $0xb8;
	[tilespmem:$0x14180] =	vst v63  }
0x37b: {  	s28 =	simm.s32 $0x7180  }
0x37c: {  	[tilespmem:s28], [sflag:$0x1] =	stream.indirect_vreg.gather [hbm4b:s13+s6], $0x80, v4, vm9, $0xb8;
	[tilespmem:$0x14180] =	vst v63  }
0x37d: {  	s29 =	simm.s32 $0x7980;
	s1 =	simm.s32 @!p0 $0x4  }
0x37e: {  	[tilespmem:s29], [sflag:$0x1] =	stream.indirect_vreg.gather [hbm4b:s15+s6], $0x80, v4, vm9, $0xb8;
	[tilespmem:$0x14180] =	vst v63  }
0x37f: {  	s0 =	simm.s32 $0x0;
	_ =	swait.ge @!p0 [sflag:s1], $0x2000  }
0x380: {  	s30 =	sand.u32 $0x70, s0;
	s31 =	sand.u32 $0x1C00, s0;
	[sflag:s1] =	ssyncset.done @!p0 $0x0  }
0x381: {  	[sflag:s1] =	ssyncadd.s32 @!p0 $0xFFFFE000;
	s1 =	sor.u32 s30, s31  }
0x382: {  	v14 =	vld [tilespmem:s1+$0xA180]  }
0x383: {  	v18 =	vld [tilespmem:s1+$0x8180]  }
0x384: {  	v19 =	vld [tilespmem:s1+$0xC180]  }
0x385: {  	v21 =	vld [tilespmem:s1+$0xE180]  }
0x386: {  	v23 =	vld [tilespmem:s1+$0x8200]  }
0x387: {  	v24 =	vld [tilespmem:s1+$0xA200]  }
0x388: {  	v25 =	vld [tilespmem:s1+$0xC200]  }
0x389: {  	v26 =	vld [tilespmem:s1+$0xE200]  }
0x38a: {  	v4 =	vld [tilespmem:s1+$0x8280]  }
0x38b: {  	v5 =	vld [tilespmem:s1+$0xA280]  }
0x38c: {  	v7 =	vld [tilespmem:s1+$0xC280]  }
0x38d: {  	v10 =	vld [tilespmem:s1+$0xE280]  }
0x38e: {  	v8 =	vld [tilespmem:s1+$0x8300]  }
0x38f: {  	v11 =	vld [tilespmem:s1+$0xA300]  }
0x390: {  	v12 =	vld [tilespmem:s1+$0xC300]  }
0x391: {  	v15 =	vld [tilespmem:s1+$0xE300]  }
0x392: {  	v13 =	vld [tilespmem:s1+$0x8380]  }
0x393: {  	v16 =	vld [tilespmem:s1+$0xA380]  }
0x394: {  	v17 =	vld [tilespmem:s1+$0xC380]  }
0x395: {  	v20 =	vld [tilespmem:s1+$0xE380]  }
0x396: {  	v6 =	vld [tilespmem:s1+$0x8400]  }
0x397: {  	v9 =	vld [tilespmem:s1+$0xA400]  }
0x398: {  	v22 =	vadd.f32 v14, v18;
	v14 =	vld [tilespmem:s1+$0xC400]  }
0x399: {  	v19 =	vadd.f32 v21, v19;
	v18 =	vld [tilespmem:s1+$0xE400]  }
0x39a: {  	v23 =	vadd.f32 v24, v23;
	v21 =	vld [tilespmem:s1+$0xA480]  }
0x39b: {  	s3 =	simm.s32 $0x10;
	s2 =	simm.s32 $0x0;
	v24 =	vadd.f32 v26, v25;
	v22 =	vadd.f32 v19, v22;
	v19 =	vld [tilespmem:s1+$0x8480]  }
.LBB2_5:
0x39c: {  	p0 =	sne.s32 s3, $0x3F0;
	v4 =	vadd.f32 v5, v4;
	v5 =	vadd.f32 v10, v7;
	v7 =	vld [tilespmem:s1+$0xC480]  }
0x39d: {  	v8 =	vadd.f32 v11, v8;
	v10 =	vadd.f32 v15, v12;
	v11 =	vld [tilespmem:s1+$0xE480]  }
0x39e: {  	v12 =	vadd.f32 v16, v13;
	v13 =	vadd.f32 v20, v17  }
0x39f: {  	v15 =	vadd.f32 v24, v23;
	v4 =	vadd.f32 v5, v4  }
0x3a0: {  	v5 =	vadd.f32 v10, v8;
	v8 =	vadd.f32 v13, v12;
	[tilespmem:s1+$0x12180] =	vst v22  }
0x3a1: {  	v6 =	vadd.f32 v9, v6;
	v9 =	vadd.f32 v18, v14;
	[tilespmem:s1+$0x12200] =	vst v15  }
0x3a2: {  	[tilespmem:s1+$0x12280] =	vst v4;
	v4 =	vadd.f32 v21, v19;
	v7 =	vadd.f32 v11, v7  }
0x3a3: {  	[tilespmem:s1+$0x12300] =	vst v5;
	v5 =	vadd.f32 v9, v6  }
0x3a4: {  	[tilespmem:s1+$0x12380] =	vst v8;
	v4 =	vadd.f32 v7, v4;
	v6 =	vld [tilespmem:s1+$0xA500]  }
0x3a5: {  	s4 =	sor.u32 s2, s0;
	s0 =	smov.u32 s3;
	[tilespmem:s1+$0x12400] =	vst v5;
	v5 =	vld [tilespmem:s1+$0xC500]  }
0x3a6: {  	s4 =	sor.u32 $0x380, s4;
	[tilespmem:s1+$0x12480] =	vst v4;
	v4 =	vld [tilespmem:s1+$0xE500]  }
0x3a7: {  	v7 =	vld [tilespmem:s4+$0x8180];
	_ =	sdelay $0x4  }
0x3a8: {  	v4 =	vadd.f32 v4, v5;
	v6 =	vadd.f32 v6, v7;
	_ =	sdelay $0x1  }
0x3a9: {  	s2 =	sadd.s32 $0x80, s2;
	v4 =	vadd.f32 v4, v6  }
0x3aa: {  	s5 =	sand.u32 $0x1C00, s2;
	s1 =	sand.u32 $0x70, s3  }
0x3ab: {  	s1 =	sor.u32 s1, s5;
	[tilespmem:s4+$0x12180] =	vst v4  }
0x3ac: {  	v14 =	vld [tilespmem:s1+$0xA180]  }
0x3ad: {  	v18 =	vld [tilespmem:s1+$0x8180]  }
0x3ae: {  	v19 =	vld [tilespmem:s1+$0xC180]  }
0x3af: {  	v21 =	vld [tilespmem:s1+$0xE180]  }
0x3b0: {  	v23 =	vld [tilespmem:s1+$0x8200]  }
0x3b1: {  	v24 =	vld [tilespmem:s1+$0xA200]  }
0x3b2: {  	v25 =	vld [tilespmem:s1+$0xC200]  }
0x3b3: {  	v26 =	vld [tilespmem:s1+$0xE200]  }
0x3b4: {  	v4 =	vld [tilespmem:s1+$0x8280]  }
0x3b5: {  	v5 =	vld [tilespmem:s1+$0xA280]  }
0x3b6: {  	v7 =	vld [tilespmem:s1+$0xC280]  }
0x3b7: {  	v10 =	vld [tilespmem:s1+$0xE280]  }
0x3b8: {  	v8 =	vld [tilespmem:s1+$0x8300]  }
0x3b9: {  	v11 =	vld [tilespmem:s1+$0xA300]  }
0x3ba: {  	v12 =	vld [tilespmem:s1+$0xC300]  }
0x3bb: {  	v15 =	vld [tilespmem:s1+$0xE300]  }
0x3bc: {  	v13 =	vld [tilespmem:s1+$0x8380]  }
0x3bd: {  	v16 =	vld [tilespmem:s1+$0xA380]  }
0x3be: {  	v17 =	vld [tilespmem:s1+$0xC380]  }
0x3bf: {  	v20 =	vld [tilespmem:s1+$0xE380]  }
0x3c0: {  	v6 =	vld [tilespmem:s1+$0x8400]  }
.Ltmp1:
0x3c1: {  	v9 =	vld [tilespmem:s1+$0xA400];
	(pc) =	sbr.rel @p0 .LBB2_5-.Ltmp1, $4  }
0x3c2: {  	v22 =	vadd.f32 v14, v18;
	v19 =	vadd.f32 v21, v19;
	v14 =	vld [tilespmem:s1+$0xC400]  }
0x3c3: {  	v18 =	vld [tilespmem:s1+$0xE400]  }
0x3c4: {  	v22 =	vadd.f32 v19, v22;
	v19 =	vld [tilespmem:s1+$0x8480]  }
0x3c5: {  	s3 =	sadd.s32 $0x10, s3;
	v23 =	vadd.f32 v24, v23;
	v24 =	vadd.f32 v26, v25;
	v21 =	vld [tilespmem:s1+$0xA480]  }
0x3c6: {  	v4 =	vadd.f32 v5, v4;
	v5 =	vadd.f32 v10, v7;
	v55 =	vld [tilespmem:s1+$0xC480]  }
0x3c7: {  	v54 =	vadd.f32 v11, v8;
	v56 =	vadd.f32 v15, v12;
	v58 =	vld [tilespmem:s1+$0xE480]  }
0x3c8: {  	v57 =	vadd.f32 v16, v13;
	v59 =	vadd.f32 v20, v17  }
0x3c9: {  	v6 =	vadd.f32 v9, v6;
	v4 =	vadd.f32 v5, v4  }
0x3ca: {  	[tilespmem:s1+$0x12180] =	vst v22;
	v60 =	vadd.f32 v24, v23;
	v5 =	vadd.f32 v56, v54  }
0x3cb: {  	v61 =	vadd.f32 v59, v57;
	v62 =	vadd.f32 v18, v14;
	[tilespmem:s1+$0x12280] =	vst v4  }
0x3cc: {  	v4 =	vadd.f32 v21, v19;
	[tilespmem:s1+$0x12300] =	vst v5;
	v5 =	vadd.f32 v58, v55  }
0x3cd: {  	[tilespmem:s1+$0x12200] =	vst v60;
	v6 =	vadd.f32 v62, v6  }
0x3ce: {  	v63 =	vld [tilespmem:s1+$0xA500];
	[tilespmem:s1+$0x12380] =	vst v61;
	v4 =	vadd.f32 v5, v4  }
0x3cf: {  	s0 =	sor.u32 s2, s0;
	[tilespmem:s1+$0x12400] =	vst v6;
	v5 =	vld [tilespmem:s1+$0xC500]  }
0x3d0: {  	s0 =	sor.u32 $0x380, s0;
	[tilespmem:s1+$0x12480] =	vst v4;
	v4 =	vld [tilespmem:s1+$0xE500]  }
0x3d1: {  	v6 =	vld [tilespmem:s0+$0x8180];
	_ =	sdelay $0x3  }
0x3d2: {  	s7 =	rddreg [dreg:$0xc]  }
0x3d3: {  	p0 =	sne.s32 s7, $0xA;
	v4 =	vadd.f32 v4, v5;
	v6 =	vadd.f32 v63, v6  }
.Ltmp2:
0x3d4: {  	_ = 	snop;
	(pc) =	sbr.rel @p0 .LBB2_2-.Ltmp2, $4  }
0x3d5: {  	s29 =	rddreg [dreg:$0x9];
	v4 =	vadd.f32 v4, v6  }
0x3d6: {  	s30 =	rddreg [dreg:$0xd]  }
0x3d7: {  	s31 =	simm.s32 $0x12180;
	[tilespmem:s0+$0x12180] =	vst v4;
	s0 =	sadd.s32 s30, s29  }
0x3d8: {  	[hbm4b:s0+s6] =	stream.linear.scatter [tilespmem:s31], [sflag:$0x4], $0x2000, $0x38;
	[tilespmem:$0x14180] =	vst v63  }
0x3d9: {  	s0 =	simm.s32 $0x1  }
0x3da: {  	_ =	swait.ge [sflag:s0], $0x8000  }
0x3db: {  	[sflag:s0] =	ssyncset.done $0x0  }
0x3dc: {  	s30 =	simm.s32 $0x3;
	[sflag:s0] =	ssyncadd.s32 $0xFFFF8000  }
0x3dd: {  	_ =	swait.ge [sflag:s30], $0x2000  }
0x3de: {  	[sflag:s30] =	ssyncset.done $0x0  }
0x3df: {  	s1 =	simm.s32 $0x4;
	[sflag:s30] =	ssyncadd.s32 $0xFFFFE000  }
0x3e0: {  	_ =	swait.ge [sflag:s1], $0x2000  }
0x3e1: {  	s2 =	rddreg [dreg:$0xb]  }
0x3e2: {  	s31 =	rddreg [dreg:$0xa];
	s2 =	sadd.s32 $0x1, s2  }
0x3e3: {  	p0 =	sne.s32 s2, s31  }
.Ltmp3:
0x3e4: {  	_ = 	snop;
	(pc) =	sbr.rel @p0 .LBB2_1-.Ltmp3, $3  }
0x3e5: {  	_ =	sdelay $0x1  }
0x3e6: {  	[sflag:s1] =	ssyncset.done $0x0  }
0x3e7: {  	[sflag:s1] =	ssyncadd.s32 $0xFFFFE000  }
0x3e8: {  	_ =	sfence.sel $0x180000  }
0x3e9: {  	[bflag:$0x0] =	sbarrier.arrive $0xFFFF  }
0x3ea: {  	_ =	strace $0x90000047  }
0x3eb: {  	s0 =	stileid.u32;
	[bflag:$0x2] =	sbarrier.arrive $0xFFFF  }
0x3ec: {  	p0 =	sne.s32 s0, $0x0;
	s0 =	rddreg [dreg:$0x2]  }
0x3ed: {  	s0 =	sadd.s32 @!p0 $0x100000, s0  }
0x3ee: {  	[sflag:s0] =	ssyncadd.tile.s32 @!p0 $0x1;
	_ =	shalt  }
.Lfunc_end2:
_tile_overlayer_lowered:
.L_overlay_start_2:
0x3ef: {  	(tag) =	ssettag $0x2  }
0x3f0: {  	s0 =	rddreg [dreg:$0x0];
	s2 =	stileid.u32  }
0x3f1: {  	s1 =	rddreg [dreg:$0x1];
	p0 =	sne.s32 s2, $0x0  }
0x3f2: {  	s3 =	rddreg [dreg:$0x2];
	[bflag:$0x3] =	sbarrier.arrive $0xFFFF;
	s2 =	simm.s32 @!p0 $0x1C05  }
0x3f3: {  	[timem:s3], [sflag:s2] =	dma.local @!p0 [hbm:s0], s1  }
0x3f4: {  	s0 =	simm.s32 @!p0 $0x5  }
0x3f5: {  	_ =	swait.ge @!p0 [sflag:s0], s1  }
0x3f6: {  	s1 =	ssub.s32 @!p0 $0x0, s1;
	[sflag:s0] =	ssyncset.done @!p0 $0x0  }
0x3f7: {  	[sflag:s0] =	ssyncadd.s32 @!p0 s1  }
0x3f8: {  	[bflag:$0x3] =	sbarrier.arrive $0xFFFF  }
0x3f9: {  	_ =	shalt  }

// kernel: kernel.9.cloned.1.call-start
scs
__scs_entry_jumppad:
0x0: {  	(pc) =	sbr.rel $0x88, $3  }
0x1: {  	(tag) =	ssettag $0x0;
	lr =	simm.s32 $0x1  }
0x2: {  	[smem:$0x3F98] =	sst lr;
	_ =	strace $0xD0000000  }
0x3: {  	_ = 	snop  }
0x4: {  	_ = 	snop  }
0x5: {  	_ = 	snop  }
0x6: {  	_ = 	snop  }
0x7: {  	_ = 	snop  }
__scs_overlays_trampoline_lowered:
0x8: {  	[smem:$0x3FA7] =	sst s0  }
0x9: {  	[smem:$0x3FA8] =	sst s1  }
0xa: {  	[smem:$0x3FA9] =	sst s2  }
0xb: {  	[smem:$0x3FAA] =	sst s3  }
0xc: {  	[smem:$0x3FAB] =	sst s4  }
0xd: {  	[smem:$0x3FAC] =	sst s5  }
0xe: {  	[smem:$0x3FAD] =	sst s6  }
0xf: {  	[smem:$0x3FAE] =	sst s7  }
0x10: {  	[smem:$0x3FAF] =	sst s8  }
0x11: {  	[smem:$0x3FB0] =	sst s9;
	s0 =	simm.s32 @!p0 $0x0  }
0x12: {  	s1 =	sld [smem:$0x3F96];
	s0 =	simm.s32 @p0 $0x1  }
0x13: {  	[smem:$0x3FB1] =	sst s0;
	s0 =	simm.s32 @!p1 $0x0  }
0x14: {  	s2 =	sld [smem:$0x3F95];
	s0 =	simm.s32 @p1 $0x1  }
0x15: {  	[smem:$0x3FB2] =	sst s0;
	s0 =	simm.s32 @!p2 $0x0  }
0x16: {  	s3 =	sld [smem:$0x3FDB];
	s0 =	simm.s32 @p2 $0x1  }
0x17: {  	s4 =	simm.s32 $0x1BF5;
	[smem:$0x3FB4] =	sst s0  }
0x18: {  	s0 =	sld [smem:$0x3F97];
	_ =	swait.ge [sflag:s4], $0x0  }
0x19: {  	s7 =	sld [smem:$0x3F98]  }
0x1a: {  	s8 =	sadd.s32 $0xFFFFE003, lr  }
0x1b: {  	s9 =	sadd.s32 $0xFFFFFEF7, lr;
	s5 =	simm.s32 $0xFFFFFFFF;
	p2 =	slt.u32 s8, $0xFFFFF086  }
0x1c: {  	p1 =	slt.u32 s9, $0xF7A;
	s5 =	simm.s32 @!p2 $0x0  }
0x1d: {  	s5 =	simm.s32 @p1 $0x1;
	p0 =	seq.s32 s7, s2  }
0x1e: {  	s7 =	smul.u32 @!p0 $0xF7A, s2;
	p2 =	seq.s32 @!p0 s5, $0x0  }
0x1f: {  	s9 =	smul.u32 $0xF7A, s1;
	s8 =	simm.s32 @!p0 $0x1BF5;
	p2 =	por !p2, p0  }
0x20: {  	[sflag:s8] =	ssyncset.s32 @!p0 $0xFFFFF086;
	s6 =	sadd.s32 @!p0 s3, s7;
	s7 =	simm.s32 @!p0 $0x108  }
0x21: {  	s3 =	sadd.s32 s3, s9;
	s6 =	sadd.s32 @!p0 $0x88, s6;
	s7 =	simm.s32 @p2 $0x1082  }
0x22: {  	[simem:s7], [sflag:s8] =	dma.local @!p0 [hbm:s6], $0xF7A  }
0x23: {  	s9 =	sor.u32 $0xD0000000, s2;
	s6 =	simm.s32 $0x108;
	_ =	swait.ge @!p0 [sflag:s8], $0x0  }
0x24: {  	s3 =	sadd.s32 $0x88, s3;
	s6 =	simm.s32 @!p1 $0x1082;
	[sflag:s4] =	ssyncset.s32 $0xFFFFF086  }
0x25: {  	[simem:s6], [sflag:s4] =	dma.local [hbm:s3], $0xF7A  }
0x26: {  	[smem:$0x3F98] =	sst s1;
	(tag) =	ssettag s2;
	_ =	strace s9  }
0x27: {  	s1 =	sld [smem:$0x3FA8]  }
0x28: {  	s2 =	sld [smem:$0x3FA9]  }
0x29: {  	s4 =	sld [smem:$0x3FAB]  }
0x2a: {  	p0 =	seq.s32 s5, $0x0;
	s5 =	sld [smem:$0x3FAC]  }
0x2b: {  	s6 =	sld [smem:$0x3FAD]  }
0x2c: {  	s7 =	sld [smem:$0x3FAE]  }
0x2d: {  	s3 =	simm.s32 $0x108;
	s8 =	sld [smem:$0x3FAF]  }
0x2e: {  	s3 =	simm.s32 @!p0 $0x1082;
	s9 =	sld [smem:$0x3FB0]  }
0x2f: {  	lr =	sadd.s32 s0, s3;
	s0 =	sld [smem:$0x3FA7]  }
0x30: {  	s3 =	sld [smem:$0x3FAA]  }
0x31: {  	[smem:$0x3FB3] =	sst s10  }
0x32: {  	s10 =	sld [smem:$0x3FB1];
	_ =	sdelay $0x3  }
0x33: {  	p0 =	seq.s32 s10, $0x1;
	s10 =	sld [smem:$0x3FB3];
	_ =	sdelay $0x3  }
0x34: {  	[smem:$0x3FB3] =	sst s10  }
0x35: {  	s10 =	sld [smem:$0x3FB2];
	_ =	sdelay $0x3  }
0x36: {  	p1 =	seq.s32 s10, $0x1;
	s10 =	sld [smem:$0x3FB3];
	_ =	sdelay $0x3  }
0x37: {  	[smem:$0x3FB3] =	sst s10  }
0x38: {  	s10 =	sld [smem:$0x3FB4]  }
0x39: {  	_ = 	snop;
	(pc) =	sbr.ind lr, $3  }
0x3a: {  	_ = 	snop  }
0x3b: {  	_ = 	snop  }
0x3c: {  	p2 =	seq.s32 s10, $0x1;
	s10 =	sld [smem:$0x3FB3]  }
0x3d: {  	_ =	shalt  }
0x3e: {  	_ =	shalt  }
0x3f: {  	_ =	shalt  }
0x40: {  	_ =	shalt  }
0x41: {  	_ =	shalt  }
0x42: {  	_ =	shalt  }
0x43: {  	_ =	shalt  }
0x44: {  	_ =	shalt  }
0x45: {  	_ =	shalt  }
0x46: {  	_ =	shalt  }
0x47: {  	_ =	shalt  }
0x48: {  	_ =	shalt  }
0x49: {  	_ =	shalt  }
0x4a: {  	_ =	shalt  }
0x4b: {  	_ =	shalt  }
0x4c: {  	_ =	shalt  }
0x4d: {  	_ =	shalt  }
0x4e: {  	_ =	shalt  }
0x4f: {  	_ =	shalt  }
0x50: {  	_ =	shalt  }
0x51: {  	_ =	shalt  }
0x52: {  	_ =	shalt  }
0x53: {  	_ =	shalt  }
0x54: {  	_ =	shalt  }
0x55: {  	_ =	shalt  }
0x56: {  	_ =	shalt  }
0x57: {  	_ =	shalt  }
0x58: {  	_ =	shalt  }
0x59: {  	_ =	shalt  }
0x5a: {  	_ =	shalt  }
0x5b: {  	_ =	shalt  }
0x5c: {  	_ =	shalt  }
0x5d: {  	_ =	shalt  }
0x5e: {  	_ =	shalt  }
0x5f: {  	_ =	shalt  }
0x60: {  	_ =	shalt  }
0x61: {  	_ =	shalt  }
0x62: {  	_ =	shalt  }
0x63: {  	_ =	shalt  }
0x64: {  	_ =	shalt  }
0x65: {  	_ =	shalt  }
0x66: {  	_ =	shalt  }
0x67: {  	_ =	shalt  }
0x68: {  	_ =	shalt  }
0x69: {  	_ =	shalt  }
0x6a: {  	_ =	shalt  }
0x6b: {  	_ =	shalt  }
0x6c: {  	_ =	shalt  }
0x6d: {  	_ =	shalt  }
0x6e: {  	_ =	shalt  }
0x6f: {  	_ =	shalt  }
0x70: {  	_ =	shalt  }
0x71: {  	_ =	shalt  }
0x72: {  	_ =	shalt  }
0x73: {  	_ =	shalt  }
0x74: {  	_ =	shalt  }
0x75: {  	_ =	shalt  }
0x76: {  	_ =	shalt  }
0x77: {  	_ =	shalt  }
0x78: {  	_ =	shalt  }
0x79: {  	_ =	shalt  }
0x7a: {  	_ =	shalt  }
0x7b: {  	_ =	shalt  }
0x7c: {  	_ =	shalt  }
0x7d: {  	_ =	shalt  }
0x7e: {  	_ =	shalt  }
0x7f: {  	_ =	shalt  }
0x80: {  	_ =	shalt  }
0x81: {  	_ =	shalt  }
0x82: {  	_ =	shalt  }
0x83: {  	_ =	shalt  }
0x84: {  	_ =	shalt  }
0x85: {  	_ =	shalt  }
0x86: {  	_ =	shalt  }
0x87: {  	_ =	shalt  }
.Lfunc_end0:
.L_simem_size_0:
called_computation.1_lowered:
.L_overlay_start_0:
0x88: {  	s2 =	sld [smem:$0x3FD9]  }
0x89: {  	s3 =	sld [smem:$0x3FFE];
	_ =	sdelay $0x1  }
0x8a: {  	s1 =	srdreg.scid  }
0x8b: {  	s0 =	sand.u32 $0x1, s1  }
0x8c: {  	s17 =	sshll.u32 s0, $0xA;
	s2 =	sadd.s32 s3, s2  }
0x8d: {  	s2 =	sadd.s32 s2, s17  }
0x8e: {  	[smem:$0x3FBF] =	sst s2  }
0x8f: {  	_ = 	snop  }
0x90: {  	s18 =	sld [smem:$0x3FC7];
	(tm) =	ssettm $0x1  }
0x91: {  	s19 =	sld [smem:$0x3FFB];
	_ =	sdelay $0x3  }
0x92: {  	_ =	strace s19  }
0x93: {  	s2 =	sld [smem:$0x3FFC];
	_ =	sdelay $0x3  }
0x94: {  	_ =	strace s2  }
0x95: {  	s2 =	sld [smem:$0x3FFD];
	_ =	sdelay $0x3  }
0x96: {  	_ =	strace s2  }
0x97: {  	_ =	strace $0x8FFFFFFF  }
0x98: {  	s20 =	sld [smem:$0x3FDB];
	_ =	sdelay $0x1  }
0x99: {  	s4 =	simm.s32 $_scs_section_size  }
0x9a: {  	s5 =	simm.s32 $_size__tile_overlayer_lowered;
	s6 =	simm.s32 $_tile_overlayer_lowered  }
0x9b: {  	s7 =	simm.s32 $0x1BFF;
	s21 =	sshll.u32 s6, $0x1;
	s4 =	sadd.s32 s4, s20  }
0x9c: {  	s22 =	simm.s32 $0x0;
	s5 =	sshll.u32 s5, $0x1;
	s6 =	sadd.s32 s21, s4  }
0x9d: {  	[timem:s22], [sflag:s7] =	dma.local [hbm:s6], s5  }
0x9e: {  	_ =	swait.ge [sflag:s7], s5  }
0x9f: {  	s5 =	ssub.s32 $0x0, s5;
	[sflag:s7] =	ssyncset.done $0x0  }
0xa0: {  	[sflag:s7] =	ssyncadd.s32 s5;
	_ =	sdelay $0x1  }
0xa1: {  	s23 =	simm.s32 $0x1B8B  }
0xa2: {  	_ =	swait.ge [sflag:s23], $0x1  }
0xa3: {  	[sflag:s23] =	ssyncset.done $0x0  }
0xa4: {  	[sflag:s23] =	ssyncadd.s32 $0xFFFFFFFF  }
0xa5: {  	s5 =	sld [smem:$0x0]  }
0xa6: {  	s6 =	sand.u32 $0xFFFFFFFE, s1  }
0xa7: {  	p0 =	sne.s32 s1, s6  }
0xa8: {  	s6 =	sshll.u32 @p0 s6, $0xE  }
0xa9: {  	s6 =	sadd.s32 @p0 $0x11B8D, s6;
	s7 =	sshll.u32 @p0 s5, $0x11  }
0xaa: {  	s6 =	sor.u32 @p0 s7, s6  }
0xab: {  	[sflag:s6] =	ssyncadd.remote.s32 @p0 $0x1;
	_ =	sdelay $0x1  }
0xac: {  	s6 =	simm.s32 @p0 $0x1B8D  }
0xad: {  	_ =	swait.eq @p0 [sflag:s6], $0x1  }
0xae: {  	[sflag:s6] =	ssyncadd.s32 @p0 $0xFFFFFFFF  }
0xaf: {  	s7 =	sshll.u32 @!p0 s1, $0xE  }
0xb0: {  	s7 =	sor.u32 @!p0 $0x4000, s7;
	s6 =	simm.s32 @!p0 $0x1B8D  }
0xb1: {  	s5 =	sshll.u32 @!p0 s5, $0x11;
	s7 =	sadd.s32 @!p0 $0x11B8D, s7;
	_ =	swait.eq @!p0 [sflag:s6], $0x1  }
0xb2: {  	s5 =	sor.u32 @!p0 s5, s7;
	[sflag:s6] =	ssyncadd.s32 @!p0 $0xFFFFFFFF  }
0xb3: {  	s25 =	simm.s32 $0x1B8E;
	s24 =	sld [smem:$0x3FFE];
	[sflag:s5] =	ssyncadd.remote.s32 @!p0 $0x1  }
0xb4: {  	s26 =	simm.s32 $execute0_lowered;
	[smem:$0x3FD2] =	sst s25  }
0xb5: {  	s6 =	sshll.u32 s26, $0x1;
	_ =	strace $0x80000049;
	[dreg:$0x1] =	wrdreg $0xFFFFFFFF  }
0xb6: {  	s28 =	simm.s32 $_size_execute0_lowered;
	s4 =	sadd.s32 s4, s6;
	[dreg:$0x0] =	wrdreg $0x0  }
0xb7: {  	s6 =	sshll.u32 s28, $0x1;
	[dreg:$0x2] =	wrdreg s4  }
0xb8: {  	[dreg:$0x3] =	wrdreg s6  }
0xb9: {  	[dreg:$0x4] =	wrdreg $0xC0  }
0xba: {  	_ =	task [dreg:s22], $0x5FFFF  }
0xbb: {  	[dreg:$0x1] =	wrdreg $0xFFFFFFFF  }
0xbc: {  	[dreg:$0x0] =	wrdreg $0x60  }
0xbd: {  	[dreg:$0x2] =	wrdreg s24  }
0xbe: {  	[dreg:$0x3] =	wrdreg s18  }
0xbf: {  	[dreg:$0x4] =	wrdreg $0xA  }
0xc0: {  	_ =	task.clear_ibuf [dreg:s22], $0x5FFFF;
	_ =	strace $0x90000049  }
0xc1: {  	s29 =	simm.s32 $0xA;
	_ =	strace $0x8000004B  }
0xc2: {  	_ =	swait.ge [sflag:s29], $0x1  }
0xc3: {  	[sflag:s29] =	ssyncadd.s32 $0xFFFFFFFF  }
0xc4: {  	_ =	strace $0x9000004B  }
0xc5: {  	_ =	sfence  }
0xc6: {  	s30 =	sld [smem:$0x0];
	_ =	sdelay $0x2  }
0xc7: {  	s31 =	sshll.u32 s1, $0xD;
	s1 =	sshrl.u32 s1, $0x2  }
0xc8: {  	s4 =	sand.u32 $0x4000, s31;
	s1 =	sadd.s32 s1, s30  }
0xc9: {  	s0 =	sor.u32 s4, s0;
	s1 =	sshll.u32 s1, $0x11  }
0xca: {  	s0 =	sor.u32 s1, s0  }
0xcb: {  	s0 =	sadd.s32 $0x8F2B, s0  }
0xcc: {  	[sflag:s0] =	ssyncadd.remote.s32 $0x1  }
0xcd: {  	_ =	sfence.sel $0xFFFF  }
0xce: {  	[dreg:$0x0] =	wrdreg $0xFFFFFFFF;
	(pc) =	sbr.abs _section_cstart, $3  }
0xcf: {  	[dreg:$0x1] =	wrdreg $0xFFFFFFFF  }
0xd0: {  	_ =	task.clear_ibuf [dreg:s22], $0x2FFFF;
	_ =	strace $0x9FFFFFFF  }
0xd1: {  	(tm) =	ssettm $0x7FFFFFFF  }
tec
execute0_lowered:
.L_overlay_start_1:
0x0: {  	(tag) =	ssettag $0x1  }
0x1: {  	s0 =	srdreg.scid  }
0x2: {  	s2 =	stileid.u32;
	s1 =	rddreg [dreg:$0x0]  }
0x3: {  	s5 =	rddreg [dreg:$0x1];
	s6 =	simm.s32 $0x0;
	s0 =	sand.u32 $0x1, s0  }
0x4: {  	s2 =	sshll.u32 s2, $0x1;
	[smem:$0x7FF] =	sst s6;
	s4 =	sadd.s32 $0xA1800, s1  }
0x5: {  	s29 =	sadd.s32 $0x100, s5;
	s30 =	sadd.s32 $0x200, s5;
	s31 =	sadd.s32 $0x300, s5  }
0x6: {  	s2 =	sor.u32 s0, s2;
	_ =	strace $0x8000004A;
	[dreg:$0x3] =	wrdreg s4  }
0x7: {  	s0 =	ssub.s32 $0x2, s0;
	[dreg:$0x5] =	wrdreg s29;
	s3 =	smul.u32 $0x60, s2  }
0x8: {  	[dreg:$0x6] =	wrdreg s30;
	s28 =	sshrl.u32 s0, $0x1;
	s2 =	smul.u32 $0x3000, s2  }
0x9: {  	v0 =	vimm.s32 $0xECA86420;
	vm0 =	vcmask $0xB08;
	vm1 =	vcmask $0x1310;
	[dreg:$0x7] =	wrdreg s31;
	s0 =	ssub.s32 s0, s28  }
0xa: {  	vm2 =	vcmask $0x1B18;
	vm3 =	vmmov $0xff;
	v3 =	vimm.s32 $0x0;
	s3 =	sshrl.u32 s3, $0x3;
	[dreg:$0x8] =	wrdreg s2;
	s0 =	smax.u32 s0, $0x1  }
0xb: {  	v2 =	vlaneseq.u32;
	v0 =	vunpack.c.l.s4.s8 v0;
	v3 =	vsel vm3, $0xFFFFFFFF, v3;
	s3 =	sadd.s32 s1, s3;
	s1 =	sadd.s32 $0xA1C00, s1;
	[dreg:$0xa] =	wrdreg s0  }
0xc: {  	vm9 =	vmmov $0xffff;
	v1 =	vmul.u32 $0x2, v2;
	[tilespmem:$0x1FFF0] =	vst v3;
	v3 =	vshrl.u32 v2, $0x3;
	s3 =	sadd.s32 $0x1680, s3;
	[dreg:$0x9] =	wrdreg s1  }
0xd: {  	v2 =	vand.u32 $0x7, v2;
	v0 =	vunpack.c.0.s8.s32 v0;
	v3 =	vmul.u32 $0x8, v3;
	s2 =	simm.s32 $0x0;
	[dreg:$0x4] =	wrdreg s3  }
.LBB2_1:
0xe: {  	[dreg:$0xb] =	wrdreg s2  }
0xf: {  	s0 =	rddreg [dreg:$0x4];
	s4 =	simm.s32 $0x5  }
0x10: {  	[tilespmem:s6], [sflag:$0x5] =	stream.linear.gather [hbm4b:s0+s6], $0x60, $0x38;
	[tilespmem:$0x14100] =	vst v63  }
0x11: {  	_ =	swait.ge [sflag:s4], $0x60  }
0x12: {  	[sflag:s4] =	ssyncset.done $0x0  }
0x13: {  	[sflag:s4] =	ssyncadd.s32 $0xFFFFFFA0  }
0x14: {  	v7 =	vld [tilespmem:$0x0];
	_ =	sdelay $0x4  }
0x15: {  	v4 =	vmul.u32 $0x11, v7;
	_ =	sdelay $0x1  }
0x16: {  	(v2sf) =	vpush v4, $0xD;
	_ =	sdelay $0x1  }
0x17: {  	(v2sf) =	vpush v4, $0xC  }
0x18: {  	(v2sf) =	vpush v4, $0xE;
	_ =	sdelay $0x2  }
0x19: {  	(v2sf) =	vpush v4, $0xF;
	_ =	sdelay $0x1  }
0x1a: {  	(v2sf) =	vpush v4, $0x9;
	_ =	sdelay $0x1  }
0x1b: {  	(v2sf) =	vpush v4, $0x8;
	_ =	sdelay $0x1  }
0x1c: {  	(v2sf) =	vpush v4, $0xA;
	_ =	sdelay $0x1  }
0x1d: {  	(v2sf) =	vpush v4, $0xB  }
0x1e: {  	s5 =	spop (v2sf)  }
0x1f: {  	(v2sf) =	vpush v4, $0x0;
	s1 =	smulhi.u32 $0x14F8B589, s5;
	s0 =	sshra.s32 s5, $0x1F  }
0x20: {  	s6 =	spop (v2sf);
	(v2sf) =	vpush v4, $0x1;
	s4 =	smul.u32 $0x14F8B589, s0  }
0x21: {  	s21 =	smulhi.u32 $0x14F8B589, s6;
	s0 =	sshra.s32 s6, $0x1F;
	s7 =	spop (v2sf)  }
0x22: {  	(v2sf) =	vpush v4, $0x2;
	[smem:$0x7A5] =	sst s1;
	s1 =	smul.u32 $0x14F8B589, s0  }
0x23: {  	s22 =	smulhi.u32 $0x14F8B589, s7;
	s0 =	sshra.s32 s7, $0x1F  }
0x24: {  	s8 =	spop (v2sf);
	(v2sf) =	vpush v4, $0x3;
	s17 =	smul.u32 $0x14F8B589, s0  }
0x25: {  	s23 =	smulhi.u32 $0x14F8B589, s8;
	s0 =	sshra.s32 s8, $0x1F  }
0x26: {  	s9 =	spop (v2sf);
	(v2sf) =	vpush v4, $0x4;
	s16 =	smul.u32 $0x14F8B589, s0  }
0x27: {  	s24 =	smulhi.u32 $0x14F8B589, s9;
	s0 =	sshra.s32 s9, $0x1F  }
0x28: {  	s10 =	spop (v2sf);
	(v2sf) =	vpush v4, $0x5;
	s14 =	smul.u32 $0x14F8B589, s0  }
0x29: {  	s25 =	smulhi.u32 $0x14F8B589, s10;
	s0 =	sshra.s32 s10, $0x1F  }
0x2a: {  	s11 =	spop (v2sf);
	(v2sf) =	vpush v4, $0x6;
	s7 =	smul.u32 $0x14F8B589, s0  }
0x2b: {  	s26 =	smulhi.u32 $0x14F8B589, s11;
	s0 =	sshra.s32 s11, $0x1F  }
0x2c: {  	v5 =	vmul.u32 $0x1F, v7;
	s12 =	spop (v2sf);
	(v2sf) =	vpush v4, $0x7;
	s8 =	smul.u32 $0x14F8B589, s0  }
0x2d: {  	s28 =	smulhi.u32 $0x14F8B589, s12;
	s0 =	sshra.s32 s12, $0x1F  }
0x2e: {  	s30 =	smul.u32 $0x14F8B589, s0;
	s13 =	spop (v2sf);
	(v2sf) =	vpush v5, $0xD  }
0x2f: {  	s29 =	smulhi.u32 $0x14F8B589, s13;
	s15 =	spop (v2sf)  }
0x30: {  	(v2sf) =	vpush v5, $0xC;
	s31 =	smulhi.u32 $0x14F8B589, s15;
	s2 =	sshra.s32 s15, $0x1F  }
0x31: {  	s18 =	spop (v2sf);
	s5 =	smul.u32 $0x14F8B589, s2  }
0x32: {  	(v2sf) =	vpush v5, $0xE;
	s3 =	smulhi.u32 $0x14F8B589, s18;
	s2 =	sshra.s32 s18, $0x1F  }
0x33: {  	s0 =	sshra.s32 s13, $0x1F;
	s19 =	spop (v2sf);
	s13 =	smul.u32 $0x14F8B589, s2  }
0x34: {  	s20 =	smulhi.u32 $0x14F8B589, s19;
	s2 =	sshra.s32 s19, $0x1F  }
0x35: {  	s6 =	spop (v2sf);
	s19 =	smul.u32 $0x14F8B589, s2  }
0x36: {  	(v2sf) =	vpush v5, $0xF;
	s9 =	smulhi.u32 $0x14F8B589, s6;
	s2 =	sshra.s32 s6, $0x1F  }
0x37: {  	s10 =	spop (v2sf);
	s18 =	smul.u32 $0x14F8B589, s2  }
0x38: {  	(v2sf) =	vpush v5, $0x9;
	[smem:$0x7A7] =	sst s20;
	s11 =	smulhi.u32 $0x14F8B589, s10;
	s2 =	sshra.s32 s10, $0x1F  }
0x39: {  	s12 =	spop (v2sf);
	s6 =	smul.u32 $0x14F8B589, s2  }
0x3a: {  	(v2sf) =	vpush v5, $0x8;
	[smem:$0x7A8] =	sst s9;
	s15 =	smulhi.u32 $0x14F8B589, s12  }
0x3b: {  	s20 =	spop (v2sf);
	[smem:$0x7A9] =	sst s11  }
0x3c: {  	s2 =	sshra.s32 s12, $0x1F;
	s9 =	smulhi.u32 $0x14F8B589, s20;
	[smem:$0x7AA] =	sst s15  }
0x3d: {  	s15 =	smul.u32 $0x14F8B589, s2;
	s11 =	spop (v2sf)  }
0x3e: {  	(v2sf) =	vpush v5, $0xA;
	s10 =	smulhi.u32 $0x14F8B589, s11;
	s11 =	sshra.s32 s11, $0x1F  }
0x3f: {  	s2 =	sshra.s32 s20, $0x1F;
	s20 =	spop (v2sf);
	s11 =	smul.u32 $0x14F8B589, s11  }
0x40: {  	[smem:$0x7A6] =	sst s3;
	(v2sf) =	vpush v5, $0xB;
	s3 =	smulhi.u32 $0x14F8B589, s20  }
0x41: {  	[smem:$0x7AC] =	sst s10;
	s10 =	spop (v2sf)  }
0x42: {  	(v2sf) =	vpush v5, $0x0;
	[smem:$0x7AD] =	sst s11;
	s11 =	sshra.s32 s20, $0x1F;
	s20 =	smulhi.u32 $0x14F8B589, s10  }
0x43: {  	[smem:$0x7AB] =	sst s9;
	s9 =	smul.u32 $0x14F8B589, s11;
	s11 =	sshra.s32 s10, $0x1F  }
0x44: {  	(v2sf) =	vpush v5, $0x1;
	[smem:$0x7AE] =	sst s3;
	s3 =	smul.u32 $0x14F8B589, s11  }
0x45: {  	[smem:$0x7AF] =	sst s9;
	s9 =	spop (v2sf)  }
0x46: {  	(v2sf) =	vpush v5, $0x2;
	[smem:$0x7B0] =	sst s20;
	s10 =	smulhi.u32 $0x14F8B589, s9;
	s11 =	sshra.s32 s9, $0x1F  }
0x47: {  	s20 =	spop (v2sf);
	s11 =	smul.u32 $0x14F8B589, s11  }
0x48: {  	[smem:$0x7B1] =	sst s3;
	s3 =	smulhi.u32 $0x14F8B589, s20  }
0x49: {  	[smem:$0x7B2] =	sst s10;
	s10 =	spop (v2sf)  }
0x4a: {  	(v2sf) =	vpush v5, $0x3;
	[smem:$0x7B3] =	sst s11;
	s11 =	sshra.s32 s20, $0x1F;
	s20 =	smulhi.u32 $0x14F8B589, s10  }
0x4b: {  	s9 =	smul.u32 $0x14F8B589, s11;
	s11 =	sshra.s32 s10, $0x1F  }
0x4c: {  	[smem:$0x7B4] =	sst s3;
	s3 =	smul.u32 $0x14F8B589, s11  }
0x4d: {  	[smem:$0x7B5] =	sst s9;
	s9 =	spop (v2sf)  }
0x4e: {  	(v2sf) =	vpush v5, $0x4;
	[smem:$0x7B6] =	sst s20;
	s10 =	smulhi.u32 $0x14F8B589, s9;
	s11 =	sshra.s32 s9, $0x1F  }
0x4f: {  	s20 =	spop (v2sf);
	s11 =	smul.u32 $0x14F8B589, s11  }
0x50: {  	(v2sf) =	vpush v5, $0x5;
	[smem:$0x7B7] =	sst s3;
	s3 =	smulhi.u32 $0x14F8B589, s20  }
0x51: {  	[smem:$0x7B8] =	sst s10;
	s10 =	spop (v2sf)  }
0x52: {  	[smem:$0x7B9] =	sst s11;
	s11 =	sshra.s32 s20, $0x1F;
	s20 =	smulhi.u32 $0x14F8B589, s10  }
0x53: {  	[smem:$0x7BA] =	sst s3;
	s3 =	spop (v2sf)  }
0x54: {  	(v2sf) =	vpush v5, $0x6;
	s9 =	smul.u32 $0x14F8B589, s11;
	s11 =	sshra.s32 s10, $0x1F;
	[smem:$0x7BC] =	sst s20  }
0x55: {  	s10 =	smul.u32 $0x14F8B589, s11;
	s20 =	spop (v2sf)  }
0x56: {  	[smem:$0x7BB] =	sst s9;
	s9 =	smulhi.u32 $0x14F8B589, s3  }
0x57: {  	s11 =	sshra.s32 s3, $0x1F;
	s3 =	smulhi.u32 $0x14F8B589, s20  }
0x58: {  	(v2sf) =	vpush v5, $0x7;
	[smem:$0x7BD] =	sst s9;
	s9 =	smul.u32 $0x14F8B589, s11;
	s11 =	sshra.s32 s20, $0x1F  }
0x59: {  	s20 =	spop (v2sf);
	s11 =	smul.u32 $0x14F8B589, s11  }
0x5a: {  	v6 =	vmul.u32 $0x35, v7;
	[smem:$0x7BE] =	sst s3;
	s3 =	smulhi.u32 $0x14F8B589, s20  }
0x5b: {  	[smem:$0x7BF] =	sst s11  }
0x5c: {  	s12 =	smul.u32 $0x14F8B589, s2;
	(v2sf) =	vpush v6, $0xD;
	[smem:$0x7C0] =	sst s3;
	s11 =	sshra.s32 s20, $0x1F  }
0x5d: {  	s3 =	smul.u32 $0x14F8B589, s11;
	s11 =	spop (v2sf)  }
0x5e: {  	s20 =	smulhi.u32 $0x14F8B589, s11;
	s11 =	sshra.s32 s11, $0x1F  }
0x5f: {  	s2 =	smul.u32 $0x14F8B589, s11;
	s11 =	spop (v2sf)  }
0x60: {  	[smem:$0x7C1] =	sst s20;
	s20 =	smulhi.u32 $0x14F8B589, s11;
	s11 =	sshra.s32 s11, $0x1F  }
0x61: {  	s11 =	smul.u32 $0x14F8B589, s11  }
0x62: {  	(v2sf) =	vpush v6, $0xC  }
0x63: {  	(v2sf) =	vpush v6, $0xE;
	[smem:$0x7C3] =	sst s11;
	s11 =	spop (v2sf)  }
0x64: {  	(v2sf) =	vpush v6, $0xF;
	[smem:$0x7C2] =	sst s20;
	s20 =	smulhi.u32 $0x14F8B589, s11;
	s11 =	sshra.s32 s11, $0x1F  }
0x65: {  	s1 =	sadd.s32 s1, s21;
	s11 =	smul.u32 $0x14F8B589, s11  }
0x66: {  	[smem:$0x7DA] =	sst s1  }
0x67: {  	s22 =	sadd.s32 s17, s22;
	[smem:$0x7C5] =	sst s11;
	s11 =	spop (v2sf)  }
0x68: {  	[smem:$0x7C4] =	sst s20;
	s20 =	smulhi.u32 $0x14F8B589, s11;
	s11 =	sshra.s32 s11, $0x1F  }
0x69: {  	[smem:$0x7DB] =	sst s22;
	s16 =	sadd.s32 s16, s23;
	(v2sf) =	vpush v6, $0x9;
	s11 =	smul.u32 $0x14F8B589, s11  }
0x6a: {  	[smem:$0x7DC] =	sst s16  }
0x6b: {  	[smem:$0x7C7] =	sst s11;
	s11 =	spop (v2sf)  }
0x6c: {  	s22 =	sadd.s32 s7, s25;
	[smem:$0x7C6] =	sst s20;
	s20 =	smulhi.u32 $0x14F8B589, s11  }
0x6d: {  	[smem:$0x7DE] =	sst s22  }
0x6e: {  	s11 =	sshra.s32 s11, $0x1F;
	[smem:$0x7C8] =	sst s20  }
0x6f: {  	s11 =	smul.u32 $0x14F8B589, s11;
	s20 =	sld [smem:$0x7A5]  }
0x70: {  	s7 =	sld [smem:$0x7A7]  }
0x71: {  	(v2sf) =	vpush v6, $0x8;
	[smem:$0x7C9] =	sst s11;
	s11 =	spop (v2sf)  }
0x72: {  	s21 =	spop (v2sf);
	s4 =	sadd.s32 s4, s20;
	s20 =	smulhi.u32 $0x14F8B589, s11  }
0x73: {  	s1 =	sshra.s32 s21, $0x1F;
	s17 =	spop (v2sf);
	[smem:$0x7D9] =	sst s4  }
0x74: {  	s11 =	sshra.s32 s11, $0x1F;
	s1 =	smul.u32 $0x14F8B589, s1;
	s4 =	sld [smem:$0x7A6]  }
0x75: {  	[smem:$0x7CA] =	sst s20;
	s20 =	smul.u32 $0x14F8B589, s11  }
0x76: {  	s11 =	smulhi.u32 $0x14F8B589, s21;
	[smem:$0x7CD] =	sst s1  }
0x77: {  	(v2sf) =	vpush v6, $0xA;
	s21 =	smulhi.u32 $0x14F8B589, s17;
	s1 =	sshra.s32 s17, $0x1F;
	s17 =	sld [smem:$0x7AA]  }
0x78: {  	s23 =	spop (v2sf);
	[smem:$0x7CB] =	sst s20  }
0x79: {  	s25 =	smulhi.u32 $0x14F8B589, s23;
	[smem:$0x7CC] =	sst s11  }
0x7a: {  	(v2sf) =	vpush v6, $0xB;
	[smem:$0x7CE] =	sst s21  }
0x7b: {  	[smem:$0x7D0] =	sst s25  }
0x7c: {  	s11 =	sld [smem:$0x7A8]  }
0x7d: {  	s20 =	sadd.s32 s14, s24;
	s14 =	sld [smem:$0x7A9]  }
0x7e: {  	s21 =	sld [smem:$0x7AC]  }
0x7f: {  	s0 =	smul.u32 $0x14F8B589, s0;
	s24 =	sadd.s32 s8, s26;
	[smem:$0x7DD] =	sst s20  }
0x80: {  	s26 =	sadd.s32 s30, s28;
	s28 =	spop (v2sf);
	[smem:$0x7E0] =	sst s24  }
0x81: {  	s22 =	sadd.s32 s0, s29;
	[smem:$0x7E1] =	sst s26;
	s29 =	smulhi.u32 $0x14F8B589, s28  }
0x82: {  	s30 =	sshra.s32 s28, $0x1F;
	s28 =	sadd.s32 s19, s7;
	s19 =	sld [smem:$0x7AB]  }
0x83: {  	s24 =	sld [smem:$0x7AE]  }
0x84: {  	s1 =	smul.u32 $0x14F8B589, s1;
	s7 =	sld [smem:$0x7B1]  }
0x85: {  	s26 =	sadd.s32 s13, s4;
	s4 =	sld [smem:$0x7BA]  }
0x86: {  	(v2sf) =	vpush v6, $0x0;
	s25 =	sadd.s32 s5, s31;
	s31 =	spop (v2sf);
	[smem:$0x7CF] =	sst s1  }
0x87: {  	s1 =	sshra.s32 s23, $0x1F;
	s0 =	smul.u32 $0x14F8B589, s30;
	s23 =	sld [smem:$0x7AD]  }
0x88: {  	s5 =	smulhi.u32 $0x14F8B589, s31;
	[smem:$0x7D2] =	sst s29  }
0x89: {  	s8 =	spop (v2sf);
	s29 =	sld [smem:$0x7AF]  }
0x8a: {  	s1 =	smul.u32 $0x14F8B589, s1;
	[smem:$0x7D3] =	sst s0  }
0x8b: {  	s13 =	smulhi.u32 $0x14F8B589, s8;
	[smem:$0x7D4] =	sst s5  }
0x8c: {  	[smem:$0x7D1] =	sst s1  }
0x8d: {  	[smem:$0x7D6] =	sst s13  }
0x8e: {  	s1 =	sadd.s32 s18, s11;
	s11 =	sld [smem:$0x7B3]  }
0x8f: {  	(v2sf) =	vpush v6, $0x1;
	s13 =	sld [smem:$0x7B4]  }
0x90: {  	(v2sf) =	vpush v6, $0x2;
	s0 =	sshra.s32 s31, $0x1F;
	[smem:$0x7E2] =	sst s1  }
0x91: {  	s0 =	smul.u32 $0x14F8B589, s0;
	s1 =	sadd.s32 s6, s14;
	s6 =	sld [smem:$0x7B0]  }
0x92: {  	s14 =	sld [smem:$0x7B5]  }
0x93: {  	[smem:$0x7D5] =	sst s0  }
0x94: {  	[smem:$0x7E3] =	sst s1  }
0x95: {  	(v2sf) =	vpush v6, $0x3;
	s16 =	spop (v2sf);
	s0 =	sshra.s32 s8, $0x1F;
	s8 =	sld [smem:$0x7B2]  }
0x96: {  	s18 =	smulhi.u32 $0x14F8B589, s16;
	s1 =	sadd.s32 s15, s17;
	s15 =	sld [smem:$0x7B6]  }
0x97: {  	[smem:$0x7E4] =	sst s1  }
0x98: {  	[smem:$0x7D8] =	sst s18  }
0x99: {  	(v2sf) =	vpush v6, $0x4;
	s0 =	smul.u32 $0x14F8B589, s0;
	s1 =	sadd.s32 s12, s19;
	s19 =	sld [smem:$0x7B8]  }
0x9a: {  	[smem:$0x7DF] =	sst s1  }
0x9b: {  	s1 =	sadd.s32 s23, s21;
	[smem:$0x7D7] =	sst s0  }
0x9c: {  	[smem:$0x7E5] =	sst s1  }
0x9d: {  	(v2sf) =	vpush v6, $0x5;
	s0 =	sshra.s32 s16, $0x1F;
	s16 =	sld [smem:$0x7B7]  }
0x9e: {  	s20 =	spop (v2sf);
	s1 =	sadd.s32 s29, s24;
	s29 =	sld [smem:$0x7B9]  }
0x9f: {  	s5 =	spop (v2sf);
	[smem:$0x7E6] =	sst s1  }
0xa0: {  	(v2sf) =	vpush v6, $0x6;
	s30 =	smul.u32 $0x14F8B589, s0;
	s1 =	sadd.s32 s7, s6;
	s7 =	sld [smem:$0x7BC]  }
0xa1: {  	s0 =	sshra.s32 s20, $0x1F;
	s23 =	smulhi.u32 $0x14F8B589, s5;
	[smem:$0x7E7] =	sst s1  }
0xa2: {  	(v2sf) =	vpush v6, $0x7;
	s24 =	smul.u32 $0x14F8B589, s0;
	s0 =	sshra.s32 s5, $0x1F;
	s5 =	sld [smem:$0x7BB]  }
0xa3: {  	v7 =	vmul.u32 $0x4F, v7;
	s31 =	smulhi.u32 $0x14F8B589, s20;
	s1 =	sadd.s32 s11, s8;
	s8 =	sld [smem:$0x7BD]  }
0xa4: {  	s12 =	spop (v2sf);
	s11 =	sld [smem:$0x7BE]  }
0xa5: {  	(v2sf) =	vpush v7, $0xD;
	s21 =	smulhi.u32 $0x14F8B589, s12;
	[smem:$0x7E8] =	sst s1  }
0xa6: {  	s20 =	smul.u32 $0x14F8B589, s0;
	s0 =	sshra.s32 s12, $0x1F;
	s12 =	sld [smem:$0x7BF]  }
0xa7: {  	s1 =	sadd.s32 s14, s13;
	s13 =	sld [smem:$0x7C0]  }
0xa8: {  	s17 =	spop (v2sf);
	[smem:$0x7E9] =	sst s1;
	s1 =	sadd.s32 s16, s15  }
0xa9: {  	s18 =	smul.u32 $0x14F8B589, s0;
	[smem:$0x7EA] =	sst s1;
	s1 =	sadd.s32 s29, s19  }
0xaa: {  	s0 =	sshra.s32 s17, $0x1F;
	s19 =	smulhi.u32 $0x14F8B589, s17;
	[smem:$0x7EB] =	sst s1  }
0xab: {  	s16 =	smul.u32 $0x14F8B589, s0;
	s1 =	sadd.s32 s5, s4;
	s4 =	sld [smem:$0x7C2]  }
0xac: {  	s6 =	spop (v2sf);
	s5 =	sld [smem:$0x7C3]  }
0xad: {  	(v2sf) =	vpush v7, $0xC;
	s17 =	smulhi.u32 $0x14F8B589, s6;
	s0 =	sshra.s32 s6, $0x1F;
	[smem:$0x7ED] =	sst s1  }
0xae: {  	s1 =	sadd.s32 s10, s7;
	s14 =	smul.u32 $0x14F8B589, s0;
	s7 =	sld [smem:$0x7C4]  }
0xaf: {  	s10 =	spop (v2sf);
	[smem:$0x7EE] =	sst s1  }
0xb0: {  	s1 =	sadd.s32 s9, s8;
	s15 =	smulhi.u32 $0x14F8B589, s10;
	s8 =	sld [smem:$0x7C5]  }
0xb1: {  	s0 =	sshra.s32 s10, $0x1F;
	s29 =	spop (v2sf);
	s9 =	sld [smem:$0x7C6]  }
0xb2: {  	(v2sf) =	vpush v7, $0xE;
	[smem:$0x7EF] =	sst s1;
	s1 =	sadd.s32 s12, s11;
	s12 =	smulhi.u32 $0x14F8B589, s29  }
0xb3: {  	[smem:$0x7F0] =	sst s1;
	s1 =	sadd.s32 s3, s13;
	s13 =	smul.u32 $0x14F8B589, s0  }
0xb4: {  	s3 =	sld [smem:$0x7C1];
	s0 =	sshra.s32 s29, $0x1F;
	s6 =	spop (v2sf)  }
0xb5: {  	s29 =	sld [smem:$0x7C7];
	s11 =	smul.u32 $0x14F8B589, s0  }
0xb6: {  	[smem:$0x7F1] =	sst s1;
	s10 =	smulhi.u32 $0x14F8B589, s6  }
0xb7: {  	s0 =	sshra.s32 s6, $0x1F;
	s6 =	sld [smem:$0x7CA];
	s1 =	sadd.s32 s2, s3  }
0xb8: {  	[smem:$0x7F2] =	sst s1  }
0xb9: {  	(v2sf) =	vpush v7, $0xF;
	s1 =	sadd.s32 s5, s4;
	s4 =	sld [smem:$0x7C8]  }
0xba: {  	s5 =	sld [smem:$0x7C9]  }
0xbb: {  	[smem:$0x7F3] =	sst s1  }
0xbc: {  	s3 =	spop (v2sf);
	s1 =	sadd.s32 s8, s7;
	s7 =	sld [smem:$0x7CB]  }
0xbd: {  	s8 =	smulhi.u32 $0x14F8B589, s3;
	[smem:$0x7F4] =	sst s1;
	s1 =	sadd.s32 s29, s9  }
0xbe: {  	s9 =	smul.u32 $0x14F8B589, s0;
	s0 =	sshra.s32 s3, $0x1F;
	s3 =	sld [smem:$0x7CC]  }
0xbf: {  	[smem:$0x7EC] =	sst s1  }
0xc0: {  	s1 =	sadd.s32 s5, s4;
	s4 =	sld [smem:$0x7CD]  }
0xc1: {  	s29 =	spop (v2sf);
	s5 =	sld [smem:$0x7CE]  }
0xc2: {  	[smem:$0x7F5] =	sst s1;
	s1 =	sadd.s32 s7, s6;
	s7 =	smul.u32 $0x14F8B589, s0  }
0xc3: {  	s6 =	smulhi.u32 $0x14F8B589, s29;
	s0 =	sshra.s32 s29, $0x1F;
	s29 =	sld [smem:$0x7CF]  }
0xc4: {  	[smem:$0x7F6] =	sst s1  }
0xc5: {  	s1 =	sadd.s32 s4, s3;
	s4 =	sld [smem:$0x7D0]  }
0xc6: {  	[smem:$0x7F7] =	sst s1  }
0xc7: {  	(v2sf) =	vpush v7, $0x9;
	s1 =	sadd.s32 s29, s5;
	s29 =	sld [smem:$0x7D1]  }
0xc8: {  	s3 =	spop (v2sf)  }
0xc9: {  	(v2sf) =	vpush v7, $0x8;
	s5 =	smul.u32 $0x14F8B589, s0;
	s0 =	sshra.s32 s3, $0x1F;
	[smem:$0x7F8] =	sst s1  }
0xca: {  	(v2sf) =	vpush v7, $0xA;
	s1 =	sadd.s32 s29, s4;
	s4 =	smulhi.u32 $0x14F8B589, s3;
	s3 =	sld [smem:$0x7D2]  }
0xcb: {  	s29 =	sld [smem:$0x7D3]  }
0xcc: {  	s2 =	sld [smem:$0x7D4]  }
0xcd: {  	[smem:$0x7F9] =	sst s1  }
0xce: {  	(v2sf) =	vpush v7, $0xB;
	s1 =	sadd.s32 s29, s3;
	s29 =	sld [smem:$0x7D5];
	_ =	sdelay $0x1  }
0xcf: {  	(v2sf) =	vpush v7, $0x0;
	[smem:$0x7FA] =	sst s1  }
0xd0: {  	s1 =	sadd.s32 s29, s2;
	s29 =	sld [smem:$0x7D7]  }
0xd1: {  	s24 =	sadd.s32 s24, s31;
	s23 =	sadd.s32 s20, s23;
	(v2sf) =	vpush v7, $0x1;
	[smem:$0x7FB] =	sst s1  }
0xd2: {  	s18 =	sadd.s32 s18, s21;
	s13 =	sadd.s32 s13, s15;
	s1 =	sld [smem:$0x7D6]  }
0xd3: {  	s16 =	sadd.s32 s16, s19;
	[dreg:$0x1f] =	wrdreg s13;
	(v2sf) =	vpush v7, $0x2;
	s9 =	sadd.s32 s9, s10  }
0xd4: {  	s14 =	sadd.s32 s14, s17;
	[dreg:$0x12] =	wrdreg s9;
	s3 =	smul.u32 $0x14F8B589, s0  }
0xd5: {  	s0 =	spop (v2sf);
	s1 =	sadd.s32 s29, s1;
	s29 =	sld [smem:$0x7D8]  }
0xd6: {  	s2 =	smulhi.u32 $0x14F8B589, s0;
	s0 =	sshra.s32 s0, $0x1F;
	[smem:$0x7FC] =	sst s1  }
0xd7: {  	(v2sf) =	vpush v7, $0x3;
	s7 =	sadd.s32 s7, s8;
	s1 =	smul.u32 $0x14F8B589, s0;
	s0 =	spop (v2sf)  }
0xd8: {  	[dreg:$0x15] =	wrdreg s7;
	s30 =	sadd.s32 s30, s29;
	s29 =	spop (v2sf)  }
0xd9: {  	s11 =	sadd.s32 s11, s12;
	[smem:$0x7FD] =	sst s30;
	s30 =	smulhi.u32 $0x14F8B589, s0  }
0xda: {  	s5 =	sadd.s32 s5, s6;
	s0 =	sshra.s32 s0, $0x1F;
	s20 =	smulhi.u32 $0x14F8B589, s29  }
0xdb: {  	[dreg:$0x13] =	wrdreg s5;
	s31 =	sshra.s32 s29, $0x1F;
	s0 =	smul.u32 $0x14F8B589, s0  }
0xdc: {  	s3 =	sadd.s32 s3, s4;
	s29 =	spop (v2sf);
	s21 =	smul.u32 $0x14F8B589, s31  }
0xdd: {  	[dreg:$0x16] =	wrdreg s3;
	s19 =	smulhi.u32 $0x14F8B589, s29;
	s31 =	sshra.s32 s29, $0x1F  }
0xde: {  	s1 =	sadd.s32 s1, s2;
	s29 =	spop (v2sf);
	s17 =	smul.u32 $0x14F8B589, s31  }
0xdf: {  	[dreg:$0x11] =	wrdreg s1;
	s13 =	smulhi.u32 $0x14F8B589, s29;
	s29 =	sshra.s32 s29, $0x1F  }
0xe0: {  	s31 =	spop (v2sf);
	s12 =	smul.u32 $0x14F8B589, s29;
	s0 =	sadd.s32 s0, s30  }
0xe1: {  	s9 =	smulhi.u32 $0x14F8B589, s31;
	s29 =	sshra.s32 s31, $0x1F;
	[dreg:$0x14] =	wrdreg s0  }
0xe2: {  	s31 =	spop (v2sf);
	s6 =	sadd.s32 s17, s19;
	s17 =	sld [smem:$0x7DD]  }
0xe3: {  	s5 =	smulhi.u32 $0x14F8B589, s31;
	s19 =	sld [smem:$0x7DE]  }
0xe4: {  	s8 =	sshra.s32 s31, $0x1F;
	s31 =	sadd.s32 s21, s20;
	s21 =	sld [smem:$0x7DF]  }
0xe5: {  	s7 =	smul.u32 $0x14F8B589, s29;
	[dreg:$0xf] =	wrdreg s31  }
0xe6: {  	s10 =	spop (v2sf);
	[dreg:$0xe] =	wrdreg s6  }
0xe7: {  	s15 =	smulhi.u32 $0x14F8B589, s10;
	s29 =	sshra.s32 s10, $0x1F;
	s10 =	sld [smem:$0x7D9]  }
0xe8: {  	s31 =	sadd.s32 s12, s13;
	s12 =	sld [smem:$0x7DA]  }
0xe9: {  	s3 =	smul.u32 $0x14F8B589, s8;
	s13 =	sld [smem:$0x7DB]  }
0xea: {  	s4 =	smul.u32 $0x14F8B589, s29;
	s8 =	sadd.s32 s7, s9;
	s29 =	sld [smem:$0x7E0]  }
0xeb: {  	[dreg:$0x18] =	wrdreg s8;
	s9 =	sadd.s32 s3, s5  }
0xec: {  	s5 =	sshra.s32 s17, $0xD;
	s20 =	sshra.s32 s21, $0x1F;
	[dreg:$0x17] =	wrdreg s9  }
0xed: {  	s30 =	sadd.s32 s4, s15;
	s4 =	sshrl.u32 s10, $0x1F;
	s3 =	sshra.s32 s10, $0xD  }
0xee: {  	s6 =	sshrl.u32 s12, $0x1F;
	s2 =	sshra.s32 s12, $0xD;
	s7 =	sshrl.u32 s13, $0x1F  }
0xef: {  	s0 =	sshra.s32 s13, $0xD;
	s15 =	sld [smem:$0x7DC];
	s10 =	sshrl.u32 s17, $0x1F  }
0xf0: {  	s12 =	sshrl.u32 s19, $0x1F;
	s13 =	sshra.s32 s19, $0xD;
	s17 =	sshrl.u32 s22, $0x1F  }
0xf1: {  	vm15 =	vcmask $0x300;
	v8 =	vmov s20;
	s20 =	sshra.s32 s22, $0xD;
	s22 =	sshra.s32 s22, $0x1F;
	s19 =	sshrl.u32 s25, $0x1F  }
0xf2: {  	vm8 =	vcmask $0x704;
	v9 =	vmov s6;
	v8 =	vsel vm15, s20, v8;
	s6 =	sshra.s32 s29, $0xD;
	s20 =	sshra.s32 s25, $0xD;
	s9 =	sshrl.u32 s15, $0x1F  }
0xf3: {  	vm10 =	vcmask $0xF0C;
	vm11 =	vcmask $0x1714;
	v8 =	vsel vm8, s22, v8;
	s1 =	sshra.s32 s15, $0xD;
	s15 =	sshrl.u32 s29, $0x1F;
	s29 =	sld [smem:$0x7E1]  }
0xf4: {  	v10 =	vmov s17;
	v9 =	vsel vm0, s4, v9;
	s22 =	sshra.s32 s25, $0x1F;
	s25 =	sshrl.u32 s26, $0x1F;
	v11 =	vsel vm0, s20, v8;
	s20 =	sshrl.u32 s28, $0x1F  }
0xf5: {  	v10 =	vnsel vm15, $0x0, v10;
	v9 =	vsel vm1, s7, v9;
	s7 =	sshra.s32 s28, $0x1F;
	v50 =	vsel vm10, s22, v11;
	s22 =	sshra.s32 s28, $0xD;
	s28 =	sld [smem:$0x7E2]  }
0xf6: {  	v51 =	vmov s12;
	v10 =	vsel vm0, s19, v10;
	v48 =	vsel vm2, s9, v9;
	s17 =	sshrl.u32 s29, $0x1F;
	s8 =	sshra.s32 s29, $0xD;
	s29 =	sshra.s32 s26, $0xD  }
0xf7: {  	v49 =	vsel vm1, s25, v10;
	s9 =	sshra.s32 s26, $0x1F;
	v11 =	vsel vm0, s10, v51;
	s10 =	sld [smem:$0x7E6];
	v10 =	vsel vm1, s29, v50  }
0xf8: {  	vm4 =	vcmask $0x2320;
	s25 =	sld [smem:$0x7E3];
	v9 =	vsel vm2, s20, v49;
	s20 =	sshra.s32 s21, $0xD;
	s29 =	sshrl.u32 s28, $0x1F;
	v10 =	vsel vm11, s9, v10  }
0xf9: {  	vm12 =	vcmask $0x1F1C;
	vm13 =	vcmask $0x2724;
	s19 =	sshra.s32 s28, $0xD;
	s12 =	sshra.s32 s28, $0x1F;
	v12 =	vsel vm2, s22, v10;
	s22 =	sld [smem:$0x7E4]  }
0xfa: {  	v11 =	vsel vm1, s15, v11;
	v9 =	vsel vm4, s29, v9;
	s29 =	sshrl.u32 s21, $0x1F;
	s21 =	sshrl.u32 s10, $0x1F;
	s9 =	sld [smem:$0x7EA];
	v53 =	vsel vm12, s7, v12  }
0xfb: {  	s26 =	sshrl.u32 s25, $0x1F;
	s28 =	sshra.s32 s25, $0xD;
	v52 =	vsel vm2, s17, v11;
	v58 =	vmov s21;
	s21 =	sld [smem:$0x7EE];
	v11 =	vsel vm4, s19, v53  }
0xfc: {  	vm5 =	vcmask $0x2B28;
	s15 =	sshra.s32 s25, $0x1F;
	s7 =	sld [smem:$0x7E5];
	s25 =	sshrl.u32 s22, $0x1F;
	v11 =	vsel vm13, s12, v11  }
0xfd: {  	vm14 =	vcmask $0x2F2C;
	v9 =	vsel vm5, s26, v9;
	s26 =	sshra.s32 s22, $0xD;
	s17 =	sshra.s32 s22, $0x1F;
	s22 =	sld [smem:$0x7E7];
	v14 =	vsel vm5, s28, v11  }
0xfe: {  	vm6 =	vcmask $0x3330;
	s28 =	sld [smem:$0x7E8];
	v14 =	vsel vm14, s15, v14  }
0xff: {  	vm7 =	vcmask $0x3B38;
	v9 =	vsel vm6, s25, v9;
	v57 =	vsel vm6, s26, v14;
	s26 =	sld [smem:$0x7EC]  }
0x100: {  	s19 =	sshrl.u32 s7, $0x1F;
	v9 =	vsel vm7, s29, v9;
	s29 =	sld [smem:$0x7E9]  }
0x101: {  	v54 =	vmov s2;
	s2 =	sshra.s32 s7, $0xD;
	v15 =	vsel vm0, s19, v58;
	s19 =	sld [smem:$0x7ED];
	s25 =	sshrl.u32 s22, $0x1F  }
0x102: {  	v13 =	vmov s13;
	v12 =	vsel vm0, s3, v54;
	s3 =	sshra.s32 s22, $0xD;
	s22 =	sshra.s32 s21, $0xD;
	s15 =	sshra.s32 s26, $0x1F  }
0x103: {  	v13 =	vsel vm0, s5, v13;
	v12 =	vsel vm1, s0, v12;
	s5 =	sshrl.u32 s28, $0x1F;
	s0 =	sshra.s32 s28, $0xD;
	s28 =	sshra.s32 s21, $0x1F;
	v16 =	vmov s15  }
0x104: {  	s12 =	sshrl.u32 s29, $0x1F;
	s7 =	sshra.s32 s29, $0xD;
	s29 =	sld [smem:$0x7EF];
	v61 =	vsel vm15, s22, v16  }
0x105: {  	v60 =	vsel vm1, s25, v15;
	v15 =	vsel vm8, s28, v61;
	s28 =	sld [smem:$0x7F0]  }
0x106: {  	vm3 =	vcmask $0x3734;
	v56 =	vsel vm1, s6, v13;
	s4 =	sshra.s32 s10, $0xD;
	s10 =	sld [smem:$0x7EB];
	s25 =	sshrl.u32 s21, $0x1F  }
0x107: {  	v13 =	vsel vm2, s8, v56;
	v55 =	vsel vm2, s1, v12;
	v12 =	vsel vm3, s17, v57;
	s8 =	sshra.s32 s19, $0xD;
	s15 =	sshrl.u32 s19, $0x1F;
	s19 =	sshrl.u32 s29, $0x1F  }
0x108: {  	v59 =	vsel vm7, s20, v12;
	s21 =	sshra.s32 s29, $0xD;
	s22 =	sshra.s32 s29, $0x1F;
	s20 =	sshrl.u32 s28, $0x1F  }
0x109: {  	s29 =	sshra.s32 s28, $0xD;
	s13 =	sshra.s32 s28, $0x1F;
	s28 =	sld [smem:$0x7F2]  }
0x10a: {  	v62 =	vmov s25;
	v15 =	vsel vm0, s21, v15  }
0x10b: {  	s6 =	sshra.s32 s9, $0xD;
	s1 =	sshrl.u32 s9, $0x1F;
	s25 =	sld [smem:$0x7F1];
	v16 =	vnsel vm15, $0x0, v62;
	v15 =	vsel vm10, s22, v15  }
0x10c: {  	s9 =	sshrl.u32 s10, $0x1F;
	v17 =	vmov s1;
	v16 =	vsel vm0, s19, v16;
	v15 =	vsel vm1, s29, v15;
	s29 =	sld [smem:$0x7F3];
	s22 =	sshrl.u32 s28, $0x1F  }
0x10d: {  	v12 =	vsel vm2, s5, v60;
	v17 =	vsel vm0, s12, v17;
	v16 =	vsel vm1, s20, v16;
	s5 =	sshra.s32 s28, $0xD;
	s20 =	sshra.s32 s28, $0x1F;
	s28 =	sld [smem:$0x7F4]  }
0x10e: {  	v17 =	vsel vm1, s9, v17;
	s9 =	sld [smem:$0x7F5];
	s17 =	sshra.s32 s25, $0xD  }
0x10f: {  	(v2sf) =	vpush v7, $0x4;
	s19 =	sshra.s32 s25, $0x1F;
	s21 =	sshrl.u32 s25, $0x1F;
	v15 =	vsel vm11, s13, v15;
	s1 =	sshrl.u32 s29, $0x1F  }
0x110: {  	(v2sf) =	vpush v7, $0x5;
	v16 =	vsel vm2, s21, v16;
	v15 =	vsel vm2, s17, v15;
	s12 =	sshra.s32 s29, $0xD;
	s13 =	sshra.s32 s29, $0x1F;
	s29 =	sshrl.u32 s28, $0x1F  }
0x111: {  	v19 =	vmov s6;
	v16 =	vsel vm4, s22, v16;
	v15 =	vsel vm12, s19, v15;
	s17 =	sshra.s32 s28, $0xD;
	s22 =	sshra.s32 s28, $0x1F;
	s28 =	sld [smem:$0x7F6]  }
0x112: {  	s10 =	sshra.s32 s10, $0xD;
	v19 =	vsel vm0, s7, v19;
	s7 =	sld [smem:$0x7FB];
	s25 =	sshrl.u32 s26, $0x1F;
	v18 =	vsel vm5, s1, v16;
	v32 =	vsel vm4, s5, v15  }
0x113: {  	s19 =	sshra.s32 s26, $0xD;
	s26 =	sshrl.u32 s9, $0x1F;
	v31 =	vsel vm6, s29, v18;
	s29 =	sld [smem:$0x7F7];
	v18 =	vsel vm13, s20, v32  }
0x114: {  	v63 =	vsel vm2, s15, v17;
	s1 =	sshra.s32 s9, $0xD;
	v33 =	vsel vm7, s25, v31;
	s25 =	sld [smem:$0x7F8];
	v18 =	vsel vm5, s12, v18;
	s15 =	sshrl.u32 s28, $0x1F  }
0x115: {  	s9 =	sshra.s32 s28, $0xD;
	s28 =	sld [smem:$0x7F9];
	v18 =	vsel vm14, s13, v18;
	s13 =	sshrl.u32 s7, $0x1F  }
0x116: {  	s21 =	sshrl.u32 s29, $0x1F;
	s5 =	sshra.s32 s29, $0xD;
	s29 =	sld [smem:$0x7FA]  }
0x117: {  	(v2sf) =	vpush v7, $0x6;
	v34 =	vmov s4;
	v8 =	vcombine.low v52, v48;
	s7 =	sshra.s32 s7, $0xD;
	s20 =	sshrl.u32 s25, $0x1F;
	s4 =	sshra.s32 s25, $0xD  }
0x118: {  	(v2sf) =	vpush v7, $0x7;
	v17 =	vsel vm0, s2, v34;
	s12 =	sshrl.u32 s28, $0x1F;
	s2 =	sshra.s32 s28, $0xD;
	s28 =	sld [smem:$0x7FC]  }
0x119: {  	v8 =	vperm.xlane v8, v0;
	v18 =	vsel vm6, s17, v18;
	v20 =	vmov s15;
	s25 =	sshrl.u32 s29, $0x1F;
	s6 =	sshra.s32 s29, $0xD;
	s29 =	sld [smem:$0x7FD]  }
0x11a: {  	v11 =	vcombine.low v13, v55;
	s15 =	sshrl.u32 s24, $0x1F;
	v18 =	vsel vm3, s22, v18;
	s22 =	sshra.s32 s24, $0x1F;
	v20 =	vsel vm0, s26, v20;
	s26 =	sshra.s32 s18, $0xD  }
0x11b: {  	v9 =	vperm.xlane v9, v1;
	v18 =	vsel vm7, s19, v18;
	s19 =	sshra.s32 s24, $0xD;
	s24 =	sshra.s32 s23, $0xD;
	v20 =	vsel vm1, s21, v20;
	s21 =	sshrl.u32 s18, $0x1F  }
0x11c: {  	v11 =	vperm.xlane v11, v0;
	v19 =	vsel vm1, s10, v19;
	v17 =	vsel vm1, s3, v17;
	s10 =	sshrl.u32 s28, $0x1F;
	s3 =	sshra.s32 s28, $0xD;
	s17 =	sshrl.u32 s29, $0x1F  }
0x11d: {  	v14 =	vperm.xlane v59, v1;
	v19 =	vsel vm2, s8, v19;
	v17 =	vsel vm2, s0, v17;
	s0 =	sshra.s32 s29, $0xD;
	s8 =	sshra.s32 s29, $0x1F;
	s29 =	sshra.s32 s11, $0x1F  }
0x11e: {  	v23 =	vmov s25;
	s28 =	sshrl.u32 s23, $0x1F;
	s23 =	sshra.s32 s23, $0x1F;
	v21 =	vmov s29;
	v22 =	vmov s17;
	s29 =	spop (v2sf)  }
0x11f: {  	v23 =	vsel vm0, s12, v23;
	s12 =	sshra.s32 s16, $0xD;
	s17 =	rddreg [dreg:$0x16];
	v21 =	vsel vm15, s0, v21;
	v22 =	vnsel vm15, $0x0, v22;
	s0 =	smulhi.u32 $0x14F8B589, s29  }
0x120: {  	v25 =	vmov s6;
	v21 =	vsel vm8, s8, v21;
	v22 =	vsel vm0, s15, v22;
	s15 =	sshra.s32 s18, $0x1F;
	s8 =	sshra.s32 s29, $0x1F;
	s18 =	rddreg [dreg:$0x11]  }
0x121: {  	v44 =	vcombine.low v63, v12;
	v25 =	vsel vm0, s2, v25;
	s29 =	sshrl.u32 s16, $0x1F;
	v22 =	vsel vm1, s28, v22;
	s8 =	smul.u32 $0x14F8B589, s8;
	s28 =	spop (v2sf)  }
0x122: {  	v46 =	vcombine.low v19, v17;
	v25 =	vsel vm1, s7, v25;
	s16 =	sshra.s32 s16, $0x1F;
	v21 =	vsel vm0, s19, v21;
	s7 =	sshrl.u32 s18, $0x1F;
	s19 =	smulhi.u32 $0x14F8B589, s28  }
0x123: {  	v20 =	vsel vm2, s20, v20;
	v21 =	vsel vm10, s22, v21;
	v22 =	vsel vm2, s21, v22;
	s20 =	sshra.s32 s28, $0x1F;
	s21 =	sshrl.u32 s14, $0x1F;
	s22 =	sshra.s32 s14, $0xD  }
0x124: {  	v47 =	vperm.xlane v44, v0;
	v48 =	vperm.xlane v33, v1;
	s28 =	sshrl.u32 s11, $0x1F;
	s11 =	sshra.s32 s11, $0xD;
	v21 =	vsel vm1, s24, v21;
	s24 =	rddreg [dreg:$0x1f]  }
0x125: {  	v37 =	vmov s9;
	v23 =	vsel vm1, s13, v23;
	v25 =	vsel vm2, s3, v25;
	s13 =	smul.u32 $0x14F8B589, s20;
	s20 =	rddreg [dreg:$0x17];
	s3 =	sadd.s32 s8, s0  }
0x126: {  	v49 =	vperm.xlane v18, v1;
	v22 =	vsel vm4, s29, v22;
	v24 =	vsel vm11, s23, v21;
	s23 =	sshra.s32 s14, $0x1F;
	s25 =	sshrl.u32 s24, $0x1F;
	s29 =	sshra.s32 s24, $0xD  }
0x127: {  	v35 =	vsel vm2, s10, v23;
	v22 =	vsel vm5, s21, v22;
	s21 =	rddreg [dreg:$0x12];
	s14 =	sshrl.u32 s17, $0x1F;
	v36 =	vsel vm2, s26, v24;
	s26 =	spop (v2sf)  }
0x128: {  	v22 =	vsel vm6, s25, v22;
	v24 =	vsel vm0, s1, v37;
	s1 =	sshra.s32 s24, $0x1F;
	s6 =	sshrl.u32 s21, $0x1F;
	s25 =	rddreg [dreg:$0x15];
	v23 =	vsel vm12, s15, v36  }
0x129: {  	v52 =	vcombine.low v35, v20;
	s24 =	sshrl.u32 s31, $0x1F;
	s2 =	sadd.s32 s13, s19;
	s13 =	sshrl.u32 s30, $0x1F;
	v22 =	vsel vm7, s28, v22;
	v23 =	vsel vm4, s12, v23  }
0x12a: {  	s19 =	sshrl.u32 s3, $0x1F;
	v24 =	vsel vm1, s5, v24;
	s9 =	sshra.s32 s26, $0x1F;
	v26 =	vmov s24;
	s24 =	rddreg [dreg:$0x14];
	v23 =	vsel vm13, s16, v23  }
0x12b: {  	s28 =	sshrl.u32 s20, $0x1F;
	s12 =	smulhi.u32 $0x14F8B589, s26;
	v24 =	vsel vm2, s4, v24;
	s10 =	sshrl.u32 s24, $0x1F;
	v26 =	vnsel vm15, $0x0, v26;
	v23 =	vsel vm5, s22, v23  }
0x12c: {  	s5 =	smul.u32 $0x14F8B589, s9;
	v54 =	vperm.xlane v22, v1;
	s16 =	sshrl.u32 s25, $0x1F;
	v28 =	vmov s10;
	v23 =	vsel vm14, s23, v23;
	s23 =	rddreg [dreg:$0x18]  }
0x12d: {  	v53 =	vcombine.low v25, v24;
	s22 =	rddreg [dreg:$0x13];
	v27 =	vmov s16;
	v23 =	vsel vm6, s29, v23;
	s26 =	sshrl.u32 s23, $0x1F;
	s29 =	spop (v2sf)  }
0x12e: {  	v28 =	vsel vm0, s7, v28;
	s4 =	sshrl.u32 s22, $0x1F;
	v27 =	vsel vm0, s6, v27;
	v26 =	vsel vm0, s26, v26;
	s8 =	smulhi.u32 $0x14F8B589, s29;
	s9 =	sshra.s32 s29, $0x1F  }
0x12f: {  	s10 =	sshra.s32 s21, $0xD;
	v27 =	vsel vm1, s4, v27;
	v23 =	vsel vm3, s1, v23;
	s29 =	rddreg [dreg:$0xe];
	v26 =	vsel vm1, s28, v26;
	s15 =	smul.u32 $0x14F8B589, s9  }
0x130: {  	v30 =	vld [tilespmem:$0x1FFF0];
	s1 =	sadd.s32 s5, s12;
	v27 =	vsel vm2, s14, v27;
	v23 =	vsel vm7, s11, v23;
	s9 =	rddreg [dreg:$0xf];
	s28 =	sshra.s32 s25, $0xD;
	v26 =	vsel vm2, s13, v26  }
0x131: {  	s16 =	sshrl.u32 s9, $0x1F;
	v29 =	vmov s28;
	s13 =	sshra.s32 s24, $0xD;
	v56 =	vperm.xlane v23, v1;
	v26 =	vsel vm4, s19, v26;
	s0 =	sadd.s32 s15, s8  }
0x132: {  	s26 =	sshrl.u32 s2, $0x1F;
	s5 =	sshrl.u32 s29, $0x1F;
	v28 =	vsel vm1, s16, v28;
	v29 =	vsel vm0, s10, v29;
	v39 =	vmov s13;
	s14 =	sshra.s32 s0, $0x1F  }
0x133: {  	s21 =	sshra.s32 s18, $0xD;
	s12 =	sshra.s32 s22, $0xD;
	s15 =	sshra.s32 s31, $0xD;
	v26 =	vsel vm5, s26, v26;
	v28 =	vsel vm2, s5, v28;
	v40 =	vmov s14  }
0x134: {  	s8 =	sshrl.u32 s1, $0x1F;
	s16 =	sshra.s32 s31, $0x1F;
	v38 =	vsel vm1, s12, v29;
	v29 =	vsel vm0, s21, v39;
	v13 =	vsel vm15, s15, v40  }
0x135: {  	s22 =	sshra.s32 s23, $0xD;
	v26 =	vsel vm6, s8, v26;
	v13 =	vsel vm8, s16, v13;
	vm8 =	vnez.u8 v30  }
0x136: {  	s24 =	sshra.s32 s23, $0x1F;
	s19 =	sshra.s32 s17, $0xD;
	v13 =	vsel vm0, s22, v13;
	v8 =	vsel vm8, v9, v8;
	v41 =	vsel vm8, v14, v11  }
0x137: {  	s25 =	sshra.s32 s9, $0xD;
	s26 =	sshra.s32 s20, $0xD;
	v10 =	vsel vm2, s19, v38;
	v42 =	vsel vm10, s24, v13;
	v8 =	vadd.s32 v8, v41  }
0x138: {  	s29 =	sshra.s32 s29, $0xD;
	s28 =	sshra.s32 s20, $0x1F;
	s11 =	sshrl.u32 s0, $0x1F;
	v43 =	vsel vm1, s25, v29;
	v11 =	vsel vm1, s26, v42;
	v8 =	vmul.u32 $0x186A0, v8  }
0x139: {  	s31 =	sshra.s32 s30, $0xD;
	v26 =	vsel vm7, s11, v26;
	v45 =	vsel vm2, s29, v43;
	v11 =	vsel vm11, s28, v11  }
0x13a: {  	s7 =	sshra.s32 s30, $0x1F;
	v13 =	vperm.xlane v46, v0;
	v11 =	vsel vm2, s31, v11;
	v4 =	vsub.s32 v4, v8  }
0x13b: {  	s8 =	sshra.s32 s3, $0xD;
	v11 =	vsel vm12, s7, v11;
	vm10 =	vlt.s32 v4, $0x0;
	v50 =	vadd.s32 $0x186A0, v4  }
0x13c: {  	s3 =	sshra.s32 s3, $0x1F;
	v10 =	vcombine.low v45, v10;
	v11 =	vsel vm4, s8, v11;
	v4 =	vsel vm10, v50, v4  }
0x13d: {  	s9 =	sshra.s32 s2, $0xD;
	v51 =	vsel vm8, v49, v13;
	v8 =	vsel vm8, v48, v47;
	v11 =	vsel vm13, s3, v11;
	[tilespmem:$0x80] =	vst v4  }
0x13e: {  	s2 =	sshra.s32 s2, $0x1F;
	v57 =	vperm.xlane v26, v1;
	v8 =	vadd.s32 v8, v51;
	v11 =	vsel vm5, s9, v11;
	v55 =	vld.msk [tilespmem:$0x80], $0xff  }
0x13f: {  	s10 =	sshra.s32 s1, $0xD;
	v9 =	vperm.xlane v52, v0;
	v4 =	vmul.u32 $0x186A0, v8;
	v11 =	vsel vm14, s2, v11  }
0x140: {  	s1 =	sshra.s32 s1, $0x1F;
	v10 =	vperm.xlane v10, v0;
	v8 =	vperm.xlane v53, v0;
	v11 =	vsel vm6, s10, v11  }
0x141: {  	s0 =	sshra.s32 s0, $0xD;
	v4 =	vsub.s32 v5, v4;
	v5 =	vcombine.low v28, v27;
	v11 =	vsel vm3, s1, v11  }
0x142: {  	v9 =	vsel vm8, v54, v9;
	v8 =	vsel vm8, v56, v8;
	v11 =	vsel vm7, s0, v11  }
0x143: {  	v5 =	vperm.xlane v5, v0;
	v11 =	vperm.xlane v11, v1;
	v58 =	vshll.u32 v55, $0x3  }
0x144: {  	v8 =	vadd.s32 v9, v8;
	v59 =	vand.u32 $0x7, v55;
	v13 =	vand.u32 $0xFFFFFFC0, v58  }
0x145: {  	v5 =	vsel vm8, v57, v5;
	v10 =	vsel vm8, v11, v10;
	v9 =	vor.u32 v59, v13  }
0x146: {  	v8 =	vmul.u32 $0x186A0, v8;
	v5 =	vadd.s32 v5, v10;
	v9 =	vperm.xlane v9, v2  }
0x147: {  	vm10 =	vlt.s32 v4, $0x0;
	v60 =	vadd.s32 $0x186A0, v4;
	v5 =	vmul.u32 $0x186A0, v5  }
0x148: {  	v4 =	vsel vm10, v60, v4;
	v6 =	vsub.s32 v6, v8;
	v61 =	vadd.s32 v3, v9  }
0x149: {  	vm10 =	vlt.s32 v6, $0x0;
	v62 =	vadd.s32 $0x186A0, v6;
	v5 =	vsub.s32 v7, v5  }
0x14a: {  	[tilespmem:$0x90] =	vst v4;
	v4 =	vsel vm10, v62, v6;
	vm10 =	vlt.s32 v5, $0x0;
	v63 =	vadd.s32 $0x186A0, v5  }
0x14b: {  	[tilespmem:$0xA0] =	vst v4;
	v5 =	vsel vm10, v63, v5  }
0x14c: {  	s6 =	simm.s32 $0x0;
	s12 =	simm.s32 $0x100;
	s11 =	rddreg [dreg:$0x1];
	[tilespmem:$0xB0] =	vst v5  }
0x14d: {  	[tilespmem:s12], [sflag:$0x1] =	stream.indirect_vreg.gather [hbm4b:s11+s6], $0x80, v61, vm9, $0xb8;
	[tilespmem:$0x14100] =	vst v63  }
0x14e: {  	s13 =	rddreg [dreg:$0x5];
	s14 =	simm.s32 $0x900  }
0x14f: {  	[tilespmem:s14], [sflag:$0x1] =	stream.indirect_vreg.gather [hbm4b:s13+s6], $0x80, v61, vm9, $0xb8;
	[tilespmem:$0x14100] =	vst v63  }
0x150: {  	s15 =	rddreg [dreg:$0x6];
	s16 =	simm.s32 $0x1100  }
0x151: {  	[tilespmem:s16], [sflag:$0x1] =	stream.indirect_vreg.gather [hbm4b:s15+s6], $0x80, v61, vm9, $0xb8;
	[tilespmem:$0x14100] =	vst v63  }
0x152: {  	s18 =	simm.s32 $0x1900;
	s17 =	rddreg [dreg:$0x7]  }
0x153: {  	[tilespmem:s18], [sflag:$0x1] =	stream.indirect_vreg.gather [hbm4b:s17+s6], $0x80, v61, vm9, $0xb8;
	[tilespmem:$0x14100] =	vst v63  }
0x154: {  	v4 =	vld.msk [tilespmem:$0x90], $0xff;
	_ =	sdelay $0x4  }
0x155: {  	v5 =	vshll.u32 v4, $0x3  }
0x156: {  	v4 =	vand.u32 $0x7, v4;
	v5 =	vand.u32 $0xFFFFFFC0, v5  }
0x157: {  	v4 =	vor.u32 v4, v5  }
0x158: {  	v4 =	vperm.xlane v4, v2;
	_ =	sdelay $0x1  }
0x159: {  	v4 =	vadd.s32 v3, v4;
	_ =	sdelay $0x3  }
0x15a: {  	s19 =	simm.s32 $0x2100  }
0x15b: {  	[tilespmem:s19], [sflag:$0x1] =	stream.indirect_vreg.gather [hbm4b:s11+s6], $0x80, v4, vm9, $0xb8;
	[tilespmem:$0x14100] =	vst v63  }
0x15c: {  	s20 =	simm.s32 $0x2900  }
0x15d: {  	[tilespmem:s20], [sflag:$0x1] =	stream.indirect_vreg.gather [hbm4b:s13+s6], $0x80, v4, vm9, $0xb8;
	[tilespmem:$0x14100] =	vst v63  }
0x15e: {  	s21 =	simm.s32 $0x3100  }
0x15f: {  	[tilespmem:s21], [sflag:$0x1] =	stream.indirect_vreg.gather [hbm4b:s15+s6], $0x80, v4, vm9, $0xb8;
	[tilespmem:$0x14100] =	vst v63  }
0x160: {  	s22 =	simm.s32 $0x3900  }
0x161: {  	[tilespmem:s22], [sflag:$0x1] =	stream.indirect_vreg.gather [hbm4b:s17+s6], $0x80, v4, vm9, $0xb8;
	[tilespmem:$0x14100] =	vst v63  }
0x162: {  	v4 =	vld.msk [tilespmem:$0xA0], $0xff;
	_ =	sdelay $0x4  }
0x163: {  	v5 =	vshll.u32 v4, $0x3  }
0x164: {  	v4 =	vand.u32 $0x7, v4;
	v5 =	vand.u32 $0xFFFFFFC0, v5  }
0x165: {  	v4 =	vor.u32 v4, v5  }
0x166: {  	v4 =	vperm.xlane v4, v2;
	_ =	sdelay $0x1  }
0x167: {  	v4 =	vadd.s32 v3, v4;
	_ =	sdelay $0x3  }
0x168: {  	s23 =	simm.s32 $0x4100  }
0x169: {  	[tilespmem:s23], [sflag:$0x1] =	stream.indirect_vreg.gather [hbm4b:s11+s6], $0x80, v4, vm9, $0xb8;
	[tilespmem:$0x14100] =	vst v63  }
0x16a: {  	s24 =	simm.s32 $0x4900  }
0x16b: {  	[tilespmem:s24], [sflag:$0x1] =	stream.indirect_vreg.gather [hbm4b:s13+s6], $0x80, v4, vm9, $0xb8;
	[tilespmem:$0x14100] =	vst v63  }
0x16c: {  	s25 =	simm.s32 $0x5100  }
0x16d: {  	[tilespmem:s25], [sflag:$0x1] =	stream.indirect_vreg.gather [hbm4b:s15+s6], $0x80, v4, vm9, $0xb8;
	[tilespmem:$0x14100] =	vst v63  }
0x16e: {  	s26 =	simm.s32 $0x5900  }
0x16f: {  	[tilespmem:s26], [sflag:$0x1] =	stream.indirect_vreg.gather [hbm4b:s17+s6], $0x80, v4, vm9, $0xb8;
	[tilespmem:$0x14100] =	vst v63  }
0x170: {  	v4 =	vld.msk [tilespmem:$0xB0], $0xff;
	_ =	sdelay $0x4  }
0x171: {  	v5 =	vshll.u32 v4, $0x3  }
0x172: {  	v4 =	vand.u32 $0x7, v4;
	v5 =	vand.u32 $0xFFFFFFC0, v5  }
0x173: {  	v4 =	vor.u32 v4, v5  }
0x174: {  	v4 =	vperm.xlane v4, v2;
	_ =	sdelay $0x1  }
0x175: {  	v4 =	vadd.s32 v3, v4;
	_ =	sdelay $0x3  }
0x176: {  	s28 =	simm.s32 $0x6100  }
0x177: {  	[tilespmem:s28], [sflag:$0x1] =	stream.indirect_vreg.gather [hbm4b:s11+s6], $0x80, v4, vm9, $0xb8;
	[tilespmem:$0x14100] =	vst v63  }
0x178: {  	s29 =	simm.s32 $0x6900  }
0x179: {  	[tilespmem:s29], [sflag:$0x1] =	stream.indirect_vreg.gather [hbm4b:s13+s6], $0x80, v4, vm9, $0xb8;
	[tilespmem:$0x14100] =	vst v63  }
0x17a: {  	s30 =	simm.s32 $0x7100  }
0x17b: {  	[tilespmem:s30], [sflag:$0x1] =	stream.indirect_vreg.gather [hbm4b:s15+s6], $0x80, v4, vm9, $0xb8;
	[tilespmem:$0x14100] =	vst v63  }
0x17c: {  	s31 =	simm.s32 $0x7900;
	s7 =	simm.s32 $0x0  }
0x17d: {  	[tilespmem:s31], [sflag:$0x1] =	stream.indirect_vreg.gather [hbm4b:s17+s6], $0x80, v4, vm9, $0xb8;
	[tilespmem:$0x14100] =	vst v63  }
.LBB2_2:
0x17e: {  	v4 =	vld.msk [tilespmem:$0x88], $0xff;
	_ =	sdelay $0x4  }
0x17f: {  	v5 =	vshll.u32 v4, $0x3  }
0x180: {  	v4 =	vand.u32 $0x7, v4;
	v5 =	vand.u32 $0xFFFFFFC0, v5  }
0x181: {  	v4 =	vor.u32 v4, v5  }
0x182: {  	v4 =	vperm.xlane v4, v2;
	_ =	sdelay $0x1  }
0x183: {  	v4 =	vadd.s32 v3, v4;
	_ =	sdelay $0x3  }
0x184: {  	s0 =	rddreg [dreg:$0x1];
	s1 =	simm.s32 $0x8100  }
0x185: {  	[tilespmem:s1], [sflag:$0x2] =	stream.indirect_vreg.gather [hbm4b:s0+s6], $0x80, v4, vm9, $0xb8;
	[tilespmem:$0x14100] =	vst v63  }
0x186: {  	s13 =	rddreg [dreg:$0x5];
	s2 =	simm.s32 $0x8900  }
0x187: {  	[tilespmem:s2], [sflag:$0x2] =	stream.indirect_vreg.gather [hbm4b:s13+s6], $0x80, v4, vm9, $0xb8;
	[tilespmem:$0x14100] =	vst v63  }
0x188: {  	s14 =	rddreg [dreg:$0x6];
	s3 =	simm.s32 $0x9100  }
0x189: {  	[tilespmem:s3], [sflag:$0x2] =	stream.indirect_vreg.gather [hbm4b:s14+s6], $0x80, v4, vm9, $0xb8;
	[tilespmem:$0x14100] =	vst v63  }
0x18a: {  	s15 =	rddreg [dreg:$0x7];
	s4 =	simm.s32 $0x9900  }
0x18b: {  	[tilespmem:s4], [sflag:$0x2] =	stream.indirect_vreg.gather [hbm4b:s15+s6], $0x80, v4, vm9, $0xb8;
	[tilespmem:$0x14100] =	vst v63  }
0x18c: {  	v4 =	vld.msk [tilespmem:$0x98], $0xff;
	_ =	sdelay $0x4  }
0x18d: {  	v5 =	vshll.u32 v4, $0x3  }
0x18e: {  	v4 =	vand.u32 $0x7, v4;
	v5 =	vand.u32 $0xFFFFFFC0, v5  }
0x18f: {  	v4 =	vor.u32 v4, v5  }
0x190: {  	v4 =	vperm.xlane v4, v2;
	_ =	sdelay $0x1  }
0x191: {  	v4 =	vadd.s32 v3, v4;
	_ =	sdelay $0x3  }
0x192: {  	s16 =	simm.s32 $0xA100  }
0x193: {  	[tilespmem:s16], [sflag:$0x2] =	stream.indirect_vreg.gather [hbm4b:s0+s6], $0x80, v4, vm9, $0xb8;
	[tilespmem:$0x14100] =	vst v63  }
0x194: {  	s17 =	simm.s32 $0xA900  }
0x195: {  	[tilespmem:s17], [sflag:$0x2] =	stream.indirect_vreg.gather [hbm4b:s13+s6], $0x80, v4, vm9, $0xb8;
	[tilespmem:$0x14100] =	vst v63  }
0x196: {  	s18 =	simm.s32 $0xB100  }
0x197: {  	[tilespmem:s18], [sflag:$0x2] =	stream.indirect_vreg.gather [hbm4b:s14+s6], $0x80, v4, vm9, $0xb8;
	[tilespmem:$0x14100] =	vst v63  }
0x198: {  	s19 =	simm.s32 $0xB900  }
0x199: {  	[tilespmem:s19], [sflag:$0x2] =	stream.indirect_vreg.gather [hbm4b:s15+s6], $0x80, v4, vm9, $0xb8;
	[tilespmem:$0x14100] =	vst v63  }
0x19a: {  	v4 =	vld.msk [tilespmem:$0xA8], $0xff;
	_ =	sdelay $0x4  }
0x19b: {  	v5 =	vshll.u32 v4, $0x3  }
0x19c: {  	v4 =	vand.u32 $0x7, v4;
	v5 =	vand.u32 $0xFFFFFFC0, v5  }
0x19d: {  	v4 =	vor.u32 v4, v5  }
0x19e: {  	v4 =	vperm.xlane v4, v2;
	_ =	sdelay $0x1  }
0x19f: {  	v4 =	vadd.s32 v3, v4;
	_ =	sdelay $0x3  }
0x1a0: {  	s20 =	simm.s32 $0xC100  }
0x1a1: {  	[tilespmem:s20], [sflag:$0x2] =	stream.indirect_vreg.gather [hbm4b:s0+s6], $0x80, v4, vm9, $0xb8;
	[tilespmem:$0x14100] =	vst v63  }
0x1a2: {  	s21 =	simm.s32 $0xC900  }
0x1a3: {  	[tilespmem:s21], [sflag:$0x2] =	stream.indirect_vreg.gather [hbm4b:s13+s6], $0x80, v4, vm9, $0xb8;
	[tilespmem:$0x14100] =	vst v63  }
0x1a4: {  	s22 =	simm.s32 $0xD100  }
0x1a5: {  	[tilespmem:s22], [sflag:$0x2] =	stream.indirect_vreg.gather [hbm4b:s14+s6], $0x80, v4, vm9, $0xb8;
	[tilespmem:$0x14100] =	vst v63  }
0x1a6: {  	s23 =	simm.s32 $0xD900  }
0x1a7: {  	[tilespmem:s23], [sflag:$0x2] =	stream.indirect_vreg.gather [hbm4b:s15+s6], $0x80, v4, vm9, $0xb8;
	[tilespmem:$0x14100] =	vst v63  }
0x1a8: {  	v4 =	vld.msk [tilespmem:$0xB8], $0xff;
	_ =	sdelay $0x4  }
0x1a9: {  	v5 =	vshll.u32 v4, $0x3  }
0x1aa: {  	v4 =	vand.u32 $0x7, v4;
	v5 =	vand.u32 $0xFFFFFFC0, v5  }
0x1ab: {  	v4 =	vor.u32 v4, v5  }
0x1ac: {  	v4 =	vperm.xlane v4, v2;
	_ =	sdelay $0x1  }
0x1ad: {  	v4 =	vadd.s32 v3, v4;
	_ =	sdelay $0x3  }
0x1ae: {  	s24 =	simm.s32 $0xE100  }
0x1af: {  	[tilespmem:s24], [sflag:$0x2] =	stream.indirect_vreg.gather [hbm4b:s0+s6], $0x80, v4, vm9, $0xb8;
	[tilespmem:$0x14100] =	vst v63  }
0x1b0: {  	s25 =	simm.s32 $0xE900  }
0x1b1: {  	[tilespmem:s25], [sflag:$0x2] =	stream.indirect_vreg.gather [hbm4b:s13+s6], $0x80, v4, vm9, $0xb8;
	[tilespmem:$0x14100] =	vst v63  }
0x1b2: {  	s26 =	simm.s32 $0xF100  }
0x1b3: {  	[tilespmem:s26], [sflag:$0x2] =	stream.indirect_vreg.gather [hbm4b:s14+s6], $0x80, v4, vm9, $0xb8;
	[tilespmem:$0x14100] =	vst v63  }
0x1b4: {  	s28 =	simm.s32 $0xF900;
	s29 =	simm.s32 $0x1  }
0x1b5: {  	[tilespmem:s28], [sflag:$0x2] =	stream.indirect_vreg.gather [hbm4b:s15+s6], $0x80, v4, vm9, $0xb8;
	[tilespmem:$0x14100] =	vst v63  }
0x1b6: {  	_ =	swait.ge [sflag:s29], $0x8000  }
0x1b7: {  	p0 =	seq.s32 s7, $0x0;
	[sflag:s29] =	ssyncset.done $0x0  }
0x1b8: {  	s1 =	simm.s32 @!p0 $0x3;
	[sflag:s29] =	ssyncadd.s32 $0xFFFF8000  }
0x1b9: {  	s0 =	simm.s32 $0x0;
	_ =	swait.ge @!p0 [sflag:s1], $0x2000  }
0x1ba: {  	s30 =	sand.u32 $0x70, s0;
	s31 =	sand.u32 $0x1C00, s0;
	[sflag:s1] =	ssyncset.done @!p0 $0x0  }
0x1bb: {  	[sflag:s1] =	ssyncadd.s32 @!p0 $0xFFFFE000;
	s1 =	sor.u32 s30, s31  }
0x1bc: {  	v14 =	vld [tilespmem:s1+$0x2100]  }
0x1bd: {  	v18 =	vld [tilespmem:s1+$0x100]  }
0x1be: {  	v19 =	vld [tilespmem:s1+$0x4100]  }
0x1bf: {  	v21 =	vld [tilespmem:s1+$0x6100]  }
0x1c0: {  	v23 =	vld [tilespmem:s1+$0x180]  }
0x1c1: {  	v24 =	vld [tilespmem:s1+$0x2180]  }
0x1c2: {  	v25 =	vld [tilespmem:s1+$0x4180]  }
0x1c3: {  	v26 =	vld [tilespmem:s1+$0x6180]  }
0x1c4: {  	v4 =	vld [tilespmem:s1+$0x200]  }
0x1c5: {  	v5 =	vld [tilespmem:s1+$0x2200]  }
0x1c6: {  	v7 =	vld [tilespmem:s1+$0x4200]  }
0x1c7: {  	v10 =	vld [tilespmem:s1+$0x6200]  }
0x1c8: {  	v8 =	vld [tilespmem:s1+$0x280]  }
0x1c9: {  	v11 =	vld [tilespmem:s1+$0x2280]  }
0x1ca: {  	v12 =	vld [tilespmem:s1+$0x4280]  }
0x1cb: {  	v15 =	vld [tilespmem:s1+$0x6280]  }
0x1cc: {  	v13 =	vld [tilespmem:s1+$0x300]  }
0x1cd: {  	v16 =	vld [tilespmem:s1+$0x2300]  }
0x1ce: {  	v17 =	vld [tilespmem:s1+$0x4300]  }
0x1cf: {  	v20 =	vld [tilespmem:s1+$0x6300]  }
0x1d0: {  	v6 =	vld [tilespmem:s1+$0x380]  }
0x1d1: {  	v9 =	vld [tilespmem:s1+$0x2380]  }
0x1d2: {  	v22 =	vadd.f32 v14, v18;
	v14 =	vld [tilespmem:s1+$0x4380]  }
0x1d3: {  	v19 =	vadd.f32 v21, v19;
	v18 =	vld [tilespmem:s1+$0x6380]  }
0x1d4: {  	v23 =	vadd.f32 v24, v23;
	v21 =	vld [tilespmem:s1+$0x2400]  }
0x1d5: {  	s2 =	simm.s32 $0x0;
	s3 =	simm.s32 $0x10;
	v24 =	vadd.f32 v26, v25;
	v22 =	vadd.f32 v19, v22;
	v19 =	vld [tilespmem:s1+$0x400]  }
.LBB2_3:
0x1d6: {  	p1 =	sne.s32 s3, $0x3F0;
	v4 =	vadd.f32 v5, v4;
	v5 =	vadd.f32 v10, v7;
	v7 =	vld [tilespmem:s1+$0x4400]  }
0x1d7: {  	v8 =	vadd.f32 v11, v8;
	v10 =	vadd.f32 v15, v12;
	v11 =	vld [tilespmem:s1+$0x6400]  }
0x1d8: {  	v12 =	vadd.f32 v16, v13;
	v13 =	vadd.f32 v20, v17  }
0x1d9: {  	v15 =	vadd.f32 v24, v23;
	v4 =	vadd.f32 v5, v4  }
0x1da: {  	v5 =	vadd.f32 v10, v8;
	v8 =	vadd.f32 v13, v12;
	[tilespmem:s1+$0x10100] =	vst v22  }
0x1db: {  	v6 =	vadd.f32 v9, v6;
	v9 =	vadd.f32 v18, v14;
	[tilespmem:s1+$0x10180] =	vst v15  }
0x1dc: {  	[tilespmem:s1+$0x10200] =	vst v4;
	v4 =	vadd.f32 v21, v19;
	v7 =	vadd.f32 v11, v7  }
0x1dd: {  	[tilespmem:s1+$0x10280] =	vst v5;
	v5 =	vadd.f32 v9, v6  }
0x1de: {  	[tilespmem:s1+$0x10300] =	vst v8;
	v4 =	vadd.f32 v7, v4;
	v6 =	vld [tilespmem:s1+$0x2480]  }
0x1df: {  	s4 =	sor.u32 s2, s0;
	s0 =	smov.u32 s3;
	[tilespmem:s1+$0x10380] =	vst v5;
	v5 =	vld [tilespmem:s1+$0x4480]  }
0x1e0: {  	s4 =	sor.u32 $0x380, s4;
	[tilespmem:s1+$0x10400] =	vst v4;
	v4 =	vld [tilespmem:s1+$0x6480]  }
0x1e1: {  	v7 =	vld [tilespmem:s4+$0x100];
	_ =	sdelay $0x4  }
0x1e2: {  	v4 =	vadd.f32 v4, v5;
	v6 =	vadd.f32 v6, v7;
	_ =	sdelay $0x1  }
0x1e3: {  	s2 =	sadd.s32 $0x80, s2;
	v4 =	vadd.f32 v4, v6  }
0x1e4: {  	s5 =	sand.u32 $0x1C00, s2;
	s1 =	sand.u32 $0x70, s3  }
0x1e5: {  	s1 =	sor.u32 s1, s5;
	[tilespmem:s4+$0x10100] =	vst v4  }
0x1e6: {  	v14 =	vld [tilespmem:s1+$0x2100]  }
0x1e7: {  	v18 =	vld [tilespmem:s1+$0x100]  }
0x1e8: {  	v19 =	vld [tilespmem:s1+$0x4100]  }
0x1e9: {  	v21 =	vld [tilespmem:s1+$0x6100]  }
0x1ea: {  	v23 =	vld [tilespmem:s1+$0x180]  }
0x1eb: {  	v24 =	vld [tilespmem:s1+$0x2180]  }
0x1ec: {  	v25 =	vld [tilespmem:s1+$0x4180]  }
0x1ed: {  	v26 =	vld [tilespmem:s1+$0x6180]  }
0x1ee: {  	v4 =	vld [tilespmem:s1+$0x200]  }
0x1ef: {  	v5 =	vld [tilespmem:s1+$0x2200]  }
0x1f0: {  	v7 =	vld [tilespmem:s1+$0x4200]  }
0x1f1: {  	v10 =	vld [tilespmem:s1+$0x6200]  }
0x1f2: {  	v8 =	vld [tilespmem:s1+$0x280]  }
0x1f3: {  	v11 =	vld [tilespmem:s1+$0x2280]  }
0x1f4: {  	v12 =	vld [tilespmem:s1+$0x4280]  }
0x1f5: {  	v15 =	vld [tilespmem:s1+$0x6280]  }
0x1f6: {  	v13 =	vld [tilespmem:s1+$0x300]  }
0x1f7: {  	v16 =	vld [tilespmem:s1+$0x2300]  }
0x1f8: {  	v17 =	vld [tilespmem:s1+$0x4300]  }
0x1f9: {  	v20 =	vld [tilespmem:s1+$0x6300]  }
0x1fa: {  	v6 =	vld [tilespmem:s1+$0x380]  }
.Ltmp0:
0x1fb: {  	v9 =	vld [tilespmem:s1+$0x2380];
	(pc) =	sbr.rel @p1 .LBB2_3-.Ltmp0, $4  }
0x1fc: {  	v22 =	vadd.f32 v14, v18;
	v19 =	vadd.f32 v21, v19;
	v14 =	vld [tilespmem:s1+$0x4380]  }
0x1fd: {  	v18 =	vld [tilespmem:s1+$0x6380]  }
0x1fe: {  	v22 =	vadd.f32 v19, v22;
	v19 =	vld [tilespmem:s1+$0x400]  }
0x1ff: {  	s3 =	sadd.s32 $0x10, s3;
	v23 =	vadd.f32 v24, v23;
	v24 =	vadd.f32 v26, v25;
	v21 =	vld [tilespmem:s1+$0x2400]  }
0x200: {  	v4 =	vadd.f32 v5, v4  }
0x201: {  	v5 =	vadd.f32 v10, v7;
	v7 =	vadd.f32 v11, v8;
	v8 =	vld [tilespmem:s1+$0x4400]  }
0x202: {  	v10 =	vadd.f32 v15, v12;
	v12 =	vld [tilespmem:s1+$0x6400]  }
0x203: {  	v11 =	vadd.f32 v16, v13;
	v13 =	vadd.f32 v20, v17  }
0x204: {  	v6 =	vadd.f32 v9, v6;
	v4 =	vadd.f32 v5, v4  }
0x205: {  	[tilespmem:s1+$0x10100] =	vst v22;
	v15 =	vadd.f32 v24, v23;
	v5 =	vadd.f32 v10, v7  }
0x206: {  	v7 =	vadd.f32 v13, v11;
	v9 =	vadd.f32 v18, v14;
	[tilespmem:s1+$0x10200] =	vst v4  }
0x207: {  	v4 =	vadd.f32 v21, v19;
	[tilespmem:s1+$0x10280] =	vst v5;
	v5 =	vadd.f32 v12, v8  }
0x208: {  	[tilespmem:s1+$0x10180] =	vst v15;
	v6 =	vadd.f32 v9, v6  }
0x209: {  	[tilespmem:s1+$0x10300] =	vst v7;
	v7 =	vld [tilespmem:s1+$0x2480];
	v4 =	vadd.f32 v5, v4  }
0x20a: {  	s0 =	sor.u32 s2, s0;
	[tilespmem:s1+$0x10380] =	vst v6;
	v5 =	vld [tilespmem:s1+$0x4480]  }
0x20b: {  	s0 =	sor.u32 $0x380, s0;
	[tilespmem:s1+$0x10400] =	vst v4;
	v4 =	vld [tilespmem:s1+$0x6480]  }
0x20c: {  	v6 =	vld [tilespmem:s0+$0x100];
	_ =	sdelay $0x4  }
0x20d: {  	v4 =	vadd.f32 v4, v5;
	v6 =	vadd.f32 v7, v6;
	_ =	sdelay $0x1  }
0x20e: {  	s16 =	sshll.u32 s7, $0xB;
	s17 =	rddreg [dreg:$0x8];
	v4 =	vadd.f32 v4, v6  }
0x20f: {  	s18 =	rddreg [dreg:$0x3];
	s19 =	simm.s32 $0x10100;
	s1 =	sadd.s32 s17, s16  }
0x210: {  	s20 =	simm.s32 $0x2;
	[dreg:$0xd] =	wrdreg s1;
	[tilespmem:s0+$0x10100] =	vst v4;
	s0 =	sadd.s32 s18, s1  }
0x211: {  	[hbm4b:s0+s6] =	stream.linear.scatter [tilespmem:s19], [sflag:$0x3], $0x2000, $0x38;
	[tilespmem:$0x14100] =	vst v63  }
0x212: {  	s21 =	sadd.s32 $0x1, s7;
	_ =	swait.ge [sflag:s20], $0x8000  }
0x213: {  	p1 =	seq.s32 s7, $0x5;
	s0 =	sshll.u32 s21, $0x4;
	[sflag:s20] =	ssyncset.done $0x0  }
0x214: {  	s0 =	simm.s32 @p1 $0x0;
	[sflag:s20] =	ssyncadd.s32 $0xFFFF8000  }
0x215: {  	v7 =	vld [tilespmem:s0+$0x0];
	_ =	sdelay $0x4  }
0x216: {  	v4 =	vmul.u32 $0x11, v7;
	_ =	sdelay $0x1  }
0x217: {  	(v2sf) =	vpush v4, $0xD  }
0x218: {  	(v2sf) =	vpush v4, $0xC;
	_ =	sdelay $0x1  }
0x219: {  	(v2sf) =	vpush v4, $0xE;
	_ =	sdelay $0x1  }
0x21a: {  	(v2sf) =	vpush v4, $0xF  }
0x21b: {  	(v2sf) =	vpush v4, $0x9;
	_ =	sdelay $0x1  }
0x21c: {  	(v2sf) =	vpush v4, $0x8;
	_ =	sdelay $0x1  }
0x21d: {  	(v2sf) =	vpush v4, $0xA  }
0x21e: {  	(v2sf) =	vpush v4, $0xB;
	_ =	sdelay $0x3  }
0x21f: {  	s22 =	spop (v2sf);
	(v2sf) =	vpush v4, $0x0  }
0x220: {  	s24 =	spop (v2sf);
	(v2sf) =	vpush v4, $0x1  }
0x221: {  	s23 =	smulhi.u32 $0x14F8B589, s22;
	s0 =	sshra.s32 s22, $0x1F  }
0x222: {  	s8 =	smul.u32 $0x14F8B589, s0;
	s25 =	spop (v2sf);
	(v2sf) =	vpush v4, $0x2  }
0x223: {  	[dreg:$0xc] =	wrdreg s21;
	s20 =	smulhi.u32 $0x14F8B589, s24;
	s0 =	sshra.s32 s24, $0x1F  }
0x224: {  	s6 =	smul.u32 $0x14F8B589, s0;
	s26 =	spop (v2sf);
	(v2sf) =	vpush v4, $0x3  }
0x225: {  	s21 =	smulhi.u32 $0x14F8B589, s25;
	s0 =	sshra.s32 s25, $0x1F;
	s28 =	spop (v2sf);
	(v2sf) =	vpush v4, $0x4  }
0x226: {  	s4 =	smul.u32 $0x14F8B589, s0;
	s0 =	sshra.s32 s26, $0x1F  }
0x227: {  	s3 =	smul.u32 $0x14F8B589, s0;
	s29 =	spop (v2sf);
	(v2sf) =	vpush v4, $0x5  }
0x228: {  	[smem:$0x748] =	sst s23;
	s23 =	smulhi.u32 $0x14F8B589, s28;
	s0 =	sshra.s32 s28, $0x1F  }
0x229: {  	s10 =	smul.u32 $0x14F8B589, s0;
	s30 =	spop (v2sf);
	(v2sf) =	vpush v4, $0x6  }
0x22a: {  	s24 =	smulhi.u32 $0x14F8B589, s29;
	s0 =	sshra.s32 s29, $0x1F;
	s31 =	spop (v2sf);
	(v2sf) =	vpush v4, $0x7  }
0x22b: {  	s13 =	smul.u32 $0x14F8B589, s0  }
0x22c: {  	v5 =	vmul.u32 $0x1F, v7;
	s25 =	smulhi.u32 $0x14F8B589, s30;
	s0 =	sshra.s32 s30, $0x1F  }
0x22d: {  	s28 =	smul.u32 $0x14F8B589, s0;
	s0 =	sshra.s32 s31, $0x1F  }
0x22e: {  	s30 =	smul.u32 $0x14F8B589, s0;
	s1 =	spop (v2sf);
	(v2sf) =	vpush v5, $0xD  }
0x22f: {  	s29 =	smulhi.u32 $0x14F8B589, s1;
	s0 =	sshra.s32 s1, $0x1F;
	s2 =	spop (v2sf)  }
0x230: {  	(v2sf) =	vpush v5, $0xC;
	s15 =	smul.u32 $0x14F8B589, s0;
	s0 =	sshra.s32 s2, $0x1F  }
0x231: {  	s5 =	spop (v2sf);
	s1 =	smul.u32 $0x14F8B589, s0  }
0x232: {  	(v2sf) =	vpush v5, $0xE;
	s7 =	smulhi.u32 $0x14F8B589, s5;
	s0 =	sshra.s32 s5, $0x1F  }
0x233: {  	s9 =	spop (v2sf);
	s11 =	smul.u32 $0x14F8B589, s0  }
0x234: {  	s12 =	smulhi.u32 $0x14F8B589, s9;
	s0 =	sshra.s32 s9, $0x1F;
	s14 =	spop (v2sf)  }
0x235: {  	(v2sf) =	vpush v5, $0xF;
	[smem:$0x749] =	sst s7;
	s17 =	smul.u32 $0x14F8B589, s0  }
0x236: {  	s16 =	smulhi.u32 $0x14F8B589, s14;
	s0 =	sshra.s32 s14, $0x1F;
	s18 =	spop (v2sf)  }
0x237: {  	[smem:$0x74A] =	sst s12;
	s7 =	smul.u32 $0x14F8B589, s0  }
0x238: {  	s19 =	smulhi.u32 $0x14F8B589, s18;
	s0 =	sshra.s32 s18, $0x1F;
	s5 =	spop (v2sf)  }
0x239: {  	s18 =	smul.u32 $0x14F8B589, s0;
	s12 =	spop (v2sf)  }
0x23a: {  	(v2sf) =	vpush v5, $0x9;
	[smem:$0x74B] =	sst s16;
	s16 =	smulhi.u32 $0x14F8B589, s12  }
0x23b: {  	(v2sf) =	vpush v5, $0x8;
	s9 =	smulhi.u32 $0x14F8B589, s5;
	s0 =	sshra.s32 s5, $0x1F;
	[smem:$0x74C] =	sst s19  }
0x23c: {  	s14 =	smul.u32 $0x14F8B589, s0;
	s0 =	sshra.s32 s12, $0x1F;
	[smem:$0x74E] =	sst s16  }
0x23d: {  	s16 =	smul.u32 $0x14F8B589, s0;
	s19 =	spop (v2sf)  }
0x23e: {  	(v2sf) =	vpush v5, $0xA;
	[smem:$0x74D] =	sst s9;
	s5 =	smulhi.u32 $0x14F8B589, s19;
	s0 =	sshra.s32 s19, $0x1F  }
0x23f: {  	s9 =	spop (v2sf);
	s0 =	smul.u32 $0x14F8B589, s0  }
0x240: {  	(v2sf) =	vpush v5, $0xB;
	s12 =	smulhi.u32 $0x14F8B589, s9  }
0x241: {  	s19 =	spop (v2sf);
	[smem:$0x74F] =	sst s5  }
0x242: {  	s5 =	smulhi.u32 $0x14F8B589, s19;
	[smem:$0x750] =	sst s0;
	s0 =	sshra.s32 s9, $0x1F  }
0x243: {  	s0 =	smul.u32 $0x14F8B589, s0  }
0x244: {  	(v2sf) =	vpush v5, $0x0;
	[smem:$0x751] =	sst s12;
	s9 =	spop (v2sf)  }
0x245: {  	(v2sf) =	vpush v5, $0x1;
	s12 =	smulhi.u32 $0x14F8B589, s9;
	[smem:$0x752] =	sst s0;
	s0 =	sshra.s32 s19, $0x1F  }
0x246: {  	[smem:$0x753] =	sst s5;
	s0 =	smul.u32 $0x14F8B589, s0  }
0x247: {  	[smem:$0x755] =	sst s12  }
0x248: {  	[smem:$0x754] =	sst s0;
	s0 =	sshra.s32 s9, $0x1F  }
0x249: {  	(v2sf) =	vpush v5, $0x2;
	s19 =	spop (v2sf);
	s0 =	smul.u32 $0x14F8B589, s0  }
0x24a: {  	s5 =	smulhi.u32 $0x14F8B589, s19;
	s9 =	spop (v2sf)  }
0x24b: {  	(v2sf) =	vpush v5, $0x3;
	s12 =	smulhi.u32 $0x14F8B589, s9;
	[smem:$0x756] =	sst s0;
	s0 =	sshra.s32 s19, $0x1F  }
0x24c: {  	[smem:$0x757] =	sst s5;
	s0 =	smul.u32 $0x14F8B589, s0  }
0x24d: {  	[smem:$0x759] =	sst s12;
	s19 =	spop (v2sf)  }
0x24e: {  	s5 =	smulhi.u32 $0x14F8B589, s19;
	[smem:$0x758] =	sst s0;
	s0 =	sshra.s32 s9, $0x1F  }
0x24f: {  	(v2sf) =	vpush v5, $0x4;
	s9 =	spop (v2sf);
	s0 =	smul.u32 $0x14F8B589, s0  }
0x250: {  	[smem:$0x75B] =	sst s5;
	s12 =	smulhi.u32 $0x14F8B589, s9  }
0x251: {  	(v2sf) =	vpush v5, $0x5;
	[smem:$0x75A] =	sst s0  }
0x252: {  	s22 =	smulhi.u32 $0x14F8B589, s26;
	s0 =	sshra.s32 s19, $0x1F;
	[smem:$0x75D] =	sst s12  }
0x253: {  	s19 =	spop (v2sf);
	s0 =	smul.u32 $0x14F8B589, s0  }
0x254: {  	s5 =	smulhi.u32 $0x14F8B589, s19;
	s12 =	spop (v2sf)  }
0x255: {  	(v2sf) =	vpush v5, $0x6;
	[smem:$0x75C] =	sst s0;
	s0 =	sshra.s32 s9, $0x1F;
	s9 =	smulhi.u32 $0x14F8B589, s12  }
0x256: {  	s12 =	sshra.s32 s12, $0x1F;
	s0 =	smul.u32 $0x14F8B589, s0  }
0x257: {  	[smem:$0x760] =	sst s9;
	s9 =	smul.u32 $0x14F8B589, s12  }
0x258: {  	[smem:$0x75E] =	sst s0;
	s0 =	sshra.s32 s19, $0x1F;
	s19 =	spop (v2sf)  }
0x259: {  	(v2sf) =	vpush v5, $0x7;
	[smem:$0x75F] =	sst s5;
	s5 =	smulhi.u32 $0x14F8B589, s19;
	s12 =	sshra.s32 s19, $0x1F  }
0x25a: {  	s19 =	spop (v2sf);
	s12 =	smul.u32 $0x14F8B589, s12  }
0x25b: {  	v6 =	vmul.u32 $0x35, v7;
	[smem:$0x761] =	sst s5;
	s5 =	smulhi.u32 $0x14F8B589, s19  }
0x25c: {  	s26 =	smulhi.u32 $0x14F8B589, s31;
	[smem:$0x762] =	sst s12  }
0x25d: {  	s31 =	smulhi.u32 $0x14F8B589, s2;
	(v2sf) =	vpush v6, $0xD;
	s12 =	sshra.s32 s19, $0x1F;
	[smem:$0x763] =	sst s5  }
0x25e: {  	s5 =	smul.u32 $0x14F8B589, s12;
	s12 =	spop (v2sf)  }
0x25f: {  	s19 =	smulhi.u32 $0x14F8B589, s12;
	s12 =	sshra.s32 s12, $0x1F  }
0x260: {  	s2 =	smul.u32 $0x14F8B589, s12;
	s12 =	spop (v2sf)  }
0x261: {  	(v2sf) =	vpush v6, $0xC;
	[smem:$0x764] =	sst s19;
	s19 =	smulhi.u32 $0x14F8B589, s12;
	s12 =	sshra.s32 s12, $0x1F  }
0x262: {  	s12 =	smul.u32 $0x14F8B589, s12;
	_ =	sdelay $0x1  }
0x263: {  	[smem:$0x766] =	sst s12;
	s12 =	spop (v2sf)  }
0x264: {  	[smem:$0x765] =	sst s19;
	s19 =	smulhi.u32 $0x14F8B589, s12;
	s12 =	sshra.s32 s12, $0x1F  }
0x265: {  	s12 =	smul.u32 $0x14F8B589, s12;
	_ =	sdelay $0x1  }
0x266: {  	(v2sf) =	vpush v6, $0xE;
	[smem:$0x768] =	sst s12;
	s12 =	spop (v2sf)  }
0x267: {  	[smem:$0x767] =	sst s19;
	s19 =	smulhi.u32 $0x14F8B589, s12;
	s12 =	sshra.s32 s12, $0x1F  }
0x268: {  	(v2sf) =	vpush v6, $0xF;
	s12 =	smul.u32 $0x14F8B589, s12;
	_ =	sdelay $0x1  }
0x269: {  	s6 =	sadd.s32 s6, s20;
	[smem:$0x76A] =	sst s12;
	s12 =	spop (v2sf)  }
0x26a: {  	[smem:$0x769] =	sst s19;
	s19 =	smulhi.u32 $0x14F8B589, s12;
	s12 =	sshra.s32 s12, $0x1F  }
0x26b: {  	[smem:$0x77E] =	sst s6;
	s4 =	sadd.s32 s4, s21;
	s12 =	smul.u32 $0x14F8B589, s12  }
0x26c: {  	[smem:$0x77F] =	sst s4;
	(v2sf) =	vpush v6, $0x9  }
0x26d: {  	[smem:$0x76C] =	sst s12;
	s12 =	spop (v2sf)  }
0x26e: {  	s3 =	sadd.s32 s3, s22;
	[smem:$0x76B] =	sst s19;
	s19 =	smulhi.u32 $0x14F8B589, s12  }
0x26f: {  	[smem:$0x780] =	sst s3;
	(v2sf) =	vpush v6, $0x8  }
0x270: {  	[smem:$0x76D] =	sst s19  }
0x271: {  	s21 =	sadd.s32 s10, s23;
	(v2sf) =	vpush v6, $0xA;
	s19 =	sld [smem:$0x748]  }
0x272: {  	[smem:$0x782] =	sst s21;
	s23 =	sadd.s32 s13, s24;
	s12 =	sshra.s32 s12, $0x1F  }
0x273: {  	[smem:$0x783] =	sst s23;
	s23 =	sadd.s32 s1, s31;
	(v2sf) =	vpush v6, $0xB;
	s12 =	smul.u32 $0x14F8B589, s12  }
0x274: {  	s31 =	sld [smem:$0x74B];
	s8 =	sadd.s32 s8, s19;
	s19 =	spop (v2sf)  }
0x275: {  	[smem:$0x76E] =	sst s12;
	s20 =	smulhi.u32 $0x14F8B589, s19  }
0x276: {  	(v2sf) =	vpush v6, $0x0;
	[smem:$0x77D] =	sst s8;
	s8 =	sshra.s32 s19, $0x1F;
	s12 =	spop (v2sf)  }
0x277: {  	s6 =	smul.u32 $0x14F8B589, s8;
	s8 =	sadd.s32 s28, s25;
	[smem:$0x76F] =	sst s20  }
0x278: {  	s19 =	smulhi.u32 $0x14F8B589, s12;
	[smem:$0x784] =	sst s8  }
0x279: {  	s20 =	sshra.s32 s12, $0x1F;
	s12 =	sadd.s32 s30, s26;
	s26 =	sld [smem:$0x74A]  }
0x27a: {  	[smem:$0x770] =	sst s19  }
0x27b: {  	s22 =	spop (v2sf);
	[smem:$0x785] =	sst s12  }
0x27c: {  	s24 =	smulhi.u32 $0x14F8B589, s22;
	s12 =	sld [smem:$0x74E]  }
0x27d: {  	(v2sf) =	vpush v6, $0x1;
	s3 =	smul.u32 $0x14F8B589, s20;
	s20 =	sadd.s32 s15, s29;
	s15 =	sld [smem:$0x750]  }
0x27e: {  	s10 =	spop (v2sf);
	[smem:$0x772] =	sst s24  }
0x27f: {  	s13 =	smulhi.u32 $0x14F8B589, s10;
	s24 =	sld [smem:$0x749]  }
0x280: {  	s19 =	spop (v2sf);
	[smem:$0x771] =	sst s3  }
0x281: {  	s21 =	smulhi.u32 $0x14F8B589, s19;
	[smem:$0x774] =	sst s13  }
0x282: {  	s25 =	spop (v2sf);
	s30 =	sadd.s32 s17, s26;
	s17 =	sld [smem:$0x751]  }
0x283: {  	s3 =	sshra.s32 s22, $0x1F;
	s22 =	sshra.s32 s19, $0x1F;
	s19 =	sld [smem:$0x753]  }
0x284: {  	s29 =	smulhi.u32 $0x14F8B589, s25;
	[smem:$0x776] =	sst s21  }
0x285: {  	s4 =	spop (v2sf);
	s21 =	sld [smem:$0x754]  }
0x286: {  	s3 =	smul.u32 $0x14F8B589, s3;
	[smem:$0x778] =	sst s29  }
0x287: {  	s1 =	smul.u32 $0x14F8B589, s22;
	s28 =	sadd.s32 s11, s24;
	s24 =	sld [smem:$0x755]  }
0x288: {  	s8 =	smulhi.u32 $0x14F8B589, s4;
	[smem:$0x773] =	sst s3  }
0x289: {  	s3 =	sshra.s32 s10, $0x1F;
	[smem:$0x777] =	sst s1  }
0x28a: {  	s1 =	sshra.s32 s25, $0x1F;
	[smem:$0x77A] =	sst s8;
	s3 =	smul.u32 $0x14F8B589, s3  }
0x28b: {  	s10 =	sld [smem:$0x74D];
	s1 =	smul.u32 $0x14F8B589, s1  }
0x28c: {  	s11 =	spop (v2sf);
	[smem:$0x775] =	sst s3  }
0x28d: {  	s13 =	smulhi.u32 $0x14F8B589, s11;
	[smem:$0x779] =	sst s1  }
0x28e: {  	(v2sf) =	vpush v6, $0x2;
	s3 =	sadd.s32 s7, s31;
	s7 =	sld [smem:$0x74C]  }
0x28f: {  	[smem:$0x77C] =	sst s13  }
0x290: {  	s31 =	sld [smem:$0x756]  }
0x291: {  	s1 =	sshra.s32 s4, $0x1F;
	s4 =	sld [smem:$0x757]  }
0x292: {  	s13 =	sld [smem:$0x75C];
	s1 =	smul.u32 $0x14F8B589, s1  }
0x293: {  	(v2sf) =	vpush v6, $0x3;
	[smem:$0x786] =	sst s3  }
0x294: {  	[smem:$0x77B] =	sst s1  }
0x295: {  	(v2sf) =	vpush v6, $0x4;
	s3 =	sadd.s32 s18, s7;
	s18 =	sld [smem:$0x752]  }
0x296: {  	(v2sf) =	vpush v6, $0x5;
	s7 =	sld [smem:$0x758]  }
0x297: {  	s1 =	sshra.s32 s11, $0x1F;
	s11 =	sld [smem:$0x75A]  }
0x298: {  	[smem:$0x787] =	sst s3  }
0x299: {  	s3 =	sadd.s32 s14, s10;
	s14 =	sld [smem:$0x74F]  }
0x29a: {  	(v2sf) =	vpush v6, $0x6;
	s10 =	sld [smem:$0x759]  }
0x29b: {  	[smem:$0x788] =	sst s3  }
0x29c: {  	s29 =	smul.u32 $0x14F8B589, s1;
	s3 =	sadd.s32 s16, s12;
	s12 =	sld [smem:$0x75B]  }
0x29d: {  	s16 =	spop (v2sf);
	[smem:$0x781] =	sst s3  }
0x29e: {  	s26 =	smulhi.u32 $0x14F8B589, s16;
	s1 =	sshra.s32 s16, $0x1F;
	s16 =	sld [smem:$0x75E]  }
0x29f: {  	(v2sf) =	vpush v6, $0x7;
	s3 =	sadd.s32 s15, s14;
	s15 =	sld [smem:$0x75D]  }
0x2a0: {  	[smem:$0x789] =	sst s3  }
0x2a1: {  	s0 =	smul.u32 $0x14F8B589, s0;
	s3 =	sadd.s32 s18, s17;
	s17 =	sld [smem:$0x75F]  }
0x2a2: {  	s22 =	spop (v2sf);
	[smem:$0x78A] =	sst s3;
	s3 =	sadd.s32 s21, s19  }
0x2a3: {  	s25 =	smul.u32 $0x14F8B589, s1;
	[smem:$0x78B] =	sst s3;
	s3 =	sadd.s32 s31, s24  }
0x2a4: {  	s8 =	spop (v2sf);
	[smem:$0x78C] =	sst s3  }
0x2a5: {  	v7 =	vmul.u32 $0x4F, v7;
	s14 =	spop (v2sf);
	s3 =	sadd.s32 s7, s4;
	s4 =	sld [smem:$0x761]  }
0x2a6: {  	s21 =	smulhi.u32 $0x14F8B589, s8;
	s7 =	sld [smem:$0x762]  }
0x2a7: {  	(v2sf) =	vpush v7, $0xD;
	s19 =	smulhi.u32 $0x14F8B589, s14;
	s0 =	sadd.s32 s0, s17;
	[smem:$0x78D] =	sst s3  }
0x2a8: {  	s1 =	sshra.s32 s22, $0x1F;
	s24 =	smulhi.u32 $0x14F8B589, s22;
	[smem:$0x790] =	sst s0  }
0x2a9: {  	(v2sf) =	vpush v7, $0xC;
	s31 =	spop (v2sf);
	s3 =	sadd.s32 s11, s10;
	s10 =	sld [smem:$0x764]  }
0x2aa: {  	s17 =	smulhi.u32 $0x14F8B589, s31;
	s0 =	sshra.s32 s31, $0x1F;
	s31 =	sld [smem:$0x766]  }
0x2ab: {  	s22 =	smul.u32 $0x14F8B589, s1;
	[smem:$0x78F] =	sst s3;
	s3 =	sadd.s32 s13, s12  }
0x2ac: {  	s1 =	sshra.s32 s8, $0x1F;
	[smem:$0x791] =	sst s3;
	s3 =	sadd.s32 s16, s15  }
0x2ad: {  	s18 =	smul.u32 $0x14F8B589, s1;
	[smem:$0x792] =	sst s3  }
0x2ae: {  	s8 =	spop (v2sf);
	s3 =	sld [smem:$0x760]  }
0x2af: {  	s1 =	sshra.s32 s14, $0x1F;
	s14 =	smul.u32 $0x14F8B589, s0;
	s12 =	sld [smem:$0x765]  }
0x2b0: {  	(v2sf) =	vpush v7, $0xE;
	s0 =	sshra.s32 s8, $0x1F;
	s15 =	smulhi.u32 $0x14F8B589, s8;
	s8 =	sld [smem:$0x76A]  }
0x2b1: {  	s16 =	smul.u32 $0x14F8B589, s1;
	s1 =	sadd.s32 s9, s3;
	s9 =	sld [smem:$0x763]  }
0x2b2: {  	s3 =	sld [smem:$0x767]  }
0x2b3: {  	[smem:$0x793] =	sst s1  }
0x2b4: {  	s1 =	sadd.s32 s7, s4;
	s4 =	sld [smem:$0x768]  }
0x2b5: {  	(v2sf) =	vpush v7, $0xF;
	s7 =	sld [smem:$0x769]  }
0x2b6: {  	s11 =	spop (v2sf);
	[smem:$0x794] =	sst s1  }
0x2b7: {  	s13 =	smul.u32 $0x14F8B589, s0;
	s1 =	sadd.s32 s5, s9;
	s9 =	sld [smem:$0x76B]  }
0x2b8: {  	s5 =	spop (v2sf);
	[smem:$0x795] =	sst s1;
	s1 =	sadd.s32 s2, s10  }
0x2b9: {  	s0 =	sshra.s32 s11, $0x1F;
	s10 =	smulhi.u32 $0x14F8B589, s5;
	[smem:$0x796] =	sst s1  }
0x2ba: {  	s1 =	sadd.s32 s31, s12;
	s12 =	smulhi.u32 $0x14F8B589, s11;
	s31 =	sld [smem:$0x76C]  }
0x2bb: {  	s11 =	smul.u32 $0x14F8B589, s0;
	s0 =	sshra.s32 s5, $0x1F;
	s5 =	sld [smem:$0x76E]  }
0x2bc: {  	(v2sf) =	vpush v7, $0x9;
	[smem:$0x797] =	sst s1  }
0x2bd: {  	s1 =	sadd.s32 s4, s3;
	s4 =	sld [smem:$0x76D]  }
0x2be: {  	[smem:$0x798] =	sst s1  }
0x2bf: {  	s3 =	spop (v2sf);
	s1 =	sadd.s32 s8, s7;
	s7 =	sld [smem:$0x76F]  }
0x2c0: {  	s8 =	smulhi.u32 $0x14F8B589, s3;
	[smem:$0x78E] =	sst s1;
	s1 =	sadd.s32 s31, s9  }
0x2c1: {  	s9 =	smul.u32 $0x14F8B589, s0;
	s0 =	sshra.s32 s3, $0x1F;
	s3 =	sld [smem:$0x770]  }
0x2c2: {  	[smem:$0x799] =	sst s1  }
0x2c3: {  	s1 =	sadd.s32 s5, s4;
	s4 =	sld [smem:$0x771]  }
0x2c4: {  	s31 =	spop (v2sf);
	s5 =	sld [smem:$0x772]  }
0x2c5: {  	[smem:$0x79A] =	sst s1;
	s1 =	sadd.s32 s6, s7;
	s7 =	smul.u32 $0x14F8B589, s0  }
0x2c6: {  	s6 =	smulhi.u32 $0x14F8B589, s31;
	s0 =	sshra.s32 s31, $0x1F;
	s31 =	sld [smem:$0x773]  }
0x2c7: {  	[smem:$0x79B] =	sst s1  }
0x2c8: {  	s1 =	sadd.s32 s4, s3;
	s4 =	sld [smem:$0x774]  }
0x2c9: {  	[smem:$0x79C] =	sst s1  }
0x2ca: {  	(v2sf) =	vpush v7, $0x8;
	s1 =	sadd.s32 s31, s5;
	s31 =	sld [smem:$0x775]  }
0x2cb: {  	s3 =	spop (v2sf)  }
0x2cc: {  	(v2sf) =	vpush v7, $0xA;
	s5 =	smul.u32 $0x14F8B589, s0;
	s0 =	sshra.s32 s3, $0x1F;
	[smem:$0x79D] =	sst s1  }
0x2cd: {  	(v2sf) =	vpush v7, $0xB;
	s1 =	sadd.s32 s31, s4;
	s4 =	smulhi.u32 $0x14F8B589, s3;
	s3 =	sld [smem:$0x776]  }
0x2ce: {  	s31 =	sld [smem:$0x777]  }
0x2cf: {  	s2 =	sld [smem:$0x778]  }
0x2d0: {  	[smem:$0x79E] =	sst s1  }
0x2d1: {  	(v2sf) =	vpush v7, $0x0;
	s13 =	sadd.s32 s13, s15;
	s1 =	sadd.s32 s31, s3;
	s31 =	sld [smem:$0x779]  }
0x2d2: {  	[smem:$0x79F] =	sst s13  }
0x2d3: {  	(v2sf) =	vpush v7, $0x1;
	[smem:$0x7A0] =	sst s1  }
0x2d4: {  	s1 =	sadd.s32 s31, s2;
	s31 =	sld [smem:$0x77B]  }
0x2d5: {  	s26 =	sadd.s32 s25, s26;
	(v2sf) =	vpush v7, $0x2;
	[smem:$0x7A2] =	sst s1  }
0x2d6: {  	s24 =	sadd.s32 s22, s24;
	s11 =	sadd.s32 s11, s12;
	s1 =	sld [smem:$0x77A]  }
0x2d7: {  	s18 =	sadd.s32 s18, s21;
	(v2sf) =	vpush v7, $0x3;
	[dreg:$0x1b] =	wrdreg s11;
	s9 =	sadd.s32 s9, s10  }
0x2d8: {  	s14 =	sadd.s32 s14, s17;
	[dreg:$0x1c] =	wrdreg s9;
	s3 =	smul.u32 $0x14F8B589, s0  }
0x2d9: {  	s0 =	spop (v2sf);
	s1 =	sadd.s32 s31, s1;
	s31 =	sld [smem:$0x77C]  }
0x2da: {  	s2 =	smulhi.u32 $0x14F8B589, s0;
	s0 =	sshra.s32 s0, $0x1F;
	[smem:$0x7A1] =	sst s1  }
0x2db: {  	s7 =	sadd.s32 s7, s8;
	s1 =	smul.u32 $0x14F8B589, s0;
	s0 =	spop (v2sf)  }
0x2dc: {  	[dreg:$0x1e] =	wrdreg s7;
	s29 =	sadd.s32 s29, s31;
	s31 =	spop (v2sf)  }
0x2dd: {  	s16 =	sadd.s32 s16, s19;
	[smem:$0x7A3] =	sst s29;
	s29 =	smulhi.u32 $0x14F8B589, s0  }
0x2de: {  	s5 =	sadd.s32 s5, s6;
	s0 =	sshra.s32 s0, $0x1F;
	s22 =	smulhi.u32 $0x14F8B589, s31  }
0x2df: {  	[dreg:$0x1d] =	wrdreg s5;
	s25 =	sshra.s32 s31, $0x1F;
	s0 =	smul.u32 $0x14F8B589, s0  }
0x2e0: {  	s3 =	sadd.s32 s3, s4;
	s31 =	spop (v2sf);
	s21 =	smul.u32 $0x14F8B589, s25  }
0x2e1: {  	[smem:$0x7A4] =	sst s3;
	s19 =	smulhi.u32 $0x14F8B589, s31;
	s25 =	sshra.s32 s31, $0x1F  }
0x2e2: {  	s1 =	sadd.s32 s1, s2;
	s31 =	spop (v2sf);
	s17 =	smul.u32 $0x14F8B589, s25  }
0x2e3: {  	[dreg:$0x1a] =	wrdreg s1;
	s13 =	smulhi.u32 $0x14F8B589, s31;
	s31 =	sshra.s32 s31, $0x1F  }
0x2e4: {  	s25 =	spop (v2sf);
	s11 =	smul.u32 $0x14F8B589, s31  }
0x2e5: {  	s9 =	smulhi.u32 $0x14F8B589, s25;
	s31 =	sshra.s32 s25, $0x1F;
	s0 =	sadd.s32 s0, s29  }
0x2e6: {  	s12 =	spop (v2sf);
	s8 =	sadd.s32 s21, s22;
	[dreg:$0x19] =	wrdreg s0  }
0x2e7: {  	s10 =	smul.u32 $0x14F8B589, s31;
	[dreg:$0x10] =	wrdreg s8  }
0x2e8: {  	s15 =	smulhi.u32 $0x14F8B589, s12;
	s31 =	sshra.s32 s12, $0x1F;
	s12 =	sld [smem:$0x77F]  }
0x2e9: {  	s21 =	sadd.s32 s17, s19;
	s17 =	sld [smem:$0x782];
	s19 =	sshrl.u32 s20, $0x1F  }
0x2ea: {  	s6 =	smul.u32 $0x14F8B589, s31;
	s25 =	sadd.s32 s11, s13;
	s13 =	sld [smem:$0x780]  }
0x2eb: {  	s31 =	sshra.s32 s20, $0xD;
	s29 =	sadd.s32 s10, s9;
	s9 =	sld [smem:$0x77D]  }
0x2ec: {  	v10 =	vmov s19;
	s19 =	sshra.s32 s23, $0xD;
	s10 =	sld [smem:$0x77E];
	s22 =	sadd.s32 s6, s15  }
0x2ed: {  	s7 =	sshrl.u32 s13, $0x1F;
	s1 =	sshra.s32 s13, $0xD;
	s13 =	sld [smem:$0x781]  }
0x2ee: {  	s6 =	sshrl.u32 s12, $0x1F;
	s3 =	sshra.s32 s12, $0xD;
	s8 =	sshrl.u32 s17, $0x1F  }
0x2ef: {  	s4 =	sshra.s32 s17, $0xD;
	s12 =	sshra.s32 s20, $0x1F;
	s17 =	sshrl.u32 s23, $0x1F  }
0x2f0: {  	vm4 =	vcmask $0x300;
	s20 =	sshra.s32 s23, $0x1F;
	s23 =	sld [smem:$0x784];
	s15 =	sshra.s32 s13, $0x1F  }
0x2f1: {  	vm10 =	vcmask $0x704;
	v10 =	vnsel vm4, $0x0, v10;
	s11 =	sshrl.u32 s10, $0x1F;
	v8 =	vmov s15;
	s15 =	sld [smem:$0x783]  }
0x2f2: {  	v10 =	vsel vm0, s17, v10;
	s17 =	sshra.s32 s28, $0xD;
	s2 =	sshrl.u32 s9, $0x1F;
	s0 =	sshra.s32 s9, $0xD;
	v9 =	vmov s11;
	v8 =	vsel vm4, s31, v8  }
0x2f3: {  	s5 =	sshra.s32 s10, $0xD;
	s9 =	sshrl.u32 s23, $0x1F;
	v9 =	vsel vm0, s2, v9;
	s31 =	sshrl.u32 s28, $0x1F;
	v8 =	vsel vm10, s12, v8  }
0x2f4: {  	vm11 =	vcmask $0xF0C;
	v9 =	vsel vm1, s6, v9;
	s12 =	sld [smem:$0x787];
	s10 =	sshrl.u32 s15, $0x1F;
	s2 =	sshra.s32 s15, $0xD;
	v11 =	vsel vm0, s19, v8  }
0x2f5: {  	v8 =	vsel vm2, s7, v9;
	v9 =	vsel vm1, s31, v10;
	s15 =	sshrl.u32 s30, $0x1F;
	s19 =	sshra.s32 s28, $0x1F;
	v10 =	vsel vm11, s20, v11;
	s20 =	sld [smem:$0x785]  }
0x2f6: {  	s31 =	sshra.s32 s30, $0xD;
	v11 =	vmov s10;
	v9 =	vsel vm2, s15, v9;
	s15 =	sshra.s32 s30, $0x1F;
	v10 =	vsel vm1, s17, v10;
	s17 =	sld [smem:$0x786]  }
0x2f7: {  	vm12 =	vcmask $0x1714;
	s30 =	sshrl.u32 s13, $0x1F;
	v11 =	vsel vm0, s8, v11;
	s8 =	sshra.s32 s13, $0xD;
	s13 =	sld [smem:$0x789]  }
0x2f8: {  	s6 =	sshra.s32 s23, $0xD;
	s28 =	sshrl.u32 s12, $0x1F;
	v10 =	vsel vm12, s19, v10;
	s19 =	sld [smem:$0x788]  }
0x2f9: {  	vm13 =	vcmask $0x1F1C;
	v11 =	vsel vm1, s9, v11;
	s9 =	sshra.s32 s12, $0x1F;
	s10 =	sshrl.u32 s20, $0x1F;
	s7 =	sshra.s32 s20, $0xD;
	v12 =	vsel vm2, s31, v10  }
0x2fa: {  	vm5 =	vcmask $0x2320;
	s31 =	sshra.s32 s12, $0xD;
	s23 =	sshrl.u32 s17, $0x1F;
	v10 =	vsel vm2, s10, v11;
	v11 =	vsel vm13, s15, v12;
	s15 =	sshrl.u32 s13, $0x1F  }
0x2fb: {  	vm6 =	vcmask $0x2B28;
	v12 =	vmov s5;
	s5 =	sld [smem:$0x78D];
	v9 =	vsel vm5, s23, v9;
	s20 =	sshrl.u32 s19, $0x1F;
	s23 =	sshra.s32 s17, $0xD  }
0x2fc: {  	vm7 =	vcmask $0x3330;
	vm8 =	vcmask $0x3B38;
	vm14 =	vcmask $0x2724;
	s11 =	sshra.s32 s19, $0xD;
	s12 =	sshra.s32 s19, $0x1F;
	s19 =	sld [smem:$0x78A]  }
0x2fd: {  	v12 =	vsel vm0, s0, v12;
	s0 =	sshra.s32 s13, $0xD;
	s13 =	sld [smem:$0x790];
	v9 =	vsel vm6, s28, v9;
	s28 =	sshra.s32 s17, $0x1F;
	v11 =	vsel vm5, s23, v11  }
0x2fe: {  	vm15 =	vcmask $0x2F2C;
	v13 =	vmov s2;
	s23 =	sld [smem:$0x78B];
	v11 =	vsel vm14, s28, v11  }
0x2ff: {  	v13 =	vsel vm0, s4, v13;
	s17 =	sld [smem:$0x78E];
	v9 =	vsel vm7, s20, v9;
	v11 =	vsel vm6, s31, v11;
	s20 =	sshrl.u32 s19, $0x1F  }
0x300: {  	v13 =	vsel vm1, s6, v13;
	v9 =	vsel vm8, s30, v9;
	s4 =	sshra.s32 s19, $0xD;
	s30 =	sld [smem:$0x78C];
	s19 =	sshrl.u32 s13, $0x1F;
	v11 =	vsel vm15, s9, v11  }
0x301: {  	vm3 =	vcmask $0x3734;
	v14 =	vsel vm2, s7, v13;
	s28 =	sshrl.u32 s23, $0x1F;
	s2 =	sshra.s32 s23, $0xD;
	s23 =	sld [smem:$0x791];
	v11 =	vsel vm7, s11, v11  }
0x302: {  	v12 =	vsel vm1, s3, v12;
	v13 =	vmov s20;
	s9 =	sshra.s32 s17, $0x1F;
	s20 =	sshra.s32 s13, $0x1F;
	v11 =	vsel vm3, s12, v11;
	s12 =	sld [smem:$0x78F]  }
0x303: {  	v12 =	vsel vm2, s1, v12;
	v15 =	vsel vm0, s15, v13;
	s31 =	sshrl.u32 s30, $0x1F;
	s1 =	sshra.s32 s30, $0xD;
	s30 =	sld [smem:$0x793]  }
0x304: {  	v16 =	vmov s9;
	s15 =	sshra.s32 s13, $0xD;
	v13 =	vsel vm8, s8, v11;
	v11 =	vsel vm1, s28, v15;
	s8 =	sshra.s32 s23, $0xD;
	s28 =	sld [smem:$0x792]  }
0x305: {  	v15 =	vsel vm4, s15, v16;
	v16 =	vmov s19;
	s19 =	sld [smem:$0x794];
	s9 =	sshrl.u32 s12, $0x1F;
	s3 =	sshra.s32 s12, $0xD  }
0x306: {  	v11 =	vsel vm2, s31, v11;
	v15 =	vsel vm10, s20, v15;
	s31 =	sshra.s32 s30, $0xD;
	s10 =	sshrl.u32 s30, $0x1F;
	s15 =	sshra.s32 s30, $0x1F  }
0x307: {  	v16 =	vnsel vm4, $0x0, v16;
	s6 =	sshrl.u32 s28, $0x1F;
	v15 =	vsel vm0, s31, v15;
	s11 =	sshra.s32 s28, $0xD;
	s28 =	sld [smem:$0x795]  }
0x308: {  	s12 =	sshrl.u32 s23, $0x1F;
	v16 =	vsel vm0, s10, v16;
	s20 =	sshrl.u32 s19, $0x1F;
	s23 =	sshra.s32 s19, $0xD;
	v15 =	vsel vm11, s15, v15  }
0x309: {  	s7 =	sshrl.u32 s5, $0x1F;
	v17 =	vmov s9;
	s10 =	sshra.s32 s19, $0x1F;
	v16 =	vsel vm1, s20, v16;
	s20 =	sld [smem:$0x797];
	v15 =	vsel vm1, s23, v15  }
0x30a: {  	v17 =	vsel vm0, s7, v17;
	s30 =	sshrl.u32 s28, $0x1F;
	v18 =	vsel vm12, s10, v15;
	s10 =	sld [smem:$0x796]  }
0x30b: {  	v17 =	vsel vm1, s12, v17;
	s31 =	sshra.s32 s28, $0xD;
	s12 =	sshra.s32 s28, $0x1F;
	s28 =	sld [smem:$0x798]  }
0x30c: {  	_ = 	snop  }
0x30d: {  	s23 =	sshrl.u32 s20, $0x1F;
	s7 =	sshra.s32 s20, $0xD;
	s9 =	sshra.s32 s20, $0x1F  }
0x30e: {  	v15 =	vsel vm2, s6, v17;
	v16 =	vsel vm2, s30, v16;
	v17 =	vsel vm2, s31, v18;
	s20 =	sld [smem:$0x799];
	s15 =	sshrl.u32 s10, $0x1F;
	s30 =	sshrl.u32 s28, $0x1F  }
0x30f: {  	v17 =	vsel vm13, s12, v17;
	s12 =	sshra.s32 s28, $0xD;
	v16 =	vsel vm5, s15, v16;
	s15 =	sshra.s32 s28, $0x1F;
	s28 =	sld [smem:$0x79B]  }
0x310: {  	s5 =	sshra.s32 s5, $0xD;
	s31 =	sshrl.u32 s17, $0x1F;
	v16 =	vsel vm6, s23, v16;
	s23 =	sld [smem:$0x79A]  }
0x311: {  	(v2sf) =	vpush v7, $0x4;
	v18 =	vmov s4;
	s17 =	sshra.s32 s17, $0xD;
	s19 =	sshra.s32 s10, $0xD;
	v16 =	vsel vm7, s30, v16;
	s30 =	sld [smem:$0x79C]  }
0x312: {  	v18 =	vsel vm0, s0, v18;
	s13 =	sshra.s32 s10, $0x1F;
	v17 =	vsel vm5, s19, v17;
	s19 =	sshrl.u32 s20, $0x1F;
	v16 =	vsel vm8, s31, v16;
	s31 =	sld [smem:$0x79D]  }
0x313: {  	(v2sf) =	vpush v7, $0x5;
	v18 =	vsel vm1, s2, v18;
	v17 =	vsel vm14, s13, v17;
	s6 =	sshrl.u32 s23, $0x1F;
	s4 =	sshra.s32 s23, $0xD;
	s23 =	sld [smem:$0x79F]  }
0x314: {  	v19 =	vsel vm6, s7, v17;
	v17 =	vsel vm2, s1, v18;
	v18 =	vmov s3;
	s13 =	sshrl.u32 s30, $0x1F;
	s1 =	sshra.s32 s30, $0xD;
	s30 =	sld [smem:$0x7A1]  }
0x315: {  	s0 =	sshra.s32 s20, $0xD;
	s10 =	sshrl.u32 s28, $0x1F;
	v19 =	vsel vm15, s9, v19;
	v18 =	vsel vm0, s5, v18;
	s5 =	sld [smem:$0x79E]  }
0x316: {  	(v2sf) =	vpush v7, $0x6;
	s2 =	sshra.s32 s28, $0xD;
	s28 =	sld [smem:$0x7A0];
	v19 =	vsel vm7, s12, v19;
	s20 =	sshra.s32 s23, $0x1F  }
0x317: {  	v18 =	vsel vm1, s8, v18;
	v20 =	vsel vm3, s15, v19;
	s9 =	sshrl.u32 s31, $0x1F;
	s7 =	sshra.s32 s31, $0xD;
	v21 =	vmov s20;
	s31 =	sshra.s32 s30, $0xD  }
0x318: {  	v19 =	vsel vm2, s11, v18;
	s12 =	sshrl.u32 s5, $0x1F;
	s5 =	sshra.s32 s5, $0xD;
	v18 =	vsel vm8, s17, v20;
	v20 =	vsel vm4, s31, v21;
	s31 =	sld [smem:$0x7A2]  }
0x319: {  	s15 =	sshrl.u32 s28, $0x1F;
	s3 =	sshra.s32 s28, $0xD;
	v21 =	vmov s6;
	s6 =	sld [smem:$0x7A3]  }
0x31a: {  	(v2sf) =	vpush v7, $0x7;
	v24 =	vmov s4;
	s28 =	sshrl.u32 s30, $0x1F;
	s30 =	sshra.s32 s30, $0x1F;
	s20 =	sshra.s32 s26, $0xD;
	v21 =	vsel vm0, s19, v21  }
0x31b: {  	v24 =	vsel vm0, s0, v24;
	s19 =	sshrl.u32 s26, $0x1F;
	v21 =	vsel vm1, s10, v21;
	s10 =	rddreg [dreg:$0x1a];
	s17 =	sshrl.u32 s31, $0x1F  }
0x31c: {  	v25 =	vmov s5;
	v22 =	vmov s28;
	v20 =	vsel vm10, s30, v20;
	s8 =	sshra.s32 s31, $0xD;
	s28 =	sshrl.u32 s6, $0x1F;
	s30 =	sshra.s32 s6, $0xD  }
0x31d: {  	v24 =	vsel vm1, s2, v24;
	v25 =	vsel vm0, s7, v25;
	v22 =	vnsel vm4, $0x0, v22;
	s31 =	sshra.s32 s6, $0x1F;
	s6 =	sshra.s32 s18, $0x1F;
	s2 =	sshrl.u32 s10, $0x1F  }
0x31e: {  	v25 =	vsel vm1, s3, v25;
	v20 =	vsel vm0, s30, v20;
	v22 =	vsel vm0, s28, v22;
	s28 =	sshra.s32 s26, $0x1F;
	s30 =	sshrl.u32 s24, $0x1F;
	s26 =	sshra.s32 s18, $0xD  }
0x31f: {  	v25 =	vsel vm2, s8, v25;
	s8 =	rddreg [dreg:$0x10];
	v23 =	vsel vm11, s31, v20;
	s31 =	sshra.s32 s24, $0xD;
	v20 =	vsel vm2, s13, v21;
	s13 =	sshra.s32 s14, $0x1F  }
0x320: {  	v21 =	vsel vm1, s19, v22;
	s19 =	rddreg [dreg:$0x1e];
	v22 =	vsel vm1, s20, v23;
	s20 =	sshra.s32 s24, $0x1F;
	s24 =	sshrl.u32 s18, $0x1F  }
0x321: {  	v23 =	vmov s12;
	v21 =	vsel vm2, s30, v21;
	s12 =	sshra.s32 s16, $0xD;
	s18 =	sshra.s32 s16, $0x1F;
	s30 =	spop (v2sf)  }
0x322: {  	v22 =	vsel vm12, s28, v22;
	s28 =	sshrl.u32 s16, $0x1F;
	v23 =	vsel vm0, s9, v23;
	v21 =	vsel vm5, s24, v21;
	s11 =	sshra.s32 s30, $0x1F;
	s24 =	spop (v2sf)  }
0x323: {  	v22 =	vsel vm2, s31, v22;
	s31 =	sshrl.u32 s14, $0x1F;
	v23 =	vsel vm1, s15, v23;
	s15 =	sshra.s32 s14, $0xD;
	s14 =	smulhi.u32 $0x14F8B589, s30  }
0x324: {  	v21 =	vsel vm6, s28, v21;
	s28 =	sshra.s32 s23, $0xD;
	s16 =	smulhi.u32 $0x14F8B589, s24;
	v22 =	vsel vm13, s20, v22;
	s20 =	rddreg [dreg:$0x1b]  }
0x325: {  	v23 =	vsel vm2, s17, v23;
	v21 =	vsel vm7, s31, v21;
	s17 =	sld [smem:$0x7A4];
	s31 =	sshra.s32 s24, $0x1F;
	v22 =	vsel vm5, s26, v22;
	s26 =	sshrl.u32 s23, $0x1F  }
0x326: {  	v8 =	vcombine.low v10, v8;
	v24 =	vsel vm2, s1, v24;
	s0 =	sshrl.u32 s20, $0x1F;
	s23 =	rddreg [dreg:$0x1c];
	s1 =	smul.u32 $0x14F8B589, s31  }
0x327: {  	s31 =	sshrl.u32 s25, $0x1F;
	v22 =	vsel vm14, s6, v22;
	s6 =	smul.u32 $0x14F8B589, s11;
	s11 =	spop (v2sf)  }
0x328: {  	v8 =	vperm.xlane v8, v0;
	v12 =	vcombine.low v14, v12;
	s30 =	sshrl.u32 s23, $0x1F;
	v22 =	vsel vm6, s12, v22;
	s12 =	sshrl.u32 s19, $0x1F;
	s9 =	sshrl.u32 s17, $0x1F  }
0x329: {  	v9 =	vperm.xlane v9, v1;
	v21 =	vsel vm8, s26, v21;
	s26 =	spop (v2sf);
	s1 =	sadd.s32 s1, s16;
	s16 =	sshrl.u32 s22, $0x1F;
	v22 =	vsel vm15, s18, v22  }
0x32a: {  	v28 =	vmov s2;
	v27 =	vmov s30;
	s18 =	rddreg [dreg:$0x1d];
	s30 =	sshra.s32 s26, $0x1F;
	v22 =	vsel vm7, s15, v22;
	s15 =	sshrl.u32 s21, $0x1F  }
0x32b: {  	v12 =	vperm.xlane v12, v0;
	s2 =	sadd.s32 s6, s14;
	s14 =	sshrl.u32 s29, $0x1F;
	v28 =	vsel vm0, s9, v28;
	s9 =	sshra.s32 s20, $0xD;
	v26 =	vmov s15  }
0x32c: {  	v27 =	vsel vm0, s0, v27;
	s7 =	sshrl.u32 s18, $0x1F;
	s5 =	smul.u32 $0x14F8B589, s30;
	s30 =	sshra.s32 s11, $0x1F;
	v22 =	vsel vm3, s13, v22;
	v26 =	vnsel vm4, $0x0, v26  }
0x32d: {  	v29 =	vld [tilespmem:$0x1FFF0];
	v27 =	vsel vm1, s12, v27;
	s13 =	rddreg [dreg:$0x19];
	s15 =	sshrl.u32 s8, $0x1F;
	v22 =	vsel vm8, s28, v22;
	s28 =	smulhi.u32 $0x14F8B589, s26;
	v26 =	vsel vm0, s31, v26  }
0x32e: {  	v13 =	vperm.xlane v13, v1;
	v27 =	vsel vm2, s7, v27;
	s7 =	smul.u32 $0x14F8B589, s30;
	s24 =	sshrl.u32 s13, $0x1F;
	s31 =	sshra.s32 s23, $0xD;
	v26 =	vsel vm1, s14, v26  }
0x32f: {  	v28 =	vsel vm1, s24, v28;
	s24 =	sshrl.u32 s2, $0x1F;
	s0 =	sadd.s32 s5, s28;
	s28 =	smulhi.u32 $0x14F8B589, s11;
	v14 =	vmov s31;
	v26 =	vsel vm2, s16, v26  }
0x330: {  	s26 =	sshrl.u32 s1, $0x1F;
	v28 =	vsel vm2, s15, v28;
	s14 =	sshra.s32 s19, $0xD;
	s11 =	sshra.s32 s0, $0x1F;
	v14 =	vsel vm0, s9, v14;
	v10 =	vsel vm5, s24, v26  }
0x331: {  	s12 =	sshra.s32 s21, $0xD;
	s18 =	sshra.s32 s18, $0xD;
	v26 =	vmov s11;
	s3 =	sadd.s32 s7, s28;
	v14 =	vsel vm1, s14, v14;
	v10 =	vsel vm6, s26, v10  }
0x332: {  	s15 =	sshra.s32 s21, $0x1F;
	v26 =	vsel vm4, s12, v26;
	s16 =	sshrl.u32 s3, $0x1F;
	v14 =	vsel vm2, s18, v14;
	vm4 =	vnez.u8 v29  }
0x333: {  	s19 =	sshra.s32 s25, $0xD;
	s21 =	sshra.s32 s10, $0xD;
	v26 =	vsel vm10, s15, v26;
	v10 =	vsel vm7, s16, v10;
	v8 =	vsel vm4, v9, v8  }
0x334: {  	s20 =	sshra.s32 s25, $0x1F;
	v9 =	vsel vm4, v13, v12;
	v13 =	vmov s21;
	v26 =	vsel vm0, s19, v26  }
0x335: {  	s23 =	sshra.s32 s29, $0xD;
	v8 =	vadd.s32 v8, v9;
	v9 =	vcombine.low v15, v11;
	v12 =	vsel vm11, s20, v26  }
0x336: {  	s25 =	sshra.s32 s17, $0xD;
	s24 =	sshra.s32 s29, $0x1F;
	v15 =	vperm.xlane v18, v1;
	v8 =	vmul.u32 $0x186A0, v8;
	v12 =	vsel vm1, s23, v12  }
0x337: {  	s7 =	sshrl.u32 s0, $0x1F;
	v11 =	vsel vm12, s24, v12;
	v12 =	vsel vm0, s25, v13;
	v13 =	vcombine.low v19, v17  }
0x338: {  	s26 =	sshra.s32 s22, $0xD;
	v10 =	vsel vm8, s7, v10;
	v4 =	vsub.s32 v4, v8;
	v8 =	vperm.xlane v9, v0  }
0x339: {  	s30 =	sshra.s32 s13, $0xD;
	v9 =	vperm.xlane v16, v1;
	v11 =	vsel vm2, s26, v11;
	v13 =	vperm.xlane v13, v0  }
0x33a: {  	s28 =	sshra.s32 s22, $0x1F;
	vm10 =	vlt.s32 v4, $0x0;
	v16 =	vadd.s32 $0x186A0, v4;
	v12 =	vsel vm1, s30, v12  }
0x33b: {  	v11 =	vsel vm13, s28, v11;
	v8 =	vsel vm4, v9, v8;
	v9 =	vsel vm4, v15, v13  }
0x33c: {  	s4 =	sshra.s32 s8, $0xD;
	s29 =	sshra.s32 s2, $0xD;
	v4 =	vsel vm10, v16, v4;
	v8 =	vadd.s32 v8, v9;
	v9 =	vcombine.low v25, v24  }
0x33d: {  	s2 =	sshra.s32 s2, $0x1F;
	v12 =	vsel vm2, s4, v12;
	v11 =	vsel vm5, s29, v11;
	v8 =	vmul.u32 $0x186A0, v8  }
0x33e: {  	s31 =	sshra.s32 s1, $0xD;
	[tilespmem:$0x80] =	vst v4;
	v11 =	vsel vm14, s2, v11;
	v4 =	vperm.xlane v9, v0;
	v9 =	vperm.xlane v22, v1  }
0x33f: {  	s1 =	sshra.s32 s1, $0x1F;
	v13 =	vcombine.low v23, v20;
	v11 =	vsel vm6, s31, v11;
	v5 =	vsub.s32 v5, v8;
	v8 =	vld.msk [tilespmem:$0x80], $0xff  }
0x340: {  	s5 =	sshra.s32 s3, $0xD;
	v12 =	vcombine.low v12, v14;
	v4 =	vsel vm4, v9, v4;
	v9 =	vsel vm15, s1, v11  }
0x341: {  	s8 =	sshra.s32 s3, $0x1F;
	v15 =	vperm.xlane v21, v1;
	v13 =	vperm.xlane v13, v0;
	v9 =	vsel vm7, s5, v9  }
0x342: {  	s0 =	sshra.s32 s0, $0xD;
	v10 =	vperm.xlane v10, v1;
	v11 =	vcombine.low v28, v27;
	v9 =	vsel vm3, s8, v9  }
0x343: {  	v12 =	vperm.xlane v12, v0;
	v13 =	vsel vm4, v15, v13;
	v9 =	vsel vm8, s0, v9  }
0x344: {  	v11 =	vperm.xlane v11, v0;
	v9 =	vperm.xlane v9, v1;
	v14 =	vshll.u32 v8, $0x3  }
0x345: {  	v4 =	vadd.s32 v13, v4;
	v8 =	vand.u32 $0x7, v8;
	v13 =	vand.u32 $0xFFFFFFC0, v14  }
0x346: {  	v10 =	vsel vm4, v10, v11;
	v9 =	vsel vm4, v9, v12;
	v8 =	vor.u32 v8, v13  }
0x347: {  	v4 =	vmul.u32 $0x186A0, v4;
	v9 =	vadd.s32 v10, v9;
	v8 =	vperm.xlane v8, v2  }
0x348: {  	vm10 =	vlt.s32 v5, $0x0;
	v10 =	vadd.s32 $0x186A0, v5;
	v9 =	vmul.u32 $0x186A0, v9  }
0x349: {  	v4 =	vsub.s32 v6, v4;
	v5 =	vsel vm10, v10, v5;
	v6 =	vadd.s32 v3, v8  }
0x34a: {  	vm10 =	vlt.s32 v4, $0x0;
	v8 =	vadd.s32 $0x186A0, v4;
	v7 =	vsub.s32 v7, v9  }
0x34b: {  	[tilespmem:$0x90] =	vst v5;
	v4 =	vsel vm10, v8, v4;
	vm10 =	vlt.s32 v7, $0x0;
	v5 =	vadd.s32 $0x186A0, v7  }
0x34c: {  	[tilespmem:$0xA0] =	vst v4;
	v5 =	vsel vm10, v5, v7  }
0x34d: {  	s6 =	simm.s32 $0x0;
	s10 =	simm.s32 $0x100;
	s9 =	rddreg [dreg:$0x1];
	[tilespmem:$0xB0] =	vst v5  }
0x34e: {  	[tilespmem:s10], [sflag:$0x1] =	stream.indirect_vreg.gather [hbm4b:s9+s6], $0x80, v6, vm9, $0xb8;
	[tilespmem:$0x14100] =	vst v63  }
0x34f: {  	s11 =	rddreg [dreg:$0x5];
	s12 =	simm.s32 $0x900  }
0x350: {  	[tilespmem:s12], [sflag:$0x1] =	stream.indirect_vreg.gather [hbm4b:s11+s6], $0x80, v6, vm9, $0xb8;
	[tilespmem:$0x14100] =	vst v63  }
0x351: {  	s13 =	rddreg [dreg:$0x6];
	s14 =	simm.s32 $0x1100  }
0x352: {  	[tilespmem:s14], [sflag:$0x1] =	stream.indirect_vreg.gather [hbm4b:s13+s6], $0x80, v6, vm9, $0xb8;
	[tilespmem:$0x14100] =	vst v63  }
0x353: {  	s15 =	rddreg [dreg:$0x7];
	s16 =	simm.s32 $0x1900  }
0x354: {  	[tilespmem:s16], [sflag:$0x1] =	stream.indirect_vreg.gather [hbm4b:s15+s6], $0x80, v6, vm9, $0xb8;
	[tilespmem:$0x14100] =	vst v63  }
0x355: {  	v4 =	vld.msk [tilespmem:$0x90], $0xff;
	_ =	sdelay $0x4  }
0x356: {  	v5 =	vshll.u32 v4, $0x3  }
0x357: {  	v4 =	vand.u32 $0x7, v4;
	v5 =	vand.u32 $0xFFFFFFC0, v5  }
0x358: {  	v4 =	vor.u32 v4, v5  }
0x359: {  	v4 =	vperm.xlane v4, v2;
	_ =	sdelay $0x1  }
0x35a: {  	v4 =	vadd.s32 v3, v4;
	_ =	sdelay $0x3  }
0x35b: {  	s17 =	simm.s32 $0x2100  }
0x35c: {  	[tilespmem:s17], [sflag:$0x1] =	stream.indirect_vreg.gather [hbm4b:s9+s6], $0x80, v4, vm9, $0xb8;
	[tilespmem:$0x14100] =	vst v63  }
0x35d: {  	s18 =	simm.s32 $0x2900  }
0x35e: {  	[tilespmem:s18], [sflag:$0x1] =	stream.indirect_vreg.gather [hbm4b:s11+s6], $0x80, v4, vm9, $0xb8;
	[tilespmem:$0x14100] =	vst v63  }
0x35f: {  	s19 =	simm.s32 $0x3100  }
0x360: {  	[tilespmem:s19], [sflag:$0x1] =	stream.indirect_vreg.gather [hbm4b:s13+s6], $0x80, v4, vm9, $0xb8;
	[tilespmem:$0x14100] =	vst v63  }
0x361: {  	s20 =	simm.s32 $0x3900  }
0x362: {  	[tilespmem:s20], [sflag:$0x1] =	stream.indirect_vreg.gather [hbm4b:s15+s6], $0x80, v4, vm9, $0xb8;
	[tilespmem:$0x14100] =	vst v63  }
0x363: {  	v4 =	vld.msk [tilespmem:$0xA0], $0xff;
	_ =	sdelay $0x4  }
0x364: {  	v5 =	vshll.u32 v4, $0x3  }
0x365: {  	v4 =	vand.u32 $0x7, v4;
	v5 =	vand.u32 $0xFFFFFFC0, v5  }
0x366: {  	v4 =	vor.u32 v4, v5  }
0x367: {  	v4 =	vperm.xlane v4, v2;
	_ =	sdelay $0x1  }
0x368: {  	v4 =	vadd.s32 v3, v4;
	_ =	sdelay $0x3  }
0x369: {  	s21 =	simm.s32 $0x4100  }
0x36a: {  	[tilespmem:s21], [sflag:$0x1] =	stream.indirect_vreg.gather [hbm4b:s9+s6], $0x80, v4, vm9, $0xb8;
	[tilespmem:$0x14100] =	vst v63  }
0x36b: {  	s22 =	simm.s32 $0x4900  }
0x36c: {  	[tilespmem:s22], [sflag:$0x1] =	stream.indirect_vreg.gather [hbm4b:s11+s6], $0x80, v4, vm9, $0xb8;
	[tilespmem:$0x14100] =	vst v63  }
0x36d: {  	s23 =	simm.s32 $0x5100  }
0x36e: {  	[tilespmem:s23], [sflag:$0x1] =	stream.indirect_vreg.gather [hbm4b:s13+s6], $0x80, v4, vm9, $0xb8;
	[tilespmem:$0x14100] =	vst v63  }
0x36f: {  	s24 =	simm.s32 $0x5900  }
0x370: {  	[tilespmem:s24], [sflag:$0x1] =	stream.indirect_vreg.gather [hbm4b:s15+s6], $0x80, v4, vm9, $0xb8;
	[tilespmem:$0x14100] =	vst v63  }
0x371: {  	v4 =	vld.msk [tilespmem:$0xB0], $0xff;
	_ =	sdelay $0x4  }
0x372: {  	v5 =	vshll.u32 v4, $0x3  }
0x373: {  	v4 =	vand.u32 $0x7, v4;
	v5 =	vand.u32 $0xFFFFFFC0, v5  }
0x374: {  	v4 =	vor.u32 v4, v5  }
0x375: {  	v4 =	vperm.xlane v4, v2;
	_ =	sdelay $0x1  }
0x376: {  	v4 =	vadd.s32 v3, v4;
	_ =	sdelay $0x3  }
0x377: {  	s25 =	simm.s32 $0x6100  }
0x378: {  	[tilespmem:s25], [sflag:$0x1] =	stream.indirect_vreg.gather [hbm4b:s9+s6], $0x80, v4, vm9, $0xb8;
	[tilespmem:$0x14100] =	vst v63  }
0x379: {  	s26 =	simm.s32 $0x6900  }
0x37a: {  	[tilespmem:s26], [sflag:$0x1] =	stream.indirect_vreg.gather [hbm4b:s11+s6], $0x80, v4, vm9, $0xb8;
	[tilespmem:$0x14100] =	vst v63  }
0x37b: {  	s28 =	simm.s32 $0x7100  }
0x37c: {  	[tilespmem:s28], [sflag:$0x1] =	stream.indirect_vreg.gather [hbm4b:s13+s6], $0x80, v4, vm9, $0xb8;
	[tilespmem:$0x14100] =	vst v63  }
0x37d: {  	s29 =	simm.s32 $0x7900;
	s1 =	simm.s32 @!p0 $0x4  }
0x37e: {  	[tilespmem:s29], [sflag:$0x1] =	stream.indirect_vreg.gather [hbm4b:s15+s6], $0x80, v4, vm9, $0xb8;
	[tilespmem:$0x14100] =	vst v63  }
0x37f: {  	s0 =	simm.s32 $0x0;
	_ =	swait.ge @!p0 [sflag:s1], $0x2000  }
0x380: {  	s30 =	sand.u32 $0x70, s0;
	s31 =	sand.u32 $0x1C00, s0;
	[sflag:s1] =	ssyncset.done @!p0 $0x0  }
0x381: {  	[sflag:s1] =	ssyncadd.s32 @!p0 $0xFFFFE000;
	s1 =	sor.u32 s30, s31  }
0x382: {  	v14 =	vld [tilespmem:s1+$0xA100]  }
0x383: {  	v18 =	vld [tilespmem:s1+$0x8100]  }
0x384: {  	v19 =	vld [tilespmem:s1+$0xC100]  }
0x385: {  	v21 =	vld [tilespmem:s1+$0xE100]  }
0x386: {  	v23 =	vld [tilespmem:s1+$0x8180]  }
0x387: {  	v24 =	vld [tilespmem:s1+$0xA180]  }
0x388: {  	v25 =	vld [tilespmem:s1+$0xC180]  }
0x389: {  	v26 =	vld [tilespmem:s1+$0xE180]  }
0x38a: {  	v4 =	vld [tilespmem:s1+$0x8200]  }
0x38b: {  	v5 =	vld [tilespmem:s1+$0xA200]  }
0x38c: {  	v7 =	vld [tilespmem:s1+$0xC200]  }
0x38d: {  	v10 =	vld [tilespmem:s1+$0xE200]  }
0x38e: {  	v8 =	vld [tilespmem:s1+$0x8280]  }
0x38f: {  	v11 =	vld [tilespmem:s1+$0xA280]  }
0x390: {  	v12 =	vld [tilespmem:s1+$0xC280]  }
0x391: {  	v15 =	vld [tilespmem:s1+$0xE280]  }
0x392: {  	v13 =	vld [tilespmem:s1+$0x8300]  }
0x393: {  	v16 =	vld [tilespmem:s1+$0xA300]  }
0x394: {  	v17 =	vld [tilespmem:s1+$0xC300]  }
0x395: {  	v20 =	vld [tilespmem:s1+$0xE300]  }
0x396: {  	v6 =	vld [tilespmem:s1+$0x8380]  }
0x397: {  	v9 =	vld [tilespmem:s1+$0xA380]  }
0x398: {  	v22 =	vadd.f32 v14, v18;
	v14 =	vld [tilespmem:s1+$0xC380]  }
0x399: {  	v19 =	vadd.f32 v21, v19;
	v18 =	vld [tilespmem:s1+$0xE380]  }
0x39a: {  	v23 =	vadd.f32 v24, v23;
	v21 =	vld [tilespmem:s1+$0xA400]  }
0x39b: {  	s3 =	simm.s32 $0x10;
	s2 =	simm.s32 $0x0;
	v24 =	vadd.f32 v26, v25;
	v22 =	vadd.f32 v19, v22;
	v19 =	vld [tilespmem:s1+$0x8400]  }
.LBB2_5:
0x39c: {  	p0 =	sne.s32 s3, $0x3F0;
	v4 =	vadd.f32 v5, v4;
	v5 =	vadd.f32 v10, v7;
	v7 =	vld [tilespmem:s1+$0xC400]  }
0x39d: {  	v8 =	vadd.f32 v11, v8;
	v10 =	vadd.f32 v15, v12;
	v11 =	vld [tilespmem:s1+$0xE400]  }
0x39e: {  	v12 =	vadd.f32 v16, v13;
	v13 =	vadd.f32 v20, v17  }
0x39f: {  	v15 =	vadd.f32 v24, v23;
	v4 =	vadd.f32 v5, v4  }
0x3a0: {  	v5 =	vadd.f32 v10, v8;
	v8 =	vadd.f32 v13, v12;
	[tilespmem:s1+$0x12100] =	vst v22  }
0x3a1: {  	v6 =	vadd.f32 v9, v6;
	v9 =	vadd.f32 v18, v14;
	[tilespmem:s1+$0x12180] =	vst v15  }
0x3a2: {  	[tilespmem:s1+$0x12200] =	vst v4;
	v4 =	vadd.f32 v21, v19;
	v7 =	vadd.f32 v11, v7  }
0x3a3: {  	[tilespmem:s1+$0x12280] =	vst v5;
	v5 =	vadd.f32 v9, v6  }
0x3a4: {  	[tilespmem:s1+$0x12300] =	vst v8;
	v4 =	vadd.f32 v7, v4;
	v6 =	vld [tilespmem:s1+$0xA480]  }
0x3a5: {  	s4 =	sor.u32 s2, s0;
	s0 =	smov.u32 s3;
	[tilespmem:s1+$0x12380] =	vst v5;
	v5 =	vld [tilespmem:s1+$0xC480]  }
0x3a6: {  	s4 =	sor.u32 $0x380, s4;
	[tilespmem:s1+$0x12400] =	vst v4;
	v4 =	vld [tilespmem:s1+$0xE480]  }
0x3a7: {  	v7 =	vld [tilespmem:s4+$0x8100];
	_ =	sdelay $0x4  }
0x3a8: {  	v4 =	vadd.f32 v4, v5;
	v6 =	vadd.f32 v6, v7;
	_ =	sdelay $0x1  }
0x3a9: {  	s2 =	sadd.s32 $0x80, s2;
	v4 =	vadd.f32 v4, v6  }
0x3aa: {  	s5 =	sand.u32 $0x1C00, s2;
	s1 =	sand.u32 $0x70, s3  }
0x3ab: {  	s1 =	sor.u32 s1, s5;
	[tilespmem:s4+$0x12100] =	vst v4  }
0x3ac: {  	v14 =	vld [tilespmem:s1+$0xA100]  }
0x3ad: {  	v18 =	vld [tilespmem:s1+$0x8100]  }
0x3ae: {  	v19 =	vld [tilespmem:s1+$0xC100]  }
0x3af: {  	v21 =	vld [tilespmem:s1+$0xE100]  }
0x3b0: {  	v23 =	vld [tilespmem:s1+$0x8180]  }
0x3b1: {  	v24 =	vld [tilespmem:s1+$0xA180]  }
0x3b2: {  	v25 =	vld [tilespmem:s1+$0xC180]  }
0x3b3: {  	v26 =	vld [tilespmem:s1+$0xE180]  }
0x3b4: {  	v4 =	vld [tilespmem:s1+$0x8200]  }
0x3b5: {  	v5 =	vld [tilespmem:s1+$0xA200]  }
0x3b6: {  	v7 =	vld [tilespmem:s1+$0xC200]  }
0x3b7: {  	v10 =	vld [tilespmem:s1+$0xE200]  }
0x3b8: {  	v8 =	vld [tilespmem:s1+$0x8280]  }
0x3b9: {  	v11 =	vld [tilespmem:s1+$0xA280]  }
0x3ba: {  	v12 =	vld [tilespmem:s1+$0xC280]  }
0x3bb: {  	v15 =	vld [tilespmem:s1+$0xE280]  }
0x3bc: {  	v13 =	vld [tilespmem:s1+$0x8300]  }
0x3bd: {  	v16 =	vld [tilespmem:s1+$0xA300]  }
0x3be: {  	v17 =	vld [tilespmem:s1+$0xC300]  }
0x3bf: {  	v20 =	vld [tilespmem:s1+$0xE300]  }
0x3c0: {  	v6 =	vld [tilespmem:s1+$0x8380]  }
.Ltmp1:
0x3c1: {  	v9 =	vld [tilespmem:s1+$0xA380];
	(pc) =	sbr.rel @p0 .LBB2_5-.Ltmp1, $4  }
0x3c2: {  	v22 =	vadd.f32 v14, v18;
	v19 =	vadd.f32 v21, v19;
	v14 =	vld [tilespmem:s1+$0xC380]  }
0x3c3: {  	v18 =	vld [tilespmem:s1+$0xE380]  }
0x3c4: {  	v22 =	vadd.f32 v19, v22;
	v19 =	vld [tilespmem:s1+$0x8400]  }
0x3c5: {  	s3 =	sadd.s32 $0x10, s3;
	v23 =	vadd.f32 v24, v23;
	v24 =	vadd.f32 v26, v25;
	v21 =	vld [tilespmem:s1+$0xA400]  }
0x3c6: {  	v4 =	vadd.f32 v5, v4;
	v5 =	vadd.f32 v10, v7;
	v55 =	vld [tilespmem:s1+$0xC400]  }
0x3c7: {  	v54 =	vadd.f32 v11, v8;
	v56 =	vadd.f32 v15, v12;
	v58 =	vld [tilespmem:s1+$0xE400]  }
0x3c8: {  	v57 =	vadd.f32 v16, v13;
	v59 =	vadd.f32 v20, v17  }
0x3c9: {  	v6 =	vadd.f32 v9, v6;
	v4 =	vadd.f32 v5, v4  }
0x3ca: {  	[tilespmem:s1+$0x12100] =	vst v22;
	v60 =	vadd.f32 v24, v23;
	v5 =	vadd.f32 v56, v54  }
0x3cb: {  	v61 =	vadd.f32 v59, v57;
	v62 =	vadd.f32 v18, v14;
	[tilespmem:s1+$0x12200] =	vst v4  }
0x3cc: {  	v4 =	vadd.f32 v21, v19;
	[tilespmem:s1+$0x12280] =	vst v5;
	v5 =	vadd.f32 v58, v55  }
0x3cd: {  	[tilespmem:s1+$0x12180] =	vst v60;
	v6 =	vadd.f32 v62, v6  }
0x3ce: {  	v63 =	vld [tilespmem:s1+$0xA480];
	[tilespmem:s1+$0x12300] =	vst v61;
	v4 =	vadd.f32 v5, v4  }
0x3cf: {  	s0 =	sor.u32 s2, s0;
	[tilespmem:s1+$0x12380] =	vst v6;
	v5 =	vld [tilespmem:s1+$0xC480]  }
0x3d0: {  	s0 =	sor.u32 $0x380, s0;
	[tilespmem:s1+$0x12400] =	vst v4;
	v4 =	vld [tilespmem:s1+$0xE480]  }
0x3d1: {  	v6 =	vld [tilespmem:s0+$0x8100];
	_ =	sdelay $0x3  }
0x3d2: {  	s7 =	rddreg [dreg:$0xc]  }
0x3d3: {  	p0 =	sne.s32 s7, $0x6;
	v4 =	vadd.f32 v4, v5;
	v6 =	vadd.f32 v63, v6  }
.Ltmp2:
0x3d4: {  	_ = 	snop;
	(pc) =	sbr.rel @p0 .LBB2_2-.Ltmp2, $4  }
0x3d5: {  	s29 =	rddreg [dreg:$0x9];
	v4 =	vadd.f32 v4, v6  }
0x3d6: {  	s30 =	rddreg [dreg:$0xd]  }
0x3d7: {  	s31 =	simm.s32 $0x12100;
	[tilespmem:s0+$0x12100] =	vst v4;
	s0 =	sadd.s32 s30, s29  }
0x3d8: {  	[hbm4b:s0+s6] =	stream.linear.scatter [tilespmem:s31], [sflag:$0x4], $0x2000, $0x38;
	[tilespmem:$0x14100] =	vst v63  }
0x3d9: {  	s0 =	simm.s32 $0x1  }
0x3da: {  	_ =	swait.ge [sflag:s0], $0x8000  }
0x3db: {  	[sflag:s0] =	ssyncset.done $0x0  }
0x3dc: {  	s30 =	simm.s32 $0x3;
	[sflag:s0] =	ssyncadd.s32 $0xFFFF8000  }
0x3dd: {  	_ =	swait.ge [sflag:s30], $0x2000  }
0x3de: {  	[sflag:s30] =	ssyncset.done $0x0  }
0x3df: {  	s1 =	simm.s32 $0x4;
	[sflag:s30] =	ssyncadd.s32 $0xFFFFE000  }
0x3e0: {  	_ =	swait.ge [sflag:s1], $0x2000  }
0x3e1: {  	s2 =	rddreg [dreg:$0xb]  }
0x3e2: {  	s31 =	rddreg [dreg:$0xa];
	s2 =	sadd.s32 $0x1, s2  }
0x3e3: {  	p0 =	sne.s32 s2, s31  }
.Ltmp3:
0x3e4: {  	_ = 	snop;
	(pc) =	sbr.rel @p0 .LBB2_1-.Ltmp3, $3  }
0x3e5: {  	_ =	sdelay $0x1  }
0x3e6: {  	[sflag:s1] =	ssyncset.done $0x0  }
0x3e7: {  	[sflag:s1] =	ssyncadd.s32 $0xFFFFE000  }
0x3e8: {  	_ =	sfence.sel $0x180000  }
0x3e9: {  	[bflag:$0x0] =	sbarrier.arrive $0xFFFF  }
0x3ea: {  	_ =	strace $0x9000004A  }
0x3eb: {  	s0 =	stileid.u32;
	[bflag:$0x2] =	sbarrier.arrive $0xFFFF  }
0x3ec: {  	p0 =	sne.s32 s0, $0x0;
	s0 =	rddreg [dreg:$0x2]  }
0x3ed: {  	s0 =	sadd.s32 @!p0 $0x100000, s0  }
0x3ee: {  	[sflag:s0] =	ssyncadd.tile.s32 @!p0 $0x1;
	_ =	shalt  }
.Lfunc_end2:
_tile_overlayer_lowered:
.L_overlay_start_2:
0x3ef: {  	(tag) =	ssettag $0x2  }
0x3f0: {  	s0 =	rddreg [dreg:$0x0];
	s2 =	stileid.u32  }
0x3f1: {  	s1 =	rddreg [dreg:$0x1];
	p0 =	sne.s32 s2, $0x0  }
0x3f2: {  	s3 =	rddreg [dreg:$0x2];
	[bflag:$0x3] =	sbarrier.arrive $0xFFFF;
	s2 =	simm.s32 @!p0 $0x1C05  }
0x3f3: {  	[timem:s3], [sflag:s2] =	dma.local @!p0 [hbm:s0], s1  }
0x3f4: {  	s0 =	simm.s32 @!p0 $0x5  }
0x3f5: {  	_ =	swait.ge @!p0 [sflag:s0], s1  }
0x3f6: {  	s1 =	ssub.s32 @!p0 $0x0, s1;
	[sflag:s0] =	ssyncset.done @!p0 $0x0  }
0x3f7: {  	[sflag:s0] =	ssyncadd.s32 @!p0 s1  }
0x3f8: {  	[bflag:$0x3] =	sbarrier.arrive $0xFFFF  }
0x3f9: {  	_ =	shalt  }

</sc_bundles>
